<compile_context>
chip_gen: v7x
topology: tpu7x:2x2x1
jax: 0.10.2.dev20260603
libtpu: 0.0.44.dev20260713+nightly
codegen_flags: <defaults>
</compile_context>

<pallas_src>
import functools

import jax
import jax.numpy as jnp
from jax import lax
from jax.experimental import pallas as pl
from jax.experimental.pallas import tpu as pltpu
from jax.experimental.pallas import tpu_sc as plsc

B, N, E = 8, 10000, 320000
NW = 32
QUARTERS = NW // B
EW = E // QUARTERS
C = 8000
NCH = EW // C
L = 16


def _prep_body(fp, fl, ft, t, v, ang, bce_o, cnt_o, sq_o, stab_o, ab_o):
    eps = 1e-7
    p = jnp.clip(fp[...], eps, 1.0 - eps)
    tl = fl[...]
    bce_o[...] = jnp.full(
        (1, 1), -jnp.sum(tl * jnp.log(p) + (1.0 - tl) * jnp.log(1.0 - p)))
    mask = tl > 0.5
    sq = jnp.where(mask, (ft[...] - t[...]) ** 2, 0.0)
    cnt_o[...] = jnp.full((1, 1), jnp.sum(mask.astype(jnp.float32)))
    sq_o[...] = jnp.full((1, 1), jnp.sum(sq))
    vv = v[...]
    low = jnp.maximum(0.95 - vv, 0.0)
    high = jnp.maximum(vv - 1.05, 0.0)
    stab_o[...] = jnp.full((1, 1), jnp.sum(low * low + high * high))
    th = ang[...]
    a = vv * jnp.cos(th)
    b = vv * jnp.sin(th)
    ua = ((jax.lax.bitcast_convert_type(a, jnp.uint32)
           + jnp.uint32(0x8000)) & jnp.uint32(0xFFFF0000))
    ub = (jax.lax.bitcast_convert_type(b, jnp.uint32)
          + jnp.uint32(0x8000)) >> jnp.uint32(16)
    ab_o[...] = jax.lax.bitcast_convert_type(ua | ub, jnp.int32)


_prep = pl.pallas_call(
    _prep_body,
    out_shape=(
        jax.ShapeDtypeStruct((1, 1), jnp.float32),
        jax.ShapeDtypeStruct((1, 1), jnp.float32),
        jax.ShapeDtypeStruct((1, 1), jnp.float32),
        jax.ShapeDtypeStruct((1, 1), jnp.float32),
        jax.ShapeDtypeStruct((B, N), jnp.int32),
    ),
)


def _unpack_hi(x):
    return plsc.bitcast(lax.bitwise_and(x, jnp.int32(-65536)), jnp.float32)


def _unpack_lo(x):
    return plsc.bitcast(lax.shift_left(x, jnp.int32(16)), jnp.float32)


def _pf_body(ab_hbm, ei_hbm, g_hbm, bs_hbm, lf_hbm, tl_hbm,
             pp_hbm, cap_hbm,
             ab_v, p_v, src_v0, src_v1, dst_v0, dst_v1, g_v0, g_v1,
             bs_v0, bs_v1, lf_v0, lf_v1, tl_v0, tl_v1, cap_v, sem0, sem1):
    wid = lax.axis_index("s") * 2 + lax.axis_index("c")
    batch = wid // QUARTERS
    quarter = wid % QUARTERS

    pltpu.sync_copy(ab_hbm.at[pl.ds(batch * N, N)], ab_v)

    @plsc.parallel_loop(0, N // L, unroll=8)
    def _(i):
        p_v[pl.ds(i * L, L)] = jnp.zeros((L,), jnp.float32)

    bufs = ((src_v0, dst_v0, g_v0, bs_v0, lf_v0, tl_v0, sem0),
            (src_v1, dst_v1, g_v1, bs_v1, lf_v1, tl_v1, sem1))

    def issue(ci, par):
        base = quarter * EW + ci * C
        ebase = batch * E + base
        sv, dv, gv, bv, lfv, tlv, sem = bufs[par]
        return [
            pltpu.async_copy(ei_hbm.at[pl.ds(base, C)], sv, sem),
            pltpu.async_copy(ei_hbm.at[pl.ds(E + base, C)], dv, sem),
            pltpu.async_copy(g_hbm.at[pl.ds(ebase, C)], gv, sem),
            pltpu.async_copy(bs_hbm.at[pl.ds(ebase, C)], bv, sem),
            pltpu.async_copy(lf_hbm.at[pl.ds(ebase, C)], lfv, sem),
            pltpu.async_copy(tl_hbm.at[pl.ds(ebase, C)], tlv, sem),
        ]

    cap0 = jnp.zeros((L,), jnp.float32)
    pending = issue(0, 0)
    for ci in range(NCH):
        par = ci & 1
        sv, dv, gv, bv, lfv, tlv, _ = bufs[par]
        for h in pending:
            h.wait()
        if ci + 1 < NCH:
            pending = issue(ci + 1, 1 - par)

        @plsc.parallel_loop(0, C // L, unroll=5, carry=cap0)
        def cap0(i, acc):
            off = i * L
            s = sv[pl.ds(off, L)]
            d = dv[pl.ds(off, L)]
            g = gv[pl.ds(off, L)]
            bb = bv[pl.ds(off, L)]
            ab_s = plsc.load_gather(ab_v, [s])
            ab_d = plsc.load_gather(ab_v, [d])
            a_s = _unpack_hi(ab_s)
            b_s = _unpack_lo(ab_s)
            a_d = _unpack_hi(ab_d)
            b_d = _unpack_lo(ab_d)
            p = a_s * (g * a_d - bb * b_d) + b_s * (g * b_d + bb * a_d)
            plsc.addupdate_scatter(p_v, [s], p)
            plsc.addupdate_scatter(p_v, [d], -p)
            viol = jnp.maximum(lfv[pl.ds(off, L)] - tlv[pl.ds(off, L)], 0.0)
            return acc + viol * viol

    cap_v[...] = cap0
    pltpu.sync_copy(p_v, pp_hbm.at[pl.ds((quarter * B + batch) * N, N)])
    pltpu.sync_copy(cap_v, cap_hbm.at[pl.ds(wid * L, L)])


_pf = functools.partial(
    pl.kernel,
    mesh=plsc.VectorSubcoreMesh(core_axis_name="c", subcore_axis_name="s"),
    compiler_params=pltpu.CompilerParams(needs_layout_passes=False),
    out_type=(
        jax.ShapeDtypeStruct((QUARTERS * B * N,), jnp.float32),
        jax.ShapeDtypeStruct((NW * L,), jnp.float32),
    ),
    scratch_types=[
        pltpu.VMEM((N,), jnp.int32),
        pltpu.VMEM((N,), jnp.float32),
        pltpu.VMEM((C,), jnp.int32),
        pltpu.VMEM((C,), jnp.int32),
        pltpu.VMEM((C,), jnp.int32),
        pltpu.VMEM((C,), jnp.int32),
        pltpu.VMEM((C,), jnp.float32),
        pltpu.VMEM((C,), jnp.float32),
        pltpu.VMEM((C,), jnp.float32),
        pltpu.VMEM((C,), jnp.float32),
        pltpu.VMEM((C,), jnp.float32),
        pltpu.VMEM((C,), jnp.float32),
        pltpu.VMEM((C,), jnp.float32),
        pltpu.VMEM((C,), jnp.float32),
        pltpu.VMEM((L,), jnp.float32),
        pltpu.SemaphoreType.DMA,
        pltpu.SemaphoreType.DMA,
    ],
)(_pf_body)


def _fin_body(pp, pinj, capp, o, oc):
    p = pp[0] + pp[1] + pp[2] + pp[3]
    d = p - pinj[...]
    o[...] = jnp.full((1, 1), jnp.sum(d * d))
    oc[...] = jnp.full((1, 1), jnp.sum(capp[...]))


_fin = pl.pallas_call(
    _fin_body,
    out_shape=(
        jax.ShapeDtypeStruct((1, 1), jnp.float32),
        jax.ShapeDtypeStruct((1, 1), jnp.float32),
    ),
)


def kernel(failure_probability, failure_label, failure_timing, failure_time,
           voltages, angles, edge_index, conductance, susceptance,
           power_injection, line_flows, thermal_limits):
    v2 = voltages[..., 0]
    ang2 = angles[..., 0]
    t2 = failure_time[:, None]
    bce_s, cnt, sq_s, stab_s, ab2 = _prep(
        failure_probability, failure_label, failure_timing, t2, v2, ang2)

    ei = edge_index.astype(jnp.int32).reshape(-1)
    g1 = conductance[..., 0].reshape(-1)
    bs1 = susceptance[..., 0].reshape(-1)
    lf1 = line_flows[..., 0].reshape(-1)
    tl1 = thermal_limits[..., 0].reshape(-1)
    pp, capp = _pf(ab2.reshape(-1), ei, g1, bs1, lf1, tl1)
    pf_s, cap_s = _fin(pp.reshape(QUARTERS, B, N), power_injection[..., 0],
                       capp.reshape(NW, L))

    bn = jnp.float32(B * N)
    bce = bce_s[0, 0] / bn
    cnt0 = cnt[0, 0]
    l_timing = sq_s[0, 0] / jnp.maximum(cnt0, 1.0)
    l_pred = bce + jnp.where(cnt0 > 0, 0.5 * l_timing, 0.0)
    l_pf = pf_s[0, 0] / bn
    l_cap = cap_s[0, 0] / jnp.float32(B * E)
    l_stab = stab_s[0, 0] / bn
    l_temporal = jnp.float32(0.0)
    l_total = (l_pred + 0.1 * l_pf + 0.05 * l_cap + 0.05 * l_stab
               + 0.02 * l_temporal)
    return (l_total, l_pred, l_pf, l_cap, l_stab, l_temporal)

# --- scband reference (transcript-rebuilt; emitter-appended) ---
"""Pipeline reference for scband-physics-informed-loss-13297218748848 (READ-ONLY COPY).

The authoritative reference and input builder live on the scoring server;
editing this copy changes nothing except your own understanding.
"""

import jax, jax.numpy as jnp
import numpy as np

B, N, E = 8, 10000, 320000


def setup_inputs(seed: int = 0) -> dict:
    key = jax.random.key(seed)
    ks = jax.random.split(key, 12)
    return {
        'failure_probability': jax.random.uniform(ks[0], (B, N), dtype=jnp.float32),
        'failure_label': jax.random.uniform(ks[1], (B, N), dtype=jnp.float32),
        'failure_timing': jax.random.normal(ks[2], (B, N), dtype=jnp.float32),
        'failure_time': jax.random.uniform(ks[3], (B,), dtype=jnp.float32),
        'voltages': jax.random.uniform(ks[4], (B, N, 1), dtype=jnp.float32),
        'angles': jax.random.normal(ks[5], (B, N, 1), dtype=jnp.float32),
        'edge_index': jax.random.randint(ks[6], (2, E), 0, N, dtype=jnp.int64) if jax.config.jax_enable_x64 else jax.random.randint(ks[6], (2, E), 0, N, dtype=jnp.int32),
        'conductance': jax.random.normal(ks[7], (B, E, 1), dtype=jnp.float32),
        'susceptance': jax.random.normal(ks[8], (B, E, 1), dtype=jnp.float32),
        'power_injection': jax.random.normal(ks[9], (B, N, 1), dtype=jnp.float32),
        'line_flows': jax.random.normal(ks[10], (B, E, 1), dtype=jnp.float32),
        'thermal_limits': jax.random.uniform(ks[11], (B, E, 1), dtype=jnp.float32),
    }


def _bce(p, t):
    eps = 1e-7
    p = jnp.clip(p, eps, 1.0 - eps)
    return -jnp.mean(t * jnp.log(p) + (1.0 - t) * jnp.log(1.0 - p))


def reference(failure_probability, failure_label, failure_timing, failure_time,
              voltages, angles, edge_index, conductance, susceptance,
              power_injection, line_flows, thermal_limits):
    # --- prediction loss (BCE + masked timing MSE) ---
    L_prediction = _bce(failure_probability, failure_label)
    failed_mask = failure_label > 0.5
    time_target = jnp.broadcast_to(failure_time[:, None], failure_timing.shape)
    cnt = jnp.sum(failed_mask.astype(jnp.float32))
    sq = jnp.where(failed_mask, (failure_timing - time_target) ** 2, 0.0)
    L_timing = jnp.sum(sq) / jnp.maximum(cnt, 1.0)
    L_prediction = L_prediction + jnp.where(cnt > 0, 0.5 * L_timing, 0.0)

    # --- power flow loss ---
    src = edge_index[0]
    dst = edge_index[1]
    V_i = voltages[:, src, :]
    V_j = voltages[:, dst, :]
    theta_ij = angles[:, src, :] - angles[:, dst, :]
    P_ij = V_i * V_j * (conductance * jnp.cos(theta_ij) + susceptance * jnp.sin(theta_ij))
    P = P_ij[..., 0]
    P_calc = jnp.zeros((voltages.shape[0], voltages.shape[1]), dtype=voltages.dtype)
    P_calc = P_calc.at[:, src].add(P)
    P_calc = P_calc.at[:, dst].add(-P)
    L_powerflow = jnp.mean((P_calc[..., None] - power_injection) ** 2)

    # --- capacity loss ---
    viol = jax.nn.relu(line_flows - thermal_limits)
    L_capacity = jnp.mean(viol ** 2)

    # --- voltage stability loss ---
    low = jax.nn.relu(0.95 - voltages)
    high = jax.nn.relu(voltages - 1.05)
    L_stability = jnp.mean(low ** 2 + high ** 2)

    L_temporal = jnp.float32(0.0)  # prev_predictions is None
    L_total = (L_prediction + 0.1 * L_powerflow + 0.05 * L_capacity
               + 0.05 * L_stability + 0.02 * L_temporal)
    return (L_total, L_prediction, L_powerflow, L_capacity, L_stability, L_temporal)

if __name__ == "__main__":
    import jax
    _d = setup_inputs()
    print(jax.jit(kernel)(*tuple(_d.values())))

</pallas_src>

<mosaic_0001>
#map = affine_map<(d0, d1) -> (0)>
module attributes {stable_mosaic.version = 14 : i64} {
  func.func @_pf_body(%arg0: i32, %arg1: i32, %arg2: memref<80000xi32, #tpu.memory_space<hbm>>, %arg3: memref<640000xi32, #tpu.memory_space<hbm>>, %arg4: memref<2560000xf32, #tpu.memory_space<hbm>>, %arg5: memref<2560000xf32, #tpu.memory_space<hbm>>, %arg6: memref<2560000xf32, #tpu.memory_space<hbm>>, %arg7: memref<2560000xf32, #tpu.memory_space<hbm>>, %arg8: memref<320000xf32, #tpu.memory_space<hbm>>, %arg9: memref<512xf32, #tpu.memory_space<hbm>>, %arg10: memref<10000xi32, #tpu.memory_space<vmem>>, %arg11: memref<10000xf32, #tpu.memory_space<vmem>>, %arg12: memref<8000xi32, #tpu.memory_space<vmem>>, %arg13: memref<8000xi32, #tpu.memory_space<vmem>>, %arg14: memref<8000xi32, #tpu.memory_space<vmem>>, %arg15: memref<8000xi32, #tpu.memory_space<vmem>>, %arg16: memref<8000xf32, #tpu.memory_space<vmem>>, %arg17: memref<8000xf32, #tpu.memory_space<vmem>>, %arg18: memref<8000xf32, #tpu.memory_space<vmem>>, %arg19: memref<8000xf32, #tpu.memory_space<vmem>>, %arg20: memref<8000xf32, #tpu.memory_space<vmem>>, %arg21: memref<8000xf32, #tpu.memory_space<vmem>>, %arg22: memref<8000xf32, #tpu.memory_space<vmem>>, %arg23: memref<8000xf32, #tpu.memory_space<vmem>>, %arg24: memref<16xf32, #tpu.memory_space<vmem>>, %arg25: memref<!tpu.dma_semaphore, #tpu.memory_space<semaphore_mem>>, %arg26: memref<!tpu.dma_semaphore, #tpu.memory_space<semaphore_mem>>) attributes {dimension_semantics = [#tpu.dimension_semantics<core_parallel>, #tpu.dimension_semantics<subcore_parallel>], iteration_bounds = array<i64: 2, 16>, scalar_prefetch = 0 : i64, scratch_operands = 17 : i64, tpu.core_type = #tpu.core_type<sc_vector_subcore>, window_params = [{transform_indices = #map}, {transform_indices = #map}, {transform_indices = #map}, {transform_indices = #map}, {transform_indices = #map}, {transform_indices = #map}, {transform_indices = #map}, {transform_indices = #map}]} {
    %mul3A = arith.constant 2 : i32
    %mul3A_0 = arith.muli %arg1, %mul3A : i32
    %add3A = arith.addi %mul3A_0, %arg0 : i32
    %jit3A = arith.constant 4 : i32
    %div3A = arith.divsi %add3A, %jit3A : i32
    %sign3A = arith.constant 0 : i32
    %sign3A_1 = arith.cmpi sgt, %add3A, %sign3A : i32
    %sign3A_2 = arith.extui %sign3A_1 : i1 to i32
    %sign3A_3 = arith.constant 0 : i32
    %sign3A_4 = arith.cmpi slt, %add3A, %sign3A_3 : i32
    %sign3A_5 = arith.extui %sign3A_4 : i1 to i32
    %sign3A_6 = arith.subi %sign3A_2, %sign3A_5 : i32
    %sign3A_7 = arith.constant 0 : i32
    %sign3A_8 = arith.cmpi sgt, %jit3A, %sign3A_7 : i32
    %sign3A_9 = arith.extui %sign3A_8 : i1 to i32
    %sign3A_10 = arith.constant 0 : i32
    %sign3A_11 = arith.cmpi slt, %jit3A, %sign3A_10 : i32
    %sign3A_12 = arith.extui %sign3A_11 : i1 to i32
    %sign3A_13 = arith.subi %sign3A_9, %sign3A_12 : i32
    %ne3A = arith.cmpi ne, %sign3A_6, %sign3A_13 : i32
    %rem3A = arith.remsi %add3A, %jit3A : i32
    %ne3A_14 = arith.constant 0 : i32
    %ne3A_15 = arith.cmpi ne, %rem3A, %ne3A_14 : i32
    %and3A = arith.andi %ne3A, %ne3A_15 : i1
    %sub3A = arith.constant 1 : i32
    %sub3A_16 = arith.subi %div3A, %sub3A : i32
    %select_n3A = arith.select %and3A, %sub3A_16, %div3A : i32
    %jit3A_17 = arith.constant 4 : i32
    %eq3A = arith.constant 0 : i32
    %eq3A_18 = arith.cmpi eq, %jit3A_17, %eq3A : i32
    %jit3A_19 = arith.constant 1 : i32
    %select_n3A_20 = arith.select %eq3A_18, %jit3A_19, %jit3A_17 : i32
    %rem3A_21 = arith.remsi %add3A, %select_n3A_20 : i32
    %ne3A_22 = arith.constant 0 : i32
    %ne3A_23 = arith.cmpi ne, %rem3A_21, %ne3A_22 : i32
    %lt3A = arith.constant 0 : i32
    %lt3A_24 = arith.cmpi slt, %rem3A_21, %lt3A : i32
    %lt3A_25 = arith.constant 0 : i32
    %lt3A_26 = arith.cmpi slt, %select_n3A_20, %lt3A_25 : i32
    %ne3A_27 = arith.xori %lt3A_24, %lt3A_26 : i1
    %and3A_28 = arith.andi %ne3A_27, %ne3A_23 : i1
    %add3A_29 = arith.addi %rem3A_21, %select_n3A_20 : i32
    %select_n3A_30 = arith.select %and3A_28, %add3A_29, %rem3A_21 : i32
    %mul3A_31 = arith.constant 10000 : i32
    %mul3A_32 = arith.muli %select_n3A, %mul3A_31 : i32
    "tpu.region"() ({
      %run_scoped3A = tpu.sem_alloc : memref<!tpu.dma_semaphore, #tpu.memory_space<semaphore_mem>>
      %dma_start3A_412 = tpu.memref_slice %arg2[%mul3A_32] : memref<80000xi32, #tpu.memory_space<hbm>> -> memref<10000xi32, #tpu.memory_space<hbm>>
      %dma_start3A_413 = tpu.memref_slice %arg2[%mul3A_32] : memref<80000xi32, #tpu.memory_space<hbm>> -> memref<10000xi32, #tpu.memory_space<hbm>>
      tpu.enqueue_dma source(%dma_start3A_413 : memref<10000xi32, #tpu.memory_space<hbm>>) target(%arg10 : memref<10000xi32, #tpu.memory_space<vmem>>) target_semaphore(%run_scoped3A : memref<!tpu.dma_semaphore, #tpu.memory_space<semaphore_mem>>)
      %dma_wait3A_414 = tpu.memref_slice %arg2[%mul3A_32] : memref<80000xi32, #tpu.memory_space<hbm>> -> memref<10000xi32, #tpu.memory_space<hbm>>
      %dma_wait3A_415 = tpu.memref_slice %arg2[%mul3A_32] : memref<80000xi32, #tpu.memory_space<hbm>> -> memref<10000xi32, #tpu.memory_space<hbm>>
      tpu.wait_dma2 semaphore(%run_scoped3A : memref<!tpu.dma_semaphore, #tpu.memory_space<semaphore_mem>>) src(%dma_wait3A_415 : memref<10000xi32, #tpu.memory_space<hbm>>) dst(%arg10 : memref<10000xi32, #tpu.memory_space<vmem>>)
      tpu.yield
    }) : () -> ()
    %parallel_loop3A = arith.constant 0 : i32
    %parallel_loop3A_33 = arith.constant 625 : i32
    %parallel_loop3A_34 = arith.constant 1 : i32
    scf.for %parallel_loop3A_412 = %parallel_loop3A to %parallel_loop3A_33 step %parallel_loop3A_34  : i32 {
      %parallel_loop3A_413 = arith.constant 0.000000e+00 : f32
      %parallel_loop3A_414 = vector.broadcast %parallel_loop3A_413 : f32 to vector<16xf32>
      %parallel_loop3A_415 = arith.constant 16 : i32
      %parallel_loop3A_416 = arith.muli %parallel_loop3A_412, %parallel_loop3A_415 : i32
      %parallel_loop3A_417 = arith.index_cast %parallel_loop3A_416 : i32 to index
      %parallel_loop3A_418 = tpu.vector_load %arg11[%parallel_loop3A_417] {strides = array<i32>} : memref<10000xf32, #tpu.memory_space<vmem>>, vector<16xf32>,
      tpu.vector_store %arg11[%parallel_loop3A_417], %parallel_loop3A_414 {strides = array<i32>} : memref<10000xf32, #tpu.memory_space<vmem>>, vector<16xf32>,
    } {sc.loop_unroll_factor = 8 : i64, sc.parallel_access}
    %broadcast_in_dim3A = arith.constant 0.000000e+00 : f32
    %broadcast_in_dim3A_35 = vector.broadcast %broadcast_in_dim3A : f32 to vector<16xf32>
    %mul3A_36 = arith.constant 80000 : i32
    %mul3A_37 = arith.muli %select_n3A_30, %mul3A_36 : i32
    %add3A_38 = arith.constant 0 : i32
    %add3A_39 = arith.addi %mul3A_37, %add3A_38 : i32
    %mul3A_40 = arith.constant 320000 : i32
    %mul3A_41 = arith.muli %select_n3A, %mul3A_40 : i32
    %add3A_42 = arith.addi %mul3A_41, %add3A_39 : i32
    %dma_start3A = tpu.memref_slice %arg3[%add3A_39] : memref<640000xi32, #tpu.memory_space<hbm>> -> memref<8000xi32, #tpu.memory_space<hbm>>
    %dma_start3A_43 = tpu.memref_slice %arg3[%add3A_39] : memref<640000xi32, #tpu.memory_space<hbm>> -> memref<8000xi32, #tpu.memory_space<hbm>>
    tpu.enqueue_dma source(%dma_start3A_43 : memref<8000xi32, #tpu.memory_space<hbm>>) target(%arg12 : memref<8000xi32, #tpu.memory_space<vmem>>) target_semaphore(%arg25 : memref<!tpu.dma_semaphore, #tpu.memory_space<semaphore_mem>>)
    %add3A_44 = arith.constant 320000 : i32
    %add3A_45 = arith.addi %add3A_44, %add3A_39 : i32
    %dma_start3A_46 = tpu.memref_slice %arg3[%add3A_45] : memref<640000xi32, #tpu.memory_space<hbm>> -> memref<8000xi32, #tpu.memory_space<hbm>>
    %dma_start3A_47 = tpu.memref_slice %arg3[%add3A_45] : memref<640000xi32, #tpu.memory_space<hbm>> -> memref<8000xi32, #tpu.memory_space<hbm>>
    tpu.enqueue_dma source(%dma_start3A_47 : memref<8000xi32, #tpu.memory_space<hbm>>) target(%arg14 : memref<8000xi32, #tpu.memory_space<vmem>>) target_semaphore(%arg25 : memref<!tpu.dma_semaphore, #tpu.memory_space<semaphore_mem>>)
    %dma_start3A_48 = tpu.memref_slice %arg4[%add3A_42] : memref<2560000xf32, #tpu.memory_space<hbm>> -> memref<8000xf32, #tpu.memory_space<hbm>>
    %dma_start3A_49 = tpu.memref_slice %arg4[%add3A_42] : memref<2560000xf32, #tpu.memory_space<hbm>> -> memref<8000xf32, #tpu.memory_space<hbm>>
    tpu.enqueue_dma source(%dma_start3A_49 : memref<8000xf32, #tpu.memory_space<hbm>>) target(%arg16 : memref<8000xf32, #tpu.memory_space<vmem>>) target_semaphore(%arg25 : memref<!tpu.dma_semaphore, #tpu.memory_space<semaphore_mem>>)
    %dma_start3A_50 = tpu.memref_slice %arg5[%add3A_42] : memref<2560000xf32, #tpu.memory_space<hbm>> -> memref<8000xf32, #tpu.memory_space<hbm>>
    %dma_start3A_51 = tpu.memref_slice %arg5[%add3A_42] : memref<2560000xf32, #tpu.memory_space<hbm>> -> memref<8000xf32, #tpu.memory_space<hbm>>
    tpu.enqueue_dma source(%dma_start3A_51 : memref<8000xf32, #tpu.memory_space<hbm>>) target(%arg18 : memref<8000xf32, #tpu.memory_space<vmem>>) target_semaphore(%arg25 : memref<!tpu.dma_semaphore, #tpu.memory_space<semaphore_mem>>)
    %dma_start3A_52 = tpu.memref_slice %arg6[%add3A_42] : memref<2560000xf32, #tpu.memory_space<hbm>> -> memref<8000xf32, #tpu.memory_space<hbm>>
    %dma_start3A_53 = tpu.memref_slice %arg6[%add3A_42] : memref<2560000xf32, #tpu.memory_space<hbm>> -> memref<8000xf32, #tpu.memory_space<hbm>>
    tpu.enqueue_dma source(%dma_start3A_53 : memref<8000xf32, #tpu.memory_space<hbm>>) target(%arg20 : memref<8000xf32, #tpu.memory_space<vmem>>) target_semaphore(%arg25 : memref<!tpu.dma_semaphore, #tpu.memory_space<semaphore_mem>>)
    %dma_start3A_54 = tpu.memref_slice %arg7[%add3A_42] : memref<2560000xf32, #tpu.memory_space<hbm>> -> memref<8000xf32, #tpu.memory_space<hbm>>
    %dma_start3A_55 = tpu.memref_slice %arg7[%add3A_42] : memref<2560000xf32, #tpu.memory_space<hbm>> -> memref<8000xf32, #tpu.memory_space<hbm>>
    tpu.enqueue_dma source(%dma_start3A_55 : memref<8000xf32, #tpu.memory_space<hbm>>) target(%arg22 : memref<8000xf32, #tpu.memory_space<vmem>>) target_semaphore(%arg25 : memref<!tpu.dma_semaphore, #tpu.memory_space<semaphore_mem>>)
    %dma_wait3A = tpu.memref_slice %arg3[%add3A_39] : memref<640000xi32, #tpu.memory_space<hbm>> -> memref<8000xi32, #tpu.memory_space<hbm>>
    %dma_wait3A_56 = tpu.memref_slice %arg3[%add3A_39] : memref<640000xi32, #tpu.memory_space<hbm>> -> memref<8000xi32, #tpu.memory_space<hbm>>
    tpu.wait_dma2 semaphore(%arg25 : memref<!tpu.dma_semaphore, #tpu.memory_space<semaphore_mem>>) src(%dma_wait3A_56 : memref<8000xi32, #tpu.memory_space<hbm>>) dst(%arg12 : memref<8000xi32, #tpu.memory_space<vmem>>)
    %dma_wait3A_57 = tpu.memref_slice %arg3[%add3A_45] : memref<640000xi32, #tpu.memory_space<hbm>> -> memref<8000xi32, #tpu.memory_space<hbm>>
    %dma_wait3A_58 = tpu.memref_slice %arg3[%add3A_45] : memref<640000xi32, #tpu.memory_space<hbm>> -> memref<8000xi32, #tpu.memory_space<hbm>>
    tpu.wait_dma2 semaphore(%arg25 : memref<!tpu.dma_semaphore, #tpu.memory_space<semaphore_mem>>) src(%dma_wait3A_58 : memref<8000xi32, #tpu.memory_space<hbm>>) dst(%arg14 : memref<8000xi32, #tpu.memory_space<vmem>>)
    %dma_wait3A_59 = tpu.memref_slice %arg4[%add3A_42] : memref<2560000xf32, #tpu.memory_space<hbm>> -> memref<8000xf32, #tpu.memory_space<hbm>>
    %dma_wait3A_60 = tpu.memref_slice %arg4[%add3A_42] : memref<2560000xf32, #tpu.memory_space<hbm>> -> memref<8000xf32, #tpu.memory_space<hbm>>
    tpu.wait_dma2 semaphore(%arg25 : memref<!tpu.dma_semaphore, #tpu.memory_space<semaphore_mem>>) src(%dma_wait3A_60 : memref<8000xf32, #tpu.memory_space<hbm>>) dst(%arg16 : memref<8000xf32, #tpu.memory_space<vmem>>)
    %dma_wait3A_61 = tpu.memref_slice %arg5[%add3A_42] : memref<2560000xf32, #tpu.memory_space<hbm>> -> memref<8000xf32, #tpu.memory_space<hbm>>
    %dma_wait3A_62 = tpu.memref_slice %arg5[%add3A_42] : memref<2560000xf32, #tpu.memory_space<hbm>> -> memref<8000xf32, #tpu.memory_space<hbm>>
    tpu.wait_dma2 semaphore(%arg25 : memref<!tpu.dma_semaphore, #tpu.memory_space<semaphore_mem>>) src(%dma_wait3A_62 : memref<8000xf32, #tpu.memory_space<hbm>>) dst(%arg18 : memref<8000xf32, #tpu.memory_space<vmem>>)
    %dma_wait3A_63 = tpu.memref_slice %arg6[%add3A_42] : memref<2560000xf32, #tpu.memory_space<hbm>> -> memref<8000xf32, #tpu.memory_space<hbm>>
    %dma_wait3A_64 = tpu.memref_slice %arg6[%add3A_42] : memref<2560000xf32, #tpu.memory_space<hbm>> -> memref<8000xf32, #tpu.memory_space<hbm>>
    tpu.wait_dma2 semaphore(%arg25 : memref<!tpu.dma_semaphore, #tpu.memory_space<semaphore_mem>>) src(%dma_wait3A_64 : memref<8000xf32, #tpu.memory_space<hbm>>) dst(%arg20 : memref<8000xf32, #tpu.memory_space<vmem>>)
    %dma_wait3A_65 = tpu.memref_slice %arg7[%add3A_42] : memref<2560000xf32, #tpu.memory_space<hbm>> -> memref<8000xf32, #tpu.memory_space<hbm>>
    %dma_wait3A_66 = tpu.memref_slice %arg7[%add3A_42] : memref<2560000xf32, #tpu.memory_space<hbm>> -> memref<8000xf32, #tpu.memory_space<hbm>>
    tpu.wait_dma2 semaphore(%arg25 : memref<!tpu.dma_semaphore, #tpu.memory_space<semaphore_mem>>) src(%dma_wait3A_66 : memref<8000xf32, #tpu.memory_space<hbm>>) dst(%arg22 : memref<8000xf32, #tpu.memory_space<vmem>>)
    %mul3A_67 = arith.constant 80000 : i32
    %mul3A_68 = arith.muli %select_n3A_30, %mul3A_67 : i32
    %add3A_69 = arith.constant 8000 : i32
    %add3A_70 = arith.addi %mul3A_68, %add3A_69 : i32
    %mul3A_71 = arith.constant 320000 : i32
    %mul3A_72 = arith.muli %select_n3A, %mul3A_71 : i32
    %add3A_73 = arith.addi %mul3A_72, %add3A_70 : i32
    %dma_start3A_74 = tpu.memref_slice %arg3[%add3A_70] : memref<640000xi32, #tpu.memory_space<hbm>> -> memref<8000xi32, #tpu.memory_space<hbm>>
    %dma_start3A_75 = tpu.memref_slice %arg3[%add3A_70] : memref<640000xi32, #tpu.memory_space<hbm>> -> memref<8000xi32, #tpu.memory_space<hbm>>
    tpu.enqueue_dma source(%dma_start3A_75 : memref<8000xi32, #tpu.memory_space<hbm>>) target(%arg13 : memref<8000xi32, #tpu.memory_space<vmem>>) target_semaphore(%arg26 : memref<!tpu.dma_semaphore, #tpu.memory_space<semaphore_mem>>)
    %add3A_76 = arith.constant 320000 : i32
    %add3A_77 = arith.addi %add3A_76, %add3A_70 : i32
    %dma_start3A_78 = tpu.memref_slice %arg3[%add3A_77] : memref<640000xi32, #tpu.memory_space<hbm>> -> memref<8000xi32, #tpu.memory_space<hbm>>
    %dma_start3A_79 = tpu.memref_slice %arg3[%add3A_77] : memref<640000xi32, #tpu.memory_space<hbm>> -> memref<8000xi32, #tpu.memory_space<hbm>>
    tpu.enqueue_dma source(%dma_start3A_79 : memref<8000xi32, #tpu.memory_space<hbm>>) target(%arg15 : memref<8000xi32, #tpu.memory_space<vmem>>) target_semaphore(%arg26 : memref<!tpu.dma_semaphore, #tpu.memory_space<semaphore_mem>>)
    %dma_start3A_80 = tpu.memref_slice %arg4[%add3A_73] : memref<2560000xf32, #tpu.memory_space<hbm>> -> memref<8000xf32, #tpu.memory_space<hbm>>
    %dma_start3A_81 = tpu.memref_slice %arg4[%add3A_73] : memref<2560000xf32, #tpu.memory_space<hbm>> -> memref<8000xf32, #tpu.memory_space<hbm>>
    tpu.enqueue_dma source(%dma_start3A_81 : memref<8000xf32, #tpu.memory_space<hbm>>) target(%arg17 : memref<8000xf32, #tpu.memory_space<vmem>>) target_semaphore(%arg26 : memref<!tpu.dma_semaphore, #tpu.memory_space<semaphore_mem>>)
    %dma_start3A_82 = tpu.memref_slice %arg5[%add3A_73] : memref<2560000xf32, #tpu.memory_space<hbm>> -> memref<8000xf32, #tpu.memory_space<hbm>>
    %dma_start3A_83 = tpu.memref_slice %arg5[%add3A_73] : memref<2560000xf32, #tpu.memory_space<hbm>> -> memref<8000xf32, #tpu.memory_space<hbm>>
    tpu.enqueue_dma source(%dma_start3A_83 : memref<8000xf32, #tpu.memory_space<hbm>>) target(%arg19 : memref<8000xf32, #tpu.memory_space<vmem>>) target_semaphore(%arg26 : memref<!tpu.dma_semaphore, #tpu.memory_space<semaphore_mem>>)
    %dma_start3A_84 = tpu.memref_slice %arg6[%add3A_73] : memref<2560000xf32, #tpu.memory_space<hbm>> -> memref<8000xf32, #tpu.memory_space<hbm>>
    %dma_start3A_85 = tpu.memref_slice %arg6[%add3A_73] : memref<2560000xf32, #tpu.memory_space<hbm>> -> memref<8000xf32, #tpu.memory_space<hbm>>
    tpu.enqueue_dma source(%dma_start3A_85 : memref<8000xf32, #tpu.memory_space<hbm>>) target(%arg21 : memref<8000xf32, #tpu.memory_space<vmem>>) target_semaphore(%arg26 : memref<!tpu.dma_semaphore, #tpu.memory_space<semaphore_mem>>)
    %dma_start3A_86 = tpu.memref_slice %arg7[%add3A_73] : memref<2560000xf32, #tpu.memory_space<hbm>> -> memref<8000xf32, #tpu.memory_space<hbm>>
    %dma_start3A_87 = tpu.memref_slice %arg7[%add3A_73] : memref<2560000xf32, #tpu.memory_space<hbm>> -> memref<8000xf32, #tpu.memory_space<hbm>>
    tpu.enqueue_dma source(%dma_start3A_87 : memref<8000xf32, #tpu.memory_space<hbm>>) target(%arg23 : memref<8000xf32, #tpu.memory_space<vmem>>) target_semaphore(%arg26 : memref<!tpu.dma_semaphore, #tpu.memory_space<semaphore_mem>>)
    %parallel_loop3A_88 = arith.constant 0 : i32
    %parallel_loop3A_89 = arith.constant 500 : i32
    %parallel_loop3A_90 = arith.constant 1 : i32
    %parallel_loop3A_91 = scf.for %parallel_loop3A_412 = %parallel_loop3A_88 to %parallel_loop3A_89 step %parallel_loop3A_90 iter_args(%parallel_loop3A_413 = %broadcast_in_dim3A_35) -> (vector<16xf32>)  : i32 {
      %parallel_loop3A_414 = arith.constant 16 : i32
      %parallel_loop3A_415 = arith.muli %parallel_loop3A_412, %parallel_loop3A_414 : i32
      %parallel_loop3A_416 = arith.index_cast %parallel_loop3A_415 : i32 to index
      %parallel_loop3A_417 = tpu.vector_load %arg12[%parallel_loop3A_416] {strides = array<i32>} : memref<8000xi32, #tpu.memory_space<vmem>>, vector<16xi32>,
      %parallel_loop3A_418 = arith.index_cast %parallel_loop3A_415 : i32 to index
      %parallel_loop3A_419 = tpu.vector_load %arg14[%parallel_loop3A_418] {strides = array<i32>} : memref<8000xi32, #tpu.memory_space<vmem>>, vector<16xi32>,
      %parallel_loop3A_420 = arith.index_cast %parallel_loop3A_415 : i32 to index
      %parallel_loop3A_421 = tpu.vector_load %arg16[%parallel_loop3A_420] {strides = array<i32>} : memref<8000xf32, #tpu.memory_space<vmem>>, vector<16xf32>,
      %parallel_loop3A_422 = arith.index_cast %parallel_loop3A_415 : i32 to index
      %parallel_loop3A_423 = tpu.vector_load %arg18[%parallel_loop3A_422] {strides = array<i32>} : memref<8000xf32, #tpu.memory_space<vmem>>, vector<16xf32>,
      %parallel_loop3A_424 = tpu.vector_load_idx %arg10[%parallel_loop3A_417] : memref<10000xi32, #tpu.memory_space<vmem>>[vector<16xi32>], vector<16xi32>,
      %parallel_loop3A_425 = tpu.vector_load_idx %arg10[%parallel_loop3A_419] : memref<10000xi32, #tpu.memory_space<vmem>>[vector<16xi32>], vector<16xi32>,
      %parallel_loop3A_426 = arith.constant -65536 : i32
      %parallel_loop3A_427 = vector.broadcast %parallel_loop3A_426 : i32 to vector<16xi32>
      %parallel_loop3A_428 = arith.andi %parallel_loop3A_424, %parallel_loop3A_427 : vector<16xi32>
      %parallel_loop3A_429 = vector.bitcast %parallel_loop3A_428 : vector<16xi32> to vector<16xf32>
      %parallel_loop3A_430 = arith.constant 16 : i32
      %parallel_loop3A_431 = vector.broadcast %parallel_loop3A_430 : i32 to vector<16xi32>
      %parallel_loop3A_432 = arith.shli %parallel_loop3A_424, %parallel_loop3A_431 : vector<16xi32>
      %parallel_loop3A_433 = vector.bitcast %parallel_loop3A_432 : vector<16xi32> to vector<16xf32>
      %parallel_loop3A_434 = arith.constant -65536 : i32
      %parallel_loop3A_435 = vector.broadcast %parallel_loop3A_434 : i32 to vector<16xi32>
      %parallel_loop3A_436 = arith.andi %parallel_loop3A_425, %parallel_loop3A_435 : vector<16xi32>
      %parallel_loop3A_437 = vector.bitcast %parallel_loop3A_436 : vector<16xi32> to vector<16xf32>
      %parallel_loop3A_438 = arith.constant 16 : i32
      %parallel_loop3A_439 = vector.broadcast %parallel_loop3A_438 : i32 to vector<16xi32>
      %parallel_loop3A_440 = arith.shli %parallel_loop3A_425, %parallel_loop3A_439 : vector<16xi32>
      %parallel_loop3A_441 = vector.bitcast %parallel_loop3A_440 : vector<16xi32> to vector<16xf32>
      %parallel_loop3A_442 = arith.mulf %parallel_loop3A_421, %parallel_loop3A_437 : vector<16xf32>
      %parallel_loop3A_443 = arith.mulf %parallel_loop3A_423, %parallel_loop3A_441 : vector<16xf32>
      %parallel_loop3A_444 = arith.subf %parallel_loop3A_442, %parallel_loop3A_443 : vector<16xf32>
      %parallel_loop3A_445 = arith.mulf %parallel_loop3A_429, %parallel_loop3A_444 : vector<16xf32>
      %parallel_loop3A_446 = arith.mulf %parallel_loop3A_421, %parallel_loop3A_441 : vector<16xf32>
      %parallel_loop3A_447 = arith.mulf %parallel_loop3A_423, %parallel_loop3A_437 : vector<16xf32>
      %parallel_loop3A_448 = arith.addf %parallel_loop3A_446, %parallel_loop3A_447 : vector<16xf32>
      %parallel_loop3A_449 = arith.mulf %parallel_loop3A_433, %parallel_loop3A_448 : vector<16xf32>
      %parallel_loop3A_450 = arith.addf %parallel_loop3A_445, %parallel_loop3A_449 : vector<16xf32>
      tpu.vector_store_idx %arg11[%parallel_loop3A_417], %parallel_loop3A_450 {add = true} : memref<10000xf32, #tpu.memory_space<vmem>>[vector<16xi32>], vector<16xf32>,
      %parallel_loop3A_451 = arith.constant 0.000000e+00 : f32
      %parallel_loop3A_452 = vector.broadcast %parallel_loop3A_451 : f32 to vector<16xf32>
      %parallel_loop3A_453 = arith.subf %parallel_loop3A_452, %parallel_loop3A_450 : vector<16xf32>
      tpu.vector_store_idx %arg11[%parallel_loop3A_419], %parallel_loop3A_453 {add = true} : memref<10000xf32, #tpu.memory_space<vmem>>[vector<16xi32>], vector<16xf32>,
      %parallel_loop3A_454 = arith.index_cast %parallel_loop3A_415 : i32 to index
      %parallel_loop3A_455 = tpu.vector_load %arg20[%parallel_loop3A_454] {strides = array<i32>} : memref<8000xf32, #tpu.memory_space<vmem>>, vector<16xf32>,
      %parallel_loop3A_456 = arith.index_cast %parallel_loop3A_415 : i32 to index
      %parallel_loop3A_457 = tpu.vector_load %arg22[%parallel_loop3A_456] {strides = array<i32>} : memref<8000xf32, #tpu.memory_space<vmem>>, vector<16xf32>,
      %parallel_loop3A_458 = arith.subf %parallel_loop3A_455, %parallel_loop3A_457 : vector<16xf32>
      %parallel_loop3A_459 = arith.constant 0.000000e+00 : f32
      %parallel_loop3A_460 = vector.broadcast %parallel_loop3A_459 : f32 to vector<16xf32>
      %parallel_loop3A_461 = arith.maximumf %parallel_loop3A_458, %parallel_loop3A_460 : vector<16xf32>
      %parallel_loop3A_462 = arith.mulf %parallel_loop3A_461, %parallel_loop3A_461 : vector<16xf32>
      %parallel_loop3A_463 = arith.addf %parallel_loop3A_413, %parallel_loop3A_462 : vector<16xf32>
      scf.yield %parallel_loop3A_463 : vector<16xf32>
    } {sc.loop_unroll_factor = 5 : i64, sc.parallel_access}
    %dma_wait3A_92 = tpu.memref_slice %arg3[%add3A_70] : memref<640000xi32, #tpu.memory_space<hbm>> -> memref<8000xi32, #tpu.memory_space<hbm>>
    %dma_wait3A_93 = tpu.memref_slice %arg3[%add3A_70] : memref<640000xi32, #tpu.memory_space<hbm>> -> memref<8000xi32, #tpu.memory_space<hbm>>
    tpu.wait_dma2 semaphore(%arg26 : memref<!tpu.dma_semaphore, #tpu.memory_space<semaphore_mem>>) src(%dma_wait3A_93 : memref<8000xi32, #tpu.memory_space<hbm>>) dst(%arg13 : memref<8000xi32, #tpu.memory_space<vmem>>)
    %dma_wait3A_94 = tpu.memref_slice %arg3[%add3A_77] : memref<640000xi32, #tpu.memory_space<hbm>> -> memref<8000xi32, #tpu.memory_space<hbm>>
    %dma_wait3A_95 = tpu.memref_slice %arg3[%add3A_77] : memref<640000xi32, #tpu.memory_space<hbm>> -> memref<8000xi32, #tpu.memory_space<hbm>>
    tpu.wait_dma2 semaphore(%arg26 : memref<!tpu.dma_semaphore, #tpu.memory_space<semaphore_mem>>) src(%dma_wait3A_95 : memref<8000xi32, #tpu.memory_space<hbm>>) dst(%arg15 : memref<8000xi32, #tpu.memory_space<vmem>>)
    %dma_wait3A_96 = tpu.memref_slice %arg4[%add3A_73] : memref<2560000xf32, #tpu.memory_space<hbm>> -> memref<8000xf32, #tpu.memory_space<hbm>>
    %dma_wait3A_97 = tpu.memref_slice %arg4[%add3A_73] : memref<2560000xf32, #tpu.memory_space<hbm>> -> memref<8000xf32, #tpu.memory_space<hbm>>
    tpu.wait_dma2 semaphore(%arg26 : memref<!tpu.dma_semaphore, #tpu.memory_space<semaphore_mem>>) src(%dma_wait3A_97 : memref<8000xf32, #tpu.memory_space<hbm>>) dst(%arg17 : memref<8000xf32, #tpu.memory_space<vmem>>)
    %dma_wait3A_98 = tpu.memref_slice %arg5[%add3A_73] : memref<2560000xf32, #tpu.memory_space<hbm>> -> memref<8000xf32, #tpu.memory_space<hbm>>
    %dma_wait3A_99 = tpu.memref_slice %arg5[%add3A_73] : memref<2560000xf32, #tpu.memory_space<hbm>> -> memref<8000xf32, #tpu.memory_space<hbm>>
    tpu.wait_dma2 semaphore(%arg26 : memref<!tpu.dma_semaphore, #tpu.memory_space<semaphore_mem>>) src(%dma_wait3A_99 : memref<8000xf32, #tpu.memory_space<hbm>>) dst(%arg19 : memref<8000xf32, #tpu.memory_space<vmem>>)
    %dma_wait3A_100 = tpu.memref_slice %arg6[%add3A_73] : memref<2560000xf32, #tpu.memory_space<hbm>> -> memref<8000xf32, #tpu.memory_space<hbm>>
    %dma_wait3A_101 = tpu.memref_slice %arg6[%add3A_73] : memref<2560000xf32, #tpu.memory_space<hbm>> -> memref<8000xf32, #tpu.memory_space<hbm>>
    tpu.wait_dma2 semaphore(%arg26 : memref<!tpu.dma_semaphore, #tpu.memory_space<semaphore_mem>>) src(%dma_wait3A_101 : memref<8000xf32, #tpu.memory_space<hbm>>) dst(%arg21 : memref<8000xf32, #tpu.memory_space<vmem>>)
    %dma_wait3A_102 = tpu.memref_slice %arg7[%add3A_73] : memref<2560000xf32, #tpu.memory_space<hbm>> -> memref<8000xf32, #tpu.memory_space<hbm>>
    %dma_wait3A_103 = tpu.memref_slice %arg7[%add3A_73] : memref<2560000xf32, #tpu.memory_space<hbm>> -> memref<8000xf32, #tpu.memory_space<hbm>>
    tpu.wait_dma2 semaphore(%arg26 : memref<!tpu.dma_semaphore, #tpu.memory_space<semaphore_mem>>) src(%dma_wait3A_103 : memref<8000xf32, #tpu.memory_space<hbm>>) dst(%arg23 : memref<8000xf32, #tpu.memory_space<vmem>>)
    %mul3A_104 = arith.constant 80000 : i32
    %mul3A_105 = arith.muli %select_n3A_30, %mul3A_104 : i32
    %add3A_106 = arith.constant 16000 : i32
    %add3A_107 = arith.addi %mul3A_105, %add3A_106 : i32
    %mul3A_108 = arith.constant 320000 : i32
    %mul3A_109 = arith.muli %select_n3A, %mul3A_108 : i32
    %add3A_110 = arith.addi %mul3A_109, %add3A_107 : i32
    %dma_start3A_111 = tpu.memref_slice %arg3[%add3A_107] : memref<640000xi32, #tpu.memory_space<hbm>> -> memref<8000xi32, #tpu.memory_space<hbm>>
    %dma_start3A_112 = tpu.memref_slice %arg3[%add3A_107] : memref<640000xi32, #tpu.memory_space<hbm>> -> memref<8000xi32, #tpu.memory_space<hbm>>
    tpu.enqueue_dma source(%dma_start3A_112 : memref<8000xi32, #tpu.memory_space<hbm>>) target(%arg12 : memref<8000xi32, #tpu.memory_space<vmem>>) target_semaphore(%arg25 : memref<!tpu.dma_semaphore, #tpu.memory_space<semaphore_mem>>)
    %add3A_113 = arith.constant 320000 : i32
    %add3A_114 = arith.addi %add3A_113, %add3A_107 : i32
    %dma_start3A_115 = tpu.memref_slice %arg3[%add3A_114] : memref<640000xi32, #tpu.memory_space<hbm>> -> memref<8000xi32, #tpu.memory_space<hbm>>
    %dma_start3A_116 = tpu.memref_slice %arg3[%add3A_114] : memref<640000xi32, #tpu.memory_space<hbm>> -> memref<8000xi32, #tpu.memory_space<hbm>>
    tpu.enqueue_dma source(%dma_start3A_116 : memref<8000xi32, #tpu.memory_space<hbm>>) target(%arg14 : memref<8000xi32, #tpu.memory_space<vmem>>) target_semaphore(%arg25 : memref<!tpu.dma_semaphore, #tpu.memory_space<semaphore_mem>>)
    %dma_start3A_117 = tpu.memref_slice %arg4[%add3A_110] : memref<2560000xf32, #tpu.memory_space<hbm>> -> memref<8000xf32, #tpu.memory_space<hbm>>
    %dma_start3A_118 = tpu.memref_slice %arg4[%add3A_110] : memref<2560000xf32, #tpu.memory_space<hbm>> -> memref<8000xf32, #tpu.memory_space<hbm>>
    tpu.enqueue_dma source(%dma_start3A_118 : memref<8000xf32, #tpu.memory_space<hbm>>) target(%arg16 : memref<8000xf32, #tpu.memory_space<vmem>>) target_semaphore(%arg25 : memref<!tpu.dma_semaphore, #tpu.memory_space<semaphore_mem>>)
    %dma_start3A_119 = tpu.memref_slice %arg5[%add3A_110] : memref<2560000xf32, #tpu.memory_space<hbm>> -> memref<8000xf32, #tpu.memory_space<hbm>>
    %dma_start3A_120 = tpu.memref_slice %arg5[%add3A_110] : memref<2560000xf32, #tpu.memory_space<hbm>> -> memref<8000xf32, #tpu.memory_space<hbm>>
    tpu.enqueue_dma source(%dma_start3A_120 : memref<8000xf32, #tpu.memory_space<hbm>>) target(%arg18 : memref<8000xf32, #tpu.memory_space<vmem>>) target_semaphore(%arg25 : memref<!tpu.dma_semaphore, #tpu.memory_space<semaphore_mem>>)
    %dma_start3A_121 = tpu.memref_slice %arg6[%add3A_110] : memref<2560000xf32, #tpu.memory_space<hbm>> -> memref<8000xf32, #tpu.memory_space<hbm>>
    %dma_start3A_122 = tpu.memref_slice %arg6[%add3A_110] : memref<2560000xf32, #tpu.memory_space<hbm>> -> memref<8000xf32, #tpu.memory_space<hbm>>
    tpu.enqueue_dma source(%dma_start3A_122 : memref<8000xf32, #tpu.memory_space<hbm>>) target(%arg20 : memref<8000xf32, #tpu.memory_space<vmem>>) target_semaphore(%arg25 : memref<!tpu.dma_semaphore, #tpu.memory_space<semaphore_mem>>)
    %dma_start3A_123 = tpu.memref_slice %arg7[%add3A_110] : memref<2560000xf32, #tpu.memory_space<hbm>> -> memref<8000xf32, #tpu.memory_space<hbm>>
    %dma_start3A_124 = tpu.memref_slice %arg7[%add3A_110] : memref<2560000xf32, #tpu.memory_space<hbm>> -> memref<8000xf32, #tpu.memory_space<hbm>>
    tpu.enqueue_dma source(%dma_start3A_124 : memref<8000xf32, #tpu.memory_space<hbm>>) target(%arg22 : memref<8000xf32, #tpu.memory_space<vmem>>) target_semaphore(%arg25 : memref<!tpu.dma_semaphore, #tpu.memory_space<semaphore_mem>>)
    %parallel_loop3A_125 = arith.constant 0 : i32
    %parallel_loop3A_126 = arith.constant 500 : i32
    %parallel_loop3A_127 = arith.constant 1 : i32
    %parallel_loop3A_128 = scf.for %parallel_loop3A_412 = %parallel_loop3A_125 to %parallel_loop3A_126 step %parallel_loop3A_127 iter_args(%parallel_loop3A_413 = %parallel_loop3A_91) -> (vector<16xf32>)  : i32 {
      %parallel_loop3A_414 = arith.constant 16 : i32
      %parallel_loop3A_415 = arith.muli %parallel_loop3A_412, %parallel_loop3A_414 : i32
      %parallel_loop3A_416 = arith.index_cast %parallel_loop3A_415 : i32 to index
      %parallel_loop3A_417 = tpu.vector_load %arg13[%parallel_loop3A_416] {strides = array<i32>} : memref<8000xi32, #tpu.memory_space<vmem>>, vector<16xi32>,
      %parallel_loop3A_418 = arith.index_cast %parallel_loop3A_415 : i32 to index
      %parallel_loop3A_419 = tpu.vector_load %arg15[%parallel_loop3A_418] {strides = array<i32>} : memref<8000xi32, #tpu.memory_space<vmem>>, vector<16xi32>,
      %parallel_loop3A_420 = arith.index_cast %parallel_loop3A_415 : i32 to index
      %parallel_loop3A_421 = tpu.vector_load %arg17[%parallel_loop3A_420] {strides = array<i32>} : memref<8000xf32, #tpu.memory_space<vmem>>, vector<16xf32>,
      %parallel_loop3A_422 = arith.index_cast %parallel_loop3A_415 : i32 to index
      %parallel_loop3A_423 = tpu.vector_load %arg19[%parallel_loop3A_422] {strides = array<i32>} : memref<8000xf32, #tpu.memory_space<vmem>>, vector<16xf32>,
      %parallel_loop3A_424 = tpu.vector_load_idx %arg10[%parallel_loop3A_417] : memref<10000xi32, #tpu.memory_space<vmem>>[vector<16xi32>], vector<16xi32>,
      %parallel_loop3A_425 = tpu.vector_load_idx %arg10[%parallel_loop3A_419] : memref<10000xi32, #tpu.memory_space<vmem>>[vector<16xi32>], vector<16xi32>,
      %parallel_loop3A_426 = arith.constant -65536 : i32
      %parallel_loop3A_427 = vector.broadcast %parallel_loop3A_426 : i32 to vector<16xi32>
      %parallel_loop3A_428 = arith.andi %parallel_loop3A_424, %parallel_loop3A_427 : vector<16xi32>
      %parallel_loop3A_429 = vector.bitcast %parallel_loop3A_428 : vector<16xi32> to vector<16xf32>
      %parallel_loop3A_430 = arith.constant 16 : i32
      %parallel_loop3A_431 = vector.broadcast %parallel_loop3A_430 : i32 to vector<16xi32>
      %parallel_loop3A_432 = arith.shli %parallel_loop3A_424, %parallel_loop3A_431 : vector<16xi32>
      %parallel_loop3A_433 = vector.bitcast %parallel_loop3A_432 : vector<16xi32> to vector<16xf32>
      %parallel_loop3A_434 = arith.constant -65536 : i32
      %parallel_loop3A_435 = vector.broadcast %parallel_loop3A_434 : i32 to vector<16xi32>
      %parallel_loop3A_436 = arith.andi %parallel_loop3A_425, %parallel_loop3A_435 : vector<16xi32>
      %parallel_loop3A_437 = vector.bitcast %parallel_loop3A_436 : vector<16xi32> to vector<16xf32>
      %parallel_loop3A_438 = arith.constant 16 : i32
      %parallel_loop3A_439 = vector.broadcast %parallel_loop3A_438 : i32 to vector<16xi32>
      %parallel_loop3A_440 = arith.shli %parallel_loop3A_425, %parallel_loop3A_439 : vector<16xi32>
      %parallel_loop3A_441 = vector.bitcast %parallel_loop3A_440 : vector<16xi32> to vector<16xf32>
      %parallel_loop3A_442 = arith.mulf %parallel_loop3A_421, %parallel_loop3A_437 : vector<16xf32>
      %parallel_loop3A_443 = arith.mulf %parallel_loop3A_423, %parallel_loop3A_441 : vector<16xf32>
      %parallel_loop3A_444 = arith.subf %parallel_loop3A_442, %parallel_loop3A_443 : vector<16xf32>
      %parallel_loop3A_445 = arith.mulf %parallel_loop3A_429, %parallel_loop3A_444 : vector<16xf32>
      %parallel_loop3A_446 = arith.mulf %parallel_loop3A_421, %parallel_loop3A_441 : vector<16xf32>
      %parallel_loop3A_447 = arith.mulf %parallel_loop3A_423, %parallel_loop3A_437 : vector<16xf32>
      %parallel_loop3A_448 = arith.addf %parallel_loop3A_446, %parallel_loop3A_447 : vector<16xf32>
      %parallel_loop3A_449 = arith.mulf %parallel_loop3A_433, %parallel_loop3A_448 : vector<16xf32>
      %parallel_loop3A_450 = arith.addf %parallel_loop3A_445, %parallel_loop3A_449 : vector<16xf32>
      tpu.vector_store_idx %arg11[%parallel_loop3A_417], %parallel_loop3A_450 {add = true} : memref<10000xf32, #tpu.memory_space<vmem>>[vector<16xi32>], vector<16xf32>,
      %parallel_loop3A_451 = arith.constant 0.000000e+00 : f32
      %parallel_loop3A_452 = vector.broadcast %parallel_loop3A_451 : f32 to vector<16xf32>
      %parallel_loop3A_453 = arith.subf %parallel_loop3A_452, %parallel_loop3A_450 : vector<16xf32>
      tpu.vector_store_idx %arg11[%parallel_loop3A_419], %parallel_loop3A_453 {add = true} : memref<10000xf32, #tpu.memory_space<vmem>>[vector<16xi32>], vector<16xf32>,
      %parallel_loop3A_454 = arith.index_cast %parallel_loop3A_415 : i32 to index
      %parallel_loop3A_455 = tpu.vector_load %arg21[%parallel_loop3A_454] {strides = array<i32>} : memref<8000xf32, #tpu.memory_space<vmem>>, vector<16xf32>,
      %parallel_loop3A_456 = arith.index_cast %parallel_loop3A_415 : i32 to index
      %parallel_loop3A_457 = tpu.vector_load %arg23[%parallel_loop3A_456] {strides = array<i32>} : memref<8000xf32, #tpu.memory_space<vmem>>, vector<16xf32>,
      %parallel_loop3A_458 = arith.subf %parallel_loop3A_455, %parallel_loop3A_457 : vector<16xf32>
      %parallel_loop3A_459 = arith.constant 0.000000e+00 : f32
      %parallel_loop3A_460 = vector.broadcast %parallel_loop3A_459 : f32 to vector<16xf32>
      %parallel_loop3A_461 = arith.maximumf %parallel_loop3A_458, %parallel_loop3A_460 : vector<16xf32>
      %parallel_loop3A_462 = arith.mulf %parallel_loop3A_461, %parallel_loop3A_461 : vector<16xf32>
      %parallel_loop3A_463 = arith.addf %parallel_loop3A_413, %parallel_loop3A_462 : vector<16xf32>
      scf.yield %parallel_loop3A_463 : vector<16xf32>
    } {sc.loop_unroll_factor = 5 : i64, sc.parallel_access}
    %dma_wait3A_129 = tpu.memref_slice %arg3[%add3A_107] : memref<640000xi32, #tpu.memory_space<hbm>> -> memref<8000xi32, #tpu.memory_space<hbm>>
    %dma_wait3A_130 = tpu.memref_slice %arg3[%add3A_107] : memref<640000xi32, #tpu.memory_space<hbm>> -> memref<8000xi32, #tpu.memory_space<hbm>>
    tpu.wait_dma2 semaphore(%arg25 : memref<!tpu.dma_semaphore, #tpu.memory_space<semaphore_mem>>) src(%dma_wait3A_130 : memref<8000xi32, #tpu.memory_space<hbm>>) dst(%arg12 : memref<8000xi32, #tpu.memory_space<vmem>>)
    %dma_wait3A_131 = tpu.memref_slice %arg3[%add3A_114] : memref<640000xi32, #tpu.memory_space<hbm>> -> memref<8000xi32, #tpu.memory_space<hbm>>
    %dma_wait3A_132 = tpu.memref_slice %arg3[%add3A_114] : memref<640000xi32, #tpu.memory_space<hbm>> -> memref<8000xi32, #tpu.memory_space<hbm>>
    tpu.wait_dma2 semaphore(%arg25 : memref<!tpu.dma_semaphore, #tpu.memory_space<semaphore_mem>>) src(%dma_wait3A_132 : memref<8000xi32, #tpu.memory_space<hbm>>) dst(%arg14 : memref<8000xi32, #tpu.memory_space<vmem>>)
    %dma_wait3A_133 = tpu.memref_slice %arg4[%add3A_110] : memref<2560000xf32, #tpu.memory_space<hbm>> -> memref<8000xf32, #tpu.memory_space<hbm>>
    %dma_wait3A_134 = tpu.memref_slice %arg4[%add3A_110] : memref<2560000xf32, #tpu.memory_space<hbm>> -> memref<8000xf32, #tpu.memory_space<hbm>>
    tpu.wait_dma2 semaphore(%arg25 : memref<!tpu.dma_semaphore, #tpu.memory_space<semaphore_mem>>) src(%dma_wait3A_134 : memref<8000xf32, #tpu.memory_space<hbm>>) dst(%arg16 : memref<8000xf32, #tpu.memory_space<vmem>>)
    %dma_wait3A_135 = tpu.memref_slice %arg5[%add3A_110] : memref<2560000xf32, #tpu.memory_space<hbm>> -> memref<8000xf32, #tpu.memory_space<hbm>>
    %dma_wait3A_136 = tpu.memref_slice %arg5[%add3A_110] : memref<2560000xf32, #tpu.memory_space<hbm>> -> memref<8000xf32, #tpu.memory_space<hbm>>
    tpu.wait_dma2 semaphore(%arg25 : memref<!tpu.dma_semaphore, #tpu.memory_space<semaphore_mem>>) src(%dma_wait3A_136 : memref<8000xf32, #tpu.memory_space<hbm>>) dst(%arg18 : memref<8000xf32, #tpu.memory_space<vmem>>)
    %dma_wait3A_137 = tpu.memref_slice %arg6[%add3A_110] : memref<2560000xf32, #tpu.memory_space<hbm>> -> memref<8000xf32, #tpu.memory_space<hbm>>
    %dma_wait3A_138 = tpu.memref_slice %arg6[%add3A_110] : memref<2560000xf32, #tpu.memory_space<hbm>> -> memref<8000xf32, #tpu.memory_space<hbm>>
    tpu.wait_dma2 semaphore(%arg25 : memref<!tpu.dma_semaphore, #tpu.memory_space<semaphore_mem>>) src(%dma_wait3A_138 : memref<8000xf32, #tpu.memory_space<hbm>>) dst(%arg20 : memref<8000xf32, #tpu.memory_space<vmem>>)
    %dma_wait3A_139 = tpu.memref_slice %arg7[%add3A_110] : memref<2560000xf32, #tpu.memory_space<hbm>> -> memref<8000xf32, #tpu.memory_space<hbm>>
    %dma_wait3A_140 = tpu.memref_slice %arg7[%add3A_110] : memref<2560000xf32, #tpu.memory_space<hbm>> -> memref<8000xf32, #tpu.memory_space<hbm>>
    tpu.wait_dma2 semaphore(%arg25 : memref<!tpu.dma_semaphore, #tpu.memory_space<semaphore_mem>>) src(%dma_wait3A_140 : memref<8000xf32, #tpu.memory_space<hbm>>) dst(%arg22 : memref<8000xf32, #tpu.memory_space<vmem>>)
    %mul3A_141 = arith.constant 80000 : i32
    %mul3A_142 = arith.muli %select_n3A_30, %mul3A_141 : i32
    %add3A_143 = arith.constant 24000 : i32
    %add3A_144 = arith.addi %mul3A_142, %add3A_143 : i32
    %mul3A_145 = arith.constant 320000 : i32
    %mul3A_146 = arith.muli %select_n3A, %mul3A_145 : i32
    %add3A_147 = arith.addi %mul3A_146, %add3A_144 : i32
    %dma_start3A_148 = tpu.memref_slice %arg3[%add3A_144] : memref<640000xi32, #tpu.memory_space<hbm>> -> memref<8000xi32, #tpu.memory_space<hbm>>
    %dma_start3A_149 = tpu.memref_slice %arg3[%add3A_144] : memref<640000xi32, #tpu.memory_space<hbm>> -> memref<8000xi32, #tpu.memory_space<hbm>>
    tpu.enqueue_dma source(%dma_start3A_149 : memref<8000xi32, #tpu.memory_space<hbm>>) target(%arg13 : memref<8000xi32, #tpu.memory_space<vmem>>) target_semaphore(%arg26 : memref<!tpu.dma_semaphore, #tpu.memory_space<semaphore_mem>>)
    %add3A_150 = arith.constant 320000 : i32
    %add3A_151 = arith.addi %add3A_150, %add3A_144 : i32
    %dma_start3A_152 = tpu.memref_slice %arg3[%add3A_151] : memref<640000xi32, #tpu.memory_space<hbm>> -> memref<8000xi32, #tpu.memory_space<hbm>>
    %dma_start3A_153 = tpu.memref_slice %arg3[%add3A_151] : memref<640000xi32, #tpu.memory_space<hbm>> -> memref<8000xi32, #tpu.memory_space<hbm>>
    tpu.enqueue_dma source(%dma_start3A_153 : memref<8000xi32, #tpu.memory_space<hbm>>) target(%arg15 : memref<8000xi32, #tpu.memory_space<vmem>>) target_semaphore(%arg26 : memref<!tpu.dma_semaphore, #tpu.memory_space<semaphore_mem>>)
    %dma_start3A_154 = tpu.memref_slice %arg4[%add3A_147] : memref<2560000xf32, #tpu.memory_space<hbm>> -> memref<8000xf32, #tpu.memory_space<hbm>>
    %dma_start3A_155 = tpu.memref_slice %arg4[%add3A_147] : memref<2560000xf32, #tpu.memory_space<hbm>> -> memref<8000xf32, #tpu.memory_space<hbm>>
    tpu.enqueue_dma source(%dma_start3A_155 : memref<8000xf32, #tpu.memory_space<hbm>>) target(%arg17 : memref<8000xf32, #tpu.memory_space<vmem>>) target_semaphore(%arg26 : memref<!tpu.dma_semaphore, #tpu.memory_space<semaphore_mem>>)
    %dma_start3A_156 = tpu.memref_slice %arg5[%add3A_147] : memref<2560000xf32, #tpu.memory_space<hbm>> -> memref<8000xf32, #tpu.memory_space<hbm>>
    %dma_start3A_157 = tpu.memref_slice %arg5[%add3A_147] : memref<2560000xf32, #tpu.memory_space<hbm>> -> memref<8000xf32, #tpu.memory_space<hbm>>
    tpu.enqueue_dma source(%dma_start3A_157 : memref<8000xf32, #tpu.memory_space<hbm>>) target(%arg19 : memref<8000xf32, #tpu.memory_space<vmem>>) target_semaphore(%arg26 : memref<!tpu.dma_semaphore, #tpu.memory_space<semaphore_mem>>)
    %dma_start3A_158 = tpu.memref_slice %arg6[%add3A_147] : memref<2560000xf32, #tpu.memory_space<hbm>> -> memref<8000xf32, #tpu.memory_space<hbm>>
    %dma_start3A_159 = tpu.memref_slice %arg6[%add3A_147] : memref<2560000xf32, #tpu.memory_space<hbm>> -> memref<8000xf32, #tpu.memory_space<hbm>>
    tpu.enqueue_dma source(%dma_start3A_159 : memref<8000xf32, #tpu.memory_space<hbm>>) target(%arg21 : memref<8000xf32, #tpu.memory_space<vmem>>) target_semaphore(%arg26 : memref<!tpu.dma_semaphore, #tpu.memory_space<semaphore_mem>>)
    %dma_start3A_160 = tpu.memref_slice %arg7[%add3A_147] : memref<2560000xf32, #tpu.memory_space<hbm>> -> memref<8000xf32, #tpu.memory_space<hbm>>
    %dma_start3A_161 = tpu.memref_slice %arg7[%add3A_147] : memref<2560000xf32, #tpu.memory_space<hbm>> -> memref<8000xf32, #tpu.memory_space<hbm>>
    tpu.enqueue_dma source(%dma_start3A_161 : memref<8000xf32, #tpu.memory_space<hbm>>) target(%arg23 : memref<8000xf32, #tpu.memory_space<vmem>>) target_semaphore(%arg26 : memref<!tpu.dma_semaphore, #tpu.memory_space<semaphore_mem>>)
    %parallel_loop3A_162 = arith.constant 0 : i32
    %parallel_loop3A_163 = arith.constant 500 : i32
    %parallel_loop3A_164 = arith.constant 1 : i32
    %parallel_loop3A_165 = scf.for %parallel_loop3A_412 = %parallel_loop3A_162 to %parallel_loop3A_163 step %parallel_loop3A_164 iter_args(%parallel_loop3A_413 = %parallel_loop3A_128) -> (vector<16xf32>)  : i32 {
      %parallel_loop3A_414 = arith.constant 16 : i32
      %parallel_loop3A_415 = arith.muli %parallel_loop3A_412, %parallel_loop3A_414 : i32
      %parallel_loop3A_416 = arith.index_cast %parallel_loop3A_415 : i32 to index
      %parallel_loop3A_417 = tpu.vector_load %arg12[%parallel_loop3A_416] {strides = array<i32>} : memref<8000xi32, #tpu.memory_space<vmem>>, vector<16xi32>,
      %parallel_loop3A_418 = arith.index_cast %parallel_loop3A_415 : i32 to index
      %parallel_loop3A_419 = tpu.vector_load %arg14[%parallel_loop3A_418] {strides = array<i32>} : memref<8000xi32, #tpu.memory_space<vmem>>, vector<16xi32>,
      %parallel_loop3A_420 = arith.index_cast %parallel_loop3A_415 : i32 to index
      %parallel_loop3A_421 = tpu.vector_load %arg16[%parallel_loop3A_420] {strides = array<i32>} : memref<8000xf32, #tpu.memory_space<vmem>>, vector<16xf32>,
      %parallel_loop3A_422 = arith.index_cast %parallel_loop3A_415 : i32 to index
      %parallel_loop3A_423 = tpu.vector_load %arg18[%parallel_loop3A_422] {strides = array<i32>} : memref<8000xf32, #tpu.memory_space<vmem>>, vector<16xf32>,
      %parallel_loop3A_424 = tpu.vector_load_idx %arg10[%parallel_loop3A_417] : memref<10000xi32, #tpu.memory_space<vmem>>[vector<16xi32>], vector<16xi32>,
      %parallel_loop3A_425 = tpu.vector_load_idx %arg10[%parallel_loop3A_419] : memref<10000xi32, #tpu.memory_space<vmem>>[vector<16xi32>], vector<16xi32>,
      %parallel_loop3A_426 = arith.constant -65536 : i32
      %parallel_loop3A_427 = vector.broadcast %parallel_loop3A_426 : i32 to vector<16xi32>
      %parallel_loop3A_428 = arith.andi %parallel_loop3A_424, %parallel_loop3A_427 : vector<16xi32>
      %parallel_loop3A_429 = vector.bitcast %parallel_loop3A_428 : vector<16xi32> to vector<16xf32>
      %parallel_loop3A_430 = arith.constant 16 : i32
      %parallel_loop3A_431 = vector.broadcast %parallel_loop3A_430 : i32 to vector<16xi32>
      %parallel_loop3A_432 = arith.shli %parallel_loop3A_424, %parallel_loop3A_431 : vector<16xi32>
      %parallel_loop3A_433 = vector.bitcast %parallel_loop3A_432 : vector<16xi32> to vector<16xf32>
      %parallel_loop3A_434 = arith.constant -65536 : i32
      %parallel_loop3A_435 = vector.broadcast %parallel_loop3A_434 : i32 to vector<16xi32>
      %parallel_loop3A_436 = arith.andi %parallel_loop3A_425, %parallel_loop3A_435 : vector<16xi32>
      %parallel_loop3A_437 = vector.bitcast %parallel_loop3A_436 : vector<16xi32> to vector<16xf32>
      %parallel_loop3A_438 = arith.constant 16 : i32
      %parallel_loop3A_439 = vector.broadcast %parallel_loop3A_438 : i32 to vector<16xi32>
      %parallel_loop3A_440 = arith.shli %parallel_loop3A_425, %parallel_loop3A_439 : vector<16xi32>
      %parallel_loop3A_441 = vector.bitcast %parallel_loop3A_440 : vector<16xi32> to vector<16xf32>
      %parallel_loop3A_442 = arith.mulf %parallel_loop3A_421, %parallel_loop3A_437 : vector<16xf32>
      %parallel_loop3A_443 = arith.mulf %parallel_loop3A_423, %parallel_loop3A_441 : vector<16xf32>
      %parallel_loop3A_444 = arith.subf %parallel_loop3A_442, %parallel_loop3A_443 : vector<16xf32>
      %parallel_loop3A_445 = arith.mulf %parallel_loop3A_429, %parallel_loop3A_444 : vector<16xf32>
      %parallel_loop3A_446 = arith.mulf %parallel_loop3A_421, %parallel_loop3A_441 : vector<16xf32>
      %parallel_loop3A_447 = arith.mulf %parallel_loop3A_423, %parallel_loop3A_437 : vector<16xf32>
      %parallel_loop3A_448 = arith.addf %parallel_loop3A_446, %parallel_loop3A_447 : vector<16xf32>
      %parallel_loop3A_449 = arith.mulf %parallel_loop3A_433, %parallel_loop3A_448 : vector<16xf32>
      %parallel_loop3A_450 = arith.addf %parallel_loop3A_445, %parallel_loop3A_449 : vector<16xf32>
      tpu.vector_store_idx %arg11[%parallel_loop3A_417], %parallel_loop3A_450 {add = true} : memref<10000xf32, #tpu.memory_space<vmem>>[vector<16xi32>], vector<16xf32>,
      %parallel_loop3A_451 = arith.constant 0.000000e+00 : f32
      %parallel_loop3A_452 = vector.broadcast %parallel_loop3A_451 : f32 to vector<16xf32>
      %parallel_loop3A_453 = arith.subf %parallel_loop3A_452, %parallel_loop3A_450 : vector<16xf32>
      tpu.vector_store_idx %arg11[%parallel_loop3A_419], %parallel_loop3A_453 {add = true} : memref<10000xf32, #tpu.memory_space<vmem>>[vector<16xi32>], vector<16xf32>,
      %parallel_loop3A_454 = arith.index_cast %parallel_loop3A_415 : i32 to index
      %parallel_loop3A_455 = tpu.vector_load %arg20[%parallel_loop3A_454] {strides = array<i32>} : memref<8000xf32, #tpu.memory_space<vmem>>, vector<16xf32>,
      %parallel_loop3A_456 = arith.index_cast %parallel_loop3A_415 : i32 to index
      %parallel_loop3A_457 = tpu.vector_load %arg22[%parallel_loop3A_456] {strides = array<i32>} : memref<8000xf32, #tpu.memory_space<vmem>>, vector<16xf32>,
      %parallel_loop3A_458 = arith.subf %parallel_loop3A_455, %parallel_loop3A_457 : vector<16xf32>
      %parallel_loop3A_459 = arith.constant 0.000000e+00 : f32
      %parallel_loop3A_460 = vector.broadcast %parallel_loop3A_459 : f32 to vector<16xf32>
      %parallel_loop3A_461 = arith.maximumf %parallel_loop3A_458, %parallel_loop3A_460 : vector<16xf32>
      %parallel_loop3A_462 = arith.mulf %parallel_loop3A_461, %parallel_loop3A_461 : vector<16xf32>
      %parallel_loop3A_463 = arith.addf %parallel_loop3A_413, %parallel_loop3A_462 : vector<16xf32>
      scf.yield %parallel_loop3A_463 : vector<16xf32>
    } {sc.loop_unroll_factor = 5 : i64, sc.parallel_access}
    %dma_wait3A_166 = tpu.memref_slice %arg3[%add3A_144] : memref<640000xi32, #tpu.memory_space<hbm>> -> memref<8000xi32, #tpu.memory_space<hbm>>
    %dma_wait3A_167 = tpu.memref_slice %arg3[%add3A_144] : memref<640000xi32, #tpu.memory_space<hbm>> -> memref<8000xi32, #tpu.memory_space<hbm>>
    tpu.wait_dma2 semaphore(%arg26 : memref<!tpu.dma_semaphore, #tpu.memory_space<semaphore_mem>>) src(%dma_wait3A_167 : memref<8000xi32, #tpu.memory_space<hbm>>) dst(%arg13 : memref<8000xi32, #tpu.memory_space<vmem>>)
    %dma_wait3A_168 = tpu.memref_slice %arg3[%add3A_151] : memref<640000xi32, #tpu.memory_space<hbm>> -> memref<8000xi32, #tpu.memory_space<hbm>>
    %dma_wait3A_169 = tpu.memref_slice %arg3[%add3A_151] : memref<640000xi32, #tpu.memory_space<hbm>> -> memref<8000xi32, #tpu.memory_space<hbm>>
    tpu.wait_dma2 semaphore(%arg26 : memref<!tpu.dma_semaphore, #tpu.memory_space<semaphore_mem>>) src(%dma_wait3A_169 : memref<8000xi32, #tpu.memory_space<hbm>>) dst(%arg15 : memref<8000xi32, #tpu.memory_space<vmem>>)
    %dma_wait3A_170 = tpu.memref_slice %arg4[%add3A_147] : memref<2560000xf32, #tpu.memory_space<hbm>> -> memref<8000xf32, #tpu.memory_space<hbm>>
    %dma_wait3A_171 = tpu.memref_slice %arg4[%add3A_147] : memref<2560000xf32, #tpu.memory_space<hbm>> -> memref<8000xf32, #tpu.memory_space<hbm>>
    tpu.wait_dma2 semaphore(%arg26 : memref<!tpu.dma_semaphore, #tpu.memory_space<semaphore_mem>>) src(%dma_wait3A_171 : memref<8000xf32, #tpu.memory_space<hbm>>) dst(%arg17 : memref<8000xf32, #tpu.memory_space<vmem>>)
    %dma_wait3A_172 = tpu.memref_slice %arg5[%add3A_147] : memref<2560000xf32, #tpu.memory_space<hbm>> -> memref<8000xf32, #tpu.memory_space<hbm>>
    %dma_wait3A_173 = tpu.memref_slice %arg5[%add3A_147] : memref<2560000xf32, #tpu.memory_space<hbm>> -> memref<8000xf32, #tpu.memory_space<hbm>>
    tpu.wait_dma2 semaphore(%arg26 : memref<!tpu.dma_semaphore, #tpu.memory_space<semaphore_mem>>) src(%dma_wait3A_173 : memref<8000xf32, #tpu.memory_space<hbm>>) dst(%arg19 : memref<8000xf32, #tpu.memory_space<vmem>>)
    %dma_wait3A_174 = tpu.memref_slice %arg6[%add3A_147] : memref<2560000xf32, #tpu.memory_space<hbm>> -> memref<8000xf32, #tpu.memory_space<hbm>>
    %dma_wait3A_175 = tpu.memref_slice %arg6[%add3A_147] : memref<2560000xf32, #tpu.memory_space<hbm>> -> memref<8000xf32, #tpu.memory_space<hbm>>
    tpu.wait_dma2 semaphore(%arg26 : memref<!tpu.dma_semaphore, #tpu.memory_space<semaphore_mem>>) src(%dma_wait3A_175 : memref<8000xf32, #tpu.memory_space<hbm>>) dst(%arg21 : memref<8000xf32, #tpu.memory_space<vmem>>)
    %dma_wait3A_176 = tpu.memref_slice %arg7[%add3A_147] : memref<2560000xf32, #tpu.memory_space<hbm>> -> memref<8000xf32, #tpu.memory_space<hbm>>
    %dma_wait3A_177 = tpu.memref_slice %arg7[%add3A_147] : memref<2560000xf32, #tpu.memory_space<hbm>> -> memref<8000xf32, #tpu.memory_space<hbm>>
    tpu.wait_dma2 semaphore(%arg26 : memref<!tpu.dma_semaphore, #tpu.memory_space<semaphore_mem>>) src(%dma_wait3A_177 : memref<8000xf32, #tpu.memory_space<hbm>>) dst(%arg23 : memref<8000xf32, #tpu.memory_space<vmem>>)
    %mul3A_178 = arith.constant 80000 : i32
    %mul3A_179 = arith.muli %select_n3A_30, %mul3A_178 : i32
    %add3A_180 = arith.constant 32000 : i32
    %add3A_181 = arith.addi %mul3A_179, %add3A_180 : i32
    %mul3A_182 = arith.constant 320000 : i32
    %mul3A_183 = arith.muli %select_n3A, %mul3A_182 : i32
    %add3A_184 = arith.addi %mul3A_183, %add3A_181 : i32
    %dma_start3A_185 = tpu.memref_slice %arg3[%add3A_181] : memref<640000xi32, #tpu.memory_space<hbm>> -> memref<8000xi32, #tpu.memory_space<hbm>>
    %dma_start3A_186 = tpu.memref_slice %arg3[%add3A_181] : memref<640000xi32, #tpu.memory_space<hbm>> -> memref<8000xi32, #tpu.memory_space<hbm>>
    tpu.enqueue_dma source(%dma_start3A_186 : memref<8000xi32, #tpu.memory_space<hbm>>) target(%arg12 : memref<8000xi32, #tpu.memory_space<vmem>>) target_semaphore(%arg25 : memref<!tpu.dma_semaphore, #tpu.memory_space<semaphore_mem>>)
    %add3A_187 = arith.constant 320000 : i32
    %add3A_188 = arith.addi %add3A_187, %add3A_181 : i32
    %dma_start3A_189 = tpu.memref_slice %arg3[%add3A_188] : memref<640000xi32, #tpu.memory_space<hbm>> -> memref<8000xi32, #tpu.memory_space<hbm>>
    %dma_start3A_190 = tpu.memref_slice %arg3[%add3A_188] : memref<640000xi32, #tpu.memory_space<hbm>> -> memref<8000xi32, #tpu.memory_space<hbm>>
    tpu.enqueue_dma source(%dma_start3A_190 : memref<8000xi32, #tpu.memory_space<hbm>>) target(%arg14 : memref<8000xi32, #tpu.memory_space<vmem>>) target_semaphore(%arg25 : memref<!tpu.dma_semaphore, #tpu.memory_space<semaphore_mem>>)
    %dma_start3A_191 = tpu.memref_slice %arg4[%add3A_184] : memref<2560000xf32, #tpu.memory_space<hbm>> -> memref<8000xf32, #tpu.memory_space<hbm>>
    %dma_start3A_192 = tpu.memref_slice %arg4[%add3A_184] : memref<2560000xf32, #tpu.memory_space<hbm>> -> memref<8000xf32, #tpu.memory_space<hbm>>
    tpu.enqueue_dma source(%dma_start3A_192 : memref<8000xf32, #tpu.memory_space<hbm>>) target(%arg16 : memref<8000xf32, #tpu.memory_space<vmem>>) target_semaphore(%arg25 : memref<!tpu.dma_semaphore, #tpu.memory_space<semaphore_mem>>)
    %dma_start3A_193 = tpu.memref_slice %arg5[%add3A_184] : memref<2560000xf32, #tpu.memory_space<hbm>> -> memref<8000xf32, #tpu.memory_space<hbm>>
    %dma_start3A_194 = tpu.memref_slice %arg5[%add3A_184] : memref<2560000xf32, #tpu.memory_space<hbm>> -> memref<8000xf32, #tpu.memory_space<hbm>>
    tpu.enqueue_dma source(%dma_start3A_194 : memref<8000xf32, #tpu.memory_space<hbm>>) target(%arg18 : memref<8000xf32, #tpu.memory_space<vmem>>) target_semaphore(%arg25 : memref<!tpu.dma_semaphore, #tpu.memory_space<semaphore_mem>>)
    %dma_start3A_195 = tpu.memref_slice %arg6[%add3A_184] : memref<2560000xf32, #tpu.memory_space<hbm>> -> memref<8000xf32, #tpu.memory_space<hbm>>
    %dma_start3A_196 = tpu.memref_slice %arg6[%add3A_184] : memref<2560000xf32, #tpu.memory_space<hbm>> -> memref<8000xf32, #tpu.memory_space<hbm>>
    tpu.enqueue_dma source(%dma_start3A_196 : memref<8000xf32, #tpu.memory_space<hbm>>) target(%arg20 : memref<8000xf32, #tpu.memory_space<vmem>>) target_semaphore(%arg25 : memref<!tpu.dma_semaphore, #tpu.memory_space<semaphore_mem>>)
    %dma_start3A_197 = tpu.memref_slice %arg7[%add3A_184] : memref<2560000xf32, #tpu.memory_space<hbm>> -> memref<8000xf32, #tpu.memory_space<hbm>>
    %dma_start3A_198 = tpu.memref_slice %arg7[%add3A_184] : memref<2560000xf32, #tpu.memory_space<hbm>> -> memref<8000xf32, #tpu.memory_space<hbm>>
    tpu.enqueue_dma source(%dma_start3A_198 : memref<8000xf32, #tpu.memory_space<hbm>>) target(%arg22 : memref<8000xf32, #tpu.memory_space<vmem>>) target_semaphore(%arg25 : memref<!tpu.dma_semaphore, #tpu.memory_space<semaphore_mem>>)
    %parallel_loop3A_199 = arith.constant 0 : i32
    %parallel_loop3A_200 = arith.constant 500 : i32
    %parallel_loop3A_201 = arith.constant 1 : i32
    %parallel_loop3A_202 = scf.for %parallel_loop3A_412 = %parallel_loop3A_199 to %parallel_loop3A_200 step %parallel_loop3A_201 iter_args(%parallel_loop3A_413 = %parallel_loop3A_165) -> (vector<16xf32>)  : i32 {
      %parallel_loop3A_414 = arith.constant 16 : i32
      %parallel_loop3A_415 = arith.muli %parallel_loop3A_412, %parallel_loop3A_414 : i32
      %parallel_loop3A_416 = arith.index_cast %parallel_loop3A_415 : i32 to index
      %parallel_loop3A_417 = tpu.vector_load %arg13[%parallel_loop3A_416] {strides = array<i32>} : memref<8000xi32, #tpu.memory_space<vmem>>, vector<16xi32>,
      %parallel_loop3A_418 = arith.index_cast %parallel_loop3A_415 : i32 to index
      %parallel_loop3A_419 = tpu.vector_load %arg15[%parallel_loop3A_418] {strides = array<i32>} : memref<8000xi32, #tpu.memory_space<vmem>>, vector<16xi32>,
      %parallel_loop3A_420 = arith.index_cast %parallel_loop3A_415 : i32 to index
      %parallel_loop3A_421 = tpu.vector_load %arg17[%parallel_loop3A_420] {strides = array<i32>} : memref<8000xf32, #tpu.memory_space<vmem>>, vector<16xf32>,
      %parallel_loop3A_422 = arith.index_cast %parallel_loop3A_415 : i32 to index
      %parallel_loop3A_423 = tpu.vector_load %arg19[%parallel_loop3A_422] {strides = array<i32>} : memref<8000xf32, #tpu.memory_space<vmem>>, vector<16xf32>,
      %parallel_loop3A_424 = tpu.vector_load_idx %arg10[%parallel_loop3A_417] : memref<10000xi32, #tpu.memory_space<vmem>>[vector<16xi32>], vector<16xi32>,
      %parallel_loop3A_425 = tpu.vector_load_idx %arg10[%parallel_loop3A_419] : memref<10000xi32, #tpu.memory_space<vmem>>[vector<16xi32>], vector<16xi32>,
      %parallel_loop3A_426 = arith.constant -65536 : i32
      %parallel_loop3A_427 = vector.broadcast %parallel_loop3A_426 : i32 to vector<16xi32>
      %parallel_loop3A_428 = arith.andi %parallel_loop3A_424, %parallel_loop3A_427 : vector<16xi32>
      %parallel_loop3A_429 = vector.bitcast %parallel_loop3A_428 : vector<16xi32> to vector<16xf32>
      %parallel_loop3A_430 = arith.constant 16 : i32
      %parallel_loop3A_431 = vector.broadcast %parallel_loop3A_430 : i32 to vector<16xi32>
      %parallel_loop3A_432 = arith.shli %parallel_loop3A_424, %parallel_loop3A_431 : vector<16xi32>
      %parallel_loop3A_433 = vector.bitcast %parallel_loop3A_432 : vector<16xi32> to vector<16xf32>
      %parallel_loop3A_434 = arith.constant -65536 : i32
      %parallel_loop3A_435 = vector.broadcast %parallel_loop3A_434 : i32 to vector<16xi32>
      %parallel_loop3A_436 = arith.andi %parallel_loop3A_425, %parallel_loop3A_435 : vector<16xi32>
      %parallel_loop3A_437 = vector.bitcast %parallel_loop3A_436 : vector<16xi32> to vector<16xf32>
      %parallel_loop3A_438 = arith.constant 16 : i32
      %parallel_loop3A_439 = vector.broadcast %parallel_loop3A_438 : i32 to vector<16xi32>
      %parallel_loop3A_440 = arith.shli %parallel_loop3A_425, %parallel_loop3A_439 : vector<16xi32>
      %parallel_loop3A_441 = vector.bitcast %parallel_loop3A_440 : vector<16xi32> to vector<16xf32>
      %parallel_loop3A_442 = arith.mulf %parallel_loop3A_421, %parallel_loop3A_437 : vector<16xf32>
      %parallel_loop3A_443 = arith.mulf %parallel_loop3A_423, %parallel_loop3A_441 : vector<16xf32>
      %parallel_loop3A_444 = arith.subf %parallel_loop3A_442, %parallel_loop3A_443 : vector<16xf32>
      %parallel_loop3A_445 = arith.mulf %parallel_loop3A_429, %parallel_loop3A_444 : vector<16xf32>
      %parallel_loop3A_446 = arith.mulf %parallel_loop3A_421, %parallel_loop3A_441 : vector<16xf32>
      %parallel_loop3A_447 = arith.mulf %parallel_loop3A_423, %parallel_loop3A_437 : vector<16xf32>
      %parallel_loop3A_448 = arith.addf %parallel_loop3A_446, %parallel_loop3A_447 : vector<16xf32>
      %parallel_loop3A_449 = arith.mulf %parallel_loop3A_433, %parallel_loop3A_448 : vector<16xf32>
      %parallel_loop3A_450 = arith.addf %parallel_loop3A_445, %parallel_loop3A_449 : vector<16xf32>
      tpu.vector_store_idx %arg11[%parallel_loop3A_417], %parallel_loop3A_450 {add = true} : memref<10000xf32, #tpu.memory_space<vmem>>[vector<16xi32>], vector<16xf32>,
      %parallel_loop3A_451 = arith.constant 0.000000e+00 : f32
      %parallel_loop3A_452 = vector.broadcast %parallel_loop3A_451 : f32 to vector<16xf32>
      %parallel_loop3A_453 = arith.subf %parallel_loop3A_452, %parallel_loop3A_450 : vector<16xf32>
      tpu.vector_store_idx %arg11[%parallel_loop3A_419], %parallel_loop3A_453 {add = true} : memref<10000xf32, #tpu.memory_space<vmem>>[vector<16xi32>], vector<16xf32>,
      %parallel_loop3A_454 = arith.index_cast %parallel_loop3A_415 : i32 to index
      %parallel_loop3A_455 = tpu.vector_load %arg21[%parallel_loop3A_454] {strides = array<i32>} : memref<8000xf32, #tpu.memory_space<vmem>>, vector<16xf32>,
      %parallel_loop3A_456 = arith.index_cast %parallel_loop3A_415 : i32 to index
      %parallel_loop3A_457 = tpu.vector_load %arg23[%parallel_loop3A_456] {strides = array<i32>} : memref<8000xf32, #tpu.memory_space<vmem>>, vector<16xf32>,
      %parallel_loop3A_458 = arith.subf %parallel_loop3A_455, %parallel_loop3A_457 : vector<16xf32>
      %parallel_loop3A_459 = arith.constant 0.000000e+00 : f32
      %parallel_loop3A_460 = vector.broadcast %parallel_loop3A_459 : f32 to vector<16xf32>
      %parallel_loop3A_461 = arith.maximumf %parallel_loop3A_458, %parallel_loop3A_460 : vector<16xf32>
      %parallel_loop3A_462 = arith.mulf %parallel_loop3A_461, %parallel_loop3A_461 : vector<16xf32>
      %parallel_loop3A_463 = arith.addf %parallel_loop3A_413, %parallel_loop3A_462 : vector<16xf32>
      scf.yield %parallel_loop3A_463 : vector<16xf32>
    } {sc.loop_unroll_factor = 5 : i64, sc.parallel_access}
    %dma_wait3A_203 = tpu.memref_slice %arg3[%add3A_181] : memref<640000xi32, #tpu.memory_space<hbm>> -> memref<8000xi32, #tpu.memory_space<hbm>>
    %dma_wait3A_204 = tpu.memref_slice %arg3[%add3A_181] : memref<640000xi32, #tpu.memory_space<hbm>> -> memref<8000xi32, #tpu.memory_space<hbm>>
    tpu.wait_dma2 semaphore(%arg25 : memref<!tpu.dma_semaphore, #tpu.memory_space<semaphore_mem>>) src(%dma_wait3A_204 : memref<8000xi32, #tpu.memory_space<hbm>>) dst(%arg12 : memref<8000xi32, #tpu.memory_space<vmem>>)
    %dma_wait3A_205 = tpu.memref_slice %arg3[%add3A_188] : memref<640000xi32, #tpu.memory_space<hbm>> -> memref<8000xi32, #tpu.memory_space<hbm>>
    %dma_wait3A_206 = tpu.memref_slice %arg3[%add3A_188] : memref<640000xi32, #tpu.memory_space<hbm>> -> memref<8000xi32, #tpu.memory_space<hbm>>
    tpu.wait_dma2 semaphore(%arg25 : memref<!tpu.dma_semaphore, #tpu.memory_space<semaphore_mem>>) src(%dma_wait3A_206 : memref<8000xi32, #tpu.memory_space<hbm>>) dst(%arg14 : memref<8000xi32, #tpu.memory_space<vmem>>)
    %dma_wait3A_207 = tpu.memref_slice %arg4[%add3A_184] : memref<2560000xf32, #tpu.memory_space<hbm>> -> memref<8000xf32, #tpu.memory_space<hbm>>
    %dma_wait3A_208 = tpu.memref_slice %arg4[%add3A_184] : memref<2560000xf32, #tpu.memory_space<hbm>> -> memref<8000xf32, #tpu.memory_space<hbm>>
    tpu.wait_dma2 semaphore(%arg25 : memref<!tpu.dma_semaphore, #tpu.memory_space<semaphore_mem>>) src(%dma_wait3A_208 : memref<8000xf32, #tpu.memory_space<hbm>>) dst(%arg16 : memref<8000xf32, #tpu.memory_space<vmem>>)
    %dma_wait3A_209 = tpu.memref_slice %arg5[%add3A_184] : memref<2560000xf32, #tpu.memory_space<hbm>> -> memref<8000xf32, #tpu.memory_space<hbm>>
    %dma_wait3A_210 = tpu.memref_slice %arg5[%add3A_184] : memref<2560000xf32, #tpu.memory_space<hbm>> -> memref<8000xf32, #tpu.memory_space<hbm>>
    tpu.wait_dma2 semaphore(%arg25 : memref<!tpu.dma_semaphore, #tpu.memory_space<semaphore_mem>>) src(%dma_wait3A_210 : memref<8000xf32, #tpu.memory_space<hbm>>) dst(%arg18 : memref<8000xf32, #tpu.memory_space<vmem>>)
    %dma_wait3A_211 = tpu.memref_slice %arg6[%add3A_184] : memref<2560000xf32, #tpu.memory_space<hbm>> -> memref<8000xf32, #tpu.memory_space<hbm>>
    %dma_wait3A_212 = tpu.memref_slice %arg6[%add3A_184] : memref<2560000xf32, #tpu.memory_space<hbm>> -> memref<8000xf32, #tpu.memory_space<hbm>>
    tpu.wait_dma2 semaphore(%arg25 : memref<!tpu.dma_semaphore, #tpu.memory_space<semaphore_mem>>) src(%dma_wait3A_212 : memref<8000xf32, #tpu.memory_space<hbm>>) dst(%arg20 : memref<8000xf32, #tpu.memory_space<vmem>>)
    %dma_wait3A_213 = tpu.memref_slice %arg7[%add3A_184] : memref<2560000xf32, #tpu.memory_space<hbm>> -> memref<8000xf32, #tpu.memory_space<hbm>>
    %dma_wait3A_214 = tpu.memref_slice %arg7[%add3A_184] : memref<2560000xf32, #tpu.memory_space<hbm>> -> memref<8000xf32, #tpu.memory_space<hbm>>
    tpu.wait_dma2 semaphore(%arg25 : memref<!tpu.dma_semaphore, #tpu.memory_space<semaphore_mem>>) src(%dma_wait3A_214 : memref<8000xf32, #tpu.memory_space<hbm>>) dst(%arg22 : memref<8000xf32, #tpu.memory_space<vmem>>)
    %mul3A_215 = arith.constant 80000 : i32
    %mul3A_216 = arith.muli %select_n3A_30, %mul3A_215 : i32
    %add3A_217 = arith.constant 40000 : i32
    %add3A_218 = arith.addi %mul3A_216, %add3A_217 : i32
    %mul3A_219 = arith.constant 320000 : i32
    %mul3A_220 = arith.muli %select_n3A, %mul3A_219 : i32
    %add3A_221 = arith.addi %mul3A_220, %add3A_218 : i32
    %dma_start3A_222 = tpu.memref_slice %arg3[%add3A_218] : memref<640000xi32, #tpu.memory_space<hbm>> -> memref<8000xi32, #tpu.memory_space<hbm>>
    %dma_start3A_223 = tpu.memref_slice %arg3[%add3A_218] : memref<640000xi32, #tpu.memory_space<hbm>> -> memref<8000xi32, #tpu.memory_space<hbm>>
    tpu.enqueue_dma source(%dma_start3A_223 : memref<8000xi32, #tpu.memory_space<hbm>>) target(%arg13 : memref<8000xi32, #tpu.memory_space<vmem>>) target_semaphore(%arg26 : memref<!tpu.dma_semaphore, #tpu.memory_space<semaphore_mem>>)
    %add3A_224 = arith.constant 320000 : i32
    %add3A_225 = arith.addi %add3A_224, %add3A_218 : i32
    %dma_start3A_226 = tpu.memref_slice %arg3[%add3A_225] : memref<640000xi32, #tpu.memory_space<hbm>> -> memref<8000xi32, #tpu.memory_space<hbm>>
    %dma_start3A_227 = tpu.memref_slice %arg3[%add3A_225] : memref<640000xi32, #tpu.memory_space<hbm>> -> memref<8000xi32, #tpu.memory_space<hbm>>
    tpu.enqueue_dma source(%dma_start3A_227 : memref<8000xi32, #tpu.memory_space<hbm>>) target(%arg15 : memref<8000xi32, #tpu.memory_space<vmem>>) target_semaphore(%arg26 : memref<!tpu.dma_semaphore, #tpu.memory_space<semaphore_mem>>)
    %dma_start3A_228 = tpu.memref_slice %arg4[%add3A_221] : memref<2560000xf32, #tpu.memory_space<hbm>> -> memref<8000xf32, #tpu.memory_space<hbm>>
    %dma_start3A_229 = tpu.memref_slice %arg4[%add3A_221] : memref<2560000xf32, #tpu.memory_space<hbm>> -> memref<8000xf32, #tpu.memory_space<hbm>>
    tpu.enqueue_dma source(%dma_start3A_229 : memref<8000xf32, #tpu.memory_space<hbm>>) target(%arg17 : memref<8000xf32, #tpu.memory_space<vmem>>) target_semaphore(%arg26 : memref<!tpu.dma_semaphore, #tpu.memory_space<semaphore_mem>>)
    %dma_start3A_230 = tpu.memref_slice %arg5[%add3A_221] : memref<2560000xf32, #tpu.memory_space<hbm>> -> memref<8000xf32, #tpu.memory_space<hbm>>
    %dma_start3A_231 = tpu.memref_slice %arg5[%add3A_221] : memref<2560000xf32, #tpu.memory_space<hbm>> -> memref<8000xf32, #tpu.memory_space<hbm>>
    tpu.enqueue_dma source(%dma_start3A_231 : memref<8000xf32, #tpu.memory_space<hbm>>) target(%arg19 : memref<8000xf32, #tpu.memory_space<vmem>>) target_semaphore(%arg26 : memref<!tpu.dma_semaphore, #tpu.memory_space<semaphore_mem>>)
    %dma_start3A_232 = tpu.memref_slice %arg6[%add3A_221] : memref<2560000xf32, #tpu.memory_space<hbm>> -> memref<8000xf32, #tpu.memory_space<hbm>>
    %dma_start3A_233 = tpu.memref_slice %arg6[%add3A_221] : memref<2560000xf32, #tpu.memory_space<hbm>> -> memref<8000xf32, #tpu.memory_space<hbm>>
    tpu.enqueue_dma source(%dma_start3A_233 : memref<8000xf32, #tpu.memory_space<hbm>>) target(%arg21 : memref<8000xf32, #tpu.memory_space<vmem>>) target_semaphore(%arg26 : memref<!tpu.dma_semaphore, #tpu.memory_space<semaphore_mem>>)
    %dma_start3A_234 = tpu.memref_slice %arg7[%add3A_221] : memref<2560000xf32, #tpu.memory_space<hbm>> -> memref<8000xf32, #tpu.memory_space<hbm>>
    %dma_start3A_235 = tpu.memref_slice %arg7[%add3A_221] : memref<2560000xf32, #tpu.memory_space<hbm>> -> memref<8000xf32, #tpu.memory_space<hbm>>
    tpu.enqueue_dma source(%dma_start3A_235 : memref<8000xf32, #tpu.memory_space<hbm>>) target(%arg23 : memref<8000xf32, #tpu.memory_space<vmem>>) target_semaphore(%arg26 : memref<!tpu.dma_semaphore, #tpu.memory_space<semaphore_mem>>)
    %parallel_loop3A_236 = arith.constant 0 : i32
    %parallel_loop3A_237 = arith.constant 500 : i32
    %parallel_loop3A_238 = arith.constant 1 : i32
    %parallel_loop3A_239 = scf.for %parallel_loop3A_412 = %parallel_loop3A_236 to %parallel_loop3A_237 step %parallel_loop3A_238 iter_args(%parallel_loop3A_413 = %parallel_loop3A_202) -> (vector<16xf32>)  : i32 {
      %parallel_loop3A_414 = arith.constant 16 : i32
      %parallel_loop3A_415 = arith.muli %parallel_loop3A_412, %parallel_loop3A_414 : i32
      %parallel_loop3A_416 = arith.index_cast %parallel_loop3A_415 : i32 to index
      %parallel_loop3A_417 = tpu.vector_load %arg12[%parallel_loop3A_416] {strides = array<i32>} : memref<8000xi32, #tpu.memory_space<vmem>>, vector<16xi32>,
      %parallel_loop3A_418 = arith.index_cast %parallel_loop3A_415 : i32 to index
      %parallel_loop3A_419 = tpu.vector_load %arg14[%parallel_loop3A_418] {strides = array<i32>} : memref<8000xi32, #tpu.memory_space<vmem>>, vector<16xi32>,
      %parallel_loop3A_420 = arith.index_cast %parallel_loop3A_415 : i32 to index
      %parallel_loop3A_421 = tpu.vector_load %arg16[%parallel_loop3A_420] {strides = array<i32>} : memref<8000xf32, #tpu.memory_space<vmem>>, vector<16xf32>,
      %parallel_loop3A_422 = arith.index_cast %parallel_loop3A_415 : i32 to index
      %parallel_loop3A_423 = tpu.vector_load %arg18[%parallel_loop3A_422] {strides = array<i32>} : memref<8000xf32, #tpu.memory_space<vmem>>, vector<16xf32>,
      %parallel_loop3A_424 = tpu.vector_load_idx %arg10[%parallel_loop3A_417] : memref<10000xi32, #tpu.memory_space<vmem>>[vector<16xi32>], vector<16xi32>,
      %parallel_loop3A_425 = tpu.vector_load_idx %arg10[%parallel_loop3A_419] : memref<10000xi32, #tpu.memory_space<vmem>>[vector<16xi32>], vector<16xi32>,
      %parallel_loop3A_426 = arith.constant -65536 : i32
      %parallel_loop3A_427 = vector.broadcast %parallel_loop3A_426 : i32 to vector<16xi32>
      %parallel_loop3A_428 = arith.andi %parallel_loop3A_424, %parallel_loop3A_427 : vector<16xi32>
      %parallel_loop3A_429 = vector.bitcast %parallel_loop3A_428 : vector<16xi32> to vector<16xf32>
      %parallel_loop3A_430 = arith.constant 16 : i32
      %parallel_loop3A_431 = vector.broadcast %parallel_loop3A_430 : i32 to vector<16xi32>
      %parallel_loop3A_432 = arith.shli %parallel_loop3A_424, %parallel_loop3A_431 : vector<16xi32>
      %parallel_loop3A_433 = vector.bitcast %parallel_loop3A_432 : vector<16xi32> to vector<16xf32>
      %parallel_loop3A_434 = arith.constant -65536 : i32
      %parallel_loop3A_435 = vector.broadcast %parallel_loop3A_434 : i32 to vector<16xi32>
      %parallel_loop3A_436 = arith.andi %parallel_loop3A_425, %parallel_loop3A_435 : vector<16xi32>
      %parallel_loop3A_437 = vector.bitcast %parallel_loop3A_436 : vector<16xi32> to vector<16xf32>
      %parallel_loop3A_438 = arith.constant 16 : i32
      %parallel_loop3A_439 = vector.broadcast %parallel_loop3A_438 : i32 to vector<16xi32>
      %parallel_loop3A_440 = arith.shli %parallel_loop3A_425, %parallel_loop3A_439 : vector<16xi32>
      %parallel_loop3A_441 = vector.bitcast %parallel_loop3A_440 : vector<16xi32> to vector<16xf32>
      %parallel_loop3A_442 = arith.mulf %parallel_loop3A_421, %parallel_loop3A_437 : vector<16xf32>
      %parallel_loop3A_443 = arith.mulf %parallel_loop3A_423, %parallel_loop3A_441 : vector<16xf32>
      %parallel_loop3A_444 = arith.subf %parallel_loop3A_442, %parallel_loop3A_443 : vector<16xf32>
      %parallel_loop3A_445 = arith.mulf %parallel_loop3A_429, %parallel_loop3A_444 : vector<16xf32>
      %parallel_loop3A_446 = arith.mulf %parallel_loop3A_421, %parallel_loop3A_441 : vector<16xf32>
      %parallel_loop3A_447 = arith.mulf %parallel_loop3A_423, %parallel_loop3A_437 : vector<16xf32>
      %parallel_loop3A_448 = arith.addf %parallel_loop3A_446, %parallel_loop3A_447 : vector<16xf32>
      %parallel_loop3A_449 = arith.mulf %parallel_loop3A_433, %parallel_loop3A_448 : vector<16xf32>
      %parallel_loop3A_450 = arith.addf %parallel_loop3A_445, %parallel_loop3A_449 : vector<16xf32>
      tpu.vector_store_idx %arg11[%parallel_loop3A_417], %parallel_loop3A_450 {add = true} : memref<10000xf32, #tpu.memory_space<vmem>>[vector<16xi32>], vector<16xf32>,
      %parallel_loop3A_451 = arith.constant 0.000000e+00 : f32
      %parallel_loop3A_452 = vector.broadcast %parallel_loop3A_451 : f32 to vector<16xf32>
      %parallel_loop3A_453 = arith.subf %parallel_loop3A_452, %parallel_loop3A_450 : vector<16xf32>
      tpu.vector_store_idx %arg11[%parallel_loop3A_419], %parallel_loop3A_453 {add = true} : memref<10000xf32, #tpu.memory_space<vmem>>[vector<16xi32>], vector<16xf32>,
      %parallel_loop3A_454 = arith.index_cast %parallel_loop3A_415 : i32 to index
      %parallel_loop3A_455 = tpu.vector_load %arg20[%parallel_loop3A_454] {strides = array<i32>} : memref<8000xf32, #tpu.memory_space<vmem>>, vector<16xf32>,
      %parallel_loop3A_456 = arith.index_cast %parallel_loop3A_415 : i32 to index
      %parallel_loop3A_457 = tpu.vector_load %arg22[%parallel_loop3A_456] {strides = array<i32>} : memref<8000xf32, #tpu.memory_space<vmem>>, vector<16xf32>,
      %parallel_loop3A_458 = arith.subf %parallel_loop3A_455, %parallel_loop3A_457 : vector<16xf32>
      %parallel_loop3A_459 = arith.constant 0.000000e+00 : f32
      %parallel_loop3A_460 = vector.broadcast %parallel_loop3A_459 : f32 to vector<16xf32>
      %parallel_loop3A_461 = arith.maximumf %parallel_loop3A_458, %parallel_loop3A_460 : vector<16xf32>
      %parallel_loop3A_462 = arith.mulf %parallel_loop3A_461, %parallel_loop3A_461 : vector<16xf32>
      %parallel_loop3A_463 = arith.addf %parallel_loop3A_413, %parallel_loop3A_462 : vector<16xf32>
      scf.yield %parallel_loop3A_463 : vector<16xf32>
    } {sc.loop_unroll_factor = 5 : i64, sc.parallel_access}
    %dma_wait3A_240 = tpu.memref_slice %arg3[%add3A_218] : memref<640000xi32, #tpu.memory_space<hbm>> -> memref<8000xi32, #tpu.memory_space<hbm>>
    %dma_wait3A_241 = tpu.memref_slice %arg3[%add3A_218] : memref<640000xi32, #tpu.memory_space<hbm>> -> memref<8000xi32, #tpu.memory_space<hbm>>
    tpu.wait_dma2 semaphore(%arg26 : memref<!tpu.dma_semaphore, #tpu.memory_space<semaphore_mem>>) src(%dma_wait3A_241 : memref<8000xi32, #tpu.memory_space<hbm>>) dst(%arg13 : memref<8000xi32, #tpu.memory_space<vmem>>)
    %dma_wait3A_242 = tpu.memref_slice %arg3[%add3A_225] : memref<640000xi32, #tpu.memory_space<hbm>> -> memref<8000xi32, #tpu.memory_space<hbm>>
    %dma_wait3A_243 = tpu.memref_slice %arg3[%add3A_225] : memref<640000xi32, #tpu.memory_space<hbm>> -> memref<8000xi32, #tpu.memory_space<hbm>>
    tpu.wait_dma2 semaphore(%arg26 : memref<!tpu.dma_semaphore, #tpu.memory_space<semaphore_mem>>) src(%dma_wait3A_243 : memref<8000xi32, #tpu.memory_space<hbm>>) dst(%arg15 : memref<8000xi32, #tpu.memory_space<vmem>>)
    %dma_wait3A_244 = tpu.memref_slice %arg4[%add3A_221] : memref<2560000xf32, #tpu.memory_space<hbm>> -> memref<8000xf32, #tpu.memory_space<hbm>>
    %dma_wait3A_245 = tpu.memref_slice %arg4[%add3A_221] : memref<2560000xf32, #tpu.memory_space<hbm>> -> memref<8000xf32, #tpu.memory_space<hbm>>
    tpu.wait_dma2 semaphore(%arg26 : memref<!tpu.dma_semaphore, #tpu.memory_space<semaphore_mem>>) src(%dma_wait3A_245 : memref<8000xf32, #tpu.memory_space<hbm>>) dst(%arg17 : memref<8000xf32, #tpu.memory_space<vmem>>)
    %dma_wait3A_246 = tpu.memref_slice %arg5[%add3A_221] : memref<2560000xf32, #tpu.memory_space<hbm>> -> memref<8000xf32, #tpu.memory_space<hbm>>
    %dma_wait3A_247 = tpu.memref_slice %arg5[%add3A_221] : memref<2560000xf32, #tpu.memory_space<hbm>> -> memref<8000xf32, #tpu.memory_space<hbm>>
    tpu.wait_dma2 semaphore(%arg26 : memref<!tpu.dma_semaphore, #tpu.memory_space<semaphore_mem>>) src(%dma_wait3A_247 : memref<8000xf32, #tpu.memory_space<hbm>>) dst(%arg19 : memref<8000xf32, #tpu.memory_space<vmem>>)
    %dma_wait3A_248 = tpu.memref_slice %arg6[%add3A_221] : memref<2560000xf32, #tpu.memory_space<hbm>> -> memref<8000xf32, #tpu.memory_space<hbm>>
    %dma_wait3A_249 = tpu.memref_slice %arg6[%add3A_221] : memref<2560000xf32, #tpu.memory_space<hbm>> -> memref<8000xf32, #tpu.memory_space<hbm>>
    tpu.wait_dma2 semaphore(%arg26 : memref<!tpu.dma_semaphore, #tpu.memory_space<semaphore_mem>>) src(%dma_wait3A_249 : memref<8000xf32, #tpu.memory_space<hbm>>) dst(%arg21 : memref<8000xf32, #tpu.memory_space<vmem>>)
    %dma_wait3A_250 = tpu.memref_slice %arg7[%add3A_221] : memref<2560000xf32, #tpu.memory_space<hbm>> -> memref<8000xf32, #tpu.memory_space<hbm>>
    %dma_wait3A_251 = tpu.memref_slice %arg7[%add3A_221] : memref<2560000xf32, #tpu.memory_space<hbm>> -> memref<8000xf32, #tpu.memory_space<hbm>>
    tpu.wait_dma2 semaphore(%arg26 : memref<!tpu.dma_semaphore, #tpu.memory_space<semaphore_mem>>) src(%dma_wait3A_251 : memref<8000xf32, #tpu.memory_space<hbm>>) dst(%arg23 : memref<8000xf32, #tpu.memory_space<vmem>>)
    %mul3A_252 = arith.constant 80000 : i32
    %mul3A_253 = arith.muli %select_n3A_30, %mul3A_252 : i32
    %add3A_254 = arith.constant 48000 : i32
    %add3A_255 = arith.addi %mul3A_253, %add3A_254 : i32
    %mul3A_256 = arith.constant 320000 : i32
    %mul3A_257 = arith.muli %select_n3A, %mul3A_256 : i32
    %add3A_258 = arith.addi %mul3A_257, %add3A_255 : i32
    %dma_start3A_259 = tpu.memref_slice %arg3[%add3A_255] : memref<640000xi32, #tpu.memory_space<hbm>> -> memref<8000xi32, #tpu.memory_space<hbm>>
    %dma_start3A_260 = tpu.memref_slice %arg3[%add3A_255] : memref<640000xi32, #tpu.memory_space<hbm>> -> memref<8000xi32, #tpu.memory_space<hbm>>
    tpu.enqueue_dma source(%dma_start3A_260 : memref<8000xi32, #tpu.memory_space<hbm>>) target(%arg12 : memref<8000xi32, #tpu.memory_space<vmem>>) target_semaphore(%arg25 : memref<!tpu.dma_semaphore, #tpu.memory_space<semaphore_mem>>)
    %add3A_261 = arith.constant 320000 : i32
    %add3A_262 = arith.addi %add3A_261, %add3A_255 : i32
    %dma_start3A_263 = tpu.memref_slice %arg3[%add3A_262] : memref<640000xi32, #tpu.memory_space<hbm>> -> memref<8000xi32, #tpu.memory_space<hbm>>
    %dma_start3A_264 = tpu.memref_slice %arg3[%add3A_262] : memref<640000xi32, #tpu.memory_space<hbm>> -> memref<8000xi32, #tpu.memory_space<hbm>>
    tpu.enqueue_dma source(%dma_start3A_264 : memref<8000xi32, #tpu.memory_space<hbm>>) target(%arg14 : memref<8000xi32, #tpu.memory_space<vmem>>) target_semaphore(%arg25 : memref<!tpu.dma_semaphore, #tpu.memory_space<semaphore_mem>>)
    %dma_start3A_265 = tpu.memref_slice %arg4[%add3A_258] : memref<2560000xf32, #tpu.memory_space<hbm>> -> memref<8000xf32, #tpu.memory_space<hbm>>
    %dma_start3A_266 = tpu.memref_slice %arg4[%add3A_258] : memref<2560000xf32, #tpu.memory_space<hbm>> -> memref<8000xf32, #tpu.memory_space<hbm>>
    tpu.enqueue_dma source(%dma_start3A_266 : memref<8000xf32, #tpu.memory_space<hbm>>) target(%arg16 : memref<8000xf32, #tpu.memory_space<vmem>>) target_semaphore(%arg25 : memref<!tpu.dma_semaphore, #tpu.memory_space<semaphore_mem>>)
    %dma_start3A_267 = tpu.memref_slice %arg5[%add3A_258] : memref<2560000xf32, #tpu.memory_space<hbm>> -> memref<8000xf32, #tpu.memory_space<hbm>>
    %dma_start3A_268 = tpu.memref_slice %arg5[%add3A_258] : memref<2560000xf32, #tpu.memory_space<hbm>> -> memref<8000xf32, #tpu.memory_space<hbm>>
    tpu.enqueue_dma source(%dma_start3A_268 : memref<8000xf32, #tpu.memory_space<hbm>>) target(%arg18 : memref<8000xf32, #tpu.memory_space<vmem>>) target_semaphore(%arg25 : memref<!tpu.dma_semaphore, #tpu.memory_space<semaphore_mem>>)
    %dma_start3A_269 = tpu.memref_slice %arg6[%add3A_258] : memref<2560000xf32, #tpu.memory_space<hbm>> -> memref<8000xf32, #tpu.memory_space<hbm>>
    %dma_start3A_270 = tpu.memref_slice %arg6[%add3A_258] : memref<2560000xf32, #tpu.memory_space<hbm>> -> memref<8000xf32, #tpu.memory_space<hbm>>
    tpu.enqueue_dma source(%dma_start3A_270 : memref<8000xf32, #tpu.memory_space<hbm>>) target(%arg20 : memref<8000xf32, #tpu.memory_space<vmem>>) target_semaphore(%arg25 : memref<!tpu.dma_semaphore, #tpu.memory_space<semaphore_mem>>)
    %dma_start3A_271 = tpu.memref_slice %arg7[%add3A_258] : memref<2560000xf32, #tpu.memory_space<hbm>> -> memref<8000xf32, #tpu.memory_space<hbm>>
    %dma_start3A_272 = tpu.memref_slice %arg7[%add3A_258] : memref<2560000xf32, #tpu.memory_space<hbm>> -> memref<8000xf32, #tpu.memory_space<hbm>>
    tpu.enqueue_dma source(%dma_start3A_272 : memref<8000xf32, #tpu.memory_space<hbm>>) target(%arg22 : memref<8000xf32, #tpu.memory_space<vmem>>) target_semaphore(%arg25 : memref<!tpu.dma_semaphore, #tpu.memory_space<semaphore_mem>>)
    %parallel_loop3A_273 = arith.constant 0 : i32
    %parallel_loop3A_274 = arith.constant 500 : i32
    %parallel_loop3A_275 = arith.constant 1 : i32
    %parallel_loop3A_276 = scf.for %parallel_loop3A_412 = %parallel_loop3A_273 to %parallel_loop3A_274 step %parallel_loop3A_275 iter_args(%parallel_loop3A_413 = %parallel_loop3A_239) -> (vector<16xf32>)  : i32 {
      %parallel_loop3A_414 = arith.constant 16 : i32
      %parallel_loop3A_415 = arith.muli %parallel_loop3A_412, %parallel_loop3A_414 : i32
      %parallel_loop3A_416 = arith.index_cast %parallel_loop3A_415 : i32 to index
      %parallel_loop3A_417 = tpu.vector_load %arg13[%parallel_loop3A_416] {strides = array<i32>} : memref<8000xi32, #tpu.memory_space<vmem>>, vector<16xi32>,
      %parallel_loop3A_418 = arith.index_cast %parallel_loop3A_415 : i32 to index
      %parallel_loop3A_419 = tpu.vector_load %arg15[%parallel_loop3A_418] {strides = array<i32>} : memref<8000xi32, #tpu.memory_space<vmem>>, vector<16xi32>,
      %parallel_loop3A_420 = arith.index_cast %parallel_loop3A_415 : i32 to index
      %parallel_loop3A_421 = tpu.vector_load %arg17[%parallel_loop3A_420] {strides = array<i32>} : memref<8000xf32, #tpu.memory_space<vmem>>, vector<16xf32>,
      %parallel_loop3A_422 = arith.index_cast %parallel_loop3A_415 : i32 to index
      %parallel_loop3A_423 = tpu.vector_load %arg19[%parallel_loop3A_422] {strides = array<i32>} : memref<8000xf32, #tpu.memory_space<vmem>>, vector<16xf32>,
      %parallel_loop3A_424 = tpu.vector_load_idx %arg10[%parallel_loop3A_417] : memref<10000xi32, #tpu.memory_space<vmem>>[vector<16xi32>], vector<16xi32>,
      %parallel_loop3A_425 = tpu.vector_load_idx %arg10[%parallel_loop3A_419] : memref<10000xi32, #tpu.memory_space<vmem>>[vector<16xi32>], vector<16xi32>,
      %parallel_loop3A_426 = arith.constant -65536 : i32
      %parallel_loop3A_427 = vector.broadcast %parallel_loop3A_426 : i32 to vector<16xi32>
      %parallel_loop3A_428 = arith.andi %parallel_loop3A_424, %parallel_loop3A_427 : vector<16xi32>
      %parallel_loop3A_429 = vector.bitcast %parallel_loop3A_428 : vector<16xi32> to vector<16xf32>
      %parallel_loop3A_430 = arith.constant 16 : i32
      %parallel_loop3A_431 = vector.broadcast %parallel_loop3A_430 : i32 to vector<16xi32>
      %parallel_loop3A_432 = arith.shli %parallel_loop3A_424, %parallel_loop3A_431 : vector<16xi32>
      %parallel_loop3A_433 = vector.bitcast %parallel_loop3A_432 : vector<16xi32> to vector<16xf32>
      %parallel_loop3A_434 = arith.constant -65536 : i32
      %parallel_loop3A_435 = vector.broadcast %parallel_loop3A_434 : i32 to vector<16xi32>
      %parallel_loop3A_436 = arith.andi %parallel_loop3A_425, %parallel_loop3A_435 : vector<16xi32>
      %parallel_loop3A_437 = vector.bitcast %parallel_loop3A_436 : vector<16xi32> to vector<16xf32>
      %parallel_loop3A_438 = arith.constant 16 : i32
      %parallel_loop3A_439 = vector.broadcast %parallel_loop3A_438 : i32 to vector<16xi32>
      %parallel_loop3A_440 = arith.shli %parallel_loop3A_425, %parallel_loop3A_439 : vector<16xi32>
      %parallel_loop3A_441 = vector.bitcast %parallel_loop3A_440 : vector<16xi32> to vector<16xf32>
      %parallel_loop3A_442 = arith.mulf %parallel_loop3A_421, %parallel_loop3A_437 : vector<16xf32>
      %parallel_loop3A_443 = arith.mulf %parallel_loop3A_423, %parallel_loop3A_441 : vector<16xf32>
      %parallel_loop3A_444 = arith.subf %parallel_loop3A_442, %parallel_loop3A_443 : vector<16xf32>
      %parallel_loop3A_445 = arith.mulf %parallel_loop3A_429, %parallel_loop3A_444 : vector<16xf32>
      %parallel_loop3A_446 = arith.mulf %parallel_loop3A_421, %parallel_loop3A_441 : vector<16xf32>
      %parallel_loop3A_447 = arith.mulf %parallel_loop3A_423, %parallel_loop3A_437 : vector<16xf32>
      %parallel_loop3A_448 = arith.addf %parallel_loop3A_446, %parallel_loop3A_447 : vector<16xf32>
      %parallel_loop3A_449 = arith.mulf %parallel_loop3A_433, %parallel_loop3A_448 : vector<16xf32>
      %parallel_loop3A_450 = arith.addf %parallel_loop3A_445, %parallel_loop3A_449 : vector<16xf32>
      tpu.vector_store_idx %arg11[%parallel_loop3A_417], %parallel_loop3A_450 {add = true} : memref<10000xf32, #tpu.memory_space<vmem>>[vector<16xi32>], vector<16xf32>,
      %parallel_loop3A_451 = arith.constant 0.000000e+00 : f32
      %parallel_loop3A_452 = vector.broadcast %parallel_loop3A_451 : f32 to vector<16xf32>
      %parallel_loop3A_453 = arith.subf %parallel_loop3A_452, %parallel_loop3A_450 : vector<16xf32>
      tpu.vector_store_idx %arg11[%parallel_loop3A_419], %parallel_loop3A_453 {add = true} : memref<10000xf32, #tpu.memory_space<vmem>>[vector<16xi32>], vector<16xf32>,
      %parallel_loop3A_454 = arith.index_cast %parallel_loop3A_415 : i32 to index
      %parallel_loop3A_455 = tpu.vector_load %arg21[%parallel_loop3A_454] {strides = array<i32>} : memref<8000xf32, #tpu.memory_space<vmem>>, vector<16xf32>,
      %parallel_loop3A_456 = arith.index_cast %parallel_loop3A_415 : i32 to index
      %parallel_loop3A_457 = tpu.vector_load %arg23[%parallel_loop3A_456] {strides = array<i32>} : memref<8000xf32, #tpu.memory_space<vmem>>, vector<16xf32>,
      %parallel_loop3A_458 = arith.subf %parallel_loop3A_455, %parallel_loop3A_457 : vector<16xf32>
      %parallel_loop3A_459 = arith.constant 0.000000e+00 : f32
      %parallel_loop3A_460 = vector.broadcast %parallel_loop3A_459 : f32 to vector<16xf32>
      %parallel_loop3A_461 = arith.maximumf %parallel_loop3A_458, %parallel_loop3A_460 : vector<16xf32>
      %parallel_loop3A_462 = arith.mulf %parallel_loop3A_461, %parallel_loop3A_461 : vector<16xf32>
      %parallel_loop3A_463 = arith.addf %parallel_loop3A_413, %parallel_loop3A_462 : vector<16xf32>
      scf.yield %parallel_loop3A_463 : vector<16xf32>
    } {sc.loop_unroll_factor = 5 : i64, sc.parallel_access}
    %dma_wait3A_277 = tpu.memref_slice %arg3[%add3A_255] : memref<640000xi32, #tpu.memory_space<hbm>> -> memref<8000xi32, #tpu.memory_space<hbm>>
    %dma_wait3A_278 = tpu.memref_slice %arg3[%add3A_255] : memref<640000xi32, #tpu.memory_space<hbm>> -> memref<8000xi32, #tpu.memory_space<hbm>>
    tpu.wait_dma2 semaphore(%arg25 : memref<!tpu.dma_semaphore, #tpu.memory_space<semaphore_mem>>) src(%dma_wait3A_278 : memref<8000xi32, #tpu.memory_space<hbm>>) dst(%arg12 : memref<8000xi32, #tpu.memory_space<vmem>>)
    %dma_wait3A_279 = tpu.memref_slice %arg3[%add3A_262] : memref<640000xi32, #tpu.memory_space<hbm>> -> memref<8000xi32, #tpu.memory_space<hbm>>
    %dma_wait3A_280 = tpu.memref_slice %arg3[%add3A_262] : memref<640000xi32, #tpu.memory_space<hbm>> -> memref<8000xi32, #tpu.memory_space<hbm>>
    tpu.wait_dma2 semaphore(%arg25 : memref<!tpu.dma_semaphore, #tpu.memory_space<semaphore_mem>>) src(%dma_wait3A_280 : memref<8000xi32, #tpu.memory_space<hbm>>) dst(%arg14 : memref<8000xi32, #tpu.memory_space<vmem>>)
    %dma_wait3A_281 = tpu.memref_slice %arg4[%add3A_258] : memref<2560000xf32, #tpu.memory_space<hbm>> -> memref<8000xf32, #tpu.memory_space<hbm>>
    %dma_wait3A_282 = tpu.memref_slice %arg4[%add3A_258] : memref<2560000xf32, #tpu.memory_space<hbm>> -> memref<8000xf32, #tpu.memory_space<hbm>>
    tpu.wait_dma2 semaphore(%arg25 : memref<!tpu.dma_semaphore, #tpu.memory_space<semaphore_mem>>) src(%dma_wait3A_282 : memref<8000xf32, #tpu.memory_space<hbm>>) dst(%arg16 : memref<8000xf32, #tpu.memory_space<vmem>>)
    %dma_wait3A_283 = tpu.memref_slice %arg5[%add3A_258] : memref<2560000xf32, #tpu.memory_space<hbm>> -> memref<8000xf32, #tpu.memory_space<hbm>>
    %dma_wait3A_284 = tpu.memref_slice %arg5[%add3A_258] : memref<2560000xf32, #tpu.memory_space<hbm>> -> memref<8000xf32, #tpu.memory_space<hbm>>
    tpu.wait_dma2 semaphore(%arg25 : memref<!tpu.dma_semaphore, #tpu.memory_space<semaphore_mem>>) src(%dma_wait3A_284 : memref<8000xf32, #tpu.memory_space<hbm>>) dst(%arg18 : memref<8000xf32, #tpu.memory_space<vmem>>)
    %dma_wait3A_285 = tpu.memref_slice %arg6[%add3A_258] : memref<2560000xf32, #tpu.memory_space<hbm>> -> memref<8000xf32, #tpu.memory_space<hbm>>
    %dma_wait3A_286 = tpu.memref_slice %arg6[%add3A_258] : memref<2560000xf32, #tpu.memory_space<hbm>> -> memref<8000xf32, #tpu.memory_space<hbm>>
    tpu.wait_dma2 semaphore(%arg25 : memref<!tpu.dma_semaphore, #tpu.memory_space<semaphore_mem>>) src(%dma_wait3A_286 : memref<8000xf32, #tpu.memory_space<hbm>>) dst(%arg20 : memref<8000xf32, #tpu.memory_space<vmem>>)
    %dma_wait3A_287 = tpu.memref_slice %arg7[%add3A_258] : memref<2560000xf32, #tpu.memory_space<hbm>> -> memref<8000xf32, #tpu.memory_space<hbm>>
    %dma_wait3A_288 = tpu.memref_slice %arg7[%add3A_258] : memref<2560000xf32, #tpu.memory_space<hbm>> -> memref<8000xf32, #tpu.memory_space<hbm>>
    tpu.wait_dma2 semaphore(%arg25 : memref<!tpu.dma_semaphore, #tpu.memory_space<semaphore_mem>>) src(%dma_wait3A_288 : memref<8000xf32, #tpu.memory_space<hbm>>) dst(%arg22 : memref<8000xf32, #tpu.memory_space<vmem>>)
    %mul3A_289 = arith.constant 80000 : i32
    %mul3A_290 = arith.muli %select_n3A_30, %mul3A_289 : i32
    %add3A_291 = arith.constant 56000 : i32
    %add3A_292 = arith.addi %mul3A_290, %add3A_291 : i32
    %mul3A_293 = arith.constant 320000 : i32
    %mul3A_294 = arith.muli %select_n3A, %mul3A_293 : i32
    %add3A_295 = arith.addi %mul3A_294, %add3A_292 : i32
    %dma_start3A_296 = tpu.memref_slice %arg3[%add3A_292] : memref<640000xi32, #tpu.memory_space<hbm>> -> memref<8000xi32, #tpu.memory_space<hbm>>
    %dma_start3A_297 = tpu.memref_slice %arg3[%add3A_292] : memref<640000xi32, #tpu.memory_space<hbm>> -> memref<8000xi32, #tpu.memory_space<hbm>>
    tpu.enqueue_dma source(%dma_start3A_297 : memref<8000xi32, #tpu.memory_space<hbm>>) target(%arg13 : memref<8000xi32, #tpu.memory_space<vmem>>) target_semaphore(%arg26 : memref<!tpu.dma_semaphore, #tpu.memory_space<semaphore_mem>>)
    %add3A_298 = arith.constant 320000 : i32
    %add3A_299 = arith.addi %add3A_298, %add3A_292 : i32
    %dma_start3A_300 = tpu.memref_slice %arg3[%add3A_299] : memref<640000xi32, #tpu.memory_space<hbm>> -> memref<8000xi32, #tpu.memory_space<hbm>>
    %dma_start3A_301 = tpu.memref_slice %arg3[%add3A_299] : memref<640000xi32, #tpu.memory_space<hbm>> -> memref<8000xi32, #tpu.memory_space<hbm>>
    tpu.enqueue_dma source(%dma_start3A_301 : memref<8000xi32, #tpu.memory_space<hbm>>) target(%arg15 : memref<8000xi32, #tpu.memory_space<vmem>>) target_semaphore(%arg26 : memref<!tpu.dma_semaphore, #tpu.memory_space<semaphore_mem>>)
    %dma_start3A_302 = tpu.memref_slice %arg4[%add3A_295] : memref<2560000xf32, #tpu.memory_space<hbm>> -> memref<8000xf32, #tpu.memory_space<hbm>>
    %dma_start3A_303 = tpu.memref_slice %arg4[%add3A_295] : memref<2560000xf32, #tpu.memory_space<hbm>> -> memref<8000xf32, #tpu.memory_space<hbm>>
    tpu.enqueue_dma source(%dma_start3A_303 : memref<8000xf32, #tpu.memory_space<hbm>>) target(%arg17 : memref<8000xf32, #tpu.memory_space<vmem>>) target_semaphore(%arg26 : memref<!tpu.dma_semaphore, #tpu.memory_space<semaphore_mem>>)
    %dma_start3A_304 = tpu.memref_slice %arg5[%add3A_295] : memref<2560000xf32, #tpu.memory_space<hbm>> -> memref<8000xf32, #tpu.memory_space<hbm>>
    %dma_start3A_305 = tpu.memref_slice %arg5[%add3A_295] : memref<2560000xf32, #tpu.memory_space<hbm>> -> memref<8000xf32, #tpu.memory_space<hbm>>
    tpu.enqueue_dma source(%dma_start3A_305 : memref<8000xf32, #tpu.memory_space<hbm>>) target(%arg19 : memref<8000xf32, #tpu.memory_space<vmem>>) target_semaphore(%arg26 : memref<!tpu.dma_semaphore, #tpu.memory_space<semaphore_mem>>)
    %dma_start3A_306 = tpu.memref_slice %arg6[%add3A_295] : memref<2560000xf32, #tpu.memory_space<hbm>> -> memref<8000xf32, #tpu.memory_space<hbm>>
    %dma_start3A_307 = tpu.memref_slice %arg6[%add3A_295] : memref<2560000xf32, #tpu.memory_space<hbm>> -> memref<8000xf32, #tpu.memory_space<hbm>>
    tpu.enqueue_dma source(%dma_start3A_307 : memref<8000xf32, #tpu.memory_space<hbm>>) target(%arg21 : memref<8000xf32, #tpu.memory_space<vmem>>) target_semaphore(%arg26 : memref<!tpu.dma_semaphore, #tpu.memory_space<semaphore_mem>>)
    %dma_start3A_308 = tpu.memref_slice %arg7[%add3A_295] : memref<2560000xf32, #tpu.memory_space<hbm>> -> memref<8000xf32, #tpu.memory_space<hbm>>
    %dma_start3A_309 = tpu.memref_slice %arg7[%add3A_295] : memref<2560000xf32, #tpu.memory_space<hbm>> -> memref<8000xf32, #tpu.memory_space<hbm>>
    tpu.enqueue_dma source(%dma_start3A_309 : memref<8000xf32, #tpu.memory_space<hbm>>) target(%arg23 : memref<8000xf32, #tpu.memory_space<vmem>>) target_semaphore(%arg26 : memref<!tpu.dma_semaphore, #tpu.memory_space<semaphore_mem>>)
    %parallel_loop3A_310 = arith.constant 0 : i32
    %parallel_loop3A_311 = arith.constant 500 : i32
    %parallel_loop3A_312 = arith.constant 1 : i32
    %parallel_loop3A_313 = scf.for %parallel_loop3A_412 = %parallel_loop3A_310 to %parallel_loop3A_311 step %parallel_loop3A_312 iter_args(%parallel_loop3A_413 = %parallel_loop3A_276) -> (vector<16xf32>)  : i32 {
      %parallel_loop3A_414 = arith.constant 16 : i32
      %parallel_loop3A_415 = arith.muli %parallel_loop3A_412, %parallel_loop3A_414 : i32
      %parallel_loop3A_416 = arith.index_cast %parallel_loop3A_415 : i32 to index
      %parallel_loop3A_417 = tpu.vector_load %arg12[%parallel_loop3A_416] {strides = array<i32>} : memref<8000xi32, #tpu.memory_space<vmem>>, vector<16xi32>,
      %parallel_loop3A_418 = arith.index_cast %parallel_loop3A_415 : i32 to index
      %parallel_loop3A_419 = tpu.vector_load %arg14[%parallel_loop3A_418] {strides = array<i32>} : memref<8000xi32, #tpu.memory_space<vmem>>, vector<16xi32>,
      %parallel_loop3A_420 = arith.index_cast %parallel_loop3A_415 : i32 to index
      %parallel_loop3A_421 = tpu.vector_load %arg16[%parallel_loop3A_420] {strides = array<i32>} : memref<8000xf32, #tpu.memory_space<vmem>>, vector<16xf32>,
      %parallel_loop3A_422 = arith.index_cast %parallel_loop3A_415 : i32 to index
      %parallel_loop3A_423 = tpu.vector_load %arg18[%parallel_loop3A_422] {strides = array<i32>} : memref<8000xf32, #tpu.memory_space<vmem>>, vector<16xf32>,
      %parallel_loop3A_424 = tpu.vector_load_idx %arg10[%parallel_loop3A_417] : memref<10000xi32, #tpu.memory_space<vmem>>[vector<16xi32>], vector<16xi32>,
      %parallel_loop3A_425 = tpu.vector_load_idx %arg10[%parallel_loop3A_419] : memref<10000xi32, #tpu.memory_space<vmem>>[vector<16xi32>], vector<16xi32>,
      %parallel_loop3A_426 = arith.constant -65536 : i32
      %parallel_loop3A_427 = vector.broadcast %parallel_loop3A_426 : i32 to vector<16xi32>
      %parallel_loop3A_428 = arith.andi %parallel_loop3A_424, %parallel_loop3A_427 : vector<16xi32>
      %parallel_loop3A_429 = vector.bitcast %parallel_loop3A_428 : vector<16xi32> to vector<16xf32>
      %parallel_loop3A_430 = arith.constant 16 : i32
      %parallel_loop3A_431 = vector.broadcast %parallel_loop3A_430 : i32 to vector<16xi32>
      %parallel_loop3A_432 = arith.shli %parallel_loop3A_424, %parallel_loop3A_431 : vector<16xi32>
      %parallel_loop3A_433 = vector.bitcast %parallel_loop3A_432 : vector<16xi32> to vector<16xf32>
      %parallel_loop3A_434 = arith.constant -65536 : i32
      %parallel_loop3A_435 = vector.broadcast %parallel_loop3A_434 : i32 to vector<16xi32>
      %parallel_loop3A_436 = arith.andi %parallel_loop3A_425, %parallel_loop3A_435 : vector<16xi32>
      %parallel_loop3A_437 = vector.bitcast %parallel_loop3A_436 : vector<16xi32> to vector<16xf32>
      %parallel_loop3A_438 = arith.constant 16 : i32
      %parallel_loop3A_439 = vector.broadcast %parallel_loop3A_438 : i32 to vector<16xi32>
      %parallel_loop3A_440 = arith.shli %parallel_loop3A_425, %parallel_loop3A_439 : vector<16xi32>
      %parallel_loop3A_441 = vector.bitcast %parallel_loop3A_440 : vector<16xi32> to vector<16xf32>
      %parallel_loop3A_442 = arith.mulf %parallel_loop3A_421, %parallel_loop3A_437 : vector<16xf32>
      %parallel_loop3A_443 = arith.mulf %parallel_loop3A_423, %parallel_loop3A_441 : vector<16xf32>
      %parallel_loop3A_444 = arith.subf %parallel_loop3A_442, %parallel_loop3A_443 : vector<16xf32>
      %parallel_loop3A_445 = arith.mulf %parallel_loop3A_429, %parallel_loop3A_444 : vector<16xf32>
      %parallel_loop3A_446 = arith.mulf %parallel_loop3A_421, %parallel_loop3A_441 : vector<16xf32>
      %parallel_loop3A_447 = arith.mulf %parallel_loop3A_423, %parallel_loop3A_437 : vector<16xf32>
      %parallel_loop3A_448 = arith.addf %parallel_loop3A_446, %parallel_loop3A_447 : vector<16xf32>
      %parallel_loop3A_449 = arith.mulf %parallel_loop3A_433, %parallel_loop3A_448 : vector<16xf32>
      %parallel_loop3A_450 = arith.addf %parallel_loop3A_445, %parallel_loop3A_449 : vector<16xf32>
      tpu.vector_store_idx %arg11[%parallel_loop3A_417], %parallel_loop3A_450 {add = true} : memref<10000xf32, #tpu.memory_space<vmem>>[vector<16xi32>], vector<16xf32>,
      %parallel_loop3A_451 = arith.constant 0.000000e+00 : f32
      %parallel_loop3A_452 = vector.broadcast %parallel_loop3A_451 : f32 to vector<16xf32>
      %parallel_loop3A_453 = arith.subf %parallel_loop3A_452, %parallel_loop3A_450 : vector<16xf32>
      tpu.vector_store_idx %arg11[%parallel_loop3A_419], %parallel_loop3A_453 {add = true} : memref<10000xf32, #tpu.memory_space<vmem>>[vector<16xi32>], vector<16xf32>,
      %parallel_loop3A_454 = arith.index_cast %parallel_loop3A_415 : i32 to index
      %parallel_loop3A_455 = tpu.vector_load %arg20[%parallel_loop3A_454] {strides = array<i32>} : memref<8000xf32, #tpu.memory_space<vmem>>, vector<16xf32>,
      %parallel_loop3A_456 = arith.index_cast %parallel_loop3A_415 : i32 to index
      %parallel_loop3A_457 = tpu.vector_load %arg22[%parallel_loop3A_456] {strides = array<i32>} : memref<8000xf32, #tpu.memory_space<vmem>>, vector<16xf32>,
      %parallel_loop3A_458 = arith.subf %parallel_loop3A_455, %parallel_loop3A_457 : vector<16xf32>
      %parallel_loop3A_459 = arith.constant 0.000000e+00 : f32
      %parallel_loop3A_460 = vector.broadcast %parallel_loop3A_459 : f32 to vector<16xf32>
      %parallel_loop3A_461 = arith.maximumf %parallel_loop3A_458, %parallel_loop3A_460 : vector<16xf32>
      %parallel_loop3A_462 = arith.mulf %parallel_loop3A_461, %parallel_loop3A_461 : vector<16xf32>
      %parallel_loop3A_463 = arith.addf %parallel_loop3A_413, %parallel_loop3A_462 : vector<16xf32>
      scf.yield %parallel_loop3A_463 : vector<16xf32>
    } {sc.loop_unroll_factor = 5 : i64, sc.parallel_access}
    %dma_wait3A_314 = tpu.memref_slice %arg3[%add3A_292] : memref<640000xi32, #tpu.memory_space<hbm>> -> memref<8000xi32, #tpu.memory_space<hbm>>
    %dma_wait3A_315 = tpu.memref_slice %arg3[%add3A_292] : memref<640000xi32, #tpu.memory_space<hbm>> -> memref<8000xi32, #tpu.memory_space<hbm>>
    tpu.wait_dma2 semaphore(%arg26 : memref<!tpu.dma_semaphore, #tpu.memory_space<semaphore_mem>>) src(%dma_wait3A_315 : memref<8000xi32, #tpu.memory_space<hbm>>) dst(%arg13 : memref<8000xi32, #tpu.memory_space<vmem>>)
    %dma_wait3A_316 = tpu.memref_slice %arg3[%add3A_299] : memref<640000xi32, #tpu.memory_space<hbm>> -> memref<8000xi32, #tpu.memory_space<hbm>>
    %dma_wait3A_317 = tpu.memref_slice %arg3[%add3A_299] : memref<640000xi32, #tpu.memory_space<hbm>> -> memref<8000xi32, #tpu.memory_space<hbm>>
    tpu.wait_dma2 semaphore(%arg26 : memref<!tpu.dma_semaphore, #tpu.memory_space<semaphore_mem>>) src(%dma_wait3A_317 : memref<8000xi32, #tpu.memory_space<hbm>>) dst(%arg15 : memref<8000xi32, #tpu.memory_space<vmem>>)
    %dma_wait3A_318 = tpu.memref_slice %arg4[%add3A_295] : memref<2560000xf32, #tpu.memory_space<hbm>> -> memref<8000xf32, #tpu.memory_space<hbm>>
    %dma_wait3A_319 = tpu.memref_slice %arg4[%add3A_295] : memref<2560000xf32, #tpu.memory_space<hbm>> -> memref<8000xf32, #tpu.memory_space<hbm>>
    tpu.wait_dma2 semaphore(%arg26 : memref<!tpu.dma_semaphore, #tpu.memory_space<semaphore_mem>>) src(%dma_wait3A_319 : memref<8000xf32, #tpu.memory_space<hbm>>) dst(%arg17 : memref<8000xf32, #tpu.memory_space<vmem>>)
    %dma_wait3A_320 = tpu.memref_slice %arg5[%add3A_295] : memref<2560000xf32, #tpu.memory_space<hbm>> -> memref<8000xf32, #tpu.memory_space<hbm>>
    %dma_wait3A_321 = tpu.memref_slice %arg5[%add3A_295] : memref<2560000xf32, #tpu.memory_space<hbm>> -> memref<8000xf32, #tpu.memory_space<hbm>>
    tpu.wait_dma2 semaphore(%arg26 : memref<!tpu.dma_semaphore, #tpu.memory_space<semaphore_mem>>) src(%dma_wait3A_321 : memref<8000xf32, #tpu.memory_space<hbm>>) dst(%arg19 : memref<8000xf32, #tpu.memory_space<vmem>>)
    %dma_wait3A_322 = tpu.memref_slice %arg6[%add3A_295] : memref<2560000xf32, #tpu.memory_space<hbm>> -> memref<8000xf32, #tpu.memory_space<hbm>>
    %dma_wait3A_323 = tpu.memref_slice %arg6[%add3A_295] : memref<2560000xf32, #tpu.memory_space<hbm>> -> memref<8000xf32, #tpu.memory_space<hbm>>
    tpu.wait_dma2 semaphore(%arg26 : memref<!tpu.dma_semaphore, #tpu.memory_space<semaphore_mem>>) src(%dma_wait3A_323 : memref<8000xf32, #tpu.memory_space<hbm>>) dst(%arg21 : memref<8000xf32, #tpu.memory_space<vmem>>)
    %dma_wait3A_324 = tpu.memref_slice %arg7[%add3A_295] : memref<2560000xf32, #tpu.memory_space<hbm>> -> memref<8000xf32, #tpu.memory_space<hbm>>
    %dma_wait3A_325 = tpu.memref_slice %arg7[%add3A_295] : memref<2560000xf32, #tpu.memory_space<hbm>> -> memref<8000xf32, #tpu.memory_space<hbm>>
    tpu.wait_dma2 semaphore(%arg26 : memref<!tpu.dma_semaphore, #tpu.memory_space<semaphore_mem>>) src(%dma_wait3A_325 : memref<8000xf32, #tpu.memory_space<hbm>>) dst(%arg23 : memref<8000xf32, #tpu.memory_space<vmem>>)
    %mul3A_326 = arith.constant 80000 : i32
    %mul3A_327 = arith.muli %select_n3A_30, %mul3A_326 : i32
    %add3A_328 = arith.constant 64000 : i32
    %add3A_329 = arith.addi %mul3A_327, %add3A_328 : i32
    %mul3A_330 = arith.constant 320000 : i32
    %mul3A_331 = arith.muli %select_n3A, %mul3A_330 : i32
    %add3A_332 = arith.addi %mul3A_331, %add3A_329 : i32
    %dma_start3A_333 = tpu.memref_slice %arg3[%add3A_329] : memref<640000xi32, #tpu.memory_space<hbm>> -> memref<8000xi32, #tpu.memory_space<hbm>>
    %dma_start3A_334 = tpu.memref_slice %arg3[%add3A_329] : memref<640000xi32, #tpu.memory_space<hbm>> -> memref<8000xi32, #tpu.memory_space<hbm>>
    tpu.enqueue_dma source(%dma_start3A_334 : memref<8000xi32, #tpu.memory_space<hbm>>) target(%arg12 : memref<8000xi32, #tpu.memory_space<vmem>>) target_semaphore(%arg25 : memref<!tpu.dma_semaphore, #tpu.memory_space<semaphore_mem>>)
    %add3A_335 = arith.constant 320000 : i32
    %add3A_336 = arith.addi %add3A_335, %add3A_329 : i32
    %dma_start3A_337 = tpu.memref_slice %arg3[%add3A_336] : memref<640000xi32, #tpu.memory_space<hbm>> -> memref<8000xi32, #tpu.memory_space<hbm>>
    %dma_start3A_338 = tpu.memref_slice %arg3[%add3A_336] : memref<640000xi32, #tpu.memory_space<hbm>> -> memref<8000xi32, #tpu.memory_space<hbm>>
    tpu.enqueue_dma source(%dma_start3A_338 : memref<8000xi32, #tpu.memory_space<hbm>>) target(%arg14 : memref<8000xi32, #tpu.memory_space<vmem>>) target_semaphore(%arg25 : memref<!tpu.dma_semaphore, #tpu.memory_space<semaphore_mem>>)
    %dma_start3A_339 = tpu.memref_slice %arg4[%add3A_332] : memref<2560000xf32, #tpu.memory_space<hbm>> -> memref<8000xf32, #tpu.memory_space<hbm>>
    %dma_start3A_340 = tpu.memref_slice %arg4[%add3A_332] : memref<2560000xf32, #tpu.memory_space<hbm>> -> memref<8000xf32, #tpu.memory_space<hbm>>
    tpu.enqueue_dma source(%dma_start3A_340 : memref<8000xf32, #tpu.memory_space<hbm>>) target(%arg16 : memref<8000xf32, #tpu.memory_space<vmem>>) target_semaphore(%arg25 : memref<!tpu.dma_semaphore, #tpu.memory_space<semaphore_mem>>)
    %dma_start3A_341 = tpu.memref_slice %arg5[%add3A_332] : memref<2560000xf32, #tpu.memory_space<hbm>> -> memref<8000xf32, #tpu.memory_space<hbm>>
    %dma_start3A_342 = tpu.memref_slice %arg5[%add3A_332] : memref<2560000xf32, #tpu.memory_space<hbm>> -> memref<8000xf32, #tpu.memory_space<hbm>>
    tpu.enqueue_dma source(%dma_start3A_342 : memref<8000xf32, #tpu.memory_space<hbm>>) target(%arg18 : memref<8000xf32, #tpu.memory_space<vmem>>) target_semaphore(%arg25 : memref<!tpu.dma_semaphore, #tpu.memory_space<semaphore_mem>>)
    %dma_start3A_343 = tpu.memref_slice %arg6[%add3A_332] : memref<2560000xf32, #tpu.memory_space<hbm>> -> memref<8000xf32, #tpu.memory_space<hbm>>
    %dma_start3A_344 = tpu.memref_slice %arg6[%add3A_332] : memref<2560000xf32, #tpu.memory_space<hbm>> -> memref<8000xf32, #tpu.memory_space<hbm>>
    tpu.enqueue_dma source(%dma_start3A_344 : memref<8000xf32, #tpu.memory_space<hbm>>) target(%arg20 : memref<8000xf32, #tpu.memory_space<vmem>>) target_semaphore(%arg25 : memref<!tpu.dma_semaphore, #tpu.memory_space<semaphore_mem>>)
    %dma_start3A_345 = tpu.memref_slice %arg7[%add3A_332] : memref<2560000xf32, #tpu.memory_space<hbm>> -> memref<8000xf32, #tpu.memory_space<hbm>>
    %dma_start3A_346 = tpu.memref_slice %arg7[%add3A_332] : memref<2560000xf32, #tpu.memory_space<hbm>> -> memref<8000xf32, #tpu.memory_space<hbm>>
    tpu.enqueue_dma source(%dma_start3A_346 : memref<8000xf32, #tpu.memory_space<hbm>>) target(%arg22 : memref<8000xf32, #tpu.memory_space<vmem>>) target_semaphore(%arg25 : memref<!tpu.dma_semaphore, #tpu.memory_space<semaphore_mem>>)
    %parallel_loop3A_347 = arith.constant 0 : i32
    %parallel_loop3A_348 = arith.constant 500 : i32
    %parallel_loop3A_349 = arith.constant 1 : i32
    %parallel_loop3A_350 = scf.for %parallel_loop3A_412 = %parallel_loop3A_347 to %parallel_loop3A_348 step %parallel_loop3A_349 iter_args(%parallel_loop3A_413 = %parallel_loop3A_313) -> (vector<16xf32>)  : i32 {
      %parallel_loop3A_414 = arith.constant 16 : i32
      %parallel_loop3A_415 = arith.muli %parallel_loop3A_412, %parallel_loop3A_414 : i32
      %parallel_loop3A_416 = arith.index_cast %parallel_loop3A_415 : i32 to index
      %parallel_loop3A_417 = tpu.vector_load %arg13[%parallel_loop3A_416] {strides = array<i32>} : memref<8000xi32, #tpu.memory_space<vmem>>, vector<16xi32>,
      %parallel_loop3A_418 = arith.index_cast %parallel_loop3A_415 : i32 to index
      %parallel_loop3A_419 = tpu.vector_load %arg15[%parallel_loop3A_418] {strides = array<i32>} : memref<8000xi32, #tpu.memory_space<vmem>>, vector<16xi32>,
      %parallel_loop3A_420 = arith.index_cast %parallel_loop3A_415 : i32 to index
      %parallel_loop3A_421 = tpu.vector_load %arg17[%parallel_loop3A_420] {strides = array<i32>} : memref<8000xf32, #tpu.memory_space<vmem>>, vector<16xf32>,
      %parallel_loop3A_422 = arith.index_cast %parallel_loop3A_415 : i32 to index
      %parallel_loop3A_423 = tpu.vector_load %arg19[%parallel_loop3A_422] {strides = array<i32>} : memref<8000xf32, #tpu.memory_space<vmem>>, vector<16xf32>,
      %parallel_loop3A_424 = tpu.vector_load_idx %arg10[%parallel_loop3A_417] : memref<10000xi32, #tpu.memory_space<vmem>>[vector<16xi32>], vector<16xi32>,
      %parallel_loop3A_425 = tpu.vector_load_idx %arg10[%parallel_loop3A_419] : memref<10000xi32, #tpu.memory_space<vmem>>[vector<16xi32>], vector<16xi32>,
      %parallel_loop3A_426 = arith.constant -65536 : i32
      %parallel_loop3A_427 = vector.broadcast %parallel_loop3A_426 : i32 to vector<16xi32>
      %parallel_loop3A_428 = arith.andi %parallel_loop3A_424, %parallel_loop3A_427 : vector<16xi32>
      %parallel_loop3A_429 = vector.bitcast %parallel_loop3A_428 : vector<16xi32> to vector<16xf32>
      %parallel_loop3A_430 = arith.constant 16 : i32
      %parallel_loop3A_431 = vector.broadcast %parallel_loop3A_430 : i32 to vector<16xi32>
      %parallel_loop3A_432 = arith.shli %parallel_loop3A_424, %parallel_loop3A_431 : vector<16xi32>
      %parallel_loop3A_433 = vector.bitcast %parallel_loop3A_432 : vector<16xi32> to vector<16xf32>
      %parallel_loop3A_434 = arith.constant -65536 : i32
      %parallel_loop3A_435 = vector.broadcast %parallel_loop3A_434 : i32 to vector<16xi32>
      %parallel_loop3A_436 = arith.andi %parallel_loop3A_425, %parallel_loop3A_435 : vector<16xi32>
      %parallel_loop3A_437 = vector.bitcast %parallel_loop3A_436 : vector<16xi32> to vector<16xf32>
      %parallel_loop3A_438 = arith.constant 16 : i32
      %parallel_loop3A_439 = vector.broadcast %parallel_loop3A_438 : i32 to vector<16xi32>
      %parallel_loop3A_440 = arith.shli %parallel_loop3A_425, %parallel_loop3A_439 : vector<16xi32>
      %parallel_loop3A_441 = vector.bitcast %parallel_loop3A_440 : vector<16xi32> to vector<16xf32>
      %parallel_loop3A_442 = arith.mulf %parallel_loop3A_421, %parallel_loop3A_437 : vector<16xf32>
      %parallel_loop3A_443 = arith.mulf %parallel_loop3A_423, %parallel_loop3A_441 : vector<16xf32>
      %parallel_loop3A_444 = arith.subf %parallel_loop3A_442, %parallel_loop3A_443 : vector<16xf32>
      %parallel_loop3A_445 = arith.mulf %parallel_loop3A_429, %parallel_loop3A_444 : vector<16xf32>
      %parallel_loop3A_446 = arith.mulf %parallel_loop3A_421, %parallel_loop3A_441 : vector<16xf32>
      %parallel_loop3A_447 = arith.mulf %parallel_loop3A_423, %parallel_loop3A_437 : vector<16xf32>
      %parallel_loop3A_448 = arith.addf %parallel_loop3A_446, %parallel_loop3A_447 : vector<16xf32>
      %parallel_loop3A_449 = arith.mulf %parallel_loop3A_433, %parallel_loop3A_448 : vector<16xf32>
      %parallel_loop3A_450 = arith.addf %parallel_loop3A_445, %parallel_loop3A_449 : vector<16xf32>
      tpu.vector_store_idx %arg11[%parallel_loop3A_417], %parallel_loop3A_450 {add = true} : memref<10000xf32, #tpu.memory_space<vmem>>[vector<16xi32>], vector<16xf32>,
      %parallel_loop3A_451 = arith.constant 0.000000e+00 : f32
      %parallel_loop3A_452 = vector.broadcast %parallel_loop3A_451 : f32 to vector<16xf32>
      %parallel_loop3A_453 = arith.subf %parallel_loop3A_452, %parallel_loop3A_450 : vector<16xf32>
      tpu.vector_store_idx %arg11[%parallel_loop3A_419], %parallel_loop3A_453 {add = true} : memref<10000xf32, #tpu.memory_space<vmem>>[vector<16xi32>], vector<16xf32>,
      %parallel_loop3A_454 = arith.index_cast %parallel_loop3A_415 : i32 to index
      %parallel_loop3A_455 = tpu.vector_load %arg21[%parallel_loop3A_454] {strides = array<i32>} : memref<8000xf32, #tpu.memory_space<vmem>>, vector<16xf32>,
      %parallel_loop3A_456 = arith.index_cast %parallel_loop3A_415 : i32 to index
      %parallel_loop3A_457 = tpu.vector_load %arg23[%parallel_loop3A_456] {strides = array<i32>} : memref<8000xf32, #tpu.memory_space<vmem>>, vector<16xf32>,
      %parallel_loop3A_458 = arith.subf %parallel_loop3A_455, %parallel_loop3A_457 : vector<16xf32>
      %parallel_loop3A_459 = arith.constant 0.000000e+00 : f32
      %parallel_loop3A_460 = vector.broadcast %parallel_loop3A_459 : f32 to vector<16xf32>
      %parallel_loop3A_461 = arith.maximumf %parallel_loop3A_458, %parallel_loop3A_460 : vector<16xf32>
      %parallel_loop3A_462 = arith.mulf %parallel_loop3A_461, %parallel_loop3A_461 : vector<16xf32>
      %parallel_loop3A_463 = arith.addf %parallel_loop3A_413, %parallel_loop3A_462 : vector<16xf32>
      scf.yield %parallel_loop3A_463 : vector<16xf32>
    } {sc.loop_unroll_factor = 5 : i64, sc.parallel_access}
    %dma_wait3A_351 = tpu.memref_slice %arg3[%add3A_329] : memref<640000xi32, #tpu.memory_space<hbm>> -> memref<8000xi32, #tpu.memory_space<hbm>>
    %dma_wait3A_352 = tpu.memref_slice %arg3[%add3A_329] : memref<640000xi32, #tpu.memory_space<hbm>> -> memref<8000xi32, #tpu.memory_space<hbm>>
    tpu.wait_dma2 semaphore(%arg25 : memref<!tpu.dma_semaphore, #tpu.memory_space<semaphore_mem>>) src(%dma_wait3A_352 : memref<8000xi32, #tpu.memory_space<hbm>>) dst(%arg12 : memref<8000xi32, #tpu.memory_space<vmem>>)
    %dma_wait3A_353 = tpu.memref_slice %arg3[%add3A_336] : memref<640000xi32, #tpu.memory_space<hbm>> -> memref<8000xi32, #tpu.memory_space<hbm>>
    %dma_wait3A_354 = tpu.memref_slice %arg3[%add3A_336] : memref<640000xi32, #tpu.memory_space<hbm>> -> memref<8000xi32, #tpu.memory_space<hbm>>
    tpu.wait_dma2 semaphore(%arg25 : memref<!tpu.dma_semaphore, #tpu.memory_space<semaphore_mem>>) src(%dma_wait3A_354 : memref<8000xi32, #tpu.memory_space<hbm>>) dst(%arg14 : memref<8000xi32, #tpu.memory_space<vmem>>)
    %dma_wait3A_355 = tpu.memref_slice %arg4[%add3A_332] : memref<2560000xf32, #tpu.memory_space<hbm>> -> memref<8000xf32, #tpu.memory_space<hbm>>
    %dma_wait3A_356 = tpu.memref_slice %arg4[%add3A_332] : memref<2560000xf32, #tpu.memory_space<hbm>> -> memref<8000xf32, #tpu.memory_space<hbm>>
    tpu.wait_dma2 semaphore(%arg25 : memref<!tpu.dma_semaphore, #tpu.memory_space<semaphore_mem>>) src(%dma_wait3A_356 : memref<8000xf32, #tpu.memory_space<hbm>>) dst(%arg16 : memref<8000xf32, #tpu.memory_space<vmem>>)
    %dma_wait3A_357 = tpu.memref_slice %arg5[%add3A_332] : memref<2560000xf32, #tpu.memory_space<hbm>> -> memref<8000xf32, #tpu.memory_space<hbm>>
    %dma_wait3A_358 = tpu.memref_slice %arg5[%add3A_332] : memref<2560000xf32, #tpu.memory_space<hbm>> -> memref<8000xf32, #tpu.memory_space<hbm>>
    tpu.wait_dma2 semaphore(%arg25 : memref<!tpu.dma_semaphore, #tpu.memory_space<semaphore_mem>>) src(%dma_wait3A_358 : memref<8000xf32, #tpu.memory_space<hbm>>) dst(%arg18 : memref<8000xf32, #tpu.memory_space<vmem>>)
    %dma_wait3A_359 = tpu.memref_slice %arg6[%add3A_332] : memref<2560000xf32, #tpu.memory_space<hbm>> -> memref<8000xf32, #tpu.memory_space<hbm>>
    %dma_wait3A_360 = tpu.memref_slice %arg6[%add3A_332] : memref<2560000xf32, #tpu.memory_space<hbm>> -> memref<8000xf32, #tpu.memory_space<hbm>>
    tpu.wait_dma2 semaphore(%arg25 : memref<!tpu.dma_semaphore, #tpu.memory_space<semaphore_mem>>) src(%dma_wait3A_360 : memref<8000xf32, #tpu.memory_space<hbm>>) dst(%arg20 : memref<8000xf32, #tpu.memory_space<vmem>>)
    %dma_wait3A_361 = tpu.memref_slice %arg7[%add3A_332] : memref<2560000xf32, #tpu.memory_space<hbm>> -> memref<8000xf32, #tpu.memory_space<hbm>>
    %dma_wait3A_362 = tpu.memref_slice %arg7[%add3A_332] : memref<2560000xf32, #tpu.memory_space<hbm>> -> memref<8000xf32, #tpu.memory_space<hbm>>
    tpu.wait_dma2 semaphore(%arg25 : memref<!tpu.dma_semaphore, #tpu.memory_space<semaphore_mem>>) src(%dma_wait3A_362 : memref<8000xf32, #tpu.memory_space<hbm>>) dst(%arg22 : memref<8000xf32, #tpu.memory_space<vmem>>)
    %mul3A_363 = arith.constant 80000 : i32
    %mul3A_364 = arith.muli %select_n3A_30, %mul3A_363 : i32
    %add3A_365 = arith.constant 72000 : i32
    %add3A_366 = arith.addi %mul3A_364, %add3A_365 : i32
    %mul3A_367 = arith.constant 320000 : i32
    %mul3A_368 = arith.muli %select_n3A, %mul3A_367 : i32
    %add3A_369 = arith.addi %mul3A_368, %add3A_366 : i32
    %dma_start3A_370 = tpu.memref_slice %arg3[%add3A_366] : memref<640000xi32, #tpu.memory_space<hbm>> -> memref<8000xi32, #tpu.memory_space<hbm>>
    %dma_start3A_371 = tpu.memref_slice %arg3[%add3A_366] : memref<640000xi32, #tpu.memory_space<hbm>> -> memref<8000xi32, #tpu.memory_space<hbm>>
    tpu.enqueue_dma source(%dma_start3A_371 : memref<8000xi32, #tpu.memory_space<hbm>>) target(%arg13 : memref<8000xi32, #tpu.memory_space<vmem>>) target_semaphore(%arg26 : memref<!tpu.dma_semaphore, #tpu.memory_space<semaphore_mem>>)
    %add3A_372 = arith.constant 320000 : i32
    %add3A_373 = arith.addi %add3A_372, %add3A_366 : i32
    %dma_start3A_374 = tpu.memref_slice %arg3[%add3A_373] : memref<640000xi32, #tpu.memory_space<hbm>> -> memref<8000xi32, #tpu.memory_space<hbm>>
    %dma_start3A_375 = tpu.memref_slice %arg3[%add3A_373] : memref<640000xi32, #tpu.memory_space<hbm>> -> memref<8000xi32, #tpu.memory_space<hbm>>
    tpu.enqueue_dma source(%dma_start3A_375 : memref<8000xi32, #tpu.memory_space<hbm>>) target(%arg15 : memref<8000xi32, #tpu.memory_space<vmem>>) target_semaphore(%arg26 : memref<!tpu.dma_semaphore, #tpu.memory_space<semaphore_mem>>)
    %dma_start3A_376 = tpu.memref_slice %arg4[%add3A_369] : memref<2560000xf32, #tpu.memory_space<hbm>> -> memref<8000xf32, #tpu.memory_space<hbm>>
    %dma_start3A_377 = tpu.memref_slice %arg4[%add3A_369] : memref<2560000xf32, #tpu.memory_space<hbm>> -> memref<8000xf32, #tpu.memory_space<hbm>>
    tpu.enqueue_dma source(%dma_start3A_377 : memref<8000xf32, #tpu.memory_space<hbm>>) target(%arg17 : memref<8000xf32, #tpu.memory_space<vmem>>) target_semaphore(%arg26 : memref<!tpu.dma_semaphore, #tpu.memory_space<semaphore_mem>>)
    %dma_start3A_378 = tpu.memref_slice %arg5[%add3A_369] : memref<2560000xf32, #tpu.memory_space<hbm>> -> memref<8000xf32, #tpu.memory_space<hbm>>
    %dma_start3A_379 = tpu.memref_slice %arg5[%add3A_369] : memref<2560000xf32, #tpu.memory_space<hbm>> -> memref<8000xf32, #tpu.memory_space<hbm>>
    tpu.enqueue_dma source(%dma_start3A_379 : memref<8000xf32, #tpu.memory_space<hbm>>) target(%arg19 : memref<8000xf32, #tpu.memory_space<vmem>>) target_semaphore(%arg26 : memref<!tpu.dma_semaphore, #tpu.memory_space<semaphore_mem>>)
    %dma_start3A_380 = tpu.memref_slice %arg6[%add3A_369] : memref<2560000xf32, #tpu.memory_space<hbm>> -> memref<8000xf32, #tpu.memory_space<hbm>>
    %dma_start3A_381 = tpu.memref_slice %arg6[%add3A_369] : memref<2560000xf32, #tpu.memory_space<hbm>> -> memref<8000xf32, #tpu.memory_space<hbm>>
    tpu.enqueue_dma source(%dma_start3A_381 : memref<8000xf32, #tpu.memory_space<hbm>>) target(%arg21 : memref<8000xf32, #tpu.memory_space<vmem>>) target_semaphore(%arg26 : memref<!tpu.dma_semaphore, #tpu.memory_space<semaphore_mem>>)
    %dma_start3A_382 = tpu.memref_slice %arg7[%add3A_369] : memref<2560000xf32, #tpu.memory_space<hbm>> -> memref<8000xf32, #tpu.memory_space<hbm>>
    %dma_start3A_383 = tpu.memref_slice %arg7[%add3A_369] : memref<2560000xf32, #tpu.memory_space<hbm>> -> memref<8000xf32, #tpu.memory_space<hbm>>
    tpu.enqueue_dma source(%dma_start3A_383 : memref<8000xf32, #tpu.memory_space<hbm>>) target(%arg23 : memref<8000xf32, #tpu.memory_space<vmem>>) target_semaphore(%arg26 : memref<!tpu.dma_semaphore, #tpu.memory_space<semaphore_mem>>)
    %parallel_loop3A_384 = arith.constant 0 : i32
    %parallel_loop3A_385 = arith.constant 500 : i32
    %parallel_loop3A_386 = arith.constant 1 : i32
    %parallel_loop3A_387 = scf.for %parallel_loop3A_412 = %parallel_loop3A_384 to %parallel_loop3A_385 step %parallel_loop3A_386 iter_args(%parallel_loop3A_413 = %parallel_loop3A_350) -> (vector<16xf32>)  : i32 {
      %parallel_loop3A_414 = arith.constant 16 : i32
      %parallel_loop3A_415 = arith.muli %parallel_loop3A_412, %parallel_loop3A_414 : i32
      %parallel_loop3A_416 = arith.index_cast %parallel_loop3A_415 : i32 to index
      %parallel_loop3A_417 = tpu.vector_load %arg12[%parallel_loop3A_416] {strides = array<i32>} : memref<8000xi32, #tpu.memory_space<vmem>>, vector<16xi32>,
      %parallel_loop3A_418 = arith.index_cast %parallel_loop3A_415 : i32 to index
      %parallel_loop3A_419 = tpu.vector_load %arg14[%parallel_loop3A_418] {strides = array<i32>} : memref<8000xi32, #tpu.memory_space<vmem>>, vector<16xi32>,
      %parallel_loop3A_420 = arith.index_cast %parallel_loop3A_415 : i32 to index
      %parallel_loop3A_421 = tpu.vector_load %arg16[%parallel_loop3A_420] {strides = array<i32>} : memref<8000xf32, #tpu.memory_space<vmem>>, vector<16xf32>,
      %parallel_loop3A_422 = arith.index_cast %parallel_loop3A_415 : i32 to index
      %parallel_loop3A_423 = tpu.vector_load %arg18[%parallel_loop3A_422] {strides = array<i32>} : memref<8000xf32, #tpu.memory_space<vmem>>, vector<16xf32>,
      %parallel_loop3A_424 = tpu.vector_load_idx %arg10[%parallel_loop3A_417] : memref<10000xi32, #tpu.memory_space<vmem>>[vector<16xi32>], vector<16xi32>,
      %parallel_loop3A_425 = tpu.vector_load_idx %arg10[%parallel_loop3A_419] : memref<10000xi32, #tpu.memory_space<vmem>>[vector<16xi32>], vector<16xi32>,
      %parallel_loop3A_426 = arith.constant -65536 : i32
      %parallel_loop3A_427 = vector.broadcast %parallel_loop3A_426 : i32 to vector<16xi32>
      %parallel_loop3A_428 = arith.andi %parallel_loop3A_424, %parallel_loop3A_427 : vector<16xi32>
      %parallel_loop3A_429 = vector.bitcast %parallel_loop3A_428 : vector<16xi32> to vector<16xf32>
      %parallel_loop3A_430 = arith.constant 16 : i32
      %parallel_loop3A_431 = vector.broadcast %parallel_loop3A_430 : i32 to vector<16xi32>
      %parallel_loop3A_432 = arith.shli %parallel_loop3A_424, %parallel_loop3A_431 : vector<16xi32>
      %parallel_loop3A_433 = vector.bitcast %parallel_loop3A_432 : vector<16xi32> to vector<16xf32>
      %parallel_loop3A_434 = arith.constant -65536 : i32
      %parallel_loop3A_435 = vector.broadcast %parallel_loop3A_434 : i32 to vector<16xi32>
      %parallel_loop3A_436 = arith.andi %parallel_loop3A_425, %parallel_loop3A_435 : vector<16xi32>
      %parallel_loop3A_437 = vector.bitcast %parallel_loop3A_436 : vector<16xi32> to vector<16xf32>
      %parallel_loop3A_438 = arith.constant 16 : i32
      %parallel_loop3A_439 = vector.broadcast %parallel_loop3A_438 : i32 to vector<16xi32>
      %parallel_loop3A_440 = arith.shli %parallel_loop3A_425, %parallel_loop3A_439 : vector<16xi32>
      %parallel_loop3A_441 = vector.bitcast %parallel_loop3A_440 : vector<16xi32> to vector<16xf32>
      %parallel_loop3A_442 = arith.mulf %parallel_loop3A_421, %parallel_loop3A_437 : vector<16xf32>
      %parallel_loop3A_443 = arith.mulf %parallel_loop3A_423, %parallel_loop3A_441 : vector<16xf32>
      %parallel_loop3A_444 = arith.subf %parallel_loop3A_442, %parallel_loop3A_443 : vector<16xf32>
      %parallel_loop3A_445 = arith.mulf %parallel_loop3A_429, %parallel_loop3A_444 : vector<16xf32>
      %parallel_loop3A_446 = arith.mulf %parallel_loop3A_421, %parallel_loop3A_441 : vector<16xf32>
      %parallel_loop3A_447 = arith.mulf %parallel_loop3A_423, %parallel_loop3A_437 : vector<16xf32>
      %parallel_loop3A_448 = arith.addf %parallel_loop3A_446, %parallel_loop3A_447 : vector<16xf32>
      %parallel_loop3A_449 = arith.mulf %parallel_loop3A_433, %parallel_loop3A_448 : vector<16xf32>
      %parallel_loop3A_450 = arith.addf %parallel_loop3A_445, %parallel_loop3A_449 : vector<16xf32>
      tpu.vector_store_idx %arg11[%parallel_loop3A_417], %parallel_loop3A_450 {add = true} : memref<10000xf32, #tpu.memory_space<vmem>>[vector<16xi32>], vector<16xf32>,
      %parallel_loop3A_451 = arith.constant 0.000000e+00 : f32
      %parallel_loop3A_452 = vector.broadcast %parallel_loop3A_451 : f32 to vector<16xf32>
      %parallel_loop3A_453 = arith.subf %parallel_loop3A_452, %parallel_loop3A_450 : vector<16xf32>
      tpu.vector_store_idx %arg11[%parallel_loop3A_419], %parallel_loop3A_453 {add = true} : memref<10000xf32, #tpu.memory_space<vmem>>[vector<16xi32>], vector<16xf32>,
      %parallel_loop3A_454 = arith.index_cast %parallel_loop3A_415 : i32 to index
      %parallel_loop3A_455 = tpu.vector_load %arg20[%parallel_loop3A_454] {strides = array<i32>} : memref<8000xf32, #tpu.memory_space<vmem>>, vector<16xf32>,
      %parallel_loop3A_456 = arith.index_cast %parallel_loop3A_415 : i32 to index
      %parallel_loop3A_457 = tpu.vector_load %arg22[%parallel_loop3A_456] {strides = array<i32>} : memref<8000xf32, #tpu.memory_space<vmem>>, vector<16xf32>,
      %parallel_loop3A_458 = arith.subf %parallel_loop3A_455, %parallel_loop3A_457 : vector<16xf32>
      %parallel_loop3A_459 = arith.constant 0.000000e+00 : f32
      %parallel_loop3A_460 = vector.broadcast %parallel_loop3A_459 : f32 to vector<16xf32>
      %parallel_loop3A_461 = arith.maximumf %parallel_loop3A_458, %parallel_loop3A_460 : vector<16xf32>
      %parallel_loop3A_462 = arith.mulf %parallel_loop3A_461, %parallel_loop3A_461 : vector<16xf32>
      %parallel_loop3A_463 = arith.addf %parallel_loop3A_413, %parallel_loop3A_462 : vector<16xf32>
      scf.yield %parallel_loop3A_463 : vector<16xf32>
    } {sc.loop_unroll_factor = 5 : i64, sc.parallel_access}
    %dma_wait3A_388 = tpu.memref_slice %arg3[%add3A_366] : memref<640000xi32, #tpu.memory_space<hbm>> -> memref<8000xi32, #tpu.memory_space<hbm>>
    %dma_wait3A_389 = tpu.memref_slice %arg3[%add3A_366] : memref<640000xi32, #tpu.memory_space<hbm>> -> memref<8000xi32, #tpu.memory_space<hbm>>
    tpu.wait_dma2 semaphore(%arg26 : memref<!tpu.dma_semaphore, #tpu.memory_space<semaphore_mem>>) src(%dma_wait3A_389 : memref<8000xi32, #tpu.memory_space<hbm>>) dst(%arg13 : memref<8000xi32, #tpu.memory_space<vmem>>)
    %dma_wait3A_390 = tpu.memref_slice %arg3[%add3A_373] : memref<640000xi32, #tpu.memory_space<hbm>> -> memref<8000xi32, #tpu.memory_space<hbm>>
    %dma_wait3A_391 = tpu.memref_slice %arg3[%add3A_373] : memref<640000xi32, #tpu.memory_space<hbm>> -> memref<8000xi32, #tpu.memory_space<hbm>>
    tpu.wait_dma2 semaphore(%arg26 : memref<!tpu.dma_semaphore, #tpu.memory_space<semaphore_mem>>) src(%dma_wait3A_391 : memref<8000xi32, #tpu.memory_space<hbm>>) dst(%arg15 : memref<8000xi32, #tpu.memory_space<vmem>>)
    %dma_wait3A_392 = tpu.memref_slice %arg4[%add3A_369] : memref<2560000xf32, #tpu.memory_space<hbm>> -> memref<8000xf32, #tpu.memory_space<hbm>>
    %dma_wait3A_393 = tpu.memref_slice %arg4[%add3A_369] : memref<2560000xf32, #tpu.memory_space<hbm>> -> memref<8000xf32, #tpu.memory_space<hbm>>
    tpu.wait_dma2 semaphore(%arg26 : memref<!tpu.dma_semaphore, #tpu.memory_space<semaphore_mem>>) src(%dma_wait3A_393 : memref<8000xf32, #tpu.memory_space<hbm>>) dst(%arg17 : memref<8000xf32, #tpu.memory_space<vmem>>)
    %dma_wait3A_394 = tpu.memref_slice %arg5[%add3A_369] : memref<2560000xf32, #tpu.memory_space<hbm>> -> memref<8000xf32, #tpu.memory_space<hbm>>
    %dma_wait3A_395 = tpu.memref_slice %arg5[%add3A_369] : memref<2560000xf32, #tpu.memory_space<hbm>> -> memref<8000xf32, #tpu.memory_space<hbm>>
    tpu.wait_dma2 semaphore(%arg26 : memref<!tpu.dma_semaphore, #tpu.memory_space<semaphore_mem>>) src(%dma_wait3A_395 : memref<8000xf32, #tpu.memory_space<hbm>>) dst(%arg19 : memref<8000xf32, #tpu.memory_space<vmem>>)
    %dma_wait3A_396 = tpu.memref_slice %arg6[%add3A_369] : memref<2560000xf32, #tpu.memory_space<hbm>> -> memref<8000xf32, #tpu.memory_space<hbm>>
    %dma_wait3A_397 = tpu.memref_slice %arg6[%add3A_369] : memref<2560000xf32, #tpu.memory_space<hbm>> -> memref<8000xf32, #tpu.memory_space<hbm>>
    tpu.wait_dma2 semaphore(%arg26 : memref<!tpu.dma_semaphore, #tpu.memory_space<semaphore_mem>>) src(%dma_wait3A_397 : memref<8000xf32, #tpu.memory_space<hbm>>) dst(%arg21 : memref<8000xf32, #tpu.memory_space<vmem>>)
    %dma_wait3A_398 = tpu.memref_slice %arg7[%add3A_369] : memref<2560000xf32, #tpu.memory_space<hbm>> -> memref<8000xf32, #tpu.memory_space<hbm>>
    %dma_wait3A_399 = tpu.memref_slice %arg7[%add3A_369] : memref<2560000xf32, #tpu.memory_space<hbm>> -> memref<8000xf32, #tpu.memory_space<hbm>>
    tpu.wait_dma2 semaphore(%arg26 : memref<!tpu.dma_semaphore, #tpu.memory_space<semaphore_mem>>) src(%dma_wait3A_399 : memref<8000xf32, #tpu.memory_space<hbm>>) dst(%arg23 : memref<8000xf32, #tpu.memory_space<vmem>>)
    %parallel_loop3A_400 = arith.constant 0 : i32
    %parallel_loop3A_401 = arith.constant 500 : i32
    %parallel_loop3A_402 = arith.constant 1 : i32
    %parallel_loop3A_403 = scf.for %parallel_loop3A_412 = %parallel_loop3A_400 to %parallel_loop3A_401 step %parallel_loop3A_402 iter_args(%parallel_loop3A_413 = %parallel_loop3A_387) -> (vector<16xf32>)  : i32 {
      %parallel_loop3A_414 = arith.constant 16 : i32
      %parallel_loop3A_415 = arith.muli %parallel_loop3A_412, %parallel_loop3A_414 : i32
      %parallel_loop3A_416 = arith.index_cast %parallel_loop3A_415 : i32 to index
      %parallel_loop3A_417 = tpu.vector_load %arg13[%parallel_loop3A_416] {strides = array<i32>} : memref<8000xi32, #tpu.memory_space<vmem>>, vector<16xi32>,
      %parallel_loop3A_418 = arith.index_cast %parallel_loop3A_415 : i32 to index
      %parallel_loop3A_419 = tpu.vector_load %arg15[%parallel_loop3A_418] {strides = array<i32>} : memref<8000xi32, #tpu.memory_space<vmem>>, vector<16xi32>,
      %parallel_loop3A_420 = arith.index_cast %parallel_loop3A_415 : i32 to index
      %parallel_loop3A_421 = tpu.vector_load %arg17[%parallel_loop3A_420] {strides = array<i32>} : memref<8000xf32, #tpu.memory_space<vmem>>, vector<16xf32>,
      %parallel_loop3A_422 = arith.index_cast %parallel_loop3A_415 : i32 to index
      %parallel_loop3A_423 = tpu.vector_load %arg19[%parallel_loop3A_422] {strides = array<i32>} : memref<8000xf32, #tpu.memory_space<vmem>>, vector<16xf32>,
      %parallel_loop3A_424 = tpu.vector_load_idx %arg10[%parallel_loop3A_417] : memref<10000xi32, #tpu.memory_space<vmem>>[vector<16xi32>], vector<16xi32>,
      %parallel_loop3A_425 = tpu.vector_load_idx %arg10[%parallel_loop3A_419] : memref<10000xi32, #tpu.memory_space<vmem>>[vector<16xi32>], vector<16xi32>,
      %parallel_loop3A_426 = arith.constant -65536 : i32
      %parallel_loop3A_427 = vector.broadcast %parallel_loop3A_426 : i32 to vector<16xi32>
      %parallel_loop3A_428 = arith.andi %parallel_loop3A_424, %parallel_loop3A_427 : vector<16xi32>
      %parallel_loop3A_429 = vector.bitcast %parallel_loop3A_428 : vector<16xi32> to vector<16xf32>
      %parallel_loop3A_430 = arith.constant 16 : i32
      %parallel_loop3A_431 = vector.broadcast %parallel_loop3A_430 : i32 to vector<16xi32>
      %parallel_loop3A_432 = arith.shli %parallel_loop3A_424, %parallel_loop3A_431 : vector<16xi32>
      %parallel_loop3A_433 = vector.bitcast %parallel_loop3A_432 : vector<16xi32> to vector<16xf32>
      %parallel_loop3A_434 = arith.constant -65536 : i32
      %parallel_loop3A_435 = vector.broadcast %parallel_loop3A_434 : i32 to vector<16xi32>
      %parallel_loop3A_436 = arith.andi %parallel_loop3A_425, %parallel_loop3A_435 : vector<16xi32>
      %parallel_loop3A_437 = vector.bitcast %parallel_loop3A_436 : vector<16xi32> to vector<16xf32>
      %parallel_loop3A_438 = arith.constant 16 : i32
      %parallel_loop3A_439 = vector.broadcast %parallel_loop3A_438 : i32 to vector<16xi32>
      %parallel_loop3A_440 = arith.shli %parallel_loop3A_425, %parallel_loop3A_439 : vector<16xi32>
      %parallel_loop3A_441 = vector.bitcast %parallel_loop3A_440 : vector<16xi32> to vector<16xf32>
      %parallel_loop3A_442 = arith.mulf %parallel_loop3A_421, %parallel_loop3A_437 : vector<16xf32>
      %parallel_loop3A_443 = arith.mulf %parallel_loop3A_423, %parallel_loop3A_441 : vector<16xf32>
      %parallel_loop3A_444 = arith.subf %parallel_loop3A_442, %parallel_loop3A_443 : vector<16xf32>
      %parallel_loop3A_445 = arith.mulf %parallel_loop3A_429, %parallel_loop3A_444 : vector<16xf32>
      %parallel_loop3A_446 = arith.mulf %parallel_loop3A_421, %parallel_loop3A_441 : vector<16xf32>
      %parallel_loop3A_447 = arith.mulf %parallel_loop3A_423, %parallel_loop3A_437 : vector<16xf32>
      %parallel_loop3A_448 = arith.addf %parallel_loop3A_446, %parallel_loop3A_447 : vector<16xf32>
      %parallel_loop3A_449 = arith.mulf %parallel_loop3A_433, %parallel_loop3A_448 : vector<16xf32>
      %parallel_loop3A_450 = arith.addf %parallel_loop3A_445, %parallel_loop3A_449 : vector<16xf32>
      tpu.vector_store_idx %arg11[%parallel_loop3A_417], %parallel_loop3A_450 {add = true} : memref<10000xf32, #tpu.memory_space<vmem>>[vector<16xi32>], vector<16xf32>,
      %parallel_loop3A_451 = arith.constant 0.000000e+00 : f32
      %parallel_loop3A_452 = vector.broadcast %parallel_loop3A_451 : f32 to vector<16xf32>
      %parallel_loop3A_453 = arith.subf %parallel_loop3A_452, %parallel_loop3A_450 : vector<16xf32>
      tpu.vector_store_idx %arg11[%parallel_loop3A_419], %parallel_loop3A_453 {add = true} : memref<10000xf32, #tpu.memory_space<vmem>>[vector<16xi32>], vector<16xf32>,
      %parallel_loop3A_454 = arith.index_cast %parallel_loop3A_415 : i32 to index
      %parallel_loop3A_455 = tpu.vector_load %arg21[%parallel_loop3A_454] {strides = array<i32>} : memref<8000xf32, #tpu.memory_space<vmem>>, vector<16xf32>,
      %parallel_loop3A_456 = arith.index_cast %parallel_loop3A_415 : i32 to index
      %parallel_loop3A_457 = tpu.vector_load %arg23[%parallel_loop3A_456] {strides = array<i32>} : memref<8000xf32, #tpu.memory_space<vmem>>, vector<16xf32>,
      %parallel_loop3A_458 = arith.subf %parallel_loop3A_455, %parallel_loop3A_457 : vector<16xf32>
      %parallel_loop3A_459 = arith.constant 0.000000e+00 : f32
      %parallel_loop3A_460 = vector.broadcast %parallel_loop3A_459 : f32 to vector<16xf32>
      %parallel_loop3A_461 = arith.maximumf %parallel_loop3A_458, %parallel_loop3A_460 : vector<16xf32>
      %parallel_loop3A_462 = arith.mulf %parallel_loop3A_461, %parallel_loop3A_461 : vector<16xf32>
      %parallel_loop3A_463 = arith.addf %parallel_loop3A_413, %parallel_loop3A_462 : vector<16xf32>
      scf.yield %parallel_loop3A_463 : vector<16xf32>
    } {sc.loop_unroll_factor = 5 : i64, sc.parallel_access}
    %swap3A = arith.constant 0 : index
    %swap3A_404 = tpu.vector_load %arg24[%swap3A] {strides = array<i32>} : memref<16xf32, #tpu.memory_space<vmem>>, vector<16xf32>,
    tpu.vector_store %arg24[%swap3A], %parallel_loop3A_403 {strides = array<i32>} : memref<16xf32, #tpu.memory_space<vmem>>, vector<16xf32>,
    %mul3A_405 = arith.constant 8 : i32
    %mul3A_406 = arith.muli %select_n3A_30, %mul3A_405 : i32
    %add3A_407 = arith.addi %mul3A_406, %select_n3A : i32
    %mul3A_408 = arith.constant 10000 : i32
    %mul3A_409 = arith.muli %add3A_407, %mul3A_408 : i32
    "tpu.region"() ({
      %run_scoped3A = tpu.sem_alloc : memref<!tpu.dma_semaphore, #tpu.memory_space<semaphore_mem>>
      %dma_start3A_412 = tpu.memref_slice %arg8[%mul3A_409] : memref<320000xf32, #tpu.memory_space<hbm>> -> memref<10000xf32, #tpu.memory_space<hbm>>
      %dma_start3A_413 = tpu.memref_slice %arg8[%mul3A_409] : memref<320000xf32, #tpu.memory_space<hbm>> -> memref<10000xf32, #tpu.memory_space<hbm>>
      tpu.enqueue_dma source(%arg11 : memref<10000xf32, #tpu.memory_space<vmem>>) target(%dma_start3A_413 : memref<10000xf32, #tpu.memory_space<hbm>>) target_semaphore(%run_scoped3A : memref<!tpu.dma_semaphore, #tpu.memory_space<semaphore_mem>>)
      %dma_wait3A_414 = tpu.memref_slice %arg8[%mul3A_409] : memref<320000xf32, #tpu.memory_space<hbm>> -> memref<10000xf32, #tpu.memory_space<hbm>>
      %dma_wait3A_415 = tpu.memref_slice %arg8[%mul3A_409] : memref<320000xf32, #tpu.memory_space<hbm>> -> memref<10000xf32, #tpu.memory_space<hbm>>
      tpu.wait_dma2 semaphore(%run_scoped3A : memref<!tpu.dma_semaphore, #tpu.memory_space<semaphore_mem>>) src(%arg11 : memref<10000xf32, #tpu.memory_space<vmem>>) dst(%dma_wait3A_415 : memref<10000xf32, #tpu.memory_space<hbm>>)
      tpu.yield
    }) : () -> ()
    %mul3A_410 = arith.constant 16 : i32
    %mul3A_411 = arith.muli %add3A, %mul3A_410 : i32
    "tpu.region"() ({
      %run_scoped3A = tpu.sem_alloc : memref<!tpu.dma_semaphore, #tpu.memory_space<semaphore_mem>>
      %dma_start3A_412 = tpu.memref_slice %arg9[%mul3A_411] : memref<512xf32, #tpu.memory_space<hbm>> -> memref<16xf32, #tpu.memory_space<hbm>>
      %dma_start3A_413 = tpu.memref_slice %arg9[%mul3A_411] : memref<512xf32, #tpu.memory_space<hbm>> -> memref<16xf32, #tpu.memory_space<hbm>>
      tpu.enqueue_dma source(%arg24 : memref<16xf32, #tpu.memory_space<vmem>>) target(%dma_start3A_413 : memref<16xf32, #tpu.memory_space<hbm>>) target_semaphore(%run_scoped3A : memref<!tpu.dma_semaphore, #tpu.memory_space<semaphore_mem>>)
      %dma_wait3A_414 = tpu.memref_slice %arg9[%mul3A_411] : memref<512xf32, #tpu.memory_space<hbm>> -> memref<16xf32, #tpu.memory_space<hbm>>
      %dma_wait3A_415 = tpu.memref_slice %arg9[%mul3A_411] : memref<512xf32, #tpu.memory_space<hbm>> -> memref<16xf32, #tpu.memory_space<hbm>>
      tpu.wait_dma2 semaphore(%run_scoped3A : memref<!tpu.dma_semaphore, #tpu.memory_space<semaphore_mem>>) src(%arg24 : memref<16xf32, #tpu.memory_space<vmem>>) dst(%dma_wait3A_415 : memref<16xf32, #tpu.memory_space<hbm>>)
      tpu.yield
    }) : () -> ()
    return
  }
}

module attributes {stable_mosaic.version = 14 : i64} {
  func.func @_prep_body(%arg0: memref<8x10000xf32, #tpu.memory_space<vmem>>, %arg1: memref<8x10000xf32, #tpu.memory_space<vmem>>, %arg2: memref<8x10000xf32, #tpu.memory_space<vmem>>, %arg3: memref<8x1xf32, #tpu.memory_space<vmem>>, %arg4: memref<8x10000xf32, #tpu.memory_space<vmem>>, %arg5: memref<8x10000xf32, #tpu.memory_space<vmem>>, %arg6: memref<1x1xf32, #tpu.memory_space<vmem>>, %arg7: memref<1x1xf32, #tpu.memory_space<vmem>>, %arg8: memref<1x1xf32, #tpu.memory_space<vmem>>, %arg9: memref<1x1xf32, #tpu.memory_space<vmem>>, %arg10: memref<8x10000xi32, #tpu.memory_space<vmem>>) attributes {dimension_semantics = [], scalar_prefetch = 0 : i64, scratch_operands = 0 : i64, tpu.core_type = #tpu.core_type<tc>} {
    %get3A = arith.constant 0 : index
    %get3A_0 = arith.constant 0 : index
    %get3A_1 = vector.load %arg0[%get3A, %get3A_0] : memref<8x10000xf32, #tpu.memory_space<vmem>>, vector<8x10000xf32>
    %jit3A = arith.constant 1.000000e-07 : f32
    %jit3A_2 = arith.constant 0.99999988 : f32
    %max3A = vector.broadcast %jit3A : f32 to vector<8x10000xf32>
    %max3A_3 = arith.maximumf %max3A, %get3A_1 : vector<8x10000xf32>
    %min3A = vector.broadcast %jit3A_2 : f32 to vector<8x10000xf32>
    %min3A_4 = arith.minimumf %min3A, %max3A_3 : vector<8x10000xf32>
    %get3A_5 = arith.constant 0 : index
    %get3A_6 = arith.constant 0 : index
    %get3A_7 = vector.load %arg1[%get3A_5, %get3A_6] : memref<8x10000xf32, #tpu.memory_space<vmem>>, vector<8x10000xf32>
    %log3A = math.log %min3A_4 : vector<8x10000xf32>
    %mul3A = arith.mulf %get3A_7, %log3A : vector<8x10000xf32>
    %sub3A = arith.constant 1.000000e+00 : f32
    %sub3A_8 = vector.broadcast %sub3A : f32 to vector<8x10000xf32>
    %sub3A_9 = arith.subf %sub3A_8, %get3A_7 : vector<8x10000xf32>
    %sub3A_10 = arith.constant 1.000000e+00 : f32
    %sub3A_11 = vector.broadcast %sub3A_10 : f32 to vector<8x10000xf32>
    %sub3A_12 = arith.subf %sub3A_11, %min3A_4 : vector<8x10000xf32>
    %log3A_13 = math.log %sub3A_12 : vector<8x10000xf32>
    %mul3A_14 = arith.mulf %sub3A_9, %log3A_13 : vector<8x10000xf32>
    %add3A = arith.addf %mul3A, %mul3A_14 : vector<8x10000xf32>
    %reduce_sum3A = vector.shape_cast %add3A : vector<8x10000xf32> to vector<1x8x10000xf32>
    %reduce_sum3A_15 = arith.constant dense<0.000000e+00> : vector<1xf32>
    %reduce_sum3A_16 = vector.multi_reduction <add>, %reduce_sum3A, %reduce_sum3A_15 [1, 2] : vector<1x8x10000xf32> to vector<1xf32>
    %reduce_sum3A_17 = vector.shape_cast %reduce_sum3A_16 : vector<1xf32> to vector<1x1x1xf32>
    %reduce_sum3A_18 = vector.extract %reduce_sum3A_17[0, 0, 0] : f32 from vector<1x1x1xf32>
    %neg3A = arith.constant 0.000000e+00 : f32
    %neg3A_19 = arith.subf %neg3A, %reduce_sum3A_18 : f32
    %broadcast_in_dim3A = vector.broadcast %neg3A_19 : f32 to vector<1x1xf32>
    %swap3A = arith.constant 0 : index
    %swap3A_20 = arith.constant 0 : index
    %swap3A_21 = vector.load %arg6[%swap3A, %swap3A_20] : memref<1x1xf32, #tpu.memory_space<vmem>>, vector<1x1xf32>
    tpu.vector_store %arg6[%swap3A, %swap3A_20], %broadcast_in_dim3A {strides = array<i32>} : memref<1x1xf32, #tpu.memory_space<vmem>>, vector<1x1xf32>,
    %gt3A = arith.constant 5.000000e-01 : f32
    %gt3A_22 = vector.broadcast %gt3A : f32 to vector<8x10000xf32>
    %gt3A_23 = arith.cmpf ogt, %get3A_7, %gt3A_22 : vector<8x10000xf32>
    %get3A_24 = arith.constant 0 : index
    %get3A_25 = arith.constant 0 : index
    %get3A_26 = vector.load %arg2[%get3A_24, %get3A_25] : memref<8x10000xf32, #tpu.memory_space<vmem>>, vector<8x10000xf32>
    %get3A_27 = arith.constant 0 : index
    %get3A_28 = arith.constant 0 : index
    %get3A_29 = vector.load %arg3[%get3A_27, %get3A_28] : memref<8x1xf32, #tpu.memory_space<vmem>>, vector<8x1xf32>
    %sub3A_30 = vector.broadcast %get3A_29 : vector<8x1xf32> to vector<8x10000xf32>
    %sub3A_31 = arith.subf %get3A_26, %sub3A_30 : vector<8x10000xf32>
    %integer_pow3A = arith.mulf %sub3A_31, %sub3A_31 : vector<8x10000xf32>
    %jit3A_32 = arith.constant 0.000000e+00 : f32
    %broadcast_in_dim3A_33 = vector.broadcast %jit3A_32 : f32 to vector<8x10000xf32>
    %select_n3A = arith.select %gt3A_23, %integer_pow3A, %broadcast_in_dim3A_33 : vector<8x10000xi1>, vector<8x10000xf32>
    %convert_element_type3A = arith.extui %gt3A_23 : vector<8x10000xi1> to vector<8x10000xi32>
    %convert_element_type3A_34 = arith.sitofp %convert_element_type3A : vector<8x10000xi32> to vector<8x10000xf32>
    %reduce_sum3A_35 = vector.shape_cast %convert_element_type3A_34 : vector<8x10000xf32> to vector<1x8x10000xf32>
    %reduce_sum3A_36 = arith.constant dense<0.000000e+00> : vector<1xf32>
    %reduce_sum3A_37 = vector.multi_reduction <add>, %reduce_sum3A_35, %reduce_sum3A_36 [1, 2] : vector<1x8x10000xf32> to vector<1xf32>
    %reduce_sum3A_38 = vector.shape_cast %reduce_sum3A_37 : vector<1xf32> to vector<1x1x1xf32>
    %reduce_sum3A_39 = vector.extract %reduce_sum3A_38[0, 0, 0] : f32 from vector<1x1x1xf32>
    %broadcast_in_dim3A_40 = vector.broadcast %reduce_sum3A_39 : f32 to vector<1x1xf32>
    %swap3A_41 = arith.constant 0 : index
    %swap3A_42 = arith.constant 0 : index
    %swap3A_43 = vector.load %arg7[%swap3A_41, %swap3A_42] : memref<1x1xf32, #tpu.memory_space<vmem>>, vector<1x1xf32>
    tpu.vector_store %arg7[%swap3A_41, %swap3A_42], %broadcast_in_dim3A_40 {strides = array<i32>} : memref<1x1xf32, #tpu.memory_space<vmem>>, vector<1x1xf32>,
    %reduce_sum3A_44 = vector.shape_cast %select_n3A : vector<8x10000xf32> to vector<1x8x10000xf32>
    %reduce_sum3A_45 = arith.constant dense<0.000000e+00> : vector<1xf32>
    %reduce_sum3A_46 = vector.multi_reduction <add>, %reduce_sum3A_44, %reduce_sum3A_45 [1, 2] : vector<1x8x10000xf32> to vector<1xf32>
    %reduce_sum3A_47 = vector.shape_cast %reduce_sum3A_46 : vector<1xf32> to vector<1x1x1xf32>
    %reduce_sum3A_48 = vector.extract %reduce_sum3A_47[0, 0, 0] : f32 from vector<1x1x1xf32>
    %broadcast_in_dim3A_49 = vector.broadcast %reduce_sum3A_48 : f32 to vector<1x1xf32>
    %swap3A_50 = arith.constant 0 : index
    %swap3A_51 = arith.constant 0 : index
    %swap3A_52 = vector.load %arg8[%swap3A_50, %swap3A_51] : memref<1x1xf32, #tpu.memory_space<vmem>>, vector<1x1xf32>
    tpu.vector_store %arg8[%swap3A_50, %swap3A_51], %broadcast_in_dim3A_49 {strides = array<i32>} : memref<1x1xf32, #tpu.memory_space<vmem>>, vector<1x1xf32>,
    %get3A_53 = arith.constant 0 : index
    %get3A_54 = arith.constant 0 : index
    %get3A_55 = vector.load %arg4[%get3A_53, %get3A_54] : memref<8x10000xf32, #tpu.memory_space<vmem>>, vector<8x10000xf32>
    %sub3A_56 = arith.constant 0.949999988 : f32
    %sub3A_57 = vector.broadcast %sub3A_56 : f32 to vector<8x10000xf32>
    %sub3A_58 = arith.subf %sub3A_57, %get3A_55 : vector<8x10000xf32>
    %max3A_59 = arith.constant 0.000000e+00 : f32
    %max3A_60 = vector.broadcast %max3A_59 : f32 to vector<8x10000xf32>
    %max3A_61 = arith.maximumf %sub3A_58, %max3A_60 : vector<8x10000xf32>
    %sub3A_62 = arith.constant 1.050000e+00 : f32
    %sub3A_63 = vector.broadcast %sub3A_62 : f32 to vector<8x10000xf32>
    %sub3A_64 = arith.subf %get3A_55, %sub3A_63 : vector<8x10000xf32>
    %max3A_65 = arith.constant 0.000000e+00 : f32
    %max3A_66 = vector.broadcast %max3A_65 : f32 to vector<8x10000xf32>
    %max3A_67 = arith.maximumf %sub3A_64, %max3A_66 : vector<8x10000xf32>
    %mul3A_68 = arith.mulf %max3A_61, %max3A_61 : vector<8x10000xf32>
    %mul3A_69 = arith.mulf %max3A_67, %max3A_67 : vector<8x10000xf32>
    %add3A_70 = arith.addf %mul3A_68, %mul3A_69 : vector<8x10000xf32>
    %reduce_sum3A_71 = vector.shape_cast %add3A_70 : vector<8x10000xf32> to vector<1x8x10000xf32>
    %reduce_sum3A_72 = arith.constant dense<0.000000e+00> : vector<1xf32>
    %reduce_sum3A_73 = vector.multi_reduction <add>, %reduce_sum3A_71, %reduce_sum3A_72 [1, 2] : vector<1x8x10000xf32> to vector<1xf32>
    %reduce_sum3A_74 = vector.shape_cast %reduce_sum3A_73 : vector<1xf32> to vector<1x1x1xf32>
    %reduce_sum3A_75 = vector.extract %reduce_sum3A_74[0, 0, 0] : f32 from vector<1x1x1xf32>
    %broadcast_in_dim3A_76 = vector.broadcast %reduce_sum3A_75 : f32 to vector<1x1xf32>
    %swap3A_77 = arith.constant 0 : index
    %swap3A_78 = arith.constant 0 : index
    %swap3A_79 = vector.load %arg9[%swap3A_77, %swap3A_78] : memref<1x1xf32, #tpu.memory_space<vmem>>, vector<1x1xf32>
    tpu.vector_store %arg9[%swap3A_77, %swap3A_78], %broadcast_in_dim3A_76 {strides = array<i32>} : memref<1x1xf32, #tpu.memory_space<vmem>>, vector<1x1xf32>,
    %get3A_80 = arith.constant 0 : index
    %get3A_81 = arith.constant 0 : index
    %get3A_82 = vector.load %arg5[%get3A_80, %get3A_81] : memref<8x10000xf32, #tpu.memory_space<vmem>>, vector<8x10000xf32>
    %cos3A = math.cos %get3A_82 : vector<8x10000xf32>
    %mul3A_83 = arith.mulf %get3A_55, %cos3A : vector<8x10000xf32>
    %sin3A = math.sin %get3A_82 : vector<8x10000xf32>
    %mul3A_84 = arith.mulf %get3A_55, %sin3A : vector<8x10000xf32>
    %bitcast_convert_type3A = tpu.bitcast %mul3A_83 : vector<8x10000xf32> -> vector<8x10000xi32>
    %add3A_85 = arith.constant 32768 : i32
    %add3A_86 = vector.broadcast %add3A_85 : i32 to vector<8x10000xi32>
    %add3A_87 = arith.addi %bitcast_convert_type3A, %add3A_86 : vector<8x10000xi32>
    %and3A = arith.constant -65536 : i32
    %and3A_88 = vector.broadcast %and3A : i32 to vector<8x10000xi32>
    %and3A_89 = arith.andi %add3A_87, %and3A_88 : vector<8x10000xi32>
    %bitcast_convert_type3A_90 = tpu.bitcast %mul3A_84 : vector<8x10000xf32> -> vector<8x10000xi32>
    %add3A_91 = arith.constant 32768 : i32
    %add3A_92 = vector.broadcast %add3A_91 : i32 to vector<8x10000xi32>
    %add3A_93 = arith.addi %bitcast_convert_type3A_90, %add3A_92 : vector<8x10000xi32>
    %shift_right_logical3A = arith.constant 16 : i32
    %shift_right_logical3A_94 = vector.broadcast %shift_right_logical3A : i32 to vector<8x10000xi32>
    %shift_right_logical3A_95 = arith.shrui %add3A_93, %shift_right_logical3A_94 : vector<8x10000xi32>
    %or3A = arith.ori %and3A_89, %shift_right_logical3A_95 : vector<8x10000xi32>
    %bitcast_convert_type3A_96 = tpu.bitcast %or3A : vector<8x10000xi32> -> vector<8x10000xi32>
    %swap3A_97 = arith.constant 0 : index
    %swap3A_98 = arith.constant 0 : index
    %swap3A_99 = vector.load %arg10[%swap3A_97, %swap3A_98] : memref<8x10000xi32, #tpu.memory_space<vmem>>, vector<8x10000xi32>
    tpu.vector_store %arg10[%swap3A_97, %swap3A_98], %bitcast_convert_type3A_96 {strides = array<i32>} : memref<8x10000xi32, #tpu.memory_space<vmem>>, vector<8x10000xi32>,
    return
  }
}

module attributes {stable_mosaic.version = 14 : i64} {
  func.func @_fin_body(%arg0: memref<4x8x10000xf32, #tpu.memory_space<vmem>>, %arg1: memref<8x10000xf32, #tpu.memory_space<vmem>>, %arg2: memref<32x16xf32, #tpu.memory_space<vmem>>, %arg3: memref<1x1xf32, #tpu.memory_space<vmem>>, %arg4: memref<1x1xf32, #tpu.memory_space<vmem>>) attributes {dimension_semantics = [], scalar_prefetch = 0 : i64, scratch_operands = 0 : i64, tpu.core_type = #tpu.core_type<tc>} {
    %get3A = arith.constant 0 : index
    %get3A_0 = arith.constant 0 : index
    %get3A_1 = arith.constant 0 : index
    %get3A_2 = vector.load %arg0[%get3A, %get3A_0, %get3A_1] : memref<4x8x10000xf32, #tpu.memory_space<vmem>>, vector<1x8x10000xf32>
    %get3A_3 = vector.shape_cast %get3A_2 : vector<1x8x10000xf32> to vector<8x10000xf32>
    %get3A_4 = arith.constant 1 : index
    %get3A_5 = arith.constant 0 : index
    %get3A_6 = arith.constant 0 : index
    %get3A_7 = vector.load %arg0[%get3A_4, %get3A_5, %get3A_6] : memref<4x8x10000xf32, #tpu.memory_space<vmem>>, vector<1x8x10000xf32>
    %get3A_8 = vector.shape_cast %get3A_7 : vector<1x8x10000xf32> to vector<8x10000xf32>
    %add3A = arith.addf %get3A_3, %get3A_8 : vector<8x10000xf32>
    %get3A_9 = arith.constant 2 : index
    %get3A_10 = arith.constant 0 : index
    %get3A_11 = arith.constant 0 : index
    %get3A_12 = vector.load %arg0[%get3A_9, %get3A_10, %get3A_11] : memref<4x8x10000xf32, #tpu.memory_space<vmem>>, vector<1x8x10000xf32>
    %get3A_13 = vector.shape_cast %get3A_12 : vector<1x8x10000xf32> to vector<8x10000xf32>
    %add3A_14 = arith.addf %add3A, %get3A_13 : vector<8x10000xf32>
    %get3A_15 = arith.constant 3 : index
    %get3A_16 = arith.constant 0 : index
    %get3A_17 = arith.constant 0 : index
    %get3A_18 = vector.load %arg0[%get3A_15, %get3A_16, %get3A_17] : memref<4x8x10000xf32, #tpu.memory_space<vmem>>, vector<1x8x10000xf32>
    %get3A_19 = vector.shape_cast %get3A_18 : vector<1x8x10000xf32> to vector<8x10000xf32>
    %add3A_20 = arith.addf %add3A_14, %get3A_19 : vector<8x10000xf32>
    %get3A_21 = arith.constant 0 : index
    %get3A_22 = arith.constant 0 : index
    %get3A_23 = vector.load %arg1[%get3A_21, %get3A_22] : memref<8x10000xf32, #tpu.memory_space<vmem>>, vector<8x10000xf32>
    %sub3A = arith.subf %add3A_20, %get3A_23 : vector<8x10000xf32>
    %mul3A = arith.mulf %sub3A, %sub3A : vector<8x10000xf32>
    %reduce_sum3A = vector.shape_cast %mul3A : vector<8x10000xf32> to vector<1x8x10000xf32>
    %reduce_sum3A_24 = arith.constant dense<0.000000e+00> : vector<1xf32>
    %reduce_sum3A_25 = vector.multi_reduction <add>, %reduce_sum3A, %reduce_sum3A_24 [1, 2] : vector<1x8x10000xf32> to vector<1xf32>
    %reduce_sum3A_26 = vector.shape_cast %reduce_sum3A_25 : vector<1xf32> to vector<1x1x1xf32>
    %reduce_sum3A_27 = vector.extract %reduce_sum3A_26[0, 0, 0] : f32 from vector<1x1x1xf32>
    %broadcast_in_dim3A = vector.broadcast %reduce_sum3A_27 : f32 to vector<1x1xf32>
    %swap3A = arith.constant 0 : index
    %swap3A_28 = arith.constant 0 : index
    %swap3A_29 = vector.load %arg3[%swap3A, %swap3A_28] : memref<1x1xf32, #tpu.memory_space<vmem>>, vector<1x1xf32>
    tpu.vector_store %arg3[%swap3A, %swap3A_28], %broadcast_in_dim3A {strides = array<i32>} : memref<1x1xf32, #tpu.memory_space<vmem>>, vector<1x1xf32>,
    %get3A_30 = arith.constant 0 : index
    %get3A_31 = arith.constant 0 : index
    %get3A_32 = vector.load %arg2[%get3A_30, %get3A_31] : memref<32x16xf32, #tpu.memory_space<vmem>>, vector<32x16xf32>
    %reduce_sum3A_33 = vector.shape_cast %get3A_32 : vector<32x16xf32> to vector<1x32x16xf32>
    %reduce_sum3A_34 = arith.constant dense<0.000000e+00> : vector<1xf32>
    %reduce_sum3A_35 = vector.multi_reduction <add>, %reduce_sum3A_33, %reduce_sum3A_34 [1, 2] : vector<1x32x16xf32> to vector<1xf32>
    %reduce_sum3A_36 = vector.shape_cast %reduce_sum3A_35 : vector<1xf32> to vector<1x1x1xf32>
    %reduce_sum3A_37 = vector.extract %reduce_sum3A_36[0, 0, 0] : f32 from vector<1x1x1xf32>
    %broadcast_in_dim3A_38 = vector.broadcast %reduce_sum3A_37 : f32 to vector<1x1xf32>
    %swap3A_39 = arith.constant 0 : index
    %swap3A_40 = arith.constant 0 : index
    %swap3A_41 = vector.load %arg4[%swap3A_39, %swap3A_40] : memref<1x1xf32, #tpu.memory_space<vmem>>, vector<1x1xf32>
    tpu.vector_store %arg4[%swap3A_39, %swap3A_40], %broadcast_in_dim3A_38 {strides = array<i32>} : memref<1x1xf32, #tpu.memory_space<vmem>>, vector<1x1xf32>,
    return
  }
}

</mosaic_0001>

<sc_bundles>
// kernel: kernel.5.cloned.1.call-start
scs
__scs_entry_jumppad:
0x0: {  	(pc) =	sbr.rel $0x88, $3  }
0x1: {  	(tag) =	ssettag $0x0;
	lr =	simm.s32 $0x1  }
0x2: {  	[smem:$0x3F95] =	sst lr;
	_ =	strace $0xD0000000  }
0x3: {  	_ = 	snop  }
0x4: {  	_ = 	snop  }
0x5: {  	_ = 	snop  }
0x6: {  	_ = 	snop  }
0x7: {  	_ = 	snop  }
__scs_overlays_trampoline_lowered:
0x8: {  	[smem:$0x3FA4] =	sst s0  }
0x9: {  	[smem:$0x3FA5] =	sst s1  }
0xa: {  	[smem:$0x3FA6] =	sst s2  }
0xb: {  	[smem:$0x3FA7] =	sst s3  }
0xc: {  	[smem:$0x3FA8] =	sst s4  }
0xd: {  	[smem:$0x3FA9] =	sst s5  }
0xe: {  	[smem:$0x3FAA] =	sst s6  }
0xf: {  	[smem:$0x3FAB] =	sst s7  }
0x10: {  	[smem:$0x3FAC] =	sst s8  }
0x11: {  	[smem:$0x3FAD] =	sst s9;
	s0 =	simm.s32 @!p0 $0x0  }
0x12: {  	s1 =	sld [smem:$0x3F93];
	s0 =	simm.s32 @p0 $0x1  }
0x13: {  	[smem:$0x3FAE] =	sst s0;
	s0 =	simm.s32 @!p1 $0x0  }
0x14: {  	s2 =	sld [smem:$0x3F92];
	s0 =	simm.s32 @p1 $0x1  }
0x15: {  	[smem:$0x3FAF] =	sst s0;
	s0 =	simm.s32 @!p2 $0x0  }
0x16: {  	s3 =	sld [smem:$0x3FDB];
	s0 =	simm.s32 @p2 $0x1  }
0x17: {  	s4 =	simm.s32 $0x1BF5;
	[smem:$0x3FB1] =	sst s0  }
0x18: {  	s0 =	sld [smem:$0x3F94];
	_ =	swait.ge [sflag:s4], $0x0  }
0x19: {  	s7 =	sld [smem:$0x3F95]  }
0x1a: {  	s8 =	sadd.s32 $0xFFFFE003, lr  }
0x1b: {  	s9 =	sadd.s32 $0xFFFFFEF7, lr;
	s5 =	simm.s32 $0xFFFFFFFF;
	p2 =	slt.u32 s8, $0xFFFFF086  }
0x1c: {  	p1 =	slt.u32 s9, $0xF7A;
	s5 =	simm.s32 @!p2 $0x0  }
0x1d: {  	s5 =	simm.s32 @p1 $0x1;
	p0 =	seq.s32 s7, s2  }
0x1e: {  	s7 =	smul.u32 @!p0 $0xF7A, s2;
	p2 =	seq.s32 @!p0 s5, $0x0  }
0x1f: {  	s9 =	smul.u32 $0xF7A, s1;
	s8 =	simm.s32 @!p0 $0x1BF5;
	p2 =	por !p2, p0  }
0x20: {  	[sflag:s8] =	ssyncset.s32 @!p0 $0xFFFFF086;
	s6 =	sadd.s32 @!p0 s3, s7;
	s7 =	simm.s32 @!p0 $0x108  }
0x21: {  	s3 =	sadd.s32 s3, s9;
	s6 =	sadd.s32 @!p0 $0x88, s6;
	s7 =	simm.s32 @p2 $0x1082  }
0x22: {  	[simem:s7], [sflag:s8] =	dma.local @!p0 [hbm:s6], $0xF7A  }
0x23: {  	s9 =	sor.u32 $0xD0000000, s2;
	s6 =	simm.s32 $0x108;
	_ =	swait.ge @!p0 [sflag:s8], $0x0  }
0x24: {  	s3 =	sadd.s32 $0x88, s3;
	s6 =	simm.s32 @!p1 $0x1082;
	[sflag:s4] =	ssyncset.s32 $0xFFFFF086  }
0x25: {  	[simem:s6], [sflag:s4] =	dma.local [hbm:s3], $0xF7A  }
0x26: {  	[smem:$0x3F95] =	sst s1;
	(tag) =	ssettag s2;
	_ =	strace s9  }
0x27: {  	s1 =	sld [smem:$0x3FA5]  }
0x28: {  	s2 =	sld [smem:$0x3FA6]  }
0x29: {  	s4 =	sld [smem:$0x3FA8]  }
0x2a: {  	p0 =	seq.s32 s5, $0x0;
	s5 =	sld [smem:$0x3FA9]  }
0x2b: {  	s6 =	sld [smem:$0x3FAA]  }
0x2c: {  	s7 =	sld [smem:$0x3FAB]  }
0x2d: {  	s3 =	simm.s32 $0x108;
	s8 =	sld [smem:$0x3FAC]  }
0x2e: {  	s3 =	simm.s32 @!p0 $0x1082;
	s9 =	sld [smem:$0x3FAD]  }
0x2f: {  	lr =	sadd.s32 s0, s3;
	s0 =	sld [smem:$0x3FA4]  }
0x30: {  	s3 =	sld [smem:$0x3FA7]  }
0x31: {  	[smem:$0x3FB0] =	sst s10  }
0x32: {  	s10 =	sld [smem:$0x3FAE];
	_ =	sdelay $0x3  }
0x33: {  	p0 =	seq.s32 s10, $0x1;
	s10 =	sld [smem:$0x3FB0];
	_ =	sdelay $0x3  }
0x34: {  	[smem:$0x3FB0] =	sst s10  }
0x35: {  	s10 =	sld [smem:$0x3FAF];
	_ =	sdelay $0x3  }
0x36: {  	p1 =	seq.s32 s10, $0x1;
	s10 =	sld [smem:$0x3FB0];
	_ =	sdelay $0x3  }
0x37: {  	[smem:$0x3FB0] =	sst s10  }
0x38: {  	s10 =	sld [smem:$0x3FB1]  }
0x39: {  	_ = 	snop;
	(pc) =	sbr.ind lr, $3  }
0x3a: {  	_ = 	snop  }
0x3b: {  	_ = 	snop  }
0x3c: {  	p2 =	seq.s32 s10, $0x1;
	s10 =	sld [smem:$0x3FB0]  }
0x3d: {  	_ =	shalt  }
0x3e: {  	_ =	shalt  }
0x3f: {  	_ =	shalt  }
0x40: {  	_ =	shalt  }
0x41: {  	_ =	shalt  }
0x42: {  	_ =	shalt  }
0x43: {  	_ =	shalt  }
0x44: {  	_ =	shalt  }
0x45: {  	_ =	shalt  }
0x46: {  	_ =	shalt  }
0x47: {  	_ =	shalt  }
0x48: {  	_ =	shalt  }
0x49: {  	_ =	shalt  }
0x4a: {  	_ =	shalt  }
0x4b: {  	_ =	shalt  }
0x4c: {  	_ =	shalt  }
0x4d: {  	_ =	shalt  }
0x4e: {  	_ =	shalt  }
0x4f: {  	_ =	shalt  }
0x50: {  	_ =	shalt  }
0x51: {  	_ =	shalt  }
0x52: {  	_ =	shalt  }
0x53: {  	_ =	shalt  }
0x54: {  	_ =	shalt  }
0x55: {  	_ =	shalt  }
0x56: {  	_ =	shalt  }
0x57: {  	_ =	shalt  }
0x58: {  	_ =	shalt  }
0x59: {  	_ =	shalt  }
0x5a: {  	_ =	shalt  }
0x5b: {  	_ =	shalt  }
0x5c: {  	_ =	shalt  }
0x5d: {  	_ =	shalt  }
0x5e: {  	_ =	shalt  }
0x5f: {  	_ =	shalt  }
0x60: {  	_ =	shalt  }
0x61: {  	_ =	shalt  }
0x62: {  	_ =	shalt  }
0x63: {  	_ =	shalt  }
0x64: {  	_ =	shalt  }
0x65: {  	_ =	shalt  }
0x66: {  	_ =	shalt  }
0x67: {  	_ =	shalt  }
0x68: {  	_ =	shalt  }
0x69: {  	_ =	shalt  }
0x6a: {  	_ =	shalt  }
0x6b: {  	_ =	shalt  }
0x6c: {  	_ =	shalt  }
0x6d: {  	_ =	shalt  }
0x6e: {  	_ =	shalt  }
0x6f: {  	_ =	shalt  }
0x70: {  	_ =	shalt  }
0x71: {  	_ =	shalt  }
0x72: {  	_ =	shalt  }
0x73: {  	_ =	shalt  }
0x74: {  	_ =	shalt  }
0x75: {  	_ =	shalt  }
0x76: {  	_ =	shalt  }
0x77: {  	_ =	shalt  }
0x78: {  	_ =	shalt  }
0x79: {  	_ =	shalt  }
0x7a: {  	_ =	shalt  }
0x7b: {  	_ =	shalt  }
0x7c: {  	_ =	shalt  }
0x7d: {  	_ =	shalt  }
0x7e: {  	_ =	shalt  }
0x7f: {  	_ =	shalt  }
0x80: {  	_ =	shalt  }
0x81: {  	_ =	shalt  }
0x82: {  	_ =	shalt  }
0x83: {  	_ =	shalt  }
0x84: {  	_ =	shalt  }
0x85: {  	_ =	shalt  }
0x86: {  	_ =	shalt  }
0x87: {  	_ =	shalt  }
.Lfunc_end0:
.L_simem_size_0:
called_computation_lowered:
.L_overlay_start_0:
0x88: {  	s2 =	sld [smem:$0x3FD9]  }
0x89: {  	s3 =	sld [smem:$0x3FFE];
	_ =	sdelay $0x1  }
0x8a: {  	s1 =	srdreg.scid  }
0x8b: {  	s0 =	sand.u32 $0x1, s1  }
0x8c: {  	s17 =	sshll.u32 s0, $0xA;
	s2 =	sadd.s32 s3, s2  }
0x8d: {  	s2 =	sadd.s32 s2, s17  }
0x8e: {  	[smem:$0x3FBC] =	sst s2  }
0x8f: {  	_ = 	snop  }
0x90: {  	s2 =	sld [smem:$0x3FC2]  }
0x91: {  	s18 =	sld [smem:$0x3FC1]  }
0x92: {  	s4 =	sld [smem:$0x3FBF]  }
0x93: {  	s5 =	sld [smem:$0x3FBE];
	(tm) =	ssettm $0x1  }
0x94: {  	s6 =	sld [smem:$0x3FFB];
	_ =	sdelay $0x3  }
0x95: {  	_ =	strace s6  }
0x96: {  	s6 =	sld [smem:$0x3FFC];
	_ =	sdelay $0x3  }
0x97: {  	_ =	strace s6  }
0x98: {  	s6 =	sld [smem:$0x3FFD];
	_ =	sdelay $0x3  }
0x99: {  	_ =	strace s6  }
0x9a: {  	_ =	strace $0x8FFFFFFF  }
0x9b: {  	s19 =	sld [smem:$0x3FDB];
	_ =	sdelay $0x1  }
0x9c: {  	s7 =	simm.s32 $_scs_section_size  }
0x9d: {  	s8 =	simm.s32 $_size__tile_overlayer_lowered;
	s9 =	simm.s32 $_tile_overlayer_lowered  }
0x9e: {  	s22 =	simm.s32 $0x1BFF;
	s21 =	sshll.u32 s9, $0x1;
	s6 =	sadd.s32 s7, s19  }
0x9f: {  	s10 =	simm.s32 $0x0;
	s20 =	sshll.u32 s8, $0x1;
	s8 =	sadd.s32 s21, s6  }
0xa0: {  	[timem:s10], [sflag:s22] =	dma.local [hbm:s8], s20  }
0xa1: {  	_ =	swait.ge [sflag:s22], s20  }
0xa2: {  	s7 =	ssub.s32 $0x0, s20;
	[sflag:s22] =	ssyncset.done $0x0  }
0xa3: {  	[sflag:s22] =	ssyncadd.s32 s7;
	_ =	sdelay $0x1  }
0xa4: {  	s23 =	simm.s32 $0x1B8B  }
0xa5: {  	_ =	swait.ge [sflag:s23], $0x1  }
0xa6: {  	[sflag:s23] =	ssyncset.done $0x0  }
0xa7: {  	s25 =	simm.s32 $0x1B8E;
	s24 =	sld [smem:$0x3FFE];
	[sflag:s23] =	ssyncadd.s32 $0xFFFFFFFF  }
0xa8: {  	s26 =	simm.s32 $execute0_lowered;
	[smem:$0x3FD2] =	sst s25  }
0xa9: {  	s8 =	sshll.u32 s26, $0x1;
	_ =	strace $0x80000046;
	[dreg:$0x1] =	wrdreg $0xFFFFFFFF  }
0xaa: {  	s28 =	simm.s32 $_size_execute0_lowered;
	s6 =	sadd.s32 s6, s8;
	[dreg:$0x0] =	wrdreg $0x0  }
0xab: {  	s8 =	sshll.u32 s28, $0x1;
	[dreg:$0x2] =	wrdreg s6  }
0xac: {  	[dreg:$0x3] =	wrdreg s8  }
0xad: {  	[dreg:$0x4] =	wrdreg $0xC0  }
0xae: {  	_ =	task [dreg:s10], $0x5FFFF  }
0xaf: {  	[dreg:$0x1] =	wrdreg $0xFFFFFFFF  }
0xb0: {  	[dreg:$0x0] =	wrdreg $0x60  }
0xb1: {  	[dreg:$0x2] =	wrdreg s24  }
0xb2: {  	[dreg:$0x3] =	wrdreg s2  }
0xb3: {  	[dreg:$0x4] =	wrdreg s18  }
0xb4: {  	[dreg:$0x5] =	wrdreg s4  }
0xb5: {  	[dreg:$0x6] =	wrdreg s5  }
0xb6: {  	[dreg:$0x7] =	wrdreg $0x9  }
0xb7: {  	_ =	task.clear_ibuf [dreg:s10], $0x8FFFF;
	_ =	strace $0x90000046  }
0xb8: {  	s29 =	simm.s32 $0x9;
	_ =	strace $0x80000048  }
0xb9: {  	_ =	swait.ge [sflag:s29], $0x1  }
0xba: {  	[sflag:s29] =	ssyncadd.s32 $0xFFFFFFFF  }
0xbb: {  	_ =	strace $0x90000048  }
0xbc: {  	_ =	sfence  }
0xbd: {  	s30 =	sld [smem:$0x0];
	_ =	sdelay $0x2  }
0xbe: {  	s31 =	sshll.u32 s1, $0xD;
	s1 =	sshrl.u32 s1, $0x2  }
0xbf: {  	s3 =	sand.u32 $0x4000, s31;
	s1 =	sadd.s32 s1, s30  }
0xc0: {  	s0 =	sor.u32 s3, s0;
	s1 =	sshll.u32 s1, $0x11  }
0xc1: {  	s0 =	sor.u32 s1, s0  }
0xc2: {  	s0 =	sadd.s32 $0x8F2B, s0  }
0xc3: {  	[sflag:s0] =	ssyncadd.remote.s32 $0x1  }
0xc4: {  	_ =	sfence.sel $0xFFFF  }
0xc5: {  	[dreg:$0x0] =	wrdreg $0xFFFFFFFF;
	(pc) =	sbr.abs _section_cstart, $3  }
0xc6: {  	[dreg:$0x1] =	wrdreg $0xFFFFFFFF  }
0xc7: {  	_ =	task.clear_ibuf [dreg:s10], $0x2FFFF;
	_ =	strace $0x9FFFFFFF  }
0xc8: {  	(tm) =	ssettm $0x7FFFFFFF  }
0xc9: {  	_ =	shalt  }
tec
execute0_lowered:
.L_overlay_start_1:
0x0: {  	(tag) =	ssettag $0x1  }
0x1: {  	s1 =	stileid.u32  }
0x2: {  	s0 =	srdreg.scid;
	s4 =	rddreg [dreg:$0x0]  }
0x3: {  	s2 =	sand.u32 $0x1, s0;
	s16 =	sshll.u32 s1, $0x1;
	s5 =	sshrl.u32 s1, $0x1  }
0x4: {  	s1 =	simm.s32 $0x0;
	s8 =	sadd.s32 $0x3E00, s4;
	s3 =	sor.u32 s2, s16  }
0x5: {  	s17 =	smul.u32 $0x4E2, s5;
	[smem:$0x7FF] =	sst s1;
	s2 =	ssub.s32 $0x2, s2  }
0x6: {  	s19 =	smul.u32 $0x4E200, s5;
	s6 =	sand.u32 $0x3, s3;
	s9 =	sshll.u32 s3, $0x1  }
0x7: {  	s18 =	sshrl.u32 s2, $0x1;
	s7 =	sshll.u32 s6, $0x3;
	s6 =	smul.u32 $0x13880, s6  }
0x8: {  	s0 =	sadd.s32 s17, s4;
	s7 =	sor.u32 s5, s7;
	s5 =	ssub.s32 s2, s18  }
0x9: {  	s7 =	smul.u32 $0x4E2, s7;
	s10 =	sshrl.u32 s6, $0x3;
	s11 =	sadd.s32 $0x1F40, s6  }
0xa: {  	s21 =	sadd.s32 $0x3E80, s6;
	s12 =	sadd.s32 $0x5DC0, s6;
	s13 =	sadd.s32 $0x7D00, s6  }
0xb: {  	s24 =	sadd.s32 $0x9C40, s6;
	s15 =	sadd.s32 $0xBB80, s6;
	s25 =	sadd.s32 $0xDAC0, s6  }
0xc: {  	s16 =	sadd.s32 $0xFA00, s6;
	s28 =	sadd.s32 s19, s6;
	s6 =	sadd.s32 $0x11940, s6  }
0xd: {  	s2 =	sadd.s32 s8, s10;
	s20 =	sshrl.u32 s11, $0x3;
	s10 =	sadd.s32 s19, s11  }
0xe: {  	s11 =	sadd.s32 s19, s21;
	s22 =	sshrl.u32 s12, $0x3;
	s12 =	sadd.s32 s19, s12  }
0xf: {  	s23 =	sshrl.u32 s13, $0x3;
	s13 =	sadd.s32 s19, s13;
	s14 =	sadd.s32 s19, s24  }
0x10: {  	s18 =	sshrl.u32 s16, $0x3;
	s3 =	sadd.s32 s7, s4;
	s4 =	sadd.s32 s9, s4  }
0x11: {  	s7 =	sadd.s32 s8, s20;
	s26 =	sadd.s32 s8, s18;
	s18 =	rddreg [dreg:$0x1]  }
0x12: {  	s9 =	sadd.s32 s19, s6;
	s6 =	sshrl.u32 s6, $0x3;
	[dreg:$0x6] =	wrdreg s7  }
0x13: {  	s29 =	sshrl.u32 s28, $0x3;
	[dreg:$0xd] =	wrdreg s26;
	s6 =	sadd.s32 s8, s6  }
0x14: {  	s7 =	sshrl.u32 s21, $0x3;
	s20 =	sadd.s32 s18, s29;
	[dreg:$0xe] =	wrdreg s6  }
0x15: {  	s17 =	sadd.s32 s19, s25;
	s7 =	sadd.s32 s8, s7;
	[dreg:$0xf] =	wrdreg s20  }
0x16: {  	s21 =	sshrl.u32 s10, $0x3;
	[dreg:$0x7] =	wrdreg s7;
	s7 =	sadd.s32 s8, s22  }
0x17: {  	s10 =	sadd.s32 s18, s21;
	[dreg:$0x8] =	wrdreg s7;
	s7 =	sadd.s32 s8, s23  }
0x18: {  	[dreg:$0x9] =	wrdreg s7;
	s7 =	sshrl.u32 s24, $0x3;
	s24 =	sshrl.u32 s11, $0x3  }
0x19: {  	[dreg:$0x13] =	wrdreg s10;
	s7 =	sadd.s32 s8, s7;
	s11 =	sadd.s32 s18, s24  }
0x1a: {  	[dreg:$0xa] =	wrdreg s7;
	s7 =	sadd.s32 s19, s15;
	s15 =	sshrl.u32 s15, $0x3  }
0x1b: {  	[dreg:$0x17] =	wrdreg s11;
	s11 =	sshrl.u32 s13, $0x3;
	s15 =	sadd.s32 s8, s15  }
0x1c: {  	[dreg:$0xb] =	wrdreg s15;
	s15 =	sshrl.u32 s25, $0x3;
	s25 =	sshrl.u32 s12, $0x3  }
0x1d: {  	s12 =	sadd.s32 s18, s11;
	s15 =	sadd.s32 s8, s15;
	s8 =	rddreg [dreg:$0x3]  }
0x1e: {  	[dreg:$0x1f] =	wrdreg s12  }
0x1f: {  	[dreg:$0xc] =	wrdreg s15  }
0x20: {  	s15 =	sadd.s32 s19, s16;
	s19 =	rddreg [dreg:$0x2]  }
0x21: {  	s16 =	rddreg [dreg:$0x4];
	s31 =	sadd.s32 s8, s29  }
0x22: {  	s23 =	sadd.s32 s8, s21;
	[dreg:$0x11] =	wrdreg s31  }
0x23: {  	s28 =	sadd.s32 s8, s24;
	[dreg:$0x15] =	wrdreg s23  }
0x24: {  	s20 =	sadd.s32 s8, s11;
	[dreg:$0x19] =	wrdreg s28  }
0x25: {  	s30 =	sadd.s32 s19, s29;
	[smem:$0x7DF] =	sst s20  }
0x26: {  	s6 =	sadd.s32 s16, s29;
	[dreg:$0x10] =	wrdreg s30  }
0x27: {  	s22 =	sadd.s32 s19, s21;
	[dreg:$0x12] =	wrdreg s6  }
0x28: {  	s26 =	sadd.s32 s19, s24;
	[dreg:$0x14] =	wrdreg s22  }
0x29: {  	s29 =	sadd.s32 s18, s25;
	[dreg:$0x18] =	wrdreg s26  }
0x2a: {  	s31 =	sadd.s32 s8, s25;
	[dreg:$0x1b] =	wrdreg s29  }
0x2b: {  	s10 =	sadd.s32 s16, s25;
	[dreg:$0x1d] =	wrdreg s31  }
0x2c: {  	s7 =	sshrl.u32 s7, $0x3;
	s13 =	sadd.s32 s19, s11;
	[dreg:$0x1e] =	wrdreg s10  }
0x2d: {  	s28 =	sadd.s32 s8, s7;
	[smem:$0x7DE] =	sst s13  }
0x2e: {  	s6 =	sadd.s32 s16, s21;
	[smem:$0x7E7] =	sst s28  }
0x2f: {  	s30 =	sadd.s32 s19, s25;
	[dreg:$0x16] =	wrdreg s6  }
0x30: {  	s25 =	sadd.s32 s18, s7;
	[dreg:$0x1c] =	wrdreg s30  }
0x31: {  	s26 =	sadd.s32 s19, s7;
	[smem:$0x7E5] =	sst s25  }
0x32: {  	s12 =	sshrl.u32 s15, $0x3;
	s29 =	sadd.s32 s16, s7;
	[smem:$0x7E6] =	sst s26  }
0x33: {  	s21 =	sshrl.u32 s14, $0x3;
	s14 =	sadd.s32 s18, s12;
	[smem:$0x7E8] =	sst s29  }
0x34: {  	s15 =	sadd.s32 s19, s12;
	[smem:$0x7ED] =	sst s14  }
0x35: {  	s6 =	sadd.s32 s16, s24;
	[smem:$0x7EE] =	sst s15  }
0x36: {  	s22 =	sadd.s32 s18, s21;
	[dreg:$0x1a] =	wrdreg s6  }
0x37: {  	s0 =	sadd.s32 $0x1600, s0;
	s23 =	sadd.s32 s19, s21;
	[smem:$0x7E1] =	sst s22  }
0x38: {  	s13 =	sshrl.u32 s9, $0x3;
	s24 =	sadd.s32 s8, s21;
	[smem:$0x7E2] =	sst s23  }
0x39: {  	s30 =	sshrl.u32 s17, $0x3;
	s17 =	sadd.s32 s8, s12;
	[smem:$0x7E3] =	sst s24  }
0x3a: {  	s28 =	sadd.s32 $0xA028, s2;
	s20 =	sadd.s32 s19, s13;
	[smem:$0x7EF] =	sst s17  }
0x3b: {  	s7 =	sadd.s32 $0xBF68, s2;
	s6 =	sadd.s32 s16, s11;
	[smem:$0x7F2] =	sst s20  }
0x3c: {  	s9 =	simm.s32 $0x4F00;
	s31 =	sadd.s32 s18, s30;
	[smem:$0x7E0] =	sst s6  }
0x3d: {  	s25 =	smax.u32 s5, $0x1;
	s10 =	sadd.s32 s19, s30;
	[smem:$0x7E9] =	sst s31  }
0x3e: {  	s26 =	sadd.s32 $0x9C40, s2;
	s11 =	sadd.s32 s8, s30;
	[smem:$0x7EA] =	sst s10  }
0x3f: {  	s29 =	sadd.s32 $0xA410, s2;
	s18 =	sadd.s32 s18, s13;
	[smem:$0x7EB] =	sst s11  }
0x40: {  	s5 =	sadd.s32 $0xB798, s2;
	s22 =	sadd.s32 s16, s13;
	[smem:$0x7F1] =	sst s18  }
0x41: {  	s14 =	simm.s32 $0x18A00;
	s6 =	sadd.s32 s16, s21;
	[smem:$0x7F4] =	sst s22  }
0x42: {  	s15 =	simm.s32 $0x1;
	s21 =	sadd.s32 s8, s13;
	[smem:$0x7E4] =	sst s6  }
0x43: {  	s23 =	sadd.s32 $0x17800, s3;
	s6 =	sadd.s32 s16, s30;
	[smem:$0x7F3] =	sst s21  }
0x44: {  	s24 =	sadd.s32 $0x21600, s4;
	[smem:$0x7EC] =	sst s6;
	s6 =	sadd.s32 s16, s12  }
0x45: {  	s3 =	sadd.s32 $0xAFC8, s2;
	s4 =	sadd.s32 $0xB3B0, s2;
	[smem:$0x7F0] =	sst s6  }
0x46: {  	s17 =	simm.s32 $0xAD80;
	_ =	strace $0x80000047;
	[smem:$0x7F5] =	sst s0  }
0x47: {  	s19 =	simm.s32 $0x12B80;
	s20 =	simm.s32 $0x16A80;
	[smem:$0x7F6] =	sst s23  }
0x48: {  	s31 =	sadd.s32 $0xABE0, s2;
	s8 =	simm.s32 $0x3;
	[smem:$0x7F7] =	sst s24  }
0x49: {  	s10 =	simm.s32 $0x8E00;
	s11 =	simm.s32 $0xCD00;
	[smem:$0x7F8] =	sst s25  }
0x4a: {  	s13 =	simm.s32 $0x14B00;
	s18 =	simm.s32 $0xEC80;
	[smem:$0x7F9] =	sst s26  }
0x4b: {  	s22 =	simm.s32 $0x2780;
	s30 =	sadd.s32 $0xA7F8, s2;
	[smem:$0x7FA] =	sst s28  }
0x4c: {  	s21 =	simm.s32 $0x1A980;
	s12 =	simm.s32 $0x10C00;
	[smem:$0x7FB] =	sst s29  }
0x4d: {  	s16 =	simm.s32 $0x6E80;
	s6 =	sadd.s32 $0xBB80, s2;
	[smem:$0x7FC] =	sst s30  }
0x4e: {  	v0 =	vimm.f32 $0.0e+00;
	[smem:$0x7FD] =	sst s31;
	s23 =	simm.s32 $0x2;
	s24 =	simm.s32 $0x0  }
.LBB2_1:
0x4f: {  	s0 =	sld [smem:$0x7F5];
	_ =	sdelay $0x2  }
0x50: {  	[tilespmem:s1], [sflag:$0x3] =	stream.linear.gather [hbm4b:s0+s1], $0x2710, $0x38;
	[tilespmem:$0x1C980] =	vst v63  }
0x51: {  	_ =	swait.ge [sflag:s8], $0x2710  }
0x52: {  	[sflag:s8] =	ssyncset.done $0x0  }
0x53: {  	s0 =	simm.s32 $0x27C0;
	[sflag:s8] =	ssyncadd.s32 $0xFFFFD8F0  }
0x54: {  	[tilespmem:s0+$0xFFFFFFC0] =	vst v0  }
0x55: {  	[tilespmem:s0+$0x30] =	vst v0  }
0x56: {  	[tilespmem:s0+$0x20] =	vst v0  }
0x57: {  	[tilespmem:s0+$0x10] =	vst v0  }
0x58: {  	[tilespmem:s0+$0x0] =	vst v0  }
0x59: {  	[tilespmem:s0+$0xFFFFFFF0] =	vst v0  }
0x5a: {  	s25 =	simm.s32 $0x0;
	[tilespmem:s0+$0xFFFFFFE0] =	vst v0  }
.LBB2_2:
0x5b: {  	s25 =	sadd.s32 $0x8, s25;
	[tilespmem:s0+$0xFFFFFFD0] =	vst v0;
	s0 =	sadd.s32 $0x80, s0  }
0x5c: {  	[tilespmem:s0+$0xFFFFFFC0] =	vst v0;
	p0 =	slt.u32 s25, $0x268  }
0x5d: {  	[tilespmem:s0+$0x30] =	vst v0  }
.Ltmp0:
0x5e: {  	[tilespmem:s0+$0x20] =	vst v0;
	(pc) =	sbr.rel @p0 .LBB2_2-.Ltmp0, $4  }
0x5f: {  	[tilespmem:s0+$0x10] =	vst v0  }
0x60: {  	[tilespmem:s0+$0x0] =	vst v0  }
0x61: {  	[tilespmem:s0+$0xFFFFFFF0] =	vst v0  }
0x62: {  	[tilespmem:s0+$0xFFFFFFE0] =	vst v0  }
0x63: {  	[tilespmem:s0+$0xFFFFFFD0] =	vst v0;
	v1 =	vimm.f32 $0.0e+00  }
0x64: {  	[tilespmem:$0x4E80] =	vst v1;
	s0 =	sld [smem:$0x7F9]  }
0x65: {  	[tilespmem:s9], [sflag:$0x1] =	stream.linear.gather [hbm4b:s2+s1], $0x1F40, $0x38;
	[tilespmem:$0x1C980] =	vst v63  }
0x66: {  	_ = 	snop  }
0x67: {  	[tilespmem:s10], [sflag:$0x1] =	stream.linear.gather [hbm4b:s0+s1], $0x1F40, $0x38;
	[tilespmem:$0x1C980] =	vst v63  }
0x68: {  	s25 =	rddreg [dreg:$0xf]  }
0x69: {  	[tilespmem:s11], [sflag:$0x1] =	stream.linear.gather [hbm4b:s25+s1], $0x1F40, $0x38;
	[tilespmem:$0x1C980] =	vst v63  }
0x6a: {  	s26 =	rddreg [dreg:$0x10]  }
0x6b: {  	[tilespmem:s12], [sflag:$0x1] =	stream.linear.gather [hbm4b:s26+s1], $0x1F40, $0x38;
	[tilespmem:$0x1C980] =	vst v63  }
0x6c: {  	s25 =	rddreg [dreg:$0x11]  }
0x6d: {  	[tilespmem:s13], [sflag:$0x1] =	stream.linear.gather [hbm4b:s25+s1], $0x1F40, $0x38;
	[tilespmem:$0x1C980] =	vst v63  }
0x6e: {  	s26 =	rddreg [dreg:$0x12]  }
0x6f: {  	[tilespmem:s14], [sflag:$0x1] =	stream.linear.gather [hbm4b:s26+s1], $0x1F40, $0x38;
	[tilespmem:$0x1C980] =	vst v63  }
0x70: {  	_ =	swait.ge [sflag:s15], $0x1F40  }
0x71: {  	[sflag:s15] =	ssyncset.done $0x0  }
0x72: {  	[sflag:s15] =	ssyncadd.s32 $0xFFFFE0C0  }
0x73: {  	_ =	swait.ge [sflag:s15], $0x1F40  }
0x74: {  	[sflag:s15] =	ssyncset.done $0x0  }
0x75: {  	[sflag:s15] =	ssyncadd.s32 $0xFFFFE0C0  }
0x76: {  	_ =	swait.ge [sflag:s15], $0x1F40  }
0x77: {  	[sflag:s15] =	ssyncset.done $0x0  }
0x78: {  	[sflag:s15] =	ssyncadd.s32 $0xFFFFE0C0  }
0x79: {  	_ =	swait.ge [sflag:s15], $0x1F40  }
0x7a: {  	[sflag:s15] =	ssyncset.done $0x0  }
0x7b: {  	[sflag:s15] =	ssyncadd.s32 $0xFFFFE0C0  }
0x7c: {  	_ =	swait.ge [sflag:s15], $0x1F40  }
0x7d: {  	[sflag:s15] =	ssyncset.done $0x0  }
0x7e: {  	[sflag:s15] =	ssyncadd.s32 $0xFFFFE0C0  }
0x7f: {  	_ =	swait.ge [sflag:s15], $0x1F40  }
0x80: {  	[sflag:s15] =	ssyncset.done $0x0;
	s25 =	rddreg [dreg:$0x6]  }
0x81: {  	s26 =	sld [smem:$0x7FA];
	[sflag:s15] =	ssyncadd.s32 $0xFFFFE0C0  }
0x82: {  	[tilespmem:s16], [sflag:$0x2] =	stream.linear.gather [hbm4b:s25+s1], $0x1F40, $0x38;
	[tilespmem:$0x1C980] =	vst v63  }
0x83: {  	_ = 	snop  }
0x84: {  	[tilespmem:s17], [sflag:$0x2] =	stream.linear.gather [hbm4b:s26+s1], $0x1F40, $0x38;
	[tilespmem:$0x1C980] =	vst v63  }
0x85: {  	s25 =	rddreg [dreg:$0x13]  }
0x86: {  	[tilespmem:s18], [sflag:$0x2] =	stream.linear.gather [hbm4b:s25+s1], $0x1F40, $0x38;
	[tilespmem:$0x1C980] =	vst v63  }
0x87: {  	s26 =	rddreg [dreg:$0x14]  }
0x88: {  	[tilespmem:s19], [sflag:$0x2] =	stream.linear.gather [hbm4b:s26+s1], $0x1F40, $0x38;
	[tilespmem:$0x1C980] =	vst v63  }
0x89: {  	s25 =	rddreg [dreg:$0x15]  }
0x8a: {  	[tilespmem:s20], [sflag:$0x2] =	stream.linear.gather [hbm4b:s25+s1], $0x1F40, $0x38;
	[tilespmem:$0x1C980] =	vst v63  }
0x8b: {  	s0 =	simm.s32 $0xCD20;
	s26 =	rddreg [dreg:$0x16]  }
0x8c: {  	[tilespmem:s21], [sflag:$0x2] =	stream.linear.gather [hbm4b:s26+s1], $0x1F40, $0x38;
	[tilespmem:$0x1C980] =	vst v63  }
0x8d: {  	s25 =	simm.s32 $0x10C20;
	v2 =	vld [tilespmem:s0+$0x20]  }
0x8e: {  	v3 =	vld [tilespmem:s25+$0x20]  }
0x8f: {  	v4 =	vld [tilespmem:s0+$0x10]  }
0x90: {  	s26 =	simm.s32 $0x4F20;
	v5 =	vld [tilespmem:s25+$0x10]  }
0x91: {  	v10 =	vld [tilespmem:s26+$0x20]  }
0x92: {  	v11 =	vld [tilespmem:s26+$0x10]  }
0x93: {  	s28 =	simm.s32 $0x8E20;
	v16 =	vld [tilespmem:s26+$0x0]  }
0x94: {  	v17 =	vld [tilespmem:s28+$0x20]  }
0x95: {  	v18 =	vld [tilespmem:s26+$0xFFFFFFF0]  }
0x96: {  	v19 =	vld [tilespmem:s28+$0x10]  }
0x97: {  	v20 =	vld [tilespmem:s26+$0xFFFFFFE0]  }
0x98: {  	v21 =	vld [tilespmem:s28+$0x0]  }
0x99: {  	v22 =	vld [tilespmem:s28+$0xFFFFFFF0]  }
0x9a: {  	v23 =	vld [tilespmem:s28+$0xFFFFFFE0]  }
0x9b: {  	v6 =	vld.idx.msk [tilespmem:v10+s1+$0x0], $0xffff  }
0x9c: {  	v7 =	vld.idx.msk [tilespmem:v11+s1+$0x0], $0xffff  }
0x9d: {  	v9 =	vld.idx.msk [tilespmem:v17+s1+$0x0], $0xffff  }
0x9e: {  	v12 =	vld.idx.msk [tilespmem:v18+s1+$0x0], $0xffff  }
0x9f: {  	v13 =	vld.idx.msk [tilespmem:v19+s1+$0x0], $0xffff  }
0xa0: {  	v14 =	vld.idx.msk [tilespmem:v20+s1+$0x0], $0xffff  }
0xa1: {  	v25 =	vld.idx.msk [tilespmem:v21+s1+$0x0], $0xffff  }
0xa2: {  	v30 =	vld.idx.msk [tilespmem:v22+s1+$0x0], $0xffff;
	v24 =	vand.u32 $0xFFFF0000, v6;
	v26 =	vand.u32 $0xFFFF0000, v7  }
0xa3: {  	v35 =	vld.idx.msk [tilespmem:v23+s1+$0x0], $0xffff;
	v27 =	vshll.u32 v7, $0x10;
	v6 =	vshll.u32 v6, $0x10;
	v29 =	vand.u32 $0xFFFF0000, v9  }
0xa4: {  	v15 =	vld [tilespmem:s0+$0x0];
	v31 =	vand.u32 $0xFFFF0000, v12;
	v32 =	vshll.u32 v12, $0x10;
	v9 =	vshll.u32 v9, $0x10  }
0xa5: {  	v33 =	vld [tilespmem:s0+$0xFFFFFFF0];
	v12 =	vand.u32 $0xFFFF0000, v13;
	v13 =	vshll.u32 v13, $0x10;
	v36 =	vand.u32 $0xFFFF0000, v14  }
0xa6: {  	v42 =	vld [tilespmem:s25+$0xFFFFFFE0];
	v38 =	vshll.u32 v14, $0x10;
	v40 =	vand.u32 $0xFFFF0000, v25;
	v34 =	vmul.f32 v29, v2  }
0xa7: {  	v8 =	vld.idx.msk [tilespmem:v16+s1+$0x0], $0xffff;
	v43 =	vand.u32 $0xFFFF0000, v30;
	v37 =	vmul.f32 v9, v3;
	v9 =	vmul.f32 v9, v2  }
0xa8: {  	v7 =	vld [tilespmem:s25+$0x0];
	v53 =	vand.u32 $0xFFFF0000, v35;
	v39 =	vmul.f32 v12, v4;
	v3 =	vmul.f32 v29, v3  }
0xa9: {  	v35 =	vshll.u32 v35, $0x10;
	v2 =	vld [tilespmem:s25+$0xFFFFFFF0];
	v41 =	vmul.f32 v13, v5;
	v4 =	vmul.f32 v13, v4  }
0xaa: {  	v29 =	vld [tilespmem:s0+$0xFFFFFFE0];
	v13 =	vshll.u32 v25, $0x10;
	v25 =	vmul.f32 v40, v15;
	v5 =	vmul.f32 v12, v5;
	s0 =	simm.s32 $0xCD70  }
0xab: {  	s25 =	simm.s32 $0x10C70;
	v48 =	vmul.f32 v35, v42;
	v56 =	vmul.f32 v53, v42;
	v12 =	vld [tilespmem:s0+$0x20];
	v34 =	vsub.f32 v34, v37  }
0xac: {  	v45 =	vmul.f32 v13, v15;
	v14 =	vld [tilespmem:s25+$0x20];
	v9 =	vadd.f32 v3, v9;
	v54 =	vsub.f32 v39, v41  }
0xad: {  	s29 =	simm.s32 $0x4F70;
	v15 =	vld [tilespmem:s0+$0x10];
	v44 =	vmul.f32 v13, v7;
	v13 =	vshll.u32 v30, $0x10;
	v30 =	vmul.f32 v43, v33  }
0xae: {  	v3 =	vld [tilespmem:s29+$0x10];
	v55 =	vadd.f32 v5, v4;
	v7 =	vmul.f32 v40, v7;
	v24 =	vmul.f32 v24, v34  }
0xaf: {  	s30 =	simm.s32 $0x8E70;
	v5 =	vld [tilespmem:s29+$0x0];
	v26 =	vmul.f32 v26, v54;
	v59 =	vmul.f32 v6, v9  }
0xb0: {  	v4 =	vld [tilespmem:s30+$0x20];
	v27 =	vmul.f32 v27, v55;
	v46 =	vmul.f32 v13, v2  }
0xb1: {  	v28 =	vand.u32 $0xFFFF0000, v8;
	v6 =	vld [tilespmem:s30+$0x10];
	v33 =	vmul.f32 v13, v33;
	v47 =	vmul.f32 v53, v29  }
0xb2: {  	v9 =	vld [tilespmem:s29+$0xFFFFFFE0];
	v43 =	vmul.f32 v43, v2;
	v25 =	vsub.f32 v25, v44;
	v57 =	vadd.f32 v7, v45  }
0xb3: {  	v13 =	vld [tilespmem:s25+$0x10];
	v29 =	vmul.f32 v35, v29;
	v24 =	vadd.f32 v59, v24;
	v26 =	vadd.f32 v27, v26  }
0xb4: {  	v8 =	vshll.u32 v8, $0x10;
	v2 =	vld [tilespmem:s29+$0x20];
	v30 =	vsub.f32 v30, v46;
	v33 =	vadd.f32 v43, v33  }
0xb5: {  	v7 =	vld [tilespmem:s29+$0xFFFFFFF0];
	v58 =	vsub.f32 v47, v48;
	v29 =	vadd.f32 v56, v29;
	v25 =	vmul.f32 v28, v25  }
0xb6: {  	[tilespmem:v10+s22+$0x0] =	vst.idx.add.f32.msk $0xffff, v24;
	v28 =	vmul.f32 v31, v30;
	v30 =	vmul.f32 v8, v57  }
0xb7: {  	[tilespmem:v11+s22+$0x0] =	vst.idx.add.f32.msk $0xffff, v26;
	v32 =	vmul.f32 v32, v33  }
0xb8: {  	v8 =	vld [tilespmem:s30+$0x0];
	v31 =	vmul.f32 v36, v58;
	v27 =	vmul.f32 v38, v29;
	v25 =	vadd.f32 v30, v25  }
0xb9: {  	v10 =	vadd.f32 v32, v28;
	v28 =	vld.idx.msk [tilespmem:v6+s1+$0x0], $0xffff  }
0xba: {  	v11 =	vadd.f32 v27, v31;
	[tilespmem:v16+s22+$0x0] =	vst.idx.add.f32.msk $0xffff, v25  }
0xbb: {  	[tilespmem:v18+s22+$0x0] =	vst.idx.add.f32.msk $0xffff, v10  }
0xbc: {  	[tilespmem:v20+s22+$0x0] =	vst.idx.add.f32.msk $0xffff, v11  }
0xbd: {  	v16 =	vsub.f32 $0.0e+00, v24;
	v24 =	vld.idx.msk [tilespmem:v4+s1+$0x0], $0xffff  }
0xbe: {  	v18 =	vsub.f32 $0.0e+00, v26;
	v26 =	vld [tilespmem:s0+$0x0]  }
0xbf: {  	v20 =	vsub.f32 $0.0e+00, v25;
	v25 =	vld.idx.msk [tilespmem:v7+s1+$0x0], $0xffff  }
0xc0: {  	[tilespmem:v17+s22+$0x0] =	vst.idx.add.f32.msk $0xffff, v16  }
0xc1: {  	v10 =	vsub.f32 $0.0e+00, v10;
	[tilespmem:v19+s22+$0x0] =	vst.idx.add.f32.msk $0xffff, v18  }
0xc2: {  	v11 =	vsub.f32 $0.0e+00, v11;
	[tilespmem:v21+s22+$0x0] =	vst.idx.add.f32.msk $0xffff, v20  }
0xc3: {  	[tilespmem:v22+s22+$0x0] =	vst.idx.add.f32.msk $0xffff, v10  }
0xc4: {  	s26 =	simm.s32 $0x14B20;
	[tilespmem:v23+s22+$0x0] =	vst.idx.add.f32.msk $0xffff, v11  }
0xc5: {  	s28 =	simm.s32 $0x18A20;
	v10 =	vld [tilespmem:s26+$0xFFFFFFE0]  }
0xc6: {  	v11 =	vld [tilespmem:s28+$0xFFFFFFE0]  }
0xc7: {  	v16 =	vld [tilespmem:s26+$0xFFFFFFF0]  }
0xc8: {  	v17 =	vld [tilespmem:s28+$0xFFFFFFF0]  }
0xc9: {  	v18 =	vld [tilespmem:s26+$0x0]  }
0xca: {  	v19 =	vld [tilespmem:s28+$0x0]  }
0xcb: {  	v20 =	vld [tilespmem:s26+$0x10]  }
0xcc: {  	v21 =	vld [tilespmem:s28+$0x10];
	v10 =	vsub.f32 v10, v11  }
0xcd: {  	v22 =	vld [tilespmem:s28+$0x20]  }
0xce: {  	v60 =	vld.idx.msk [tilespmem:v8+s1+$0x0], $0xffff;
	v11 =	vsub.f32 v16, v17;
	v10 =	vmax.f32 v10, $0.0e+00  }
0xcf: {  	v62 =	vand.u32 $0xFFFF0000, v28;
	v63 =	vshll.u32 v28, $0x10;
	v16 =	vld [tilespmem:s26+$0x20];
	v17 =	vmul.f32 v10, v10  }
0xd0: {  	v61 =	vand.u32 $0xFFFF0000, v24;
	v18 =	vsub.f32 v18, v19;
	v23 =	vmax.f32 v11, $0.0e+00;
	v10 =	vld [tilespmem:s30+$0xFFFFFFF0]  }
0xd1: {  	v19 =	vsub.f32 v20, v21;
	v21 =	vld.idx.msk [tilespmem:v3+s1+$0x0], $0xffff;
	v1 =	vadd.f32 v17, v1;
	v17 =	vmul.f32 v23, v23  }
0xd2: {  	v37 =	vmul.f32 v63, v13;
	v38 =	vmul.f32 v63, v15;
	v11 =	vld [tilespmem:s30+$0xFFFFFFE0];
	v18 =	vmax.f32 v18, $0.0e+00  }
0xd3: {  	v42 =	vmul.f32 v62, v13;
	v23 =	vld.idx.msk [tilespmem:v2+s1+$0x0], $0xffff;
	v1 =	vadd.f32 v17, v1;
	v17 =	vmul.f32 v18, v18  }
0xd4: {  	v28 =	vmul.f32 v61, v12;
	v19 =	vmax.f32 v19, $0.0e+00;
	v16 =	vsub.f32 v16, v22;
	v18 =	vld.idx.msk [tilespmem:v5+s1+$0x0], $0xffff  }
0xd5: {  	v40 =	vld [tilespmem:s25+$0xFFFFFFF0];
	v43 =	vand.u32 $0xFFFF0000, v60;
	v1 =	vadd.f32 v17, v1;
	v17 =	vmul.f32 v19, v19  }
0xd6: {  	v31 =	vld.idx.msk [tilespmem:v9+s1+$0x0], $0xffff;
	v36 =	vmul.f32 v61, v14;
	v41 =	vmul.f32 v43, v26;
	v16 =	vmax.f32 v16, $0.0e+00  }
0xd7: {  	v27 =	vld [tilespmem:s25+$0x0];
	v20 =	vand.u32 $0xFFFF0000, v21;
	v16 =	vmul.f32 v16, v16;
	v1 =	vadd.f32 v17, v1  }
0xd8: {  	v19 =	vand.u32 $0xFFFF0000, v23;
	v22 =	vshll.u32 v23, $0x10;
	v23 =	vand.u32 $0xFFFF0000, v25;
	v33 =	vld.idx.msk [tilespmem:v10+s1+$0x0], $0xffff  }
0xd9: {  	v32 =	vld [tilespmem:s0+$0xFFFFFFF0];
	v17 =	vshll.u32 v18, $0x10;
	v1 =	vadd.f32 v16, v1;
	v16 =	vshll.u32 v21, $0x10  }
0xda: {  	v34 =	vld.idx.msk [tilespmem:v11+s1+$0x0], $0xffff;
	v21 =	vand.u32 $0xFFFF0000, v18;
	v18 =	vshll.u32 v25, $0x10;
	v25 =	vshll.u32 v24, $0x10  }
0xdb: {  	v35 =	vld [tilespmem:s0+$0xFFFFFFE0];
	v24 =	vand.u32 $0xFFFF0000, v31;
	v29 =	vmul.f32 v25, v14;
	v30 =	vmul.f32 v25, v12  }
0xdc: {  	s31 =	simm.s32 $0x5;
	v39 =	vld [tilespmem:s25+$0xFFFFFFE0];
	s0 =	simm.s32 $0xCDC0;
	v25 =	vshll.u32 v31, $0x10;
	v31 =	vmul.f32 v62, v15;
	v15 =	vshll.u32 v60, $0x10  }
.LBB2_4:
0xdd: {  	v14 =	vld [tilespmem:s0+$0x20];
	v44 =	vand.u32 $0xFFFF0000, v33;
	v45 =	vmul.f32 v15, v27;
	v26 =	vmul.f32 v15, v26;
	s25 =	sadd.s32 $0x50, s25  }
0xde: {  	v12 =	vshll.u32 v33, $0x10;
	v27 =	vmul.f32 v43, v27;
	v15 =	vld [tilespmem:s25+$0x20];
	v33 =	vmul.f32 v44, v32  }
0xdf: {  	v43 =	vand.u32 $0xFFFF0000, v34;
	v32 =	vmul.f32 v12, v32;
	v13 =	vld [tilespmem:s0+$0x10];
	v46 =	vmul.f32 v12, v40  }
0xe0: {  	s29 =	sadd.s32 $0x50, s29;
	v34 =	vshll.u32 v34, $0x10;
	v40 =	vmul.f32 v44, v40;
	v12 =	vld [tilespmem:s25+$0x10];
	v47 =	vmul.f32 v43, v35  }
0xe1: {  	v28 =	vsub.f32 v28, v29;
	v29 =	vadd.f32 v36, v30;
	v44 =	vld [tilespmem:s29+$0x20];
	v48 =	vmul.f32 v34, v39  }
0xe2: {  	v31 =	vsub.f32 v31, v37;
	v34 =	vmul.f32 v34, v35;
	v35 =	vadd.f32 v42, v38;
	v30 =	vld [tilespmem:s29+$0x10]  }
0xe3: {  	s30 =	sadd.s32 $0x50, s30;
	v26 =	vadd.f32 v27, v26;
	v37 =	vmul.f32 v43, v39;
	v38 =	vsub.f32 v41, v45;
	v36 =	vld [tilespmem:s29+$0x0]  }
0xe4: {  	v19 =	vmul.f32 v19, v28;
	v33 =	vsub.f32 v33, v46;
	v32 =	vadd.f32 v40, v32;
	v27 =	vld [tilespmem:s30+$0x20]  }
0xe5: {  	v20 =	vmul.f32 v20, v31;
	v22 =	vmul.f32 v22, v29;
	v39 =	vsub.f32 v47, v48;
	v28 =	vld [tilespmem:s29+$0xFFFFFFF0]  }
0xe6: {  	v31 =	vadd.f32 v37, v34;
	v21 =	vmul.f32 v21, v38;
	v16 =	vmul.f32 v16, v35;
	v29 =	vld [tilespmem:s30+$0x10]  }
0xe7: {  	v17 =	vmul.f32 v17, v26;
	v19 =	vadd.f32 v22, v19;
	v23 =	vmul.f32 v23, v33;
	v34 =	vld [tilespmem:s29+$0xFFFFFFE0]  }
0xe8: {  	v18 =	vmul.f32 v18, v32;
	v24 =	vmul.f32 v24, v39;
	v16 =	vadd.f32 v16, v20;
	v22 =	vld [tilespmem:s30+$0x0]  }
0xe9: {  	v20 =	vmul.f32 v25, v31;
	v17 =	vadd.f32 v17, v21;
	[tilespmem:v2+s22+$0x0] =	vst.idx.add.f32.msk $0xffff, v19;
	v2 =	vmov v44  }
0xea: {  	v18 =	vadd.f32 v18, v23;
	[tilespmem:v3+s22+$0x0] =	vst.idx.add.f32.msk $0xffff, v16;
	v3 =	vmov v30  }
0xeb: {  	v20 =	vadd.f32 v20, v24;
	[tilespmem:v5+s22+$0x0] =	vst.idx.add.f32.msk $0xffff, v17;
	v5 =	vmov v36  }
0xec: {  	v19 =	vsub.f32 $0.0e+00, v19;
	[tilespmem:v7+s22+$0x0] =	vst.idx.add.f32.msk $0xffff, v18;
	v7 =	vmov v28  }
0xed: {  	v16 =	vsub.f32 $0.0e+00, v16;
	[tilespmem:v9+s22+$0x0] =	vst.idx.add.f32.msk $0xffff, v20;
	v9 =	vmov v34  }
0xee: {  	v17 =	vsub.f32 $0.0e+00, v17;
	[tilespmem:v4+s22+$0x0] =	vst.idx.add.f32.msk $0xffff, v19;
	v4 =	vmov v27  }
0xef: {  	v18 =	vsub.f32 $0.0e+00, v18;
	[tilespmem:v6+s22+$0x0] =	vst.idx.add.f32.msk $0xffff, v16;
	v6 =	vmov v29  }
0xf0: {  	v16 =	vsub.f32 $0.0e+00, v20;
	[tilespmem:v8+s22+$0x0] =	vst.idx.add.f32.msk $0xffff, v17;
	v8 =	vmov v22  }
0xf1: {  	[tilespmem:v10+s22+$0x0] =	vst.idx.add.f32.msk $0xffff, v18  }
0xf2: {  	s26 =	sadd.s32 $0x50, s26;
	[tilespmem:v11+s22+$0x0] =	vst.idx.add.f32.msk $0xffff, v16  }
0xf3: {  	s28 =	sadd.s32 $0x50, s28;
	v10 =	vld [tilespmem:s26+$0xFFFFFFE0]  }
0xf4: {  	v11 =	vld [tilespmem:s28+$0xFFFFFFE0]  }
0xf5: {  	v16 =	vld [tilespmem:s26+$0xFFFFFFF0]  }
0xf6: {  	v17 =	vld [tilespmem:s28+$0xFFFFFFF0]  }
0xf7: {  	v18 =	vld [tilespmem:s26+$0x0]  }
0xf8: {  	v19 =	vld [tilespmem:s28+$0x0]  }
0xf9: {  	v10 =	vsub.f32 v10, v11;
	v20 =	vld [tilespmem:s26+$0x10]  }
0xfa: {  	v21 =	vld [tilespmem:s28+$0x10]  }
0xfb: {  	v10 =	vmax.f32 v10, $0.0e+00;
	v11 =	vsub.f32 v16, v17;
	v16 =	vld [tilespmem:s26+$0x20]  }
0xfc: {  	v17 =	vmul.f32 v10, v10;
	v22 =	vld [tilespmem:s28+$0x20]  }
0xfd: {  	v10 =	vld [tilespmem:s30+$0xFFFFFFF0];
	v23 =	vmax.f32 v11, $0.0e+00;
	v18 =	vsub.f32 v18, v19  }
0xfe: {  	v11 =	vld [tilespmem:s30+$0xFFFFFFE0];
	v1 =	vadd.f32 v17, v1;
	v17 =	vmul.f32 v23, v23  }
0xff: {  	v23 =	vld.idx.msk [tilespmem:v2+s1+$0x0], $0xffff;
	v18 =	vmax.f32 v18, $0.0e+00;
	v19 =	vsub.f32 v20, v21  }
0x100: {  	v21 =	vld.idx.msk [tilespmem:v3+s1+$0x0], $0xffff;
	v1 =	vadd.f32 v17, v1;
	v17 =	vmul.f32 v18, v18  }
0x101: {  	v18 =	vld.idx.msk [tilespmem:v5+s1+$0x0], $0xffff;
	v19 =	vmax.f32 v19, $0.0e+00;
	v16 =	vsub.f32 v16, v22  }
0x102: {  	v24 =	vld.idx.msk [tilespmem:v4+s1+$0x0], $0xffff;
	v1 =	vadd.f32 v17, v1;
	v17 =	vmul.f32 v19, v19  }
0x103: {  	v25 =	vld.idx.msk [tilespmem:v7+s1+$0x0], $0xffff;
	v16 =	vmax.f32 v16, $0.0e+00  }
0x104: {  	v28 =	vld.idx.msk [tilespmem:v6+s1+$0x0], $0xffff;
	v1 =	vadd.f32 v17, v1;
	v16 =	vmul.f32 v16, v16  }
0x105: {  	v31 =	vld.idx.msk [tilespmem:v9+s1+$0x0], $0xffff  }
0x106: {  	v19 =	vand.u32 $0xFFFF0000, v23;
	v26 =	vld [tilespmem:s0+$0x0];
	v1 =	vadd.f32 v16, v1  }
0x107: {  	v22 =	vshll.u32 v23, $0x10;
	v20 =	vand.u32 $0xFFFF0000, v21;
	v16 =	vshll.u32 v21, $0x10;
	v41 =	vld.idx.msk [tilespmem:v8+s1+$0x0], $0xffff  }
0x108: {  	s31 =	sadd.s32 $0x5, s31;
	v21 =	vand.u32 $0xFFFF0000, v18;
	v17 =	vshll.u32 v18, $0x10;
	v35 =	vand.u32 $0xFFFF0000, v24;
	v27 =	vld [tilespmem:s25+$0x0]  }
0x109: {  	p0 =	slt.u32 s31, $0x1EF;
	v23 =	vand.u32 $0xFFFF0000, v25;
	v18 =	vshll.u32 v25, $0x10;
	v25 =	vshll.u32 v24, $0x10;
	v33 =	vld.idx.msk [tilespmem:v10+s1+$0x0], $0xffff  }
.Ltmp1:
0x10a: {  	v42 =	vand.u32 $0xFFFF0000, v28;
	v38 =	vshll.u32 v28, $0x10;
	v28 =	vmul.f32 v35, v14;
	v32 =	vld [tilespmem:s0+$0xFFFFFFF0];
	(pc) =	sbr.rel @p0 .LBB2_4-.Ltmp1, $4  }
0x10b: {  	v29 =	vmul.f32 v25, v15;
	v30 =	vmul.f32 v25, v14;
	v24 =	vand.u32 $0xFFFF0000, v31;
	v34 =	vld.idx.msk [tilespmem:v11+s1+$0x0], $0xffff  }
0x10c: {  	v36 =	vmul.f32 v35, v15;
	v25 =	vshll.u32 v31, $0x10;
	v31 =	vmul.f32 v42, v13;
	v40 =	vld [tilespmem:s25+$0xFFFFFFF0]  }
0x10d: {  	v37 =	vmul.f32 v38, v12;
	v38 =	vmul.f32 v38, v13;
	v43 =	vand.u32 $0xFFFF0000, v41;
	v35 =	vld [tilespmem:s0+$0xFFFFFFE0]  }
0x10e: {  	v42 =	vmul.f32 v42, v12;
	v15 =	vshll.u32 v41, $0x10;
	v41 =	vmul.f32 v43, v26;
	s0 =	sadd.s32 $0x50, s0;
	v39 =	vld [tilespmem:s25+$0xFFFFFFE0]  }
0x10f: {  	v12 =	vand.u32 $0xFFFF0000, v33;
	v13 =	vmul.f32 v15, v27  }
0x110: {  	v14 =	vmul.f32 v15, v26;
	v15 =	vshll.u32 v33, $0x10;
	v28 =	vsub.f32 v28, v29  }
0x111: {  	v27 =	vmul.f32 v43, v27;
	v29 =	vadd.f32 v36, v30;
	v31 =	vsub.f32 v31, v37  }
0x112: {  	v26 =	vmul.f32 v12, v32;
	v55 =	vand.u32 $0xFFFF0000, v34;
	v56 =	vmul.f32 v15, v40  }
0x113: {  	v57 =	vshll.u32 v34, $0x10;
	v15 =	vmul.f32 v15, v32;
	v12 =	vmul.f32 v12, v40  }
0x114: {  	v60 =	vadd.f32 v42, v38;
	v20 =	vmul.f32 v20, v31;
	v22 =	vmul.f32 v22, v29  }
0x115: {  	v13 =	vsub.f32 v41, v13;
	v58 =	vmul.f32 v55, v35;
	v30 =	vmul.f32 v57, v35  }
0x116: {  	v14 =	vadd.f32 v27, v14;
	v16 =	vmul.f32 v16, v60;
	v59 =	vmul.f32 v57, v39  }
0x117: {  	v33 =	vmul.f32 v55, v39;
	v26 =	vsub.f32 v26, v56;
	v12 =	vadd.f32 v12, v15  }
0x118: {  	v15 =	vmul.f32 v19, v28;
	v13 =	vmul.f32 v21, v13;
	v16 =	vadd.f32 v16, v20  }
0x119: {  	v14 =	vmul.f32 v17, v14;
	v19 =	vsub.f32 v58, v59;
	v27 =	vadd.f32 v33, v30  }
0x11a: {  	v21 =	vmul.f32 v23, v26;
	v15 =	vadd.f32 v22, v15;
	v12 =	vmul.f32 v18, v12  }
0x11b: {  	v13 =	vadd.f32 v14, v13;
	[tilespmem:v3+s22+$0x0] =	vst.idx.add.f32.msk $0xffff, v16;
	v17 =	vmul.f32 v24, v19  }
0x11c: {  	v18 =	vmul.f32 v25, v27;
	[tilespmem:v2+s22+$0x0] =	vst.idx.add.f32.msk $0xffff, v15;
	v2 =	vadd.f32 v12, v21  }
0x11d: {  	[tilespmem:v5+s22+$0x0] =	vst.idx.add.f32.msk $0xffff, v13;
	v5 =	vsub.f32 $0.0e+00, v15  }
0x11e: {  	v3 =	vadd.f32 v18, v17;
	[tilespmem:v7+s22+$0x0] =	vst.idx.add.f32.msk $0xffff, v2  }
0x11f: {  	v7 =	vsub.f32 $0.0e+00, v16;
	[tilespmem:v4+s22+$0x0] =	vst.idx.add.f32.msk $0xffff, v5  }
0x120: {  	v2 =	vsub.f32 $0.0e+00, v2;
	[tilespmem:v9+s22+$0x0] =	vst.idx.add.f32.msk $0xffff, v3  }
0x121: {  	[tilespmem:v6+s22+$0x0] =	vst.idx.add.f32.msk $0xffff, v7  }
0x122: {  	s0 =	sadd.s32 $0x50, s26;
	[tilespmem:v10+s22+$0x0] =	vst.idx.add.f32.msk $0xffff, v2  }
0x123: {  	v10 =	vld [tilespmem:s0+$0x20]  }
0x124: {  	s25 =	sadd.s32 $0x50, s28;
	v16 =	vld [tilespmem:s0+$0xFFFFFFF0]  }
0x125: {  	v17 =	vld [tilespmem:s25+$0xFFFFFFF0]  }
0x126: {  	v9 =	vsub.f32 $0.0e+00, v13;
	v12 =	vld [tilespmem:s0+$0x10]  }
0x127: {  	v3 =	vsub.f32 $0.0e+00, v3;
	v13 =	vld [tilespmem:s25+$0x10]  }
0x128: {  	[tilespmem:v8+s22+$0x0] =	vst.idx.add.f32.msk $0xffff, v9  }
0x129: {  	[tilespmem:v11+s22+$0x0] =	vst.idx.add.f32.msk $0xffff, v3  }
0x12a: {  	v11 =	vld [tilespmem:s25+$0x20]  }
0x12b: {  	v18 =	vld [tilespmem:s0+$0xFFFFFFE0]  }
0x12c: {  	v19 =	vld [tilespmem:s25+$0xFFFFFFE0]  }
0x12d: {  	v14 =	vld [tilespmem:s0+$0x0]  }
0x12e: {  	v15 =	vld [tilespmem:s25+$0x0];
	_ =	swait.ge [sflag:s23], $0x1F40  }
0x12f: {  	[sflag:s23] =	ssyncset.done $0x0  }
0x130: {  	[sflag:s23] =	ssyncadd.s32 $0xFFFFE0C0  }
0x131: {  	_ =	swait.ge [sflag:s23], $0x1F40  }
0x132: {  	[sflag:s23] =	ssyncset.done $0x0  }
0x133: {  	[sflag:s23] =	ssyncadd.s32 $0xFFFFE0C0  }
0x134: {  	_ =	swait.ge [sflag:s23], $0x1F40  }
0x135: {  	[sflag:s23] =	ssyncset.done $0x0  }
0x136: {  	[sflag:s23] =	ssyncadd.s32 $0xFFFFE0C0  }
0x137: {  	_ =	swait.ge [sflag:s23], $0x1F40  }
0x138: {  	[sflag:s23] =	ssyncset.done $0x0  }
0x139: {  	[sflag:s23] =	ssyncadd.s32 $0xFFFFE0C0  }
0x13a: {  	_ =	swait.ge [sflag:s23], $0x1F40  }
0x13b: {  	[sflag:s23] =	ssyncset.done $0x0  }
0x13c: {  	[sflag:s23] =	ssyncadd.s32 $0xFFFFE0C0  }
0x13d: {  	_ =	swait.ge [sflag:s23], $0x1F40  }
0x13e: {  	[sflag:s23] =	ssyncset.done $0x0;
	s25 =	rddreg [dreg:$0x7]  }
0x13f: {  	s26 =	sld [smem:$0x7FB];
	[sflag:s23] =	ssyncadd.s32 $0xFFFFE0C0  }
0x140: {  	[tilespmem:s9], [sflag:$0x1] =	stream.linear.gather [hbm4b:s25+s1], $0x1F40, $0x38;
	[tilespmem:$0x1C980] =	vst v63  }
0x141: {  	_ = 	snop  }
0x142: {  	[tilespmem:s10], [sflag:$0x1] =	stream.linear.gather [hbm4b:s26+s1], $0x1F40, $0x38;
	[tilespmem:$0x1C980] =	vst v63  }
0x143: {  	s25 =	rddreg [dreg:$0x17]  }
0x144: {  	[tilespmem:s11], [sflag:$0x1] =	stream.linear.gather [hbm4b:s25+s1], $0x1F40, $0x38;
	[tilespmem:$0x1C980] =	vst v63  }
0x145: {  	s26 =	rddreg [dreg:$0x18]  }
0x146: {  	[tilespmem:s12], [sflag:$0x1] =	stream.linear.gather [hbm4b:s26+s1], $0x1F40, $0x38;
	[tilespmem:$0x1C980] =	vst v63  }
0x147: {  	s25 =	rddreg [dreg:$0x19]  }
0x148: {  	[tilespmem:s13], [sflag:$0x1] =	stream.linear.gather [hbm4b:s25+s1], $0x1F40, $0x38;
	[tilespmem:$0x1C980] =	vst v63  }
0x149: {  	s0 =	simm.s32 $0xECA0;
	s26 =	rddreg [dreg:$0x1a]  }
0x14a: {  	[tilespmem:s14], [sflag:$0x1] =	stream.linear.gather [hbm4b:s26+s1], $0x1F40, $0x38;
	[tilespmem:$0x1C980] =	vst v63  }
0x14b: {  	s25 =	simm.s32 $0x12BA0;
	v2 =	vld [tilespmem:s0+$0x20]  }
0x14c: {  	v3 =	vld [tilespmem:s25+$0x20]  }
0x14d: {  	v4 =	vld [tilespmem:s0+$0x10]  }
0x14e: {  	s26 =	simm.s32 $0x6EA0;
	v5 =	vld [tilespmem:s25+$0x10]  }
0x14f: {  	v24 =	vld [tilespmem:s26+$0x20]  }
0x150: {  	v25 =	vld [tilespmem:s26+$0x10]  }
0x151: {  	s28 =	simm.s32 $0xADA0;
	v26 =	vld [tilespmem:s26+$0x0]  }
0x152: {  	v27 =	vld [tilespmem:s28+$0x20]  }
0x153: {  	v28 =	vld [tilespmem:s26+$0xFFFFFFF0]  }
0x154: {  	v18 =	vsub.f32 v18, v19;
	v29 =	vld [tilespmem:s28+$0x10]  }
0x155: {  	v30 =	vld [tilespmem:s26+$0xFFFFFFE0]  }
0x156: {  	v16 =	vsub.f32 v16, v17;
	v18 =	vmax.f32 v18, $0.0e+00;
	v31 =	vld [tilespmem:s28+$0x0]  }
0x157: {  	v17 =	vmul.f32 v18, v18;
	v32 =	vld [tilespmem:s28+$0xFFFFFFF0]  }
0x158: {  	v16 =	vmax.f32 v16, $0.0e+00;
	v14 =	vsub.f32 v14, v15;
	v33 =	vld [tilespmem:s28+$0xFFFFFFE0]  }
0x159: {  	v16 =	vmul.f32 v16, v16;
	v1 =	vadd.f32 v17, v1;
	v21 =	vld [tilespmem:s0+$0x0]  }
0x15a: {  	v12 =	vsub.f32 v12, v13;
	v14 =	vmax.f32 v14, $0.0e+00;
	v23 =	vld [tilespmem:s25+$0x0]  }
0x15b: {  	v14 =	vmul.f32 v14, v14;
	v1 =	vadd.f32 v16, v1;
	v54 =	vld [tilespmem:s0+$0xFFFFFFF0]  }
0x15c: {  	v10 =	vsub.f32 v10, v11;
	v12 =	vmax.f32 v12, $0.0e+00;
	v48 =	vld [tilespmem:s25+$0xFFFFFFE0]  }
0x15d: {  	v12 =	vmul.f32 v12, v12;
	v1 =	vadd.f32 v14, v1;
	v6 =	vld.idx.msk [tilespmem:v24+s1+$0x0], $0xffff  }
0x15e: {  	v10 =	vmax.f32 v10, $0.0e+00;
	v8 =	vld.idx.msk [tilespmem:v27+s1+$0x0], $0xffff  }
0x15f: {  	v10 =	vmul.f32 v10, v10;
	v1 =	vadd.f32 v12, v1;
	v20 =	vld.idx.msk [tilespmem:v29+s1+$0x0], $0xffff  }
0x160: {  	s30 =	simm.s32 $0xADF0;
	v22 =	vld.idx.msk [tilespmem:v31+s1+$0x0], $0xffff  }
0x161: {  	v1 =	vadd.f32 v10, v1;
	v10 =	vld [tilespmem:s30+$0xFFFFFFF0]  }
0x162: {  	v7 =	vld.idx.msk [tilespmem:v25+s1+$0x0], $0xffff  }
0x163: {  	v62 =	vld.idx.msk [tilespmem:v32+s1+$0x0], $0xffff;
	v61 =	vand.u32 $0xFFFF0000, v8  }
0x164: {  	v9 =	vld.idx.msk [tilespmem:v26+s1+$0x0], $0xffff;
	v35 =	vand.u32 $0xFFFF0000, v6;
	v8 =	vshll.u32 v8, $0x10;
	v55 =	vand.u32 $0xFFFF0000, v20  }
0x165: {  	v58 =	vld.idx.msk [tilespmem:v28+s1+$0x0], $0xffff;
	v59 =	vand.u32 $0xFFFF0000, v22;
	v63 =	vmul.f32 v61, v2;
	v56 =	vmul.f32 v8, v3  }
0x166: {  	v49 =	vld.idx.msk [tilespmem:v30+s1+$0x0], $0xffff;
	v22 =	vshll.u32 v22, $0x10;
	v2 =	vmul.f32 v8, v2;
	v57 =	vmul.f32 v55, v4  }
0x167: {  	v8 =	vshll.u32 v20, $0x10;
	v20 =	vld [tilespmem:s25+$0xFFFFFFF0];
	v3 =	vmul.f32 v61, v3;
	v44 =	vmul.f32 v59, v21  }
0x168: {  	v45 =	vand.u32 $0xFFFF0000, v62;
	v61 =	vld [tilespmem:s0+$0xFFFFFFE0];
	v46 =	vmul.f32 v22, v23;
	v47 =	vmul.f32 v22, v21  }
0x169: {  	v50 =	vand.u32 $0xFFFF0000, v7;
	s0 =	simm.s32 $0xECF0;
	v60 =	vmul.f32 v8, v5;
	v4 =	vmul.f32 v8, v4;
	v8 =	vld.idx.msk [tilespmem:v33+s1+$0x0], $0xffff  }
0x16a: {  	v21 =	vshll.u32 v62, $0x10;
	v62 =	vmul.f32 v45, v54;
	v42 =	vmul.f32 v59, v23;
	s25 =	simm.s32 $0x12BF0;
	v22 =	vld [tilespmem:s0+$0x10]  }
0x16b: {  	s28 =	simm.s32 $0x6EF0;
	v5 =	vmul.f32 v55, v5;
	v38 =	vmul.f32 v21, v54;
	v23 =	vld [tilespmem:s25+$0x10];
	v54 =	vand.u32 $0xFFFF0000, v9  }
0x16c: {  	v55 =	vshll.u32 v9, $0x10;
	v9 =	vld [tilespmem:s28+$0xFFFFFFE0];
	v37 =	vsub.f32 v63, v56;
	v63 =	vadd.f32 v3, v2  }
0x16d: {  	v7 =	vshll.u32 v7, $0x10;
	v6 =	vshll.u32 v6, $0x10;
	v52 =	vadd.f32 v5, v4;
	v5 =	vld [tilespmem:s28+$0x0]  }
0x16e: {  	v34 =	vshll.u32 v58, $0x10;
	v44 =	vsub.f32 v44, v46;
	v40 =	vmul.f32 v6, v63;
	v6 =	vld [tilespmem:s30+$0x10]  }
0x16f: {  	v42 =	vadd.f32 v42, v47;
	v51 =	vmul.f32 v21, v20;
	v45 =	vmul.f32 v45, v20;
	v20 =	vld [tilespmem:s0+$0x20]  }
0x170: {  	v35 =	vmul.f32 v35, v37;
	v44 =	vmul.f32 v54, v44;
	v21 =	vld [tilespmem:s25+$0x20];
	v2 =	vand.u32 $0xFFFF0000, v8  }
0x171: {  	v41 =	vmul.f32 v7, v52;
	v7 =	vld [tilespmem:s30+$0x0];
	v3 =	vshll.u32 v8, $0x10;
	v4 =	vmul.f32 v2, v61  }
0x172: {  	v8 =	vsub.f32 v57, v60;
	v53 =	vmul.f32 v3, v48;
	v48 =	vmul.f32 v2, v48;
	v2 =	vld [tilespmem:s28+$0x20]  }
0x173: {  	v42 =	vmul.f32 v55, v42;
	v35 =	vadd.f32 v40, v35;
	v39 =	vmul.f32 v3, v61;
	v3 =	vld [tilespmem:s28+$0x10]  }
0x174: {  	v56 =	vand.u32 $0xFFFF0000, v58;
	v36 =	vsub.f32 v62, v51;
	v58 =	vmul.f32 v50, v8;
	v8 =	vld [tilespmem:s28+$0xFFFFFFF0]  }
0x175: {  	v59 =	vand.u32 $0xFFFF0000, v49;
	v38 =	vadd.f32 v45, v38;
	v61 =	vadd.f32 v42, v44;
	[tilespmem:v24+s22+$0x0] =	vst.idx.add.f32.msk $0xffff, v35  }
0x176: {  	v49 =	vshll.u32 v49, $0x10;
	v57 =	vsub.f32 v4, v53;
	v4 =	vld [tilespmem:s30+$0x20];
	v39 =	vadd.f32 v48, v39  }
0x177: {  	v36 =	vmul.f32 v56, v36;
	v34 =	vmul.f32 v34, v38;
	[tilespmem:v26+s22+$0x0] =	vst.idx.add.f32.msk $0xffff, v61;
	v26 =	vsub.f32 $0.0e+00, v35  }
0x178: {  	v62 =	vld.idx.msk [tilespmem:v9+s1+$0x0], $0xffff;
	v60 =	vadd.f32 v41, v58;
	v37 =	vmul.f32 v59, v57;
	v39 =	vmul.f32 v49, v39  }
0x179: {  	v24 =	vadd.f32 v34, v36;
	[tilespmem:v27+s22+$0x0] =	vst.idx.add.f32.msk $0xffff, v26  }
0x17a: {  	[tilespmem:v25+s22+$0x0] =	vst.idx.add.f32.msk $0xffff, v60;
	v25 =	vadd.f32 v39, v37  }
0x17b: {  	[tilespmem:v28+s22+$0x0] =	vst.idx.add.f32.msk $0xffff, v24;
	v28 =	vsub.f32 $0.0e+00, v60  }
0x17c: {  	v19 =	vsub.f32 $0.0e+00, v24;
	[tilespmem:v30+s22+$0x0] =	vst.idx.add.f32.msk $0xffff, v25  }
0x17d: {  	[tilespmem:v29+s22+$0x0] =	vst.idx.add.f32.msk $0xffff, v28  }
0x17e: {  	s26 =	simm.s32 $0x16AA0;
	v24 =	vsub.f32 $0.0e+00, v25;
	[tilespmem:v32+s22+$0x0] =	vst.idx.add.f32.msk $0xffff, v19  }
0x17f: {  	v13 =	vld [tilespmem:s26+$0xFFFFFFF0]  }
0x180: {  	[tilespmem:v33+s22+$0x0] =	vst.idx.add.f32.msk $0xffff, v24  }
0x181: {  	s29 =	simm.s32 $0x1A9A0;
	v15 =	vld [tilespmem:s26+$0xFFFFFFE0]  }
0x182: {  	v30 =	vsub.f32 $0.0e+00, v61;
	v17 =	vld [tilespmem:s29+$0xFFFFFFE0]  }
0x183: {  	v16 =	vld [tilespmem:s29+$0xFFFFFFF0]  }
0x184: {  	[tilespmem:v31+s22+$0x0] =	vst.idx.add.f32.msk $0xffff, v30  }
0x185: {  	v11 =	vld [tilespmem:s26+$0x0]  }
0x186: {  	v14 =	vld [tilespmem:s29+$0x0]  }
0x187: {  	v12 =	vld [tilespmem:s29+$0x10];
	v15 =	vsub.f32 v15, v17  }
0x188: {  	v17 =	vld [tilespmem:s26+$0x10]  }
0x189: {  	v18 =	vld [tilespmem:s29+$0x20];
	v13 =	vsub.f32 v13, v16;
	v15 =	vmax.f32 v15, $0.0e+00  }
0x18a: {  	v16 =	vld [tilespmem:s26+$0x20];
	v15 =	vmul.f32 v15, v15  }
0x18b: {  	v35 =	vld [tilespmem:s0+$0xFFFFFFF0];
	v13 =	vmax.f32 v13, $0.0e+00;
	v14 =	vsub.f32 v11, v14  }
0x18c: {  	v31 =	vld.idx.msk [tilespmem:v6+s1+$0x0], $0xffff;
	v13 =	vmul.f32 v13, v13;
	v1 =	vadd.f32 v15, v1  }
0x18d: {  	v28 =	vld.idx.msk [tilespmem:v4+s1+$0x0], $0xffff;
	v14 =	vmax.f32 v14, $0.0e+00;
	v12 =	vsub.f32 v17, v12  }
0x18e: {  	v15 =	vld.idx.msk [tilespmem:v2+s1+$0x0], $0xffff;
	v1 =	vadd.f32 v13, v1;
	v13 =	vmul.f32 v14, v14  }
0x18f: {  	v16 =	vsub.f32 v16, v18;
	v17 =	vld.idx.msk [tilespmem:v3+s1+$0x0], $0xffff;
	v12 =	vmax.f32 v12, $0.0e+00  }
0x190: {  	v11 =	vld [tilespmem:s30+$0xFFFFFFE0];
	v12 =	vmul.f32 v12, v12;
	v1 =	vadd.f32 v13, v1  }
0x191: {  	v63 =	vshll.u32 v31, $0x10;
	v16 =	vmax.f32 v16, $0.0e+00;
	v14 =	vld.idx.msk [tilespmem:v5+s1+$0x0], $0xffff  }
0x192: {  	v39 =	vmul.f32 v63, v23;
	v13 =	vld.idx.msk [tilespmem:v8+s1+$0x0], $0xffff;
	v1 =	vadd.f32 v12, v1;
	v12 =	vmul.f32 v16, v16  }
0x193: {  	v36 =	vld.idx.msk [tilespmem:v10+s1+$0x0], $0xffff;
	v19 =	vand.u32 $0xFFFF0000, v15;
	v26 =	vshll.u32 v15, $0x10;
	v15 =	vand.u32 $0xFFFF0000, v31  }
0x194: {  	v24 =	vand.u32 $0xFFFF0000, v17;
	v34 =	vmul.f32 v15, v22;
	v1 =	vadd.f32 v12, v1;
	v12 =	vld.idx.msk [tilespmem:v7+s1+$0x0], $0xffff  }
0x195: {  	v29 =	vld [tilespmem:s0+$0x0];
	v16 =	vshll.u32 v17, $0x10;
	v22 =	vmul.f32 v63, v22;
	v23 =	vmul.f32 v15, v23  }
0x196: {  	v30 =	vld [tilespmem:s25+$0x0];
	v25 =	vand.u32 $0xFFFF0000, v14;
	v17 =	vshll.u32 v14, $0x10;
	v14 =	vand.u32 $0xFFFF0000, v28  }
0x197: {  	v41 =	vld [tilespmem:s25+$0xFFFFFFF0];
	v31 =	vmul.f32 v14, v20;
	v38 =	vmul.f32 v14, v21;
	v27 =	vand.u32 $0xFFFF0000, v13  }
0x198: {  	v37 =	vld.idx.msk [tilespmem:v11+s1+$0x0], $0xffff;
	v18 =	vshll.u32 v13, $0x10;
	v13 =	vshll.u32 v28, $0x10;
	v28 =	vand.u32 $0xFFFF0000, v62  }
0x199: {  	v32 =	vmul.f32 v13, v21;
	v33 =	vmul.f32 v13, v20;
	v21 =	vld [tilespmem:s0+$0xFFFFFFE0];
	v43 =	vand.u32 $0xFFFF0000, v12  }
0x19a: {  	s31 =	simm.s32 $0x5;
	v40 =	vld [tilespmem:s25+$0xFFFFFFE0];
	v20 =	vshll.u32 v62, $0x10;
	s0 =	simm.s32 $0xED40;
	v13 =	vshll.u32 v12, $0x10;
	v42 =	vmul.f32 v43, v29  }
.LBB2_6:
0x19b: {  	v14 =	vld [tilespmem:s0+$0x20];
	v44 =	vand.u32 $0xFFFF0000, v36;
	v45 =	vmul.f32 v13, v30;
	v29 =	vmul.f32 v13, v29;
	s25 =	sadd.s32 $0x50, s25  }
0x19c: {  	v12 =	vshll.u32 v36, $0x10;
	v30 =	vmul.f32 v43, v30;
	v15 =	vld [tilespmem:s25+$0x20];
	v36 =	vmul.f32 v44, v35  }
0x19d: {  	v43 =	vand.u32 $0xFFFF0000, v37;
	v35 =	vmul.f32 v12, v35;
	v13 =	vld [tilespmem:s0+$0x10];
	v46 =	vmul.f32 v12, v41  }
0x19e: {  	s28 =	sadd.s32 $0x50, s28;
	v37 =	vshll.u32 v37, $0x10;
	v41 =	vmul.f32 v44, v41;
	v12 =	vld [tilespmem:s25+$0x10];
	v47 =	vmul.f32 v43, v21  }
0x19f: {  	v31 =	vsub.f32 v31, v32;
	v32 =	vadd.f32 v38, v33;
	v44 =	vld [tilespmem:s28+$0x20];
	v48 =	vmul.f32 v37, v40  }
0x1a0: {  	v34 =	vsub.f32 v34, v39;
	v22 =	vadd.f32 v23, v22;
	v21 =	vmul.f32 v37, v21;
	v33 =	vld [tilespmem:s28+$0x10]  }
0x1a1: {  	s30 =	sadd.s32 $0x50, s30;
	v38 =	vsub.f32 v42, v45;
	v29 =	vadd.f32 v30, v29;
	v37 =	vmul.f32 v43, v40;
	v23 =	vld [tilespmem:s28+$0x0]  }
0x1a2: {  	v19 =	vmul.f32 v19, v31;
	v36 =	vsub.f32 v36, v46;
	v35 =	vadd.f32 v41, v35;
	v30 =	vld [tilespmem:s30+$0x20]  }
0x1a3: {  	v24 =	vmul.f32 v24, v34;
	v26 =	vmul.f32 v26, v32;
	v39 =	vsub.f32 v47, v48;
	v31 =	vld [tilespmem:s28+$0xFFFFFFF0]  }
0x1a4: {  	v16 =	vmul.f32 v16, v22;
	v25 =	vmul.f32 v25, v38;
	v21 =	vadd.f32 v37, v21;
	v32 =	vld [tilespmem:s30+$0x10]  }
0x1a5: {  	v17 =	vmul.f32 v17, v29;
	v19 =	vadd.f32 v26, v19;
	v27 =	vmul.f32 v27, v36;
	v22 =	vld [tilespmem:s28+$0xFFFFFFE0]  }
0x1a6: {  	v16 =	vadd.f32 v16, v24;
	v18 =	vmul.f32 v18, v35;
	v28 =	vmul.f32 v28, v39;
	v26 =	vld [tilespmem:s30+$0x0]  }
0x1a7: {  	v17 =	vadd.f32 v17, v25;
	v20 =	vmul.f32 v20, v21;
	[tilespmem:v2+s22+$0x0] =	vst.idx.add.f32.msk $0xffff, v19;
	v2 =	vmov v44  }
0x1a8: {  	v18 =	vadd.f32 v18, v27;
	[tilespmem:v3+s22+$0x0] =	vst.idx.add.f32.msk $0xffff, v16;
	v3 =	vmov v33  }
0x1a9: {  	v20 =	vadd.f32 v20, v28;
	[tilespmem:v5+s22+$0x0] =	vst.idx.add.f32.msk $0xffff, v17;
	v5 =	vmov v23  }
0x1aa: {  	v19 =	vsub.f32 $0.0e+00, v19;
	[tilespmem:v8+s22+$0x0] =	vst.idx.add.f32.msk $0xffff, v18;
	v8 =	vmov v31  }
0x1ab: {  	v16 =	vsub.f32 $0.0e+00, v16;
	[tilespmem:v9+s22+$0x0] =	vst.idx.add.f32.msk $0xffff, v20;
	v9 =	vmov v22  }
0x1ac: {  	v17 =	vsub.f32 $0.0e+00, v17;
	[tilespmem:v4+s22+$0x0] =	vst.idx.add.f32.msk $0xffff, v19;
	v4 =	vmov v30  }
0x1ad: {  	v18 =	vsub.f32 $0.0e+00, v18;
	[tilespmem:v6+s22+$0x0] =	vst.idx.add.f32.msk $0xffff, v16;
	v6 =	vmov v32  }
0x1ae: {  	v16 =	vsub.f32 $0.0e+00, v20;
	[tilespmem:v7+s22+$0x0] =	vst.idx.add.f32.msk $0xffff, v17;
	v7 =	vmov v26  }
0x1af: {  	[tilespmem:v10+s22+$0x0] =	vst.idx.add.f32.msk $0xffff, v18  }
0x1b0: {  	s26 =	sadd.s32 $0x50, s26;
	[tilespmem:v11+s22+$0x0] =	vst.idx.add.f32.msk $0xffff, v16  }
0x1b1: {  	s29 =	sadd.s32 $0x50, s29;
	v10 =	vld [tilespmem:s26+$0xFFFFFFE0]  }
0x1b2: {  	v11 =	vld [tilespmem:s29+$0xFFFFFFE0]  }
0x1b3: {  	v16 =	vld [tilespmem:s26+$0xFFFFFFF0]  }
0x1b4: {  	v17 =	vld [tilespmem:s29+$0xFFFFFFF0]  }
0x1b5: {  	v18 =	vld [tilespmem:s26+$0x0]  }
0x1b6: {  	v19 =	vld [tilespmem:s29+$0x0]  }
0x1b7: {  	v10 =	vsub.f32 v10, v11;
	v20 =	vld [tilespmem:s26+$0x10]  }
0x1b8: {  	v21 =	vld [tilespmem:s29+$0x10]  }
0x1b9: {  	v10 =	vmax.f32 v10, $0.0e+00;
	v11 =	vsub.f32 v16, v17;
	v16 =	vld [tilespmem:s26+$0x20]  }
0x1ba: {  	v17 =	vmul.f32 v10, v10;
	v22 =	vld [tilespmem:s29+$0x20]  }
0x1bb: {  	v10 =	vld [tilespmem:s30+$0xFFFFFFF0];
	v23 =	vmax.f32 v11, $0.0e+00;
	v18 =	vsub.f32 v18, v19  }
0x1bc: {  	v11 =	vld [tilespmem:s30+$0xFFFFFFE0];
	v1 =	vadd.f32 v17, v1;
	v17 =	vmul.f32 v23, v23  }
0x1bd: {  	v23 =	vld.idx.msk [tilespmem:v2+s1+$0x0], $0xffff;
	v18 =	vmax.f32 v18, $0.0e+00;
	v19 =	vsub.f32 v20, v21  }
0x1be: {  	v20 =	vld.idx.msk [tilespmem:v3+s1+$0x0], $0xffff;
	v1 =	vadd.f32 v17, v1;
	v17 =	vmul.f32 v18, v18  }
0x1bf: {  	v18 =	vld.idx.msk [tilespmem:v5+s1+$0x0], $0xffff;
	v19 =	vmax.f32 v19, $0.0e+00;
	v16 =	vsub.f32 v16, v22  }
0x1c0: {  	v21 =	vld.idx.msk [tilespmem:v4+s1+$0x0], $0xffff;
	v1 =	vadd.f32 v17, v1;
	v17 =	vmul.f32 v19, v19  }
0x1c1: {  	v22 =	vld.idx.msk [tilespmem:v8+s1+$0x0], $0xffff;
	v16 =	vmax.f32 v16, $0.0e+00  }
0x1c2: {  	v28 =	vld.idx.msk [tilespmem:v6+s1+$0x0], $0xffff;
	v1 =	vadd.f32 v17, v1;
	v16 =	vmul.f32 v16, v16  }
0x1c3: {  	v34 =	vld.idx.msk [tilespmem:v9+s1+$0x0], $0xffff  }
0x1c4: {  	v19 =	vand.u32 $0xFFFF0000, v23;
	v29 =	vld [tilespmem:s0+$0x0];
	v1 =	vadd.f32 v16, v1  }
0x1c5: {  	v26 =	vshll.u32 v23, $0x10;
	v24 =	vand.u32 $0xFFFF0000, v20;
	v16 =	vshll.u32 v20, $0x10;
	v42 =	vld.idx.msk [tilespmem:v7+s1+$0x0], $0xffff  }
0x1c6: {  	s31 =	sadd.s32 $0x5, s31;
	v25 =	vand.u32 $0xFFFF0000, v18;
	v17 =	vshll.u32 v18, $0x10;
	v23 =	vand.u32 $0xFFFF0000, v21;
	v30 =	vld [tilespmem:s25+$0x0]  }
0x1c7: {  	p0 =	slt.u32 s31, $0x1EF;
	v20 =	vshll.u32 v21, $0x10;
	v27 =	vand.u32 $0xFFFF0000, v22;
	v18 =	vshll.u32 v22, $0x10;
	v36 =	vld.idx.msk [tilespmem:v10+s1+$0x0], $0xffff  }
.Ltmp2:
0x1c8: {  	v31 =	vmul.f32 v23, v14;
	v44 =	vand.u32 $0xFFFF0000, v28;
	v22 =	vshll.u32 v28, $0x10;
	v35 =	vld [tilespmem:s0+$0xFFFFFFF0];
	(pc) =	sbr.rel @p0 .LBB2_6-.Ltmp2, $4  }
0x1c9: {  	v32 =	vmul.f32 v20, v15;
	v33 =	vmul.f32 v20, v14;
	v28 =	vand.u32 $0xFFFF0000, v34;
	v37 =	vld.idx.msk [tilespmem:v11+s1+$0x0], $0xffff  }
0x1ca: {  	v38 =	vmul.f32 v23, v15;
	v20 =	vshll.u32 v34, $0x10;
	v34 =	vmul.f32 v44, v13;
	v41 =	vld [tilespmem:s25+$0xFFFFFFF0]  }
0x1cb: {  	v39 =	vmul.f32 v22, v12;
	v22 =	vmul.f32 v22, v13;
	v43 =	vand.u32 $0xFFFF0000, v42;
	v21 =	vld [tilespmem:s0+$0xFFFFFFE0]  }
0x1cc: {  	v23 =	vmul.f32 v44, v12;
	v13 =	vshll.u32 v42, $0x10;
	v42 =	vmul.f32 v43, v29;
	s0 =	sadd.s32 $0x50, s0;
	v40 =	vld [tilespmem:s25+$0xFFFFFFE0]  }
0x1cd: {  	v12 =	vand.u32 $0xFFFF0000, v36;
	v14 =	vmul.f32 v13, v30  }
0x1ce: {  	v13 =	vmul.f32 v13, v29;
	v15 =	vshll.u32 v36, $0x10;
	v31 =	vsub.f32 v31, v32  }
0x1cf: {  	v30 =	vmul.f32 v43, v30;
	v59 =	vadd.f32 v38, v33;
	v60 =	vsub.f32 v34, v39  }
0x1d0: {  	v29 =	vmul.f32 v12, v35;
	v54 =	vand.u32 $0xFFFF0000, v37;
	v55 =	vmul.f32 v15, v41  }
0x1d1: {  	v56 =	vshll.u32 v37, $0x10;
	v15 =	vmul.f32 v15, v35;
	v12 =	vmul.f32 v12, v41  }
0x1d2: {  	v22 =	vadd.f32 v23, v22;
	v24 =	vmul.f32 v24, v60;
	v26 =	vmul.f32 v26, v59  }
0x1d3: {  	v14 =	vsub.f32 v42, v14;
	v57 =	vmul.f32 v54, v21;
	v21 =	vmul.f32 v56, v21  }
0x1d4: {  	v13 =	vadd.f32 v30, v13;
	v16 =	vmul.f32 v16, v22;
	v58 =	vmul.f32 v56, v40  }
0x1d5: {  	v23 =	vmul.f32 v54, v40;
	v29 =	vsub.f32 v29, v55;
	v12 =	vadd.f32 v12, v15  }
0x1d6: {  	v15 =	vmul.f32 v19, v31;
	v14 =	vmul.f32 v25, v14;
	v16 =	vadd.f32 v16, v24  }
0x1d7: {  	v13 =	vmul.f32 v17, v13;
	v19 =	vsub.f32 v57, v58;
	v21 =	vadd.f32 v23, v21  }
0x1d8: {  	v22 =	vmul.f32 v27, v29;
	v15 =	vadd.f32 v26, v15;
	v12 =	vmul.f32 v18, v12  }
0x1d9: {  	v13 =	vadd.f32 v13, v14;
	[tilespmem:v3+s22+$0x0] =	vst.idx.add.f32.msk $0xffff, v16;
	v17 =	vmul.f32 v28, v19  }
0x1da: {  	v18 =	vmul.f32 v20, v21;
	[tilespmem:v2+s22+$0x0] =	vst.idx.add.f32.msk $0xffff, v15;
	v2 =	vadd.f32 v12, v22  }
0x1db: {  	[tilespmem:v5+s22+$0x0] =	vst.idx.add.f32.msk $0xffff, v13;
	v5 =	vsub.f32 $0.0e+00, v15  }
0x1dc: {  	v3 =	vadd.f32 v18, v17;
	[tilespmem:v8+s22+$0x0] =	vst.idx.add.f32.msk $0xffff, v2  }
0x1dd: {  	v8 =	vsub.f32 $0.0e+00, v16;
	[tilespmem:v4+s22+$0x0] =	vst.idx.add.f32.msk $0xffff, v5  }
0x1de: {  	v2 =	vsub.f32 $0.0e+00, v2;
	[tilespmem:v9+s22+$0x0] =	vst.idx.add.f32.msk $0xffff, v3  }
0x1df: {  	[tilespmem:v6+s22+$0x0] =	vst.idx.add.f32.msk $0xffff, v8  }
0x1e0: {  	s0 =	sadd.s32 $0x50, s26;
	[tilespmem:v10+s22+$0x0] =	vst.idx.add.f32.msk $0xffff, v2  }
0x1e1: {  	v10 =	vld [tilespmem:s0+$0x20]  }
0x1e2: {  	s25 =	sadd.s32 $0x50, s29;
	v16 =	vld [tilespmem:s0+$0xFFFFFFF0]  }
0x1e3: {  	v17 =	vld [tilespmem:s25+$0xFFFFFFF0]  }
0x1e4: {  	v9 =	vsub.f32 $0.0e+00, v13;
	v12 =	vld [tilespmem:s0+$0x10]  }
0x1e5: {  	v3 =	vsub.f32 $0.0e+00, v3;
	v13 =	vld [tilespmem:s25+$0x10]  }
0x1e6: {  	[tilespmem:v7+s22+$0x0] =	vst.idx.add.f32.msk $0xffff, v9  }
0x1e7: {  	[tilespmem:v11+s22+$0x0] =	vst.idx.add.f32.msk $0xffff, v3  }
0x1e8: {  	v11 =	vld [tilespmem:s25+$0x20]  }
0x1e9: {  	v18 =	vld [tilespmem:s0+$0xFFFFFFE0]  }
0x1ea: {  	v19 =	vld [tilespmem:s25+$0xFFFFFFE0]  }
0x1eb: {  	v14 =	vld [tilespmem:s0+$0x0]  }
0x1ec: {  	v15 =	vld [tilespmem:s25+$0x0];
	_ =	swait.ge [sflag:s15], $0x1F40  }
0x1ed: {  	[sflag:s15] =	ssyncset.done $0x0  }
0x1ee: {  	[sflag:s15] =	ssyncadd.s32 $0xFFFFE0C0  }
0x1ef: {  	_ =	swait.ge [sflag:s15], $0x1F40  }
0x1f0: {  	[sflag:s15] =	ssyncset.done $0x0  }
0x1f1: {  	[sflag:s15] =	ssyncadd.s32 $0xFFFFE0C0  }
0x1f2: {  	_ =	swait.ge [sflag:s15], $0x1F40  }
0x1f3: {  	[sflag:s15] =	ssyncset.done $0x0  }
0x1f4: {  	[sflag:s15] =	ssyncadd.s32 $0xFFFFE0C0  }
0x1f5: {  	_ =	swait.ge [sflag:s15], $0x1F40  }
0x1f6: {  	[sflag:s15] =	ssyncset.done $0x0  }
0x1f7: {  	[sflag:s15] =	ssyncadd.s32 $0xFFFFE0C0  }
0x1f8: {  	_ =	swait.ge [sflag:s15], $0x1F40  }
0x1f9: {  	[sflag:s15] =	ssyncset.done $0x0  }
0x1fa: {  	[sflag:s15] =	ssyncadd.s32 $0xFFFFE0C0  }
0x1fb: {  	_ =	swait.ge [sflag:s15], $0x1F40  }
0x1fc: {  	[sflag:s15] =	ssyncset.done $0x0;
	s25 =	rddreg [dreg:$0x8]  }
0x1fd: {  	s26 =	sld [smem:$0x7FC];
	[sflag:s15] =	ssyncadd.s32 $0xFFFFE0C0  }
0x1fe: {  	[tilespmem:s16], [sflag:$0x2] =	stream.linear.gather [hbm4b:s25+s1], $0x1F40, $0x38;
	[tilespmem:$0x1C980] =	vst v63  }
0x1ff: {  	_ = 	snop  }
0x200: {  	[tilespmem:s17], [sflag:$0x2] =	stream.linear.gather [hbm4b:s26+s1], $0x1F40, $0x38;
	[tilespmem:$0x1C980] =	vst v63  }
0x201: {  	s25 =	rddreg [dreg:$0x1b]  }
0x202: {  	[tilespmem:s18], [sflag:$0x2] =	stream.linear.gather [hbm4b:s25+s1], $0x1F40, $0x38;
	[tilespmem:$0x1C980] =	vst v63  }
0x203: {  	s26 =	rddreg [dreg:$0x1c]  }
0x204: {  	[tilespmem:s19], [sflag:$0x2] =	stream.linear.gather [hbm4b:s26+s1], $0x1F40, $0x38;
	[tilespmem:$0x1C980] =	vst v63  }
0x205: {  	s25 =	rddreg [dreg:$0x1d]  }
0x206: {  	[tilespmem:s20], [sflag:$0x2] =	stream.linear.gather [hbm4b:s25+s1], $0x1F40, $0x38;
	[tilespmem:$0x1C980] =	vst v63  }
0x207: {  	s0 =	simm.s32 $0xCD20;
	s26 =	rddreg [dreg:$0x1e]  }
0x208: {  	[tilespmem:s21], [sflag:$0x2] =	stream.linear.gather [hbm4b:s26+s1], $0x1F40, $0x38;
	[tilespmem:$0x1C980] =	vst v63  }
0x209: {  	s25 =	simm.s32 $0x10C20;
	v2 =	vld [tilespmem:s0+$0x20]  }
0x20a: {  	v3 =	vld [tilespmem:s25+$0x20]  }
0x20b: {  	v4 =	vld [tilespmem:s0+$0x10]  }
0x20c: {  	s26 =	simm.s32 $0x4F20;
	v5 =	vld [tilespmem:s25+$0x10]  }
0x20d: {  	v24 =	vld [tilespmem:s26+$0x20]  }
0x20e: {  	v25 =	vld [tilespmem:s26+$0x10]  }
0x20f: {  	s28 =	simm.s32 $0x8E20;
	v26 =	vld [tilespmem:s26+$0x0]  }
0x210: {  	v27 =	vld [tilespmem:s28+$0x20]  }
0x211: {  	v28 =	vld [tilespmem:s26+$0xFFFFFFF0]  }
0x212: {  	v18 =	vsub.f32 v18, v19;
	v29 =	vld [tilespmem:s28+$0x10]  }
0x213: {  	v30 =	vld [tilespmem:s26+$0xFFFFFFE0]  }
0x214: {  	v16 =	vsub.f32 v16, v17;
	v18 =	vmax.f32 v18, $0.0e+00;
	v31 =	vld [tilespmem:s28+$0x0]  }
0x215: {  	v17 =	vmul.f32 v18, v18;
	v32 =	vld [tilespmem:s28+$0xFFFFFFF0]  }
0x216: {  	v16 =	vmax.f32 v16, $0.0e+00;
	v14 =	vsub.f32 v14, v15;
	v33 =	vld [tilespmem:s28+$0xFFFFFFE0]  }
0x217: {  	v16 =	vmul.f32 v16, v16;
	v1 =	vadd.f32 v17, v1;
	v21 =	vld [tilespmem:s0+$0x0]  }
0x218: {  	v12 =	vsub.f32 v12, v13;
	v14 =	vmax.f32 v14, $0.0e+00;
	v23 =	vld [tilespmem:s25+$0x0]  }
0x219: {  	v14 =	vmul.f32 v14, v14;
	v1 =	vadd.f32 v16, v1;
	v54 =	vld [tilespmem:s0+$0xFFFFFFF0]  }
0x21a: {  	v10 =	vsub.f32 v10, v11;
	v12 =	vmax.f32 v12, $0.0e+00;
	v48 =	vld [tilespmem:s25+$0xFFFFFFE0]  }
0x21b: {  	v12 =	vmul.f32 v12, v12;
	v1 =	vadd.f32 v14, v1;
	v6 =	vld.idx.msk [tilespmem:v24+s1+$0x0], $0xffff  }
0x21c: {  	v10 =	vmax.f32 v10, $0.0e+00;
	v8 =	vld.idx.msk [tilespmem:v27+s1+$0x0], $0xffff  }
0x21d: {  	v10 =	vmul.f32 v10, v10;
	v1 =	vadd.f32 v12, v1;
	v20 =	vld.idx.msk [tilespmem:v29+s1+$0x0], $0xffff  }
0x21e: {  	s30 =	simm.s32 $0x8E70;
	v22 =	vld.idx.msk [tilespmem:v31+s1+$0x0], $0xffff  }
0x21f: {  	v1 =	vadd.f32 v10, v1;
	v10 =	vld [tilespmem:s30+$0xFFFFFFF0]  }
0x220: {  	v7 =	vld.idx.msk [tilespmem:v25+s1+$0x0], $0xffff  }
0x221: {  	v62 =	vld.idx.msk [tilespmem:v32+s1+$0x0], $0xffff;
	v61 =	vand.u32 $0xFFFF0000, v8  }
0x222: {  	v9 =	vld.idx.msk [tilespmem:v26+s1+$0x0], $0xffff;
	v35 =	vand.u32 $0xFFFF0000, v6;
	v8 =	vshll.u32 v8, $0x10;
	v55 =	vand.u32 $0xFFFF0000, v20  }
0x223: {  	v58 =	vld.idx.msk [tilespmem:v28+s1+$0x0], $0xffff;
	v59 =	vand.u32 $0xFFFF0000, v22;
	v63 =	vmul.f32 v61, v2;
	v56 =	vmul.f32 v8, v3  }
0x224: {  	v49 =	vld.idx.msk [tilespmem:v30+s1+$0x0], $0xffff;
	v22 =	vshll.u32 v22, $0x10;
	v2 =	vmul.f32 v8, v2;
	v57 =	vmul.f32 v55, v4  }
0x225: {  	v8 =	vshll.u32 v20, $0x10;
	v20 =	vld [tilespmem:s25+$0xFFFFFFF0];
	v3 =	vmul.f32 v61, v3;
	v44 =	vmul.f32 v59, v21  }
0x226: {  	v45 =	vand.u32 $0xFFFF0000, v62;
	v61 =	vld [tilespmem:s0+$0xFFFFFFE0];
	v46 =	vmul.f32 v22, v23;
	v47 =	vmul.f32 v22, v21  }
0x227: {  	v50 =	vand.u32 $0xFFFF0000, v7;
	s0 =	simm.s32 $0xCD70;
	v60 =	vmul.f32 v8, v5;
	v4 =	vmul.f32 v8, v4;
	v8 =	vld.idx.msk [tilespmem:v33+s1+$0x0], $0xffff  }
0x228: {  	v21 =	vshll.u32 v62, $0x10;
	v62 =	vmul.f32 v45, v54;
	v42 =	vmul.f32 v59, v23;
	s25 =	simm.s32 $0x10C70;
	v22 =	vld [tilespmem:s0+$0x10]  }
0x229: {  	s28 =	simm.s32 $0x4F70;
	v5 =	vmul.f32 v55, v5;
	v38 =	vmul.f32 v21, v54;
	v23 =	vld [tilespmem:s25+$0x10];
	v54 =	vand.u32 $0xFFFF0000, v9  }
0x22a: {  	v55 =	vshll.u32 v9, $0x10;
	v9 =	vld [tilespmem:s28+$0xFFFFFFE0];
	v37 =	vsub.f32 v63, v56;
	v63 =	vadd.f32 v3, v2  }
0x22b: {  	v7 =	vshll.u32 v7, $0x10;
	v6 =	vshll.u32 v6, $0x10;
	v52 =	vadd.f32 v5, v4;
	v5 =	vld [tilespmem:s28+$0x0]  }
0x22c: {  	v34 =	vshll.u32 v58, $0x10;
	v44 =	vsub.f32 v44, v46;
	v40 =	vmul.f32 v6, v63;
	v6 =	vld [tilespmem:s30+$0x10]  }
0x22d: {  	v42 =	vadd.f32 v42, v47;
	v51 =	vmul.f32 v21, v20;
	v45 =	vmul.f32 v45, v20;
	v20 =	vld [tilespmem:s0+$0x20]  }
0x22e: {  	v35 =	vmul.f32 v35, v37;
	v44 =	vmul.f32 v54, v44;
	v21 =	vld [tilespmem:s25+$0x20];
	v2 =	vand.u32 $0xFFFF0000, v8  }
0x22f: {  	v41 =	vmul.f32 v7, v52;
	v7 =	vld [tilespmem:s30+$0x0];
	v3 =	vshll.u32 v8, $0x10;
	v4 =	vmul.f32 v2, v61  }
0x230: {  	v8 =	vsub.f32 v57, v60;
	v53 =	vmul.f32 v3, v48;
	v48 =	vmul.f32 v2, v48;
	v2 =	vld [tilespmem:s28+$0x20]  }
0x231: {  	v42 =	vmul.f32 v55, v42;
	v35 =	vadd.f32 v40, v35;
	v39 =	vmul.f32 v3, v61;
	v3 =	vld [tilespmem:s28+$0x10]  }
0x232: {  	v56 =	vand.u32 $0xFFFF0000, v58;
	v36 =	vsub.f32 v62, v51;
	v58 =	vmul.f32 v50, v8;
	v8 =	vld [tilespmem:s28+$0xFFFFFFF0]  }
0x233: {  	v59 =	vand.u32 $0xFFFF0000, v49;
	v38 =	vadd.f32 v45, v38;
	v61 =	vadd.f32 v42, v44;
	[tilespmem:v24+s22+$0x0] =	vst.idx.add.f32.msk $0xffff, v35  }
0x234: {  	v49 =	vshll.u32 v49, $0x10;
	v57 =	vsub.f32 v4, v53;
	v4 =	vld [tilespmem:s30+$0x20];
	v39 =	vadd.f32 v48, v39  }
0x235: {  	v36 =	vmul.f32 v56, v36;
	v34 =	vmul.f32 v34, v38;
	[tilespmem:v26+s22+$0x0] =	vst.idx.add.f32.msk $0xffff, v61;
	v26 =	vsub.f32 $0.0e+00, v35  }
0x236: {  	v62 =	vld.idx.msk [tilespmem:v9+s1+$0x0], $0xffff;
	v60 =	vadd.f32 v41, v58;
	v37 =	vmul.f32 v59, v57;
	v39 =	vmul.f32 v49, v39  }
0x237: {  	v24 =	vadd.f32 v34, v36;
	[tilespmem:v27+s22+$0x0] =	vst.idx.add.f32.msk $0xffff, v26  }
0x238: {  	[tilespmem:v25+s22+$0x0] =	vst.idx.add.f32.msk $0xffff, v60;
	v25 =	vadd.f32 v39, v37  }
0x239: {  	[tilespmem:v28+s22+$0x0] =	vst.idx.add.f32.msk $0xffff, v24;
	v28 =	vsub.f32 $0.0e+00, v60  }
0x23a: {  	v19 =	vsub.f32 $0.0e+00, v24;
	[tilespmem:v30+s22+$0x0] =	vst.idx.add.f32.msk $0xffff, v25  }
0x23b: {  	[tilespmem:v29+s22+$0x0] =	vst.idx.add.f32.msk $0xffff, v28  }
0x23c: {  	s26 =	simm.s32 $0x14B20;
	v24 =	vsub.f32 $0.0e+00, v25;
	[tilespmem:v32+s22+$0x0] =	vst.idx.add.f32.msk $0xffff, v19  }
0x23d: {  	v13 =	vld [tilespmem:s26+$0xFFFFFFF0]  }
0x23e: {  	[tilespmem:v33+s22+$0x0] =	vst.idx.add.f32.msk $0xffff, v24  }
0x23f: {  	s29 =	simm.s32 $0x18A20;
	v15 =	vld [tilespmem:s26+$0xFFFFFFE0]  }
0x240: {  	v30 =	vsub.f32 $0.0e+00, v61;
	v17 =	vld [tilespmem:s29+$0xFFFFFFE0]  }
0x241: {  	v16 =	vld [tilespmem:s29+$0xFFFFFFF0]  }
0x242: {  	[tilespmem:v31+s22+$0x0] =	vst.idx.add.f32.msk $0xffff, v30  }
0x243: {  	v11 =	vld [tilespmem:s26+$0x0]  }
0x244: {  	v14 =	vld [tilespmem:s29+$0x0]  }
0x245: {  	v12 =	vld [tilespmem:s29+$0x10];
	v15 =	vsub.f32 v15, v17  }
0x246: {  	v17 =	vld [tilespmem:s26+$0x10]  }
0x247: {  	v18 =	vld [tilespmem:s29+$0x20];
	v13 =	vsub.f32 v13, v16;
	v15 =	vmax.f32 v15, $0.0e+00  }
0x248: {  	v16 =	vld [tilespmem:s26+$0x20];
	v15 =	vmul.f32 v15, v15  }
0x249: {  	v35 =	vld [tilespmem:s0+$0xFFFFFFF0];
	v13 =	vmax.f32 v13, $0.0e+00;
	v14 =	vsub.f32 v11, v14  }
0x24a: {  	v31 =	vld.idx.msk [tilespmem:v6+s1+$0x0], $0xffff;
	v13 =	vmul.f32 v13, v13;
	v1 =	vadd.f32 v15, v1  }
0x24b: {  	v28 =	vld.idx.msk [tilespmem:v4+s1+$0x0], $0xffff;
	v14 =	vmax.f32 v14, $0.0e+00;
	v12 =	vsub.f32 v17, v12  }
0x24c: {  	v15 =	vld.idx.msk [tilespmem:v2+s1+$0x0], $0xffff;
	v1 =	vadd.f32 v13, v1;
	v13 =	vmul.f32 v14, v14  }
0x24d: {  	v16 =	vsub.f32 v16, v18;
	v17 =	vld.idx.msk [tilespmem:v3+s1+$0x0], $0xffff;
	v12 =	vmax.f32 v12, $0.0e+00  }
0x24e: {  	v11 =	vld [tilespmem:s30+$0xFFFFFFE0];
	v12 =	vmul.f32 v12, v12;
	v1 =	vadd.f32 v13, v1  }
0x24f: {  	v63 =	vshll.u32 v31, $0x10;
	v16 =	vmax.f32 v16, $0.0e+00;
	v14 =	vld.idx.msk [tilespmem:v5+s1+$0x0], $0xffff  }
0x250: {  	v39 =	vmul.f32 v63, v23;
	v13 =	vld.idx.msk [tilespmem:v8+s1+$0x0], $0xffff;
	v1 =	vadd.f32 v12, v1;
	v12 =	vmul.f32 v16, v16  }
0x251: {  	v36 =	vld.idx.msk [tilespmem:v10+s1+$0x0], $0xffff;
	v19 =	vand.u32 $0xFFFF0000, v15;
	v26 =	vshll.u32 v15, $0x10;
	v15 =	vand.u32 $0xFFFF0000, v31  }
0x252: {  	v24 =	vand.u32 $0xFFFF0000, v17;
	v34 =	vmul.f32 v15, v22;
	v1 =	vadd.f32 v12, v1;
	v12 =	vld.idx.msk [tilespmem:v7+s1+$0x0], $0xffff  }
0x253: {  	v29 =	vld [tilespmem:s0+$0x0];
	v16 =	vshll.u32 v17, $0x10;
	v22 =	vmul.f32 v63, v22;
	v23 =	vmul.f32 v15, v23  }
0x254: {  	v30 =	vld [tilespmem:s25+$0x0];
	v25 =	vand.u32 $0xFFFF0000, v14;
	v17 =	vshll.u32 v14, $0x10;
	v14 =	vand.u32 $0xFFFF0000, v28  }
0x255: {  	v41 =	vld [tilespmem:s25+$0xFFFFFFF0];
	v31 =	vmul.f32 v14, v20;
	v38 =	vmul.f32 v14, v21;
	v27 =	vand.u32 $0xFFFF0000, v13  }
0x256: {  	v37 =	vld.idx.msk [tilespmem:v11+s1+$0x0], $0xffff;
	v18 =	vshll.u32 v13, $0x10;
	v13 =	vshll.u32 v28, $0x10;
	v28 =	vand.u32 $0xFFFF0000, v62  }
0x257: {  	v32 =	vmul.f32 v13, v21;
	v33 =	vmul.f32 v13, v20;
	v21 =	vld [tilespmem:s0+$0xFFFFFFE0];
	v43 =	vand.u32 $0xFFFF0000, v12  }
0x258: {  	s31 =	simm.s32 $0x5;
	v40 =	vld [tilespmem:s25+$0xFFFFFFE0];
	v20 =	vshll.u32 v62, $0x10;
	s0 =	simm.s32 $0xCDC0;
	v13 =	vshll.u32 v12, $0x10;
	v42 =	vmul.f32 v43, v29  }
.LBB2_8:
0x259: {  	v14 =	vld [tilespmem:s0+$0x20];
	v44 =	vand.u32 $0xFFFF0000, v36;
	v45 =	vmul.f32 v13, v30;
	v29 =	vmul.f32 v13, v29;
	s25 =	sadd.s32 $0x50, s25  }
0x25a: {  	v12 =	vshll.u32 v36, $0x10;
	v30 =	vmul.f32 v43, v30;
	v15 =	vld [tilespmem:s25+$0x20];
	v36 =	vmul.f32 v44, v35  }
0x25b: {  	v43 =	vand.u32 $0xFFFF0000, v37;
	v35 =	vmul.f32 v12, v35;
	v13 =	vld [tilespmem:s0+$0x10];
	v46 =	vmul.f32 v12, v41  }
0x25c: {  	s28 =	sadd.s32 $0x50, s28;
	v37 =	vshll.u32 v37, $0x10;
	v41 =	vmul.f32 v44, v41;
	v12 =	vld [tilespmem:s25+$0x10];
	v47 =	vmul.f32 v43, v21  }
0x25d: {  	v31 =	vsub.f32 v31, v32;
	v32 =	vadd.f32 v38, v33;
	v44 =	vld [tilespmem:s28+$0x20];
	v48 =	vmul.f32 v37, v40  }
0x25e: {  	v34 =	vsub.f32 v34, v39;
	v22 =	vadd.f32 v23, v22;
	v21 =	vmul.f32 v37, v21;
	v33 =	vld [tilespmem:s28+$0x10]  }
0x25f: {  	s30 =	sadd.s32 $0x50, s30;
	v38 =	vsub.f32 v42, v45;
	v29 =	vadd.f32 v30, v29;
	v37 =	vmul.f32 v43, v40;
	v23 =	vld [tilespmem:s28+$0x0]  }
0x260: {  	v19 =	vmul.f32 v19, v31;
	v36 =	vsub.f32 v36, v46;
	v35 =	vadd.f32 v41, v35;
	v30 =	vld [tilespmem:s30+$0x20]  }
0x261: {  	v24 =	vmul.f32 v24, v34;
	v26 =	vmul.f32 v26, v32;
	v39 =	vsub.f32 v47, v48;
	v31 =	vld [tilespmem:s28+$0xFFFFFFF0]  }
0x262: {  	v16 =	vmul.f32 v16, v22;
	v25 =	vmul.f32 v25, v38;
	v21 =	vadd.f32 v37, v21;
	v32 =	vld [tilespmem:s30+$0x10]  }
0x263: {  	v17 =	vmul.f32 v17, v29;
	v19 =	vadd.f32 v26, v19;
	v27 =	vmul.f32 v27, v36;
	v22 =	vld [tilespmem:s28+$0xFFFFFFE0]  }
0x264: {  	v16 =	vadd.f32 v16, v24;
	v18 =	vmul.f32 v18, v35;
	v28 =	vmul.f32 v28, v39;
	v26 =	vld [tilespmem:s30+$0x0]  }
0x265: {  	v17 =	vadd.f32 v17, v25;
	v20 =	vmul.f32 v20, v21;
	[tilespmem:v2+s22+$0x0] =	vst.idx.add.f32.msk $0xffff, v19;
	v2 =	vmov v44  }
0x266: {  	v18 =	vadd.f32 v18, v27;
	[tilespmem:v3+s22+$0x0] =	vst.idx.add.f32.msk $0xffff, v16;
	v3 =	vmov v33  }
0x267: {  	v20 =	vadd.f32 v20, v28;
	[tilespmem:v5+s22+$0x0] =	vst.idx.add.f32.msk $0xffff, v17;
	v5 =	vmov v23  }
0x268: {  	v19 =	vsub.f32 $0.0e+00, v19;
	[tilespmem:v8+s22+$0x0] =	vst.idx.add.f32.msk $0xffff, v18;
	v8 =	vmov v31  }
0x269: {  	v16 =	vsub.f32 $0.0e+00, v16;
	[tilespmem:v9+s22+$0x0] =	vst.idx.add.f32.msk $0xffff, v20;
	v9 =	vmov v22  }
0x26a: {  	v17 =	vsub.f32 $0.0e+00, v17;
	[tilespmem:v4+s22+$0x0] =	vst.idx.add.f32.msk $0xffff, v19;
	v4 =	vmov v30  }
0x26b: {  	v18 =	vsub.f32 $0.0e+00, v18;
	[tilespmem:v6+s22+$0x0] =	vst.idx.add.f32.msk $0xffff, v16;
	v6 =	vmov v32  }
0x26c: {  	v16 =	vsub.f32 $0.0e+00, v20;
	[tilespmem:v7+s22+$0x0] =	vst.idx.add.f32.msk $0xffff, v17;
	v7 =	vmov v26  }
0x26d: {  	[tilespmem:v10+s22+$0x0] =	vst.idx.add.f32.msk $0xffff, v18  }
0x26e: {  	s26 =	sadd.s32 $0x50, s26;
	[tilespmem:v11+s22+$0x0] =	vst.idx.add.f32.msk $0xffff, v16  }
0x26f: {  	s29 =	sadd.s32 $0x50, s29;
	v10 =	vld [tilespmem:s26+$0xFFFFFFE0]  }
0x270: {  	v11 =	vld [tilespmem:s29+$0xFFFFFFE0]  }
0x271: {  	v16 =	vld [tilespmem:s26+$0xFFFFFFF0]  }
0x272: {  	v17 =	vld [tilespmem:s29+$0xFFFFFFF0]  }
0x273: {  	v18 =	vld [tilespmem:s26+$0x0]  }
0x274: {  	v19 =	vld [tilespmem:s29+$0x0]  }
0x275: {  	v10 =	vsub.f32 v10, v11;
	v20 =	vld [tilespmem:s26+$0x10]  }
0x276: {  	v21 =	vld [tilespmem:s29+$0x10]  }
0x277: {  	v10 =	vmax.f32 v10, $0.0e+00;
	v11 =	vsub.f32 v16, v17;
	v16 =	vld [tilespmem:s26+$0x20]  }
0x278: {  	v17 =	vmul.f32 v10, v10;
	v22 =	vld [tilespmem:s29+$0x20]  }
0x279: {  	v10 =	vld [tilespmem:s30+$0xFFFFFFF0];
	v23 =	vmax.f32 v11, $0.0e+00;
	v18 =	vsub.f32 v18, v19  }
0x27a: {  	v11 =	vld [tilespmem:s30+$0xFFFFFFE0];
	v1 =	vadd.f32 v17, v1;
	v17 =	vmul.f32 v23, v23  }
0x27b: {  	v23 =	vld.idx.msk [tilespmem:v2+s1+$0x0], $0xffff;
	v18 =	vmax.f32 v18, $0.0e+00;
	v19 =	vsub.f32 v20, v21  }
0x27c: {  	v20 =	vld.idx.msk [tilespmem:v3+s1+$0x0], $0xffff;
	v1 =	vadd.f32 v17, v1;
	v17 =	vmul.f32 v18, v18  }
0x27d: {  	v18 =	vld.idx.msk [tilespmem:v5+s1+$0x0], $0xffff;
	v19 =	vmax.f32 v19, $0.0e+00;
	v16 =	vsub.f32 v16, v22  }
0x27e: {  	v21 =	vld.idx.msk [tilespmem:v4+s1+$0x0], $0xffff;
	v1 =	vadd.f32 v17, v1;
	v17 =	vmul.f32 v19, v19  }
0x27f: {  	v22 =	vld.idx.msk [tilespmem:v8+s1+$0x0], $0xffff;
	v16 =	vmax.f32 v16, $0.0e+00  }
0x280: {  	v28 =	vld.idx.msk [tilespmem:v6+s1+$0x0], $0xffff;
	v1 =	vadd.f32 v17, v1;
	v16 =	vmul.f32 v16, v16  }
0x281: {  	v34 =	vld.idx.msk [tilespmem:v9+s1+$0x0], $0xffff  }
0x282: {  	v19 =	vand.u32 $0xFFFF0000, v23;
	v29 =	vld [tilespmem:s0+$0x0];
	v1 =	vadd.f32 v16, v1  }
0x283: {  	v26 =	vshll.u32 v23, $0x10;
	v24 =	vand.u32 $0xFFFF0000, v20;
	v16 =	vshll.u32 v20, $0x10;
	v42 =	vld.idx.msk [tilespmem:v7+s1+$0x0], $0xffff  }
0x284: {  	s31 =	sadd.s32 $0x5, s31;
	v25 =	vand.u32 $0xFFFF0000, v18;
	v17 =	vshll.u32 v18, $0x10;
	v23 =	vand.u32 $0xFFFF0000, v21;
	v30 =	vld [tilespmem:s25+$0x0]  }
0x285: {  	p0 =	slt.u32 s31, $0x1EF;
	v20 =	vshll.u32 v21, $0x10;
	v27 =	vand.u32 $0xFFFF0000, v22;
	v18 =	vshll.u32 v22, $0x10;
	v36 =	vld.idx.msk [tilespmem:v10+s1+$0x0], $0xffff  }
.Ltmp3:
0x286: {  	v31 =	vmul.f32 v23, v14;
	v44 =	vand.u32 $0xFFFF0000, v28;
	v22 =	vshll.u32 v28, $0x10;
	v35 =	vld [tilespmem:s0+$0xFFFFFFF0];
	(pc) =	sbr.rel @p0 .LBB2_8-.Ltmp3, $4  }
0x287: {  	v32 =	vmul.f32 v20, v15;
	v33 =	vmul.f32 v20, v14;
	v28 =	vand.u32 $0xFFFF0000, v34;
	v37 =	vld.idx.msk [tilespmem:v11+s1+$0x0], $0xffff  }
0x288: {  	v38 =	vmul.f32 v23, v15;
	v20 =	vshll.u32 v34, $0x10;
	v34 =	vmul.f32 v44, v13;
	v41 =	vld [tilespmem:s25+$0xFFFFFFF0]  }
0x289: {  	v39 =	vmul.f32 v22, v12;
	v22 =	vmul.f32 v22, v13;
	v43 =	vand.u32 $0xFFFF0000, v42;
	v21 =	vld [tilespmem:s0+$0xFFFFFFE0]  }
0x28a: {  	v23 =	vmul.f32 v44, v12;
	v13 =	vshll.u32 v42, $0x10;
	v42 =	vmul.f32 v43, v29;
	s0 =	sadd.s32 $0x50, s0;
	v40 =	vld [tilespmem:s25+$0xFFFFFFE0]  }
0x28b: {  	v12 =	vand.u32 $0xFFFF0000, v36;
	v14 =	vmul.f32 v13, v30  }
0x28c: {  	v13 =	vmul.f32 v13, v29;
	v15 =	vshll.u32 v36, $0x10;
	v31 =	vsub.f32 v31, v32  }
0x28d: {  	v30 =	vmul.f32 v43, v30;
	v59 =	vadd.f32 v38, v33;
	v60 =	vsub.f32 v34, v39  }
0x28e: {  	v29 =	vmul.f32 v12, v35;
	v54 =	vand.u32 $0xFFFF0000, v37;
	v55 =	vmul.f32 v15, v41  }
0x28f: {  	v56 =	vshll.u32 v37, $0x10;
	v15 =	vmul.f32 v15, v35;
	v12 =	vmul.f32 v12, v41  }
0x290: {  	v22 =	vadd.f32 v23, v22;
	v24 =	vmul.f32 v24, v60;
	v26 =	vmul.f32 v26, v59  }
0x291: {  	v14 =	vsub.f32 v42, v14;
	v57 =	vmul.f32 v54, v21;
	v21 =	vmul.f32 v56, v21  }
0x292: {  	v13 =	vadd.f32 v30, v13;
	v16 =	vmul.f32 v16, v22;
	v58 =	vmul.f32 v56, v40  }
0x293: {  	v23 =	vmul.f32 v54, v40;
	v29 =	vsub.f32 v29, v55;
	v12 =	vadd.f32 v12, v15  }
0x294: {  	v15 =	vmul.f32 v19, v31;
	v14 =	vmul.f32 v25, v14;
	v16 =	vadd.f32 v16, v24  }
0x295: {  	v13 =	vmul.f32 v17, v13;
	v19 =	vsub.f32 v57, v58;
	v21 =	vadd.f32 v23, v21  }
0x296: {  	v22 =	vmul.f32 v27, v29;
	v15 =	vadd.f32 v26, v15;
	v12 =	vmul.f32 v18, v12  }
0x297: {  	v13 =	vadd.f32 v13, v14;
	[tilespmem:v3+s22+$0x0] =	vst.idx.add.f32.msk $0xffff, v16;
	v17 =	vmul.f32 v28, v19  }
0x298: {  	v18 =	vmul.f32 v20, v21;
	[tilespmem:v2+s22+$0x0] =	vst.idx.add.f32.msk $0xffff, v15;
	v2 =	vadd.f32 v12, v22  }
0x299: {  	[tilespmem:v5+s22+$0x0] =	vst.idx.add.f32.msk $0xffff, v13;
	v5 =	vsub.f32 $0.0e+00, v15  }
0x29a: {  	v3 =	vadd.f32 v18, v17;
	[tilespmem:v8+s22+$0x0] =	vst.idx.add.f32.msk $0xffff, v2  }
0x29b: {  	v8 =	vsub.f32 $0.0e+00, v16;
	[tilespmem:v4+s22+$0x0] =	vst.idx.add.f32.msk $0xffff, v5  }
0x29c: {  	v2 =	vsub.f32 $0.0e+00, v2;
	[tilespmem:v9+s22+$0x0] =	vst.idx.add.f32.msk $0xffff, v3  }
0x29d: {  	[tilespmem:v6+s22+$0x0] =	vst.idx.add.f32.msk $0xffff, v8  }
0x29e: {  	s0 =	sadd.s32 $0x50, s26;
	[tilespmem:v10+s22+$0x0] =	vst.idx.add.f32.msk $0xffff, v2  }
0x29f: {  	v10 =	vld [tilespmem:s0+$0x20]  }
0x2a0: {  	s25 =	sadd.s32 $0x50, s29;
	v16 =	vld [tilespmem:s0+$0xFFFFFFF0]  }
0x2a1: {  	v17 =	vld [tilespmem:s25+$0xFFFFFFF0]  }
0x2a2: {  	v9 =	vsub.f32 $0.0e+00, v13;
	v12 =	vld [tilespmem:s0+$0x10]  }
0x2a3: {  	v3 =	vsub.f32 $0.0e+00, v3;
	v13 =	vld [tilespmem:s25+$0x10]  }
0x2a4: {  	[tilespmem:v7+s22+$0x0] =	vst.idx.add.f32.msk $0xffff, v9  }
0x2a5: {  	[tilespmem:v11+s22+$0x0] =	vst.idx.add.f32.msk $0xffff, v3  }
0x2a6: {  	v11 =	vld [tilespmem:s25+$0x20]  }
0x2a7: {  	v18 =	vld [tilespmem:s0+$0xFFFFFFE0]  }
0x2a8: {  	v19 =	vld [tilespmem:s25+$0xFFFFFFE0]  }
0x2a9: {  	v14 =	vld [tilespmem:s0+$0x0]  }
0x2aa: {  	v15 =	vld [tilespmem:s25+$0x0];
	_ =	swait.ge [sflag:s23], $0x1F40  }
0x2ab: {  	[sflag:s23] =	ssyncset.done $0x0  }
0x2ac: {  	[sflag:s23] =	ssyncadd.s32 $0xFFFFE0C0  }
0x2ad: {  	_ =	swait.ge [sflag:s23], $0x1F40  }
0x2ae: {  	[sflag:s23] =	ssyncset.done $0x0  }
0x2af: {  	[sflag:s23] =	ssyncadd.s32 $0xFFFFE0C0  }
0x2b0: {  	_ =	swait.ge [sflag:s23], $0x1F40  }
0x2b1: {  	[sflag:s23] =	ssyncset.done $0x0  }
0x2b2: {  	[sflag:s23] =	ssyncadd.s32 $0xFFFFE0C0  }
0x2b3: {  	_ =	swait.ge [sflag:s23], $0x1F40  }
0x2b4: {  	[sflag:s23] =	ssyncset.done $0x0  }
0x2b5: {  	[sflag:s23] =	ssyncadd.s32 $0xFFFFE0C0  }
0x2b6: {  	_ =	swait.ge [sflag:s23], $0x1F40  }
0x2b7: {  	[sflag:s23] =	ssyncset.done $0x0  }
0x2b8: {  	[sflag:s23] =	ssyncadd.s32 $0xFFFFE0C0  }
0x2b9: {  	_ =	swait.ge [sflag:s23], $0x1F40  }
0x2ba: {  	[sflag:s23] =	ssyncset.done $0x0;
	s25 =	rddreg [dreg:$0x9]  }
0x2bb: {  	s26 =	sld [smem:$0x7FD];
	[sflag:s23] =	ssyncadd.s32 $0xFFFFE0C0  }
0x2bc: {  	[tilespmem:s9], [sflag:$0x1] =	stream.linear.gather [hbm4b:s25+s1], $0x1F40, $0x38;
	[tilespmem:$0x1C980] =	vst v63  }
0x2bd: {  	s25 =	rddreg [dreg:$0x1f]  }
0x2be: {  	[tilespmem:s10], [sflag:$0x1] =	stream.linear.gather [hbm4b:s26+s1], $0x1F40, $0x38;
	[tilespmem:$0x1C980] =	vst v63  }
0x2bf: {  	s26 =	sld [smem:$0x7DE]  }
0x2c0: {  	[tilespmem:s11], [sflag:$0x1] =	stream.linear.gather [hbm4b:s25+s1], $0x1F40, $0x38;
	[tilespmem:$0x1C980] =	vst v63  }
0x2c1: {  	s25 =	sld [smem:$0x7DF]  }
0x2c2: {  	[tilespmem:s12], [sflag:$0x1] =	stream.linear.gather [hbm4b:s26+s1], $0x1F40, $0x38;
	[tilespmem:$0x1C980] =	vst v63  }
0x2c3: {  	s26 =	sld [smem:$0x7E0]  }
0x2c4: {  	[tilespmem:s13], [sflag:$0x1] =	stream.linear.gather [hbm4b:s25+s1], $0x1F40, $0x38;
	[tilespmem:$0x1C980] =	vst v63  }
0x2c5: {  	s0 =	simm.s32 $0xECA0  }
0x2c6: {  	[tilespmem:s14], [sflag:$0x1] =	stream.linear.gather [hbm4b:s26+s1], $0x1F40, $0x38;
	[tilespmem:$0x1C980] =	vst v63  }
0x2c7: {  	s25 =	simm.s32 $0x12BA0;
	v2 =	vld [tilespmem:s0+$0x20]  }
0x2c8: {  	v3 =	vld [tilespmem:s25+$0x20]  }
0x2c9: {  	v4 =	vld [tilespmem:s0+$0x10]  }
0x2ca: {  	s26 =	simm.s32 $0x6EA0;
	v5 =	vld [tilespmem:s25+$0x10]  }
0x2cb: {  	v24 =	vld [tilespmem:s26+$0x20]  }
0x2cc: {  	v25 =	vld [tilespmem:s26+$0x10]  }
0x2cd: {  	s28 =	simm.s32 $0xADA0;
	v26 =	vld [tilespmem:s26+$0x0]  }
0x2ce: {  	v27 =	vld [tilespmem:s28+$0x20]  }
0x2cf: {  	v28 =	vld [tilespmem:s26+$0xFFFFFFF0]  }
0x2d0: {  	v18 =	vsub.f32 v18, v19;
	v29 =	vld [tilespmem:s28+$0x10]  }
0x2d1: {  	v30 =	vld [tilespmem:s26+$0xFFFFFFE0]  }
0x2d2: {  	v16 =	vsub.f32 v16, v17;
	v18 =	vmax.f32 v18, $0.0e+00;
	v31 =	vld [tilespmem:s28+$0x0]  }
0x2d3: {  	v17 =	vmul.f32 v18, v18;
	v32 =	vld [tilespmem:s28+$0xFFFFFFF0]  }
0x2d4: {  	v16 =	vmax.f32 v16, $0.0e+00;
	v14 =	vsub.f32 v14, v15;
	v33 =	vld [tilespmem:s28+$0xFFFFFFE0]  }
0x2d5: {  	v16 =	vmul.f32 v16, v16;
	v1 =	vadd.f32 v17, v1;
	v21 =	vld [tilespmem:s0+$0x0]  }
0x2d6: {  	v12 =	vsub.f32 v12, v13;
	v14 =	vmax.f32 v14, $0.0e+00;
	v23 =	vld [tilespmem:s25+$0x0]  }
0x2d7: {  	v14 =	vmul.f32 v14, v14;
	v1 =	vadd.f32 v16, v1;
	v54 =	vld [tilespmem:s0+$0xFFFFFFF0]  }
0x2d8: {  	v10 =	vsub.f32 v10, v11;
	v12 =	vmax.f32 v12, $0.0e+00;
	v48 =	vld [tilespmem:s25+$0xFFFFFFE0]  }
0x2d9: {  	v12 =	vmul.f32 v12, v12;
	v1 =	vadd.f32 v14, v1;
	v6 =	vld.idx.msk [tilespmem:v24+s1+$0x0], $0xffff  }
0x2da: {  	v10 =	vmax.f32 v10, $0.0e+00;
	v8 =	vld.idx.msk [tilespmem:v27+s1+$0x0], $0xffff  }
0x2db: {  	v10 =	vmul.f32 v10, v10;
	v1 =	vadd.f32 v12, v1;
	v20 =	vld.idx.msk [tilespmem:v29+s1+$0x0], $0xffff  }
0x2dc: {  	s30 =	simm.s32 $0xADF0;
	v22 =	vld.idx.msk [tilespmem:v31+s1+$0x0], $0xffff  }
0x2dd: {  	v1 =	vadd.f32 v10, v1;
	v10 =	vld [tilespmem:s30+$0xFFFFFFF0]  }
0x2de: {  	v7 =	vld.idx.msk [tilespmem:v25+s1+$0x0], $0xffff  }
0x2df: {  	v62 =	vld.idx.msk [tilespmem:v32+s1+$0x0], $0xffff;
	v61 =	vand.u32 $0xFFFF0000, v8  }
0x2e0: {  	v9 =	vld.idx.msk [tilespmem:v26+s1+$0x0], $0xffff;
	v35 =	vand.u32 $0xFFFF0000, v6;
	v8 =	vshll.u32 v8, $0x10;
	v55 =	vand.u32 $0xFFFF0000, v20  }
0x2e1: {  	v58 =	vld.idx.msk [tilespmem:v28+s1+$0x0], $0xffff;
	v59 =	vand.u32 $0xFFFF0000, v22;
	v63 =	vmul.f32 v61, v2;
	v56 =	vmul.f32 v8, v3  }
0x2e2: {  	v49 =	vld.idx.msk [tilespmem:v30+s1+$0x0], $0xffff;
	v22 =	vshll.u32 v22, $0x10;
	v2 =	vmul.f32 v8, v2;
	v57 =	vmul.f32 v55, v4  }
0x2e3: {  	v8 =	vshll.u32 v20, $0x10;
	v20 =	vld [tilespmem:s25+$0xFFFFFFF0];
	v3 =	vmul.f32 v61, v3;
	v44 =	vmul.f32 v59, v21  }
0x2e4: {  	v45 =	vand.u32 $0xFFFF0000, v62;
	v61 =	vld [tilespmem:s0+$0xFFFFFFE0];
	v46 =	vmul.f32 v22, v23;
	v47 =	vmul.f32 v22, v21  }
0x2e5: {  	v50 =	vand.u32 $0xFFFF0000, v7;
	s0 =	simm.s32 $0xECF0;
	v60 =	vmul.f32 v8, v5;
	v4 =	vmul.f32 v8, v4;
	v8 =	vld.idx.msk [tilespmem:v33+s1+$0x0], $0xffff  }
0x2e6: {  	v21 =	vshll.u32 v62, $0x10;
	v62 =	vmul.f32 v45, v54;
	v42 =	vmul.f32 v59, v23;
	s25 =	simm.s32 $0x12BF0;
	v22 =	vld [tilespmem:s0+$0x10]  }
0x2e7: {  	s28 =	simm.s32 $0x6EF0;
	v5 =	vmul.f32 v55, v5;
	v38 =	vmul.f32 v21, v54;
	v23 =	vld [tilespmem:s25+$0x10];
	v54 =	vand.u32 $0xFFFF0000, v9  }
0x2e8: {  	v55 =	vshll.u32 v9, $0x10;
	v9 =	vld [tilespmem:s28+$0xFFFFFFE0];
	v37 =	vsub.f32 v63, v56;
	v63 =	vadd.f32 v3, v2  }
0x2e9: {  	v7 =	vshll.u32 v7, $0x10;
	v6 =	vshll.u32 v6, $0x10;
	v52 =	vadd.f32 v5, v4;
	v5 =	vld [tilespmem:s28+$0x0]  }
0x2ea: {  	v34 =	vshll.u32 v58, $0x10;
	v44 =	vsub.f32 v44, v46;
	v40 =	vmul.f32 v6, v63;
	v6 =	vld [tilespmem:s30+$0x10]  }
0x2eb: {  	v42 =	vadd.f32 v42, v47;
	v51 =	vmul.f32 v21, v20;
	v45 =	vmul.f32 v45, v20;
	v20 =	vld [tilespmem:s0+$0x20]  }
0x2ec: {  	v35 =	vmul.f32 v35, v37;
	v44 =	vmul.f32 v54, v44;
	v21 =	vld [tilespmem:s25+$0x20];
	v2 =	vand.u32 $0xFFFF0000, v8  }
0x2ed: {  	v41 =	vmul.f32 v7, v52;
	v7 =	vld [tilespmem:s30+$0x0];
	v3 =	vshll.u32 v8, $0x10;
	v4 =	vmul.f32 v2, v61  }
0x2ee: {  	v8 =	vsub.f32 v57, v60;
	v53 =	vmul.f32 v3, v48;
	v48 =	vmul.f32 v2, v48;
	v2 =	vld [tilespmem:s28+$0x20]  }
0x2ef: {  	v42 =	vmul.f32 v55, v42;
	v35 =	vadd.f32 v40, v35;
	v39 =	vmul.f32 v3, v61;
	v3 =	vld [tilespmem:s28+$0x10]  }
0x2f0: {  	v56 =	vand.u32 $0xFFFF0000, v58;
	v36 =	vsub.f32 v62, v51;
	v58 =	vmul.f32 v50, v8;
	v8 =	vld [tilespmem:s28+$0xFFFFFFF0]  }
0x2f1: {  	v59 =	vand.u32 $0xFFFF0000, v49;
	v38 =	vadd.f32 v45, v38;
	v61 =	vadd.f32 v42, v44;
	[tilespmem:v24+s22+$0x0] =	vst.idx.add.f32.msk $0xffff, v35  }
0x2f2: {  	v49 =	vshll.u32 v49, $0x10;
	v57 =	vsub.f32 v4, v53;
	v4 =	vld [tilespmem:s30+$0x20];
	v39 =	vadd.f32 v48, v39  }
0x2f3: {  	v36 =	vmul.f32 v56, v36;
	v34 =	vmul.f32 v34, v38;
	[tilespmem:v26+s22+$0x0] =	vst.idx.add.f32.msk $0xffff, v61;
	v26 =	vsub.f32 $0.0e+00, v35  }
0x2f4: {  	v62 =	vld.idx.msk [tilespmem:v9+s1+$0x0], $0xffff;
	v60 =	vadd.f32 v41, v58;
	v37 =	vmul.f32 v59, v57;
	v39 =	vmul.f32 v49, v39  }
0x2f5: {  	v24 =	vadd.f32 v34, v36;
	[tilespmem:v27+s22+$0x0] =	vst.idx.add.f32.msk $0xffff, v26  }
0x2f6: {  	[tilespmem:v25+s22+$0x0] =	vst.idx.add.f32.msk $0xffff, v60;
	v25 =	vadd.f32 v39, v37  }
0x2f7: {  	[tilespmem:v28+s22+$0x0] =	vst.idx.add.f32.msk $0xffff, v24;
	v28 =	vsub.f32 $0.0e+00, v60  }
0x2f8: {  	v19 =	vsub.f32 $0.0e+00, v24;
	[tilespmem:v30+s22+$0x0] =	vst.idx.add.f32.msk $0xffff, v25  }
0x2f9: {  	[tilespmem:v29+s22+$0x0] =	vst.idx.add.f32.msk $0xffff, v28  }
0x2fa: {  	s26 =	simm.s32 $0x16AA0;
	v24 =	vsub.f32 $0.0e+00, v25;
	[tilespmem:v32+s22+$0x0] =	vst.idx.add.f32.msk $0xffff, v19  }
0x2fb: {  	v13 =	vld [tilespmem:s26+$0xFFFFFFF0]  }
0x2fc: {  	[tilespmem:v33+s22+$0x0] =	vst.idx.add.f32.msk $0xffff, v24  }
0x2fd: {  	s29 =	simm.s32 $0x1A9A0;
	v15 =	vld [tilespmem:s26+$0xFFFFFFE0]  }
0x2fe: {  	v30 =	vsub.f32 $0.0e+00, v61;
	v17 =	vld [tilespmem:s29+$0xFFFFFFE0]  }
0x2ff: {  	v16 =	vld [tilespmem:s29+$0xFFFFFFF0]  }
0x300: {  	[tilespmem:v31+s22+$0x0] =	vst.idx.add.f32.msk $0xffff, v30  }
0x301: {  	v11 =	vld [tilespmem:s26+$0x0]  }
0x302: {  	v14 =	vld [tilespmem:s29+$0x0]  }
0x303: {  	v12 =	vld [tilespmem:s29+$0x10];
	v15 =	vsub.f32 v15, v17  }
0x304: {  	v17 =	vld [tilespmem:s26+$0x10]  }
0x305: {  	v18 =	vld [tilespmem:s29+$0x20];
	v13 =	vsub.f32 v13, v16;
	v15 =	vmax.f32 v15, $0.0e+00  }
0x306: {  	v16 =	vld [tilespmem:s26+$0x20];
	v15 =	vmul.f32 v15, v15  }
0x307: {  	v35 =	vld [tilespmem:s0+$0xFFFFFFF0];
	v13 =	vmax.f32 v13, $0.0e+00;
	v14 =	vsub.f32 v11, v14  }
0x308: {  	v31 =	vld.idx.msk [tilespmem:v6+s1+$0x0], $0xffff;
	v13 =	vmul.f32 v13, v13;
	v1 =	vadd.f32 v15, v1  }
0x309: {  	v28 =	vld.idx.msk [tilespmem:v4+s1+$0x0], $0xffff;
	v14 =	vmax.f32 v14, $0.0e+00;
	v12 =	vsub.f32 v17, v12  }
0x30a: {  	v15 =	vld.idx.msk [tilespmem:v2+s1+$0x0], $0xffff;
	v1 =	vadd.f32 v13, v1;
	v13 =	vmul.f32 v14, v14  }
0x30b: {  	v16 =	vsub.f32 v16, v18;
	v17 =	vld.idx.msk [tilespmem:v3+s1+$0x0], $0xffff;
	v12 =	vmax.f32 v12, $0.0e+00  }
0x30c: {  	v11 =	vld [tilespmem:s30+$0xFFFFFFE0];
	v12 =	vmul.f32 v12, v12;
	v1 =	vadd.f32 v13, v1  }
0x30d: {  	v63 =	vshll.u32 v31, $0x10;
	v16 =	vmax.f32 v16, $0.0e+00;
	v14 =	vld.idx.msk [tilespmem:v5+s1+$0x0], $0xffff  }
0x30e: {  	v39 =	vmul.f32 v63, v23;
	v13 =	vld.idx.msk [tilespmem:v8+s1+$0x0], $0xffff;
	v1 =	vadd.f32 v12, v1;
	v12 =	vmul.f32 v16, v16  }
0x30f: {  	v36 =	vld.idx.msk [tilespmem:v10+s1+$0x0], $0xffff;
	v19 =	vand.u32 $0xFFFF0000, v15;
	v26 =	vshll.u32 v15, $0x10;
	v15 =	vand.u32 $0xFFFF0000, v31  }
0x310: {  	v24 =	vand.u32 $0xFFFF0000, v17;
	v34 =	vmul.f32 v15, v22;
	v1 =	vadd.f32 v12, v1;
	v12 =	vld.idx.msk [tilespmem:v7+s1+$0x0], $0xffff  }
0x311: {  	v29 =	vld [tilespmem:s0+$0x0];
	v16 =	vshll.u32 v17, $0x10;
	v22 =	vmul.f32 v63, v22;
	v23 =	vmul.f32 v15, v23  }
0x312: {  	v30 =	vld [tilespmem:s25+$0x0];
	v25 =	vand.u32 $0xFFFF0000, v14;
	v17 =	vshll.u32 v14, $0x10;
	v14 =	vand.u32 $0xFFFF0000, v28  }
0x313: {  	v41 =	vld [tilespmem:s25+$0xFFFFFFF0];
	v31 =	vmul.f32 v14, v20;
	v38 =	vmul.f32 v14, v21;
	v27 =	vand.u32 $0xFFFF0000, v13  }
0x314: {  	v37 =	vld.idx.msk [tilespmem:v11+s1+$0x0], $0xffff;
	v18 =	vshll.u32 v13, $0x10;
	v13 =	vshll.u32 v28, $0x10;
	v28 =	vand.u32 $0xFFFF0000, v62  }
0x315: {  	v32 =	vmul.f32 v13, v21;
	v33 =	vmul.f32 v13, v20;
	v21 =	vld [tilespmem:s0+$0xFFFFFFE0];
	v43 =	vand.u32 $0xFFFF0000, v12  }
0x316: {  	s31 =	simm.s32 $0x5;
	v40 =	vld [tilespmem:s25+$0xFFFFFFE0];
	v20 =	vshll.u32 v62, $0x10;
	s0 =	simm.s32 $0xED40;
	v13 =	vshll.u32 v12, $0x10;
	v42 =	vmul.f32 v43, v29  }
.LBB2_10:
0x317: {  	v14 =	vld [tilespmem:s0+$0x20];
	v44 =	vand.u32 $0xFFFF0000, v36;
	v45 =	vmul.f32 v13, v30;
	v29 =	vmul.f32 v13, v29;
	s25 =	sadd.s32 $0x50, s25  }
0x318: {  	v12 =	vshll.u32 v36, $0x10;
	v30 =	vmul.f32 v43, v30;
	v15 =	vld [tilespmem:s25+$0x20];
	v36 =	vmul.f32 v44, v35  }
0x319: {  	v43 =	vand.u32 $0xFFFF0000, v37;
	v35 =	vmul.f32 v12, v35;
	v13 =	vld [tilespmem:s0+$0x10];
	v46 =	vmul.f32 v12, v41  }
0x31a: {  	s28 =	sadd.s32 $0x50, s28;
	v37 =	vshll.u32 v37, $0x10;
	v41 =	vmul.f32 v44, v41;
	v12 =	vld [tilespmem:s25+$0x10];
	v47 =	vmul.f32 v43, v21  }
0x31b: {  	v31 =	vsub.f32 v31, v32;
	v32 =	vadd.f32 v38, v33;
	v44 =	vld [tilespmem:s28+$0x20];
	v48 =	vmul.f32 v37, v40  }
0x31c: {  	v34 =	vsub.f32 v34, v39;
	v22 =	vadd.f32 v23, v22;
	v21 =	vmul.f32 v37, v21;
	v33 =	vld [tilespmem:s28+$0x10]  }
0x31d: {  	s30 =	sadd.s32 $0x50, s30;
	v38 =	vsub.f32 v42, v45;
	v29 =	vadd.f32 v30, v29;
	v37 =	vmul.f32 v43, v40;
	v23 =	vld [tilespmem:s28+$0x0]  }
0x31e: {  	v19 =	vmul.f32 v19, v31;
	v36 =	vsub.f32 v36, v46;
	v35 =	vadd.f32 v41, v35;
	v30 =	vld [tilespmem:s30+$0x20]  }
0x31f: {  	v24 =	vmul.f32 v24, v34;
	v26 =	vmul.f32 v26, v32;
	v39 =	vsub.f32 v47, v48;
	v31 =	vld [tilespmem:s28+$0xFFFFFFF0]  }
0x320: {  	v16 =	vmul.f32 v16, v22;
	v25 =	vmul.f32 v25, v38;
	v21 =	vadd.f32 v37, v21;
	v32 =	vld [tilespmem:s30+$0x10]  }
0x321: {  	v17 =	vmul.f32 v17, v29;
	v19 =	vadd.f32 v26, v19;
	v27 =	vmul.f32 v27, v36;
	v22 =	vld [tilespmem:s28+$0xFFFFFFE0]  }
0x322: {  	v16 =	vadd.f32 v16, v24;
	v18 =	vmul.f32 v18, v35;
	v28 =	vmul.f32 v28, v39;
	v26 =	vld [tilespmem:s30+$0x0]  }
0x323: {  	v17 =	vadd.f32 v17, v25;
	v20 =	vmul.f32 v20, v21;
	[tilespmem:v2+s22+$0x0] =	vst.idx.add.f32.msk $0xffff, v19;
	v2 =	vmov v44  }
0x324: {  	v18 =	vadd.f32 v18, v27;
	[tilespmem:v3+s22+$0x0] =	vst.idx.add.f32.msk $0xffff, v16;
	v3 =	vmov v33  }
0x325: {  	v20 =	vadd.f32 v20, v28;
	[tilespmem:v5+s22+$0x0] =	vst.idx.add.f32.msk $0xffff, v17;
	v5 =	vmov v23  }
0x326: {  	v19 =	vsub.f32 $0.0e+00, v19;
	[tilespmem:v8+s22+$0x0] =	vst.idx.add.f32.msk $0xffff, v18;
	v8 =	vmov v31  }
0x327: {  	v16 =	vsub.f32 $0.0e+00, v16;
	[tilespmem:v9+s22+$0x0] =	vst.idx.add.f32.msk $0xffff, v20;
	v9 =	vmov v22  }
0x328: {  	v17 =	vsub.f32 $0.0e+00, v17;
	[tilespmem:v4+s22+$0x0] =	vst.idx.add.f32.msk $0xffff, v19;
	v4 =	vmov v30  }
0x329: {  	v18 =	vsub.f32 $0.0e+00, v18;
	[tilespmem:v6+s22+$0x0] =	vst.idx.add.f32.msk $0xffff, v16;
	v6 =	vmov v32  }
0x32a: {  	v16 =	vsub.f32 $0.0e+00, v20;
	[tilespmem:v7+s22+$0x0] =	vst.idx.add.f32.msk $0xffff, v17;
	v7 =	vmov v26  }
0x32b: {  	[tilespmem:v10+s22+$0x0] =	vst.idx.add.f32.msk $0xffff, v18  }
0x32c: {  	s26 =	sadd.s32 $0x50, s26;
	[tilespmem:v11+s22+$0x0] =	vst.idx.add.f32.msk $0xffff, v16  }
0x32d: {  	s29 =	sadd.s32 $0x50, s29;
	v10 =	vld [tilespmem:s26+$0xFFFFFFE0]  }
0x32e: {  	v11 =	vld [tilespmem:s29+$0xFFFFFFE0]  }
0x32f: {  	v16 =	vld [tilespmem:s26+$0xFFFFFFF0]  }
0x330: {  	v17 =	vld [tilespmem:s29+$0xFFFFFFF0]  }
0x331: {  	v18 =	vld [tilespmem:s26+$0x0]  }
0x332: {  	v19 =	vld [tilespmem:s29+$0x0]  }
0x333: {  	v10 =	vsub.f32 v10, v11;
	v20 =	vld [tilespmem:s26+$0x10]  }
0x334: {  	v21 =	vld [tilespmem:s29+$0x10]  }
0x335: {  	v10 =	vmax.f32 v10, $0.0e+00;
	v11 =	vsub.f32 v16, v17;
	v16 =	vld [tilespmem:s26+$0x20]  }
0x336: {  	v17 =	vmul.f32 v10, v10;
	v22 =	vld [tilespmem:s29+$0x20]  }
0x337: {  	v10 =	vld [tilespmem:s30+$0xFFFFFFF0];
	v23 =	vmax.f32 v11, $0.0e+00;
	v18 =	vsub.f32 v18, v19  }
0x338: {  	v11 =	vld [tilespmem:s30+$0xFFFFFFE0];
	v1 =	vadd.f32 v17, v1;
	v17 =	vmul.f32 v23, v23  }
0x339: {  	v23 =	vld.idx.msk [tilespmem:v2+s1+$0x0], $0xffff;
	v18 =	vmax.f32 v18, $0.0e+00;
	v19 =	vsub.f32 v20, v21  }
0x33a: {  	v20 =	vld.idx.msk [tilespmem:v3+s1+$0x0], $0xffff;
	v1 =	vadd.f32 v17, v1;
	v17 =	vmul.f32 v18, v18  }
0x33b: {  	v18 =	vld.idx.msk [tilespmem:v5+s1+$0x0], $0xffff;
	v19 =	vmax.f32 v19, $0.0e+00;
	v16 =	vsub.f32 v16, v22  }
0x33c: {  	v21 =	vld.idx.msk [tilespmem:v4+s1+$0x0], $0xffff;
	v1 =	vadd.f32 v17, v1;
	v17 =	vmul.f32 v19, v19  }
0x33d: {  	v22 =	vld.idx.msk [tilespmem:v8+s1+$0x0], $0xffff;
	v16 =	vmax.f32 v16, $0.0e+00  }
0x33e: {  	v28 =	vld.idx.msk [tilespmem:v6+s1+$0x0], $0xffff;
	v1 =	vadd.f32 v17, v1;
	v16 =	vmul.f32 v16, v16  }
0x33f: {  	v34 =	vld.idx.msk [tilespmem:v9+s1+$0x0], $0xffff  }
0x340: {  	v19 =	vand.u32 $0xFFFF0000, v23;
	v29 =	vld [tilespmem:s0+$0x0];
	v1 =	vadd.f32 v16, v1  }
0x341: {  	v26 =	vshll.u32 v23, $0x10;
	v24 =	vand.u32 $0xFFFF0000, v20;
	v16 =	vshll.u32 v20, $0x10;
	v42 =	vld.idx.msk [tilespmem:v7+s1+$0x0], $0xffff  }
0x342: {  	s31 =	sadd.s32 $0x5, s31;
	v25 =	vand.u32 $0xFFFF0000, v18;
	v17 =	vshll.u32 v18, $0x10;
	v23 =	vand.u32 $0xFFFF0000, v21;
	v30 =	vld [tilespmem:s25+$0x0]  }
0x343: {  	p0 =	slt.u32 s31, $0x1EF;
	v20 =	vshll.u32 v21, $0x10;
	v27 =	vand.u32 $0xFFFF0000, v22;
	v18 =	vshll.u32 v22, $0x10;
	v36 =	vld.idx.msk [tilespmem:v10+s1+$0x0], $0xffff  }
.Ltmp4:
0x344: {  	v31 =	vmul.f32 v23, v14;
	v44 =	vand.u32 $0xFFFF0000, v28;
	v22 =	vshll.u32 v28, $0x10;
	v35 =	vld [tilespmem:s0+$0xFFFFFFF0];
	(pc) =	sbr.rel @p0 .LBB2_10-.Ltmp4, $4  }
0x345: {  	v32 =	vmul.f32 v20, v15;
	v33 =	vmul.f32 v20, v14;
	v28 =	vand.u32 $0xFFFF0000, v34;
	v37 =	vld.idx.msk [tilespmem:v11+s1+$0x0], $0xffff  }
0x346: {  	v38 =	vmul.f32 v23, v15;
	v20 =	vshll.u32 v34, $0x10;
	v34 =	vmul.f32 v44, v13;
	v41 =	vld [tilespmem:s25+$0xFFFFFFF0]  }
0x347: {  	v39 =	vmul.f32 v22, v12;
	v22 =	vmul.f32 v22, v13;
	v43 =	vand.u32 $0xFFFF0000, v42;
	v21 =	vld [tilespmem:s0+$0xFFFFFFE0]  }
0x348: {  	v23 =	vmul.f32 v44, v12;
	v13 =	vshll.u32 v42, $0x10;
	v42 =	vmul.f32 v43, v29;
	s0 =	sadd.s32 $0x50, s0;
	v40 =	vld [tilespmem:s25+$0xFFFFFFE0]  }
0x349: {  	v12 =	vand.u32 $0xFFFF0000, v36;
	v14 =	vmul.f32 v13, v30  }
0x34a: {  	v13 =	vmul.f32 v13, v29;
	v15 =	vshll.u32 v36, $0x10;
	v31 =	vsub.f32 v31, v32  }
0x34b: {  	v30 =	vmul.f32 v43, v30;
	v59 =	vadd.f32 v38, v33;
	v60 =	vsub.f32 v34, v39  }
0x34c: {  	v29 =	vmul.f32 v12, v35;
	v54 =	vand.u32 $0xFFFF0000, v37;
	v55 =	vmul.f32 v15, v41  }
0x34d: {  	v56 =	vshll.u32 v37, $0x10;
	v15 =	vmul.f32 v15, v35;
	v12 =	vmul.f32 v12, v41  }
0x34e: {  	v22 =	vadd.f32 v23, v22;
	v24 =	vmul.f32 v24, v60;
	v26 =	vmul.f32 v26, v59  }
0x34f: {  	v14 =	vsub.f32 v42, v14;
	v57 =	vmul.f32 v54, v21;
	v21 =	vmul.f32 v56, v21  }
0x350: {  	v13 =	vadd.f32 v30, v13;
	v16 =	vmul.f32 v16, v22;
	v58 =	vmul.f32 v56, v40  }
0x351: {  	v23 =	vmul.f32 v54, v40;
	v29 =	vsub.f32 v29, v55;
	v12 =	vadd.f32 v12, v15  }
0x352: {  	v15 =	vmul.f32 v19, v31;
	v14 =	vmul.f32 v25, v14;
	v16 =	vadd.f32 v16, v24  }
0x353: {  	v13 =	vmul.f32 v17, v13;
	v19 =	vsub.f32 v57, v58;
	v21 =	vadd.f32 v23, v21  }
0x354: {  	v22 =	vmul.f32 v27, v29;
	v15 =	vadd.f32 v26, v15;
	v12 =	vmul.f32 v18, v12  }
0x355: {  	v13 =	vadd.f32 v13, v14;
	[tilespmem:v3+s22+$0x0] =	vst.idx.add.f32.msk $0xffff, v16;
	v17 =	vmul.f32 v28, v19  }
0x356: {  	v18 =	vmul.f32 v20, v21;
	[tilespmem:v2+s22+$0x0] =	vst.idx.add.f32.msk $0xffff, v15;
	v2 =	vadd.f32 v12, v22  }
0x357: {  	[tilespmem:v5+s22+$0x0] =	vst.idx.add.f32.msk $0xffff, v13;
	v5 =	vsub.f32 $0.0e+00, v15  }
0x358: {  	v3 =	vadd.f32 v18, v17;
	[tilespmem:v8+s22+$0x0] =	vst.idx.add.f32.msk $0xffff, v2  }
0x359: {  	v8 =	vsub.f32 $0.0e+00, v16;
	[tilespmem:v4+s22+$0x0] =	vst.idx.add.f32.msk $0xffff, v5  }
0x35a: {  	v2 =	vsub.f32 $0.0e+00, v2;
	[tilespmem:v9+s22+$0x0] =	vst.idx.add.f32.msk $0xffff, v3  }
0x35b: {  	[tilespmem:v6+s22+$0x0] =	vst.idx.add.f32.msk $0xffff, v8  }
0x35c: {  	s0 =	sadd.s32 $0x50, s26;
	[tilespmem:v10+s22+$0x0] =	vst.idx.add.f32.msk $0xffff, v2  }
0x35d: {  	v10 =	vld [tilespmem:s0+$0x20]  }
0x35e: {  	s25 =	sadd.s32 $0x50, s29;
	v16 =	vld [tilespmem:s0+$0xFFFFFFF0]  }
0x35f: {  	v17 =	vld [tilespmem:s25+$0xFFFFFFF0]  }
0x360: {  	v9 =	vsub.f32 $0.0e+00, v13;
	v12 =	vld [tilespmem:s0+$0x10]  }
0x361: {  	v3 =	vsub.f32 $0.0e+00, v3;
	v13 =	vld [tilespmem:s25+$0x10]  }
0x362: {  	[tilespmem:v7+s22+$0x0] =	vst.idx.add.f32.msk $0xffff, v9  }
0x363: {  	[tilespmem:v11+s22+$0x0] =	vst.idx.add.f32.msk $0xffff, v3  }
0x364: {  	v11 =	vld [tilespmem:s25+$0x20]  }
0x365: {  	v18 =	vld [tilespmem:s0+$0xFFFFFFE0]  }
0x366: {  	v19 =	vld [tilespmem:s25+$0xFFFFFFE0]  }
0x367: {  	v14 =	vld [tilespmem:s0+$0x0]  }
0x368: {  	v15 =	vld [tilespmem:s25+$0x0];
	_ =	swait.ge [sflag:s15], $0x1F40  }
0x369: {  	[sflag:s15] =	ssyncset.done $0x0  }
0x36a: {  	[sflag:s15] =	ssyncadd.s32 $0xFFFFE0C0  }
0x36b: {  	_ =	swait.ge [sflag:s15], $0x1F40  }
0x36c: {  	[sflag:s15] =	ssyncset.done $0x0  }
0x36d: {  	[sflag:s15] =	ssyncadd.s32 $0xFFFFE0C0  }
0x36e: {  	_ =	swait.ge [sflag:s15], $0x1F40  }
0x36f: {  	[sflag:s15] =	ssyncset.done $0x0  }
0x370: {  	[sflag:s15] =	ssyncadd.s32 $0xFFFFE0C0  }
0x371: {  	_ =	swait.ge [sflag:s15], $0x1F40  }
0x372: {  	[sflag:s15] =	ssyncset.done $0x0  }
0x373: {  	[sflag:s15] =	ssyncadd.s32 $0xFFFFE0C0  }
0x374: {  	_ =	swait.ge [sflag:s15], $0x1F40  }
0x375: {  	[sflag:s15] =	ssyncset.done $0x0  }
0x376: {  	[sflag:s15] =	ssyncadd.s32 $0xFFFFE0C0  }
0x377: {  	_ =	swait.ge [sflag:s15], $0x1F40  }
0x378: {  	[sflag:s15] =	ssyncset.done $0x0  }
0x379: {  	s26 =	rddreg [dreg:$0xa];
	[sflag:s15] =	ssyncadd.s32 $0xFFFFE0C0  }
0x37a: {  	[tilespmem:s16], [sflag:$0x2] =	stream.linear.gather [hbm4b:s26+s1], $0x1F40, $0x38;
	[tilespmem:$0x1C980] =	vst v63  }
0x37b: {  	s25 =	sld [smem:$0x7E1]  }
0x37c: {  	[tilespmem:s17], [sflag:$0x2] =	stream.linear.gather [hbm4b:s3+s1], $0x1F40, $0x38;
	[tilespmem:$0x1C980] =	vst v63  }
0x37d: {  	s26 =	sld [smem:$0x7E2]  }
0x37e: {  	[tilespmem:s18], [sflag:$0x2] =	stream.linear.gather [hbm4b:s25+s1], $0x1F40, $0x38;
	[tilespmem:$0x1C980] =	vst v63  }
0x37f: {  	s25 =	sld [smem:$0x7E3]  }
0x380: {  	[tilespmem:s19], [sflag:$0x2] =	stream.linear.gather [hbm4b:s26+s1], $0x1F40, $0x38;
	[tilespmem:$0x1C980] =	vst v63  }
0x381: {  	s26 =	sld [smem:$0x7E4]  }
0x382: {  	[tilespmem:s20], [sflag:$0x2] =	stream.linear.gather [hbm4b:s25+s1], $0x1F40, $0x38;
	[tilespmem:$0x1C980] =	vst v63  }
0x383: {  	s0 =	simm.s32 $0xCD20  }
0x384: {  	[tilespmem:s21], [sflag:$0x2] =	stream.linear.gather [hbm4b:s26+s1], $0x1F40, $0x38;
	[tilespmem:$0x1C980] =	vst v63  }
0x385: {  	s25 =	simm.s32 $0x10C20;
	v2 =	vld [tilespmem:s0+$0x20]  }
0x386: {  	v3 =	vld [tilespmem:s25+$0x20]  }
0x387: {  	v4 =	vld [tilespmem:s0+$0x10]  }
0x388: {  	s26 =	simm.s32 $0x4F20;
	v5 =	vld [tilespmem:s25+$0x10]  }
0x389: {  	v24 =	vld [tilespmem:s26+$0x20]  }
0x38a: {  	v25 =	vld [tilespmem:s26+$0x10]  }
0x38b: {  	s28 =	simm.s32 $0x8E20;
	v26 =	vld [tilespmem:s26+$0x0]  }
0x38c: {  	v27 =	vld [tilespmem:s28+$0x20]  }
0x38d: {  	v28 =	vld [tilespmem:s26+$0xFFFFFFF0]  }
0x38e: {  	v18 =	vsub.f32 v18, v19;
	v29 =	vld [tilespmem:s28+$0x10]  }
0x38f: {  	v30 =	vld [tilespmem:s26+$0xFFFFFFE0]  }
0x390: {  	v16 =	vsub.f32 v16, v17;
	v18 =	vmax.f32 v18, $0.0e+00;
	v31 =	vld [tilespmem:s28+$0x0]  }
0x391: {  	v17 =	vmul.f32 v18, v18;
	v32 =	vld [tilespmem:s28+$0xFFFFFFF0]  }
0x392: {  	v16 =	vmax.f32 v16, $0.0e+00;
	v14 =	vsub.f32 v14, v15;
	v33 =	vld [tilespmem:s28+$0xFFFFFFE0]  }
0x393: {  	v16 =	vmul.f32 v16, v16;
	v1 =	vadd.f32 v17, v1;
	v21 =	vld [tilespmem:s0+$0x0]  }
0x394: {  	v12 =	vsub.f32 v12, v13;
	v14 =	vmax.f32 v14, $0.0e+00;
	v23 =	vld [tilespmem:s25+$0x0]  }
0x395: {  	v14 =	vmul.f32 v14, v14;
	v1 =	vadd.f32 v16, v1;
	v54 =	vld [tilespmem:s0+$0xFFFFFFF0]  }
0x396: {  	v10 =	vsub.f32 v10, v11;
	v12 =	vmax.f32 v12, $0.0e+00;
	v48 =	vld [tilespmem:s25+$0xFFFFFFE0]  }
0x397: {  	v12 =	vmul.f32 v12, v12;
	v1 =	vadd.f32 v14, v1;
	v6 =	vld.idx.msk [tilespmem:v24+s1+$0x0], $0xffff  }
0x398: {  	v10 =	vmax.f32 v10, $0.0e+00;
	v8 =	vld.idx.msk [tilespmem:v27+s1+$0x0], $0xffff  }
0x399: {  	v10 =	vmul.f32 v10, v10;
	v1 =	vadd.f32 v12, v1;
	v20 =	vld.idx.msk [tilespmem:v29+s1+$0x0], $0xffff  }
0x39a: {  	s30 =	simm.s32 $0x8E70;
	v22 =	vld.idx.msk [tilespmem:v31+s1+$0x0], $0xffff  }
0x39b: {  	v1 =	vadd.f32 v10, v1;
	v10 =	vld [tilespmem:s30+$0xFFFFFFF0]  }
0x39c: {  	v7 =	vld.idx.msk [tilespmem:v25+s1+$0x0], $0xffff  }
0x39d: {  	v62 =	vld.idx.msk [tilespmem:v32+s1+$0x0], $0xffff;
	v61 =	vand.u32 $0xFFFF0000, v8  }
0x39e: {  	v9 =	vld.idx.msk [tilespmem:v26+s1+$0x0], $0xffff;
	v35 =	vand.u32 $0xFFFF0000, v6;
	v8 =	vshll.u32 v8, $0x10;
	v55 =	vand.u32 $0xFFFF0000, v20  }
0x39f: {  	v58 =	vld.idx.msk [tilespmem:v28+s1+$0x0], $0xffff;
	v59 =	vand.u32 $0xFFFF0000, v22;
	v63 =	vmul.f32 v61, v2;
	v56 =	vmul.f32 v8, v3  }
0x3a0: {  	v49 =	vld.idx.msk [tilespmem:v30+s1+$0x0], $0xffff;
	v22 =	vshll.u32 v22, $0x10;
	v2 =	vmul.f32 v8, v2;
	v57 =	vmul.f32 v55, v4  }
0x3a1: {  	v8 =	vshll.u32 v20, $0x10;
	v20 =	vld [tilespmem:s25+$0xFFFFFFF0];
	v3 =	vmul.f32 v61, v3;
	v44 =	vmul.f32 v59, v21  }
0x3a2: {  	v45 =	vand.u32 $0xFFFF0000, v62;
	v61 =	vld [tilespmem:s0+$0xFFFFFFE0];
	v46 =	vmul.f32 v22, v23;
	v47 =	vmul.f32 v22, v21  }
0x3a3: {  	v50 =	vand.u32 $0xFFFF0000, v7;
	s0 =	simm.s32 $0xCD70;
	v60 =	vmul.f32 v8, v5;
	v4 =	vmul.f32 v8, v4;
	v8 =	vld.idx.msk [tilespmem:v33+s1+$0x0], $0xffff  }
0x3a4: {  	v21 =	vshll.u32 v62, $0x10;
	v62 =	vmul.f32 v45, v54;
	v42 =	vmul.f32 v59, v23;
	s25 =	simm.s32 $0x10C70;
	v22 =	vld [tilespmem:s0+$0x10]  }
0x3a5: {  	s28 =	simm.s32 $0x4F70;
	v5 =	vmul.f32 v55, v5;
	v38 =	vmul.f32 v21, v54;
	v23 =	vld [tilespmem:s25+$0x10];
	v54 =	vand.u32 $0xFFFF0000, v9  }
0x3a6: {  	v55 =	vshll.u32 v9, $0x10;
	v9 =	vld [tilespmem:s28+$0xFFFFFFE0];
	v37 =	vsub.f32 v63, v56;
	v63 =	vadd.f32 v3, v2  }
0x3a7: {  	v7 =	vshll.u32 v7, $0x10;
	v6 =	vshll.u32 v6, $0x10;
	v52 =	vadd.f32 v5, v4;
	v5 =	vld [tilespmem:s28+$0x0]  }
0x3a8: {  	v34 =	vshll.u32 v58, $0x10;
	v44 =	vsub.f32 v44, v46;
	v40 =	vmul.f32 v6, v63;
	v6 =	vld [tilespmem:s30+$0x10]  }
0x3a9: {  	v42 =	vadd.f32 v42, v47;
	v51 =	vmul.f32 v21, v20;
	v45 =	vmul.f32 v45, v20;
	v20 =	vld [tilespmem:s0+$0x20]  }
0x3aa: {  	v35 =	vmul.f32 v35, v37;
	v44 =	vmul.f32 v54, v44;
	v21 =	vld [tilespmem:s25+$0x20];
	v2 =	vand.u32 $0xFFFF0000, v8  }
0x3ab: {  	v41 =	vmul.f32 v7, v52;
	v7 =	vld [tilespmem:s30+$0x0];
	v3 =	vshll.u32 v8, $0x10;
	v4 =	vmul.f32 v2, v61  }
0x3ac: {  	v8 =	vsub.f32 v57, v60;
	v53 =	vmul.f32 v3, v48;
	v48 =	vmul.f32 v2, v48;
	v2 =	vld [tilespmem:s28+$0x20]  }
0x3ad: {  	v42 =	vmul.f32 v55, v42;
	v35 =	vadd.f32 v40, v35;
	v39 =	vmul.f32 v3, v61;
	v3 =	vld [tilespmem:s28+$0x10]  }
0x3ae: {  	v56 =	vand.u32 $0xFFFF0000, v58;
	v36 =	vsub.f32 v62, v51;
	v58 =	vmul.f32 v50, v8;
	v8 =	vld [tilespmem:s28+$0xFFFFFFF0]  }
0x3af: {  	v59 =	vand.u32 $0xFFFF0000, v49;
	v38 =	vadd.f32 v45, v38;
	v61 =	vadd.f32 v42, v44;
	[tilespmem:v24+s22+$0x0] =	vst.idx.add.f32.msk $0xffff, v35  }
0x3b0: {  	v49 =	vshll.u32 v49, $0x10;
	v57 =	vsub.f32 v4, v53;
	v4 =	vld [tilespmem:s30+$0x20];
	v39 =	vadd.f32 v48, v39  }
0x3b1: {  	v36 =	vmul.f32 v56, v36;
	v34 =	vmul.f32 v34, v38;
	[tilespmem:v26+s22+$0x0] =	vst.idx.add.f32.msk $0xffff, v61;
	v26 =	vsub.f32 $0.0e+00, v35  }
0x3b2: {  	v62 =	vld.idx.msk [tilespmem:v9+s1+$0x0], $0xffff;
	v60 =	vadd.f32 v41, v58;
	v37 =	vmul.f32 v59, v57;
	v39 =	vmul.f32 v49, v39  }
0x3b3: {  	v24 =	vadd.f32 v34, v36;
	[tilespmem:v27+s22+$0x0] =	vst.idx.add.f32.msk $0xffff, v26  }
0x3b4: {  	[tilespmem:v25+s22+$0x0] =	vst.idx.add.f32.msk $0xffff, v60;
	v25 =	vadd.f32 v39, v37  }
0x3b5: {  	[tilespmem:v28+s22+$0x0] =	vst.idx.add.f32.msk $0xffff, v24;
	v28 =	vsub.f32 $0.0e+00, v60  }
0x3b6: {  	v19 =	vsub.f32 $0.0e+00, v24;
	[tilespmem:v30+s22+$0x0] =	vst.idx.add.f32.msk $0xffff, v25  }
0x3b7: {  	[tilespmem:v29+s22+$0x0] =	vst.idx.add.f32.msk $0xffff, v28  }
0x3b8: {  	s26 =	simm.s32 $0x14B20;
	v24 =	vsub.f32 $0.0e+00, v25;
	[tilespmem:v32+s22+$0x0] =	vst.idx.add.f32.msk $0xffff, v19  }
0x3b9: {  	v13 =	vld [tilespmem:s26+$0xFFFFFFF0]  }
0x3ba: {  	[tilespmem:v33+s22+$0x0] =	vst.idx.add.f32.msk $0xffff, v24  }
0x3bb: {  	s29 =	simm.s32 $0x18A20;
	v15 =	vld [tilespmem:s26+$0xFFFFFFE0]  }
0x3bc: {  	v30 =	vsub.f32 $0.0e+00, v61;
	v17 =	vld [tilespmem:s29+$0xFFFFFFE0]  }
0x3bd: {  	v16 =	vld [tilespmem:s29+$0xFFFFFFF0]  }
0x3be: {  	[tilespmem:v31+s22+$0x0] =	vst.idx.add.f32.msk $0xffff, v30  }
0x3bf: {  	v11 =	vld [tilespmem:s26+$0x0]  }
0x3c0: {  	v14 =	vld [tilespmem:s29+$0x0]  }
0x3c1: {  	v12 =	vld [tilespmem:s29+$0x10];
	v15 =	vsub.f32 v15, v17  }
0x3c2: {  	v17 =	vld [tilespmem:s26+$0x10]  }
0x3c3: {  	v18 =	vld [tilespmem:s29+$0x20];
	v13 =	vsub.f32 v13, v16;
	v15 =	vmax.f32 v15, $0.0e+00  }
0x3c4: {  	v16 =	vld [tilespmem:s26+$0x20];
	v15 =	vmul.f32 v15, v15  }
0x3c5: {  	v35 =	vld [tilespmem:s0+$0xFFFFFFF0];
	v13 =	vmax.f32 v13, $0.0e+00;
	v14 =	vsub.f32 v11, v14  }
0x3c6: {  	v31 =	vld.idx.msk [tilespmem:v6+s1+$0x0], $0xffff;
	v13 =	vmul.f32 v13, v13;
	v1 =	vadd.f32 v15, v1  }
0x3c7: {  	v28 =	vld.idx.msk [tilespmem:v4+s1+$0x0], $0xffff;
	v14 =	vmax.f32 v14, $0.0e+00;
	v12 =	vsub.f32 v17, v12  }
0x3c8: {  	v15 =	vld.idx.msk [tilespmem:v2+s1+$0x0], $0xffff;
	v1 =	vadd.f32 v13, v1;
	v13 =	vmul.f32 v14, v14  }
0x3c9: {  	v16 =	vsub.f32 v16, v18;
	v17 =	vld.idx.msk [tilespmem:v3+s1+$0x0], $0xffff;
	v12 =	vmax.f32 v12, $0.0e+00  }
0x3ca: {  	v11 =	vld [tilespmem:s30+$0xFFFFFFE0];
	v12 =	vmul.f32 v12, v12;
	v1 =	vadd.f32 v13, v1  }
0x3cb: {  	v63 =	vshll.u32 v31, $0x10;
	v16 =	vmax.f32 v16, $0.0e+00;
	v14 =	vld.idx.msk [tilespmem:v5+s1+$0x0], $0xffff  }
0x3cc: {  	v39 =	vmul.f32 v63, v23;
	v13 =	vld.idx.msk [tilespmem:v8+s1+$0x0], $0xffff;
	v1 =	vadd.f32 v12, v1;
	v12 =	vmul.f32 v16, v16  }
0x3cd: {  	v36 =	vld.idx.msk [tilespmem:v10+s1+$0x0], $0xffff;
	v19 =	vand.u32 $0xFFFF0000, v15;
	v26 =	vshll.u32 v15, $0x10;
	v15 =	vand.u32 $0xFFFF0000, v31  }
0x3ce: {  	v24 =	vand.u32 $0xFFFF0000, v17;
	v34 =	vmul.f32 v15, v22;
	v1 =	vadd.f32 v12, v1;
	v12 =	vld.idx.msk [tilespmem:v7+s1+$0x0], $0xffff  }
0x3cf: {  	v29 =	vld [tilespmem:s0+$0x0];
	v16 =	vshll.u32 v17, $0x10;
	v22 =	vmul.f32 v63, v22;
	v23 =	vmul.f32 v15, v23  }
0x3d0: {  	v30 =	vld [tilespmem:s25+$0x0];
	v25 =	vand.u32 $0xFFFF0000, v14;
	v17 =	vshll.u32 v14, $0x10;
	v14 =	vand.u32 $0xFFFF0000, v28  }
0x3d1: {  	v41 =	vld [tilespmem:s25+$0xFFFFFFF0];
	v31 =	vmul.f32 v14, v20;
	v38 =	vmul.f32 v14, v21;
	v27 =	vand.u32 $0xFFFF0000, v13  }
0x3d2: {  	v37 =	vld.idx.msk [tilespmem:v11+s1+$0x0], $0xffff;
	v18 =	vshll.u32 v13, $0x10;
	v13 =	vshll.u32 v28, $0x10;
	v28 =	vand.u32 $0xFFFF0000, v62  }
0x3d3: {  	v32 =	vmul.f32 v13, v21;
	v33 =	vmul.f32 v13, v20;
	v21 =	vld [tilespmem:s0+$0xFFFFFFE0];
	v43 =	vand.u32 $0xFFFF0000, v12  }
0x3d4: {  	s31 =	simm.s32 $0x5;
	v40 =	vld [tilespmem:s25+$0xFFFFFFE0];
	v20 =	vshll.u32 v62, $0x10;
	s0 =	simm.s32 $0xCDC0;
	v13 =	vshll.u32 v12, $0x10;
	v42 =	vmul.f32 v43, v29  }
.LBB2_12:
0x3d5: {  	v14 =	vld [tilespmem:s0+$0x20];
	v44 =	vand.u32 $0xFFFF0000, v36;
	v45 =	vmul.f32 v13, v30;
	v29 =	vmul.f32 v13, v29;
	s25 =	sadd.s32 $0x50, s25  }
0x3d6: {  	v12 =	vshll.u32 v36, $0x10;
	v30 =	vmul.f32 v43, v30;
	v15 =	vld [tilespmem:s25+$0x20];
	v36 =	vmul.f32 v44, v35  }
0x3d7: {  	v43 =	vand.u32 $0xFFFF0000, v37;
	v35 =	vmul.f32 v12, v35;
	v13 =	vld [tilespmem:s0+$0x10];
	v46 =	vmul.f32 v12, v41  }
0x3d8: {  	s28 =	sadd.s32 $0x50, s28;
	v37 =	vshll.u32 v37, $0x10;
	v41 =	vmul.f32 v44, v41;
	v12 =	vld [tilespmem:s25+$0x10];
	v47 =	vmul.f32 v43, v21  }
0x3d9: {  	v31 =	vsub.f32 v31, v32;
	v32 =	vadd.f32 v38, v33;
	v44 =	vld [tilespmem:s28+$0x20];
	v48 =	vmul.f32 v37, v40  }
0x3da: {  	v34 =	vsub.f32 v34, v39;
	v22 =	vadd.f32 v23, v22;
	v21 =	vmul.f32 v37, v21;
	v33 =	vld [tilespmem:s28+$0x10]  }
0x3db: {  	s30 =	sadd.s32 $0x50, s30;
	v38 =	vsub.f32 v42, v45;
	v29 =	vadd.f32 v30, v29;
	v37 =	vmul.f32 v43, v40;
	v23 =	vld [tilespmem:s28+$0x0]  }
0x3dc: {  	v19 =	vmul.f32 v19, v31;
	v36 =	vsub.f32 v36, v46;
	v35 =	vadd.f32 v41, v35;
	v30 =	vld [tilespmem:s30+$0x20]  }
0x3dd: {  	v24 =	vmul.f32 v24, v34;
	v26 =	vmul.f32 v26, v32;
	v39 =	vsub.f32 v47, v48;
	v31 =	vld [tilespmem:s28+$0xFFFFFFF0]  }
0x3de: {  	v16 =	vmul.f32 v16, v22;
	v25 =	vmul.f32 v25, v38;
	v21 =	vadd.f32 v37, v21;
	v32 =	vld [tilespmem:s30+$0x10]  }
0x3df: {  	v17 =	vmul.f32 v17, v29;
	v19 =	vadd.f32 v26, v19;
	v27 =	vmul.f32 v27, v36;
	v22 =	vld [tilespmem:s28+$0xFFFFFFE0]  }
0x3e0: {  	v16 =	vadd.f32 v16, v24;
	v18 =	vmul.f32 v18, v35;
	v28 =	vmul.f32 v28, v39;
	v26 =	vld [tilespmem:s30+$0x0]  }
0x3e1: {  	v17 =	vadd.f32 v17, v25;
	v20 =	vmul.f32 v20, v21;
	[tilespmem:v2+s22+$0x0] =	vst.idx.add.f32.msk $0xffff, v19;
	v2 =	vmov v44  }
0x3e2: {  	v18 =	vadd.f32 v18, v27;
	[tilespmem:v3+s22+$0x0] =	vst.idx.add.f32.msk $0xffff, v16;
	v3 =	vmov v33  }
0x3e3: {  	v20 =	vadd.f32 v20, v28;
	[tilespmem:v5+s22+$0x0] =	vst.idx.add.f32.msk $0xffff, v17;
	v5 =	vmov v23  }
0x3e4: {  	v19 =	vsub.f32 $0.0e+00, v19;
	[tilespmem:v8+s22+$0x0] =	vst.idx.add.f32.msk $0xffff, v18;
	v8 =	vmov v31  }
0x3e5: {  	v16 =	vsub.f32 $0.0e+00, v16;
	[tilespmem:v9+s22+$0x0] =	vst.idx.add.f32.msk $0xffff, v20;
	v9 =	vmov v22  }
0x3e6: {  	v17 =	vsub.f32 $0.0e+00, v17;
	[tilespmem:v4+s22+$0x0] =	vst.idx.add.f32.msk $0xffff, v19;
	v4 =	vmov v30  }
0x3e7: {  	v18 =	vsub.f32 $0.0e+00, v18;
	[tilespmem:v6+s22+$0x0] =	vst.idx.add.f32.msk $0xffff, v16;
	v6 =	vmov v32  }
0x3e8: {  	v16 =	vsub.f32 $0.0e+00, v20;
	[tilespmem:v7+s22+$0x0] =	vst.idx.add.f32.msk $0xffff, v17;
	v7 =	vmov v26  }
0x3e9: {  	[tilespmem:v10+s22+$0x0] =	vst.idx.add.f32.msk $0xffff, v18  }
0x3ea: {  	s26 =	sadd.s32 $0x50, s26;
	[tilespmem:v11+s22+$0x0] =	vst.idx.add.f32.msk $0xffff, v16  }
0x3eb: {  	s29 =	sadd.s32 $0x50, s29;
	v10 =	vld [tilespmem:s26+$0xFFFFFFE0]  }
0x3ec: {  	v11 =	vld [tilespmem:s29+$0xFFFFFFE0]  }
0x3ed: {  	v16 =	vld [tilespmem:s26+$0xFFFFFFF0]  }
0x3ee: {  	v17 =	vld [tilespmem:s29+$0xFFFFFFF0]  }
0x3ef: {  	v18 =	vld [tilespmem:s26+$0x0]  }
0x3f0: {  	v19 =	vld [tilespmem:s29+$0x0]  }
0x3f1: {  	v10 =	vsub.f32 v10, v11;
	v20 =	vld [tilespmem:s26+$0x10]  }
0x3f2: {  	v21 =	vld [tilespmem:s29+$0x10]  }
0x3f3: {  	v10 =	vmax.f32 v10, $0.0e+00;
	v11 =	vsub.f32 v16, v17;
	v16 =	vld [tilespmem:s26+$0x20]  }
0x3f4: {  	v17 =	vmul.f32 v10, v10;
	v22 =	vld [tilespmem:s29+$0x20]  }
0x3f5: {  	v10 =	vld [tilespmem:s30+$0xFFFFFFF0];
	v23 =	vmax.f32 v11, $0.0e+00;
	v18 =	vsub.f32 v18, v19  }
0x3f6: {  	v11 =	vld [tilespmem:s30+$0xFFFFFFE0];
	v1 =	vadd.f32 v17, v1;
	v17 =	vmul.f32 v23, v23  }
0x3f7: {  	v23 =	vld.idx.msk [tilespmem:v2+s1+$0x0], $0xffff;
	v18 =	vmax.f32 v18, $0.0e+00;
	v19 =	vsub.f32 v20, v21  }
0x3f8: {  	v20 =	vld.idx.msk [tilespmem:v3+s1+$0x0], $0xffff;
	v1 =	vadd.f32 v17, v1;
	v17 =	vmul.f32 v18, v18  }
0x3f9: {  	v18 =	vld.idx.msk [tilespmem:v5+s1+$0x0], $0xffff;
	v19 =	vmax.f32 v19, $0.0e+00;
	v16 =	vsub.f32 v16, v22  }
0x3fa: {  	v21 =	vld.idx.msk [tilespmem:v4+s1+$0x0], $0xffff;
	v1 =	vadd.f32 v17, v1;
	v17 =	vmul.f32 v19, v19  }
0x3fb: {  	v22 =	vld.idx.msk [tilespmem:v8+s1+$0x0], $0xffff;
	v16 =	vmax.f32 v16, $0.0e+00  }
0x3fc: {  	v28 =	vld.idx.msk [tilespmem:v6+s1+$0x0], $0xffff;
	v1 =	vadd.f32 v17, v1;
	v16 =	vmul.f32 v16, v16  }
0x3fd: {  	v34 =	vld.idx.msk [tilespmem:v9+s1+$0x0], $0xffff  }
0x3fe: {  	v19 =	vand.u32 $0xFFFF0000, v23;
	v29 =	vld [tilespmem:s0+$0x0];
	v1 =	vadd.f32 v16, v1  }
0x3ff: {  	v26 =	vshll.u32 v23, $0x10;
	v24 =	vand.u32 $0xFFFF0000, v20;
	v16 =	vshll.u32 v20, $0x10;
	v42 =	vld.idx.msk [tilespmem:v7+s1+$0x0], $0xffff  }
0x400: {  	s31 =	sadd.s32 $0x5, s31;
	v25 =	vand.u32 $0xFFFF0000, v18;
	v17 =	vshll.u32 v18, $0x10;
	v23 =	vand.u32 $0xFFFF0000, v21;
	v30 =	vld [tilespmem:s25+$0x0]  }
0x401: {  	p0 =	slt.u32 s31, $0x1EF;
	v20 =	vshll.u32 v21, $0x10;
	v27 =	vand.u32 $0xFFFF0000, v22;
	v18 =	vshll.u32 v22, $0x10;
	v36 =	vld.idx.msk [tilespmem:v10+s1+$0x0], $0xffff  }
.Ltmp5:
0x402: {  	v31 =	vmul.f32 v23, v14;
	v44 =	vand.u32 $0xFFFF0000, v28;
	v22 =	vshll.u32 v28, $0x10;
	v35 =	vld [tilespmem:s0+$0xFFFFFFF0];
	(pc) =	sbr.rel @p0 .LBB2_12-.Ltmp5, $4  }
0x403: {  	v32 =	vmul.f32 v20, v15;
	v33 =	vmul.f32 v20, v14;
	v28 =	vand.u32 $0xFFFF0000, v34;
	v37 =	vld.idx.msk [tilespmem:v11+s1+$0x0], $0xffff  }
0x404: {  	v38 =	vmul.f32 v23, v15;
	v20 =	vshll.u32 v34, $0x10;
	v34 =	vmul.f32 v44, v13;
	v41 =	vld [tilespmem:s25+$0xFFFFFFF0]  }
0x405: {  	v39 =	vmul.f32 v22, v12;
	v22 =	vmul.f32 v22, v13;
	v43 =	vand.u32 $0xFFFF0000, v42;
	v21 =	vld [tilespmem:s0+$0xFFFFFFE0]  }
0x406: {  	v23 =	vmul.f32 v44, v12;
	v13 =	vshll.u32 v42, $0x10;
	v42 =	vmul.f32 v43, v29;
	s0 =	sadd.s32 $0x50, s0;
	v40 =	vld [tilespmem:s25+$0xFFFFFFE0]  }
0x407: {  	v12 =	vand.u32 $0xFFFF0000, v36;
	v14 =	vmul.f32 v13, v30  }
0x408: {  	v13 =	vmul.f32 v13, v29;
	v15 =	vshll.u32 v36, $0x10;
	v31 =	vsub.f32 v31, v32  }
0x409: {  	v30 =	vmul.f32 v43, v30;
	v59 =	vadd.f32 v38, v33;
	v60 =	vsub.f32 v34, v39  }
0x40a: {  	v29 =	vmul.f32 v12, v35;
	v54 =	vand.u32 $0xFFFF0000, v37;
	v55 =	vmul.f32 v15, v41  }
0x40b: {  	v56 =	vshll.u32 v37, $0x10;
	v15 =	vmul.f32 v15, v35;
	v12 =	vmul.f32 v12, v41  }
0x40c: {  	v22 =	vadd.f32 v23, v22;
	v24 =	vmul.f32 v24, v60;
	v26 =	vmul.f32 v26, v59  }
0x40d: {  	v14 =	vsub.f32 v42, v14;
	v57 =	vmul.f32 v54, v21;
	v21 =	vmul.f32 v56, v21  }
0x40e: {  	v13 =	vadd.f32 v30, v13;
	v16 =	vmul.f32 v16, v22;
	v58 =	vmul.f32 v56, v40  }
0x40f: {  	v23 =	vmul.f32 v54, v40;
	v29 =	vsub.f32 v29, v55;
	v12 =	vadd.f32 v12, v15  }
0x410: {  	v15 =	vmul.f32 v19, v31;
	v14 =	vmul.f32 v25, v14;
	v16 =	vadd.f32 v16, v24  }
0x411: {  	v13 =	vmul.f32 v17, v13;
	v19 =	vsub.f32 v57, v58;
	v21 =	vadd.f32 v23, v21  }
0x412: {  	v22 =	vmul.f32 v27, v29;
	v15 =	vadd.f32 v26, v15;
	v12 =	vmul.f32 v18, v12  }
0x413: {  	v13 =	vadd.f32 v13, v14;
	[tilespmem:v3+s22+$0x0] =	vst.idx.add.f32.msk $0xffff, v16;
	v17 =	vmul.f32 v28, v19  }
0x414: {  	v18 =	vmul.f32 v20, v21;
	[tilespmem:v2+s22+$0x0] =	vst.idx.add.f32.msk $0xffff, v15;
	v2 =	vadd.f32 v12, v22  }
0x415: {  	[tilespmem:v5+s22+$0x0] =	vst.idx.add.f32.msk $0xffff, v13;
	v5 =	vsub.f32 $0.0e+00, v15  }
0x416: {  	v3 =	vadd.f32 v18, v17;
	[tilespmem:v8+s22+$0x0] =	vst.idx.add.f32.msk $0xffff, v2  }
0x417: {  	v8 =	vsub.f32 $0.0e+00, v16;
	[tilespmem:v4+s22+$0x0] =	vst.idx.add.f32.msk $0xffff, v5  }
0x418: {  	v2 =	vsub.f32 $0.0e+00, v2;
	[tilespmem:v9+s22+$0x0] =	vst.idx.add.f32.msk $0xffff, v3  }
0x419: {  	[tilespmem:v6+s22+$0x0] =	vst.idx.add.f32.msk $0xffff, v8  }
0x41a: {  	s0 =	sadd.s32 $0x50, s26;
	[tilespmem:v10+s22+$0x0] =	vst.idx.add.f32.msk $0xffff, v2  }
0x41b: {  	v10 =	vld [tilespmem:s0+$0x20]  }
0x41c: {  	s25 =	sadd.s32 $0x50, s29;
	v16 =	vld [tilespmem:s0+$0xFFFFFFF0]  }
0x41d: {  	v17 =	vld [tilespmem:s25+$0xFFFFFFF0]  }
0x41e: {  	v9 =	vsub.f32 $0.0e+00, v13;
	v12 =	vld [tilespmem:s0+$0x10]  }
0x41f: {  	v3 =	vsub.f32 $0.0e+00, v3;
	v13 =	vld [tilespmem:s25+$0x10]  }
0x420: {  	[tilespmem:v7+s22+$0x0] =	vst.idx.add.f32.msk $0xffff, v9  }
0x421: {  	[tilespmem:v11+s22+$0x0] =	vst.idx.add.f32.msk $0xffff, v3  }
0x422: {  	v11 =	vld [tilespmem:s25+$0x20]  }
0x423: {  	v18 =	vld [tilespmem:s0+$0xFFFFFFE0]  }
0x424: {  	v19 =	vld [tilespmem:s25+$0xFFFFFFE0]  }
0x425: {  	v14 =	vld [tilespmem:s0+$0x0]  }
0x426: {  	v15 =	vld [tilespmem:s25+$0x0];
	_ =	swait.ge [sflag:s23], $0x1F40  }
0x427: {  	[sflag:s23] =	ssyncset.done $0x0  }
0x428: {  	[sflag:s23] =	ssyncadd.s32 $0xFFFFE0C0  }
0x429: {  	_ =	swait.ge [sflag:s23], $0x1F40  }
0x42a: {  	[sflag:s23] =	ssyncset.done $0x0  }
0x42b: {  	[sflag:s23] =	ssyncadd.s32 $0xFFFFE0C0  }
0x42c: {  	_ =	swait.ge [sflag:s23], $0x1F40  }
0x42d: {  	[sflag:s23] =	ssyncset.done $0x0  }
0x42e: {  	[sflag:s23] =	ssyncadd.s32 $0xFFFFE0C0  }
0x42f: {  	_ =	swait.ge [sflag:s23], $0x1F40  }
0x430: {  	[sflag:s23] =	ssyncset.done $0x0  }
0x431: {  	[sflag:s23] =	ssyncadd.s32 $0xFFFFE0C0  }
0x432: {  	_ =	swait.ge [sflag:s23], $0x1F40  }
0x433: {  	[sflag:s23] =	ssyncset.done $0x0  }
0x434: {  	[sflag:s23] =	ssyncadd.s32 $0xFFFFE0C0  }
0x435: {  	_ =	swait.ge [sflag:s23], $0x1F40  }
0x436: {  	[sflag:s23] =	ssyncset.done $0x0  }
0x437: {  	s26 =	rddreg [dreg:$0xb];
	[sflag:s23] =	ssyncadd.s32 $0xFFFFE0C0  }
0x438: {  	[tilespmem:s9], [sflag:$0x1] =	stream.linear.gather [hbm4b:s26+s1], $0x1F40, $0x38;
	[tilespmem:$0x1C980] =	vst v63  }
0x439: {  	s25 =	sld [smem:$0x7E5]  }
0x43a: {  	[tilespmem:s10], [sflag:$0x1] =	stream.linear.gather [hbm4b:s4+s1], $0x1F40, $0x38;
	[tilespmem:$0x1C980] =	vst v63  }
0x43b: {  	s26 =	sld [smem:$0x7E6]  }
0x43c: {  	[tilespmem:s11], [sflag:$0x1] =	stream.linear.gather [hbm4b:s25+s1], $0x1F40, $0x38;
	[tilespmem:$0x1C980] =	vst v63  }
0x43d: {  	s25 =	sld [smem:$0x7E7]  }
0x43e: {  	[tilespmem:s12], [sflag:$0x1] =	stream.linear.gather [hbm4b:s26+s1], $0x1F40, $0x38;
	[tilespmem:$0x1C980] =	vst v63  }
0x43f: {  	s26 =	sld [smem:$0x7E8]  }
0x440: {  	[tilespmem:s13], [sflag:$0x1] =	stream.linear.gather [hbm4b:s25+s1], $0x1F40, $0x38;
	[tilespmem:$0x1C980] =	vst v63  }
0x441: {  	s0 =	simm.s32 $0xECA0  }
0x442: {  	[tilespmem:s14], [sflag:$0x1] =	stream.linear.gather [hbm4b:s26+s1], $0x1F40, $0x38;
	[tilespmem:$0x1C980] =	vst v63  }
0x443: {  	s25 =	simm.s32 $0x12BA0;
	v2 =	vld [tilespmem:s0+$0x20]  }
0x444: {  	v3 =	vld [tilespmem:s25+$0x20]  }
0x445: {  	v4 =	vld [tilespmem:s0+$0x10]  }
0x446: {  	s26 =	simm.s32 $0x6EA0;
	v5 =	vld [tilespmem:s25+$0x10]  }
0x447: {  	v24 =	vld [tilespmem:s26+$0x20]  }
0x448: {  	v25 =	vld [tilespmem:s26+$0x10]  }
0x449: {  	s28 =	simm.s32 $0xADA0;
	v26 =	vld [tilespmem:s26+$0x0]  }
0x44a: {  	v27 =	vld [tilespmem:s28+$0x20]  }
0x44b: {  	v28 =	vld [tilespmem:s26+$0xFFFFFFF0]  }
0x44c: {  	v18 =	vsub.f32 v18, v19;
	v29 =	vld [tilespmem:s28+$0x10]  }
0x44d: {  	v30 =	vld [tilespmem:s26+$0xFFFFFFE0]  }
0x44e: {  	v16 =	vsub.f32 v16, v17;
	v18 =	vmax.f32 v18, $0.0e+00;
	v31 =	vld [tilespmem:s28+$0x0]  }
0x44f: {  	v17 =	vmul.f32 v18, v18;
	v32 =	vld [tilespmem:s28+$0xFFFFFFF0]  }
0x450: {  	v16 =	vmax.f32 v16, $0.0e+00;
	v14 =	vsub.f32 v14, v15;
	v33 =	vld [tilespmem:s28+$0xFFFFFFE0]  }
0x451: {  	v16 =	vmul.f32 v16, v16;
	v1 =	vadd.f32 v17, v1;
	v21 =	vld [tilespmem:s0+$0x0]  }
0x452: {  	v12 =	vsub.f32 v12, v13;
	v14 =	vmax.f32 v14, $0.0e+00;
	v23 =	vld [tilespmem:s25+$0x0]  }
0x453: {  	v14 =	vmul.f32 v14, v14;
	v1 =	vadd.f32 v16, v1;
	v54 =	vld [tilespmem:s0+$0xFFFFFFF0]  }
0x454: {  	v10 =	vsub.f32 v10, v11;
	v12 =	vmax.f32 v12, $0.0e+00;
	v48 =	vld [tilespmem:s25+$0xFFFFFFE0]  }
0x455: {  	v12 =	vmul.f32 v12, v12;
	v1 =	vadd.f32 v14, v1;
	v6 =	vld.idx.msk [tilespmem:v24+s1+$0x0], $0xffff  }
0x456: {  	v10 =	vmax.f32 v10, $0.0e+00;
	v8 =	vld.idx.msk [tilespmem:v27+s1+$0x0], $0xffff  }
0x457: {  	v10 =	vmul.f32 v10, v10;
	v1 =	vadd.f32 v12, v1;
	v20 =	vld.idx.msk [tilespmem:v29+s1+$0x0], $0xffff  }
0x458: {  	s30 =	simm.s32 $0xADF0;
	v22 =	vld.idx.msk [tilespmem:v31+s1+$0x0], $0xffff  }
0x459: {  	v1 =	vadd.f32 v10, v1;
	v10 =	vld [tilespmem:s30+$0xFFFFFFF0]  }
0x45a: {  	v7 =	vld.idx.msk [tilespmem:v25+s1+$0x0], $0xffff  }
0x45b: {  	v62 =	vld.idx.msk [tilespmem:v32+s1+$0x0], $0xffff;
	v61 =	vand.u32 $0xFFFF0000, v8  }
0x45c: {  	v9 =	vld.idx.msk [tilespmem:v26+s1+$0x0], $0xffff;
	v35 =	vand.u32 $0xFFFF0000, v6;
	v8 =	vshll.u32 v8, $0x10;
	v55 =	vand.u32 $0xFFFF0000, v20  }
0x45d: {  	v58 =	vld.idx.msk [tilespmem:v28+s1+$0x0], $0xffff;
	v59 =	vand.u32 $0xFFFF0000, v22;
	v63 =	vmul.f32 v61, v2;
	v56 =	vmul.f32 v8, v3  }
0x45e: {  	v49 =	vld.idx.msk [tilespmem:v30+s1+$0x0], $0xffff;
	v22 =	vshll.u32 v22, $0x10;
	v2 =	vmul.f32 v8, v2;
	v57 =	vmul.f32 v55, v4  }
0x45f: {  	v8 =	vshll.u32 v20, $0x10;
	v20 =	vld [tilespmem:s25+$0xFFFFFFF0];
	v3 =	vmul.f32 v61, v3;
	v44 =	vmul.f32 v59, v21  }
0x460: {  	v45 =	vand.u32 $0xFFFF0000, v62;
	v61 =	vld [tilespmem:s0+$0xFFFFFFE0];
	v46 =	vmul.f32 v22, v23;
	v47 =	vmul.f32 v22, v21  }
0x461: {  	v50 =	vand.u32 $0xFFFF0000, v7;
	s0 =	simm.s32 $0xECF0;
	v60 =	vmul.f32 v8, v5;
	v4 =	vmul.f32 v8, v4;
	v8 =	vld.idx.msk [tilespmem:v33+s1+$0x0], $0xffff  }
0x462: {  	v21 =	vshll.u32 v62, $0x10;
	v62 =	vmul.f32 v45, v54;
	v42 =	vmul.f32 v59, v23;
	s25 =	simm.s32 $0x12BF0;
	v22 =	vld [tilespmem:s0+$0x10]  }
0x463: {  	s28 =	simm.s32 $0x6EF0;
	v5 =	vmul.f32 v55, v5;
	v38 =	vmul.f32 v21, v54;
	v23 =	vld [tilespmem:s25+$0x10];
	v54 =	vand.u32 $0xFFFF0000, v9  }
0x464: {  	v55 =	vshll.u32 v9, $0x10;
	v9 =	vld [tilespmem:s28+$0xFFFFFFE0];
	v37 =	vsub.f32 v63, v56;
	v63 =	vadd.f32 v3, v2  }
0x465: {  	v7 =	vshll.u32 v7, $0x10;
	v6 =	vshll.u32 v6, $0x10;
	v52 =	vadd.f32 v5, v4;
	v5 =	vld [tilespmem:s28+$0x0]  }
0x466: {  	v34 =	vshll.u32 v58, $0x10;
	v44 =	vsub.f32 v44, v46;
	v40 =	vmul.f32 v6, v63;
	v6 =	vld [tilespmem:s30+$0x10]  }
0x467: {  	v42 =	vadd.f32 v42, v47;
	v51 =	vmul.f32 v21, v20;
	v45 =	vmul.f32 v45, v20;
	v20 =	vld [tilespmem:s0+$0x20]  }
0x468: {  	v35 =	vmul.f32 v35, v37;
	v44 =	vmul.f32 v54, v44;
	v21 =	vld [tilespmem:s25+$0x20];
	v2 =	vand.u32 $0xFFFF0000, v8  }
0x469: {  	v41 =	vmul.f32 v7, v52;
	v7 =	vld [tilespmem:s30+$0x0];
	v3 =	vshll.u32 v8, $0x10;
	v4 =	vmul.f32 v2, v61  }
0x46a: {  	v8 =	vsub.f32 v57, v60;
	v53 =	vmul.f32 v3, v48;
	v48 =	vmul.f32 v2, v48;
	v2 =	vld [tilespmem:s28+$0x20]  }
0x46b: {  	v42 =	vmul.f32 v55, v42;
	v35 =	vadd.f32 v40, v35;
	v39 =	vmul.f32 v3, v61;
	v3 =	vld [tilespmem:s28+$0x10]  }
0x46c: {  	v56 =	vand.u32 $0xFFFF0000, v58;
	v36 =	vsub.f32 v62, v51;
	v58 =	vmul.f32 v50, v8;
	v8 =	vld [tilespmem:s28+$0xFFFFFFF0]  }
0x46d: {  	v59 =	vand.u32 $0xFFFF0000, v49;
	v38 =	vadd.f32 v45, v38;
	v61 =	vadd.f32 v42, v44;
	[tilespmem:v24+s22+$0x0] =	vst.idx.add.f32.msk $0xffff, v35  }
0x46e: {  	v49 =	vshll.u32 v49, $0x10;
	v57 =	vsub.f32 v4, v53;
	v4 =	vld [tilespmem:s30+$0x20];
	v39 =	vadd.f32 v48, v39  }
0x46f: {  	v36 =	vmul.f32 v56, v36;
	v34 =	vmul.f32 v34, v38;
	[tilespmem:v26+s22+$0x0] =	vst.idx.add.f32.msk $0xffff, v61;
	v26 =	vsub.f32 $0.0e+00, v35  }
0x470: {  	v62 =	vld.idx.msk [tilespmem:v9+s1+$0x0], $0xffff;
	v60 =	vadd.f32 v41, v58;
	v37 =	vmul.f32 v59, v57;
	v39 =	vmul.f32 v49, v39  }
0x471: {  	v24 =	vadd.f32 v34, v36;
	[tilespmem:v27+s22+$0x0] =	vst.idx.add.f32.msk $0xffff, v26  }
0x472: {  	[tilespmem:v25+s22+$0x0] =	vst.idx.add.f32.msk $0xffff, v60;
	v25 =	vadd.f32 v39, v37  }
0x473: {  	[tilespmem:v28+s22+$0x0] =	vst.idx.add.f32.msk $0xffff, v24;
	v28 =	vsub.f32 $0.0e+00, v60  }
0x474: {  	v19 =	vsub.f32 $0.0e+00, v24;
	[tilespmem:v30+s22+$0x0] =	vst.idx.add.f32.msk $0xffff, v25  }
0x475: {  	[tilespmem:v29+s22+$0x0] =	vst.idx.add.f32.msk $0xffff, v28  }
0x476: {  	s26 =	simm.s32 $0x16AA0;
	v24 =	vsub.f32 $0.0e+00, v25;
	[tilespmem:v32+s22+$0x0] =	vst.idx.add.f32.msk $0xffff, v19  }
0x477: {  	v13 =	vld [tilespmem:s26+$0xFFFFFFF0]  }
0x478: {  	[tilespmem:v33+s22+$0x0] =	vst.idx.add.f32.msk $0xffff, v24  }
0x479: {  	s29 =	simm.s32 $0x1A9A0;
	v15 =	vld [tilespmem:s26+$0xFFFFFFE0]  }
0x47a: {  	v30 =	vsub.f32 $0.0e+00, v61;
	v17 =	vld [tilespmem:s29+$0xFFFFFFE0]  }
0x47b: {  	v16 =	vld [tilespmem:s29+$0xFFFFFFF0]  }
0x47c: {  	[tilespmem:v31+s22+$0x0] =	vst.idx.add.f32.msk $0xffff, v30  }
0x47d: {  	v11 =	vld [tilespmem:s26+$0x0]  }
0x47e: {  	v14 =	vld [tilespmem:s29+$0x0]  }
0x47f: {  	v12 =	vld [tilespmem:s29+$0x10];
	v15 =	vsub.f32 v15, v17  }
0x480: {  	v17 =	vld [tilespmem:s26+$0x10]  }
0x481: {  	v18 =	vld [tilespmem:s29+$0x20];
	v13 =	vsub.f32 v13, v16;
	v15 =	vmax.f32 v15, $0.0e+00  }
0x482: {  	v16 =	vld [tilespmem:s26+$0x20];
	v15 =	vmul.f32 v15, v15  }
0x483: {  	v35 =	vld [tilespmem:s0+$0xFFFFFFF0];
	v13 =	vmax.f32 v13, $0.0e+00;
	v14 =	vsub.f32 v11, v14  }
0x484: {  	v31 =	vld.idx.msk [tilespmem:v6+s1+$0x0], $0xffff;
	v13 =	vmul.f32 v13, v13;
	v1 =	vadd.f32 v15, v1  }
0x485: {  	v28 =	vld.idx.msk [tilespmem:v4+s1+$0x0], $0xffff;
	v14 =	vmax.f32 v14, $0.0e+00;
	v12 =	vsub.f32 v17, v12  }
0x486: {  	v15 =	vld.idx.msk [tilespmem:v2+s1+$0x0], $0xffff;
	v1 =	vadd.f32 v13, v1;
	v13 =	vmul.f32 v14, v14  }
0x487: {  	v16 =	vsub.f32 v16, v18;
	v17 =	vld.idx.msk [tilespmem:v3+s1+$0x0], $0xffff;
	v12 =	vmax.f32 v12, $0.0e+00  }
0x488: {  	v11 =	vld [tilespmem:s30+$0xFFFFFFE0];
	v12 =	vmul.f32 v12, v12;
	v1 =	vadd.f32 v13, v1  }
0x489: {  	v63 =	vshll.u32 v31, $0x10;
	v16 =	vmax.f32 v16, $0.0e+00;
	v14 =	vld.idx.msk [tilespmem:v5+s1+$0x0], $0xffff  }
0x48a: {  	v39 =	vmul.f32 v63, v23;
	v13 =	vld.idx.msk [tilespmem:v8+s1+$0x0], $0xffff;
	v1 =	vadd.f32 v12, v1;
	v12 =	vmul.f32 v16, v16  }
0x48b: {  	v36 =	vld.idx.msk [tilespmem:v10+s1+$0x0], $0xffff;
	v19 =	vand.u32 $0xFFFF0000, v15;
	v26 =	vshll.u32 v15, $0x10;
	v15 =	vand.u32 $0xFFFF0000, v31  }
0x48c: {  	v24 =	vand.u32 $0xFFFF0000, v17;
	v34 =	vmul.f32 v15, v22;
	v1 =	vadd.f32 v12, v1;
	v12 =	vld.idx.msk [tilespmem:v7+s1+$0x0], $0xffff  }
0x48d: {  	v29 =	vld [tilespmem:s0+$0x0];
	v16 =	vshll.u32 v17, $0x10;
	v22 =	vmul.f32 v63, v22;
	v23 =	vmul.f32 v15, v23  }
0x48e: {  	v30 =	vld [tilespmem:s25+$0x0];
	v25 =	vand.u32 $0xFFFF0000, v14;
	v17 =	vshll.u32 v14, $0x10;
	v14 =	vand.u32 $0xFFFF0000, v28  }
0x48f: {  	v41 =	vld [tilespmem:s25+$0xFFFFFFF0];
	v31 =	vmul.f32 v14, v20;
	v38 =	vmul.f32 v14, v21;
	v27 =	vand.u32 $0xFFFF0000, v13  }
0x490: {  	v37 =	vld.idx.msk [tilespmem:v11+s1+$0x0], $0xffff;
	v18 =	vshll.u32 v13, $0x10;
	v13 =	vshll.u32 v28, $0x10;
	v28 =	vand.u32 $0xFFFF0000, v62  }
0x491: {  	v32 =	vmul.f32 v13, v21;
	v33 =	vmul.f32 v13, v20;
	v21 =	vld [tilespmem:s0+$0xFFFFFFE0];
	v43 =	vand.u32 $0xFFFF0000, v12  }
0x492: {  	s31 =	simm.s32 $0x5;
	v40 =	vld [tilespmem:s25+$0xFFFFFFE0];
	v20 =	vshll.u32 v62, $0x10;
	s0 =	simm.s32 $0xED40;
	v13 =	vshll.u32 v12, $0x10;
	v42 =	vmul.f32 v43, v29  }
.LBB2_14:
0x493: {  	v14 =	vld [tilespmem:s0+$0x20];
	v44 =	vand.u32 $0xFFFF0000, v36;
	v45 =	vmul.f32 v13, v30;
	v29 =	vmul.f32 v13, v29;
	s25 =	sadd.s32 $0x50, s25  }
0x494: {  	v12 =	vshll.u32 v36, $0x10;
	v30 =	vmul.f32 v43, v30;
	v15 =	vld [tilespmem:s25+$0x20];
	v36 =	vmul.f32 v44, v35  }
0x495: {  	v43 =	vand.u32 $0xFFFF0000, v37;
	v35 =	vmul.f32 v12, v35;
	v13 =	vld [tilespmem:s0+$0x10];
	v46 =	vmul.f32 v12, v41  }
0x496: {  	s28 =	sadd.s32 $0x50, s28;
	v37 =	vshll.u32 v37, $0x10;
	v41 =	vmul.f32 v44, v41;
	v12 =	vld [tilespmem:s25+$0x10];
	v47 =	vmul.f32 v43, v21  }
0x497: {  	v31 =	vsub.f32 v31, v32;
	v32 =	vadd.f32 v38, v33;
	v44 =	vld [tilespmem:s28+$0x20];
	v48 =	vmul.f32 v37, v40  }
0x498: {  	v34 =	vsub.f32 v34, v39;
	v22 =	vadd.f32 v23, v22;
	v21 =	vmul.f32 v37, v21;
	v33 =	vld [tilespmem:s28+$0x10]  }
0x499: {  	s30 =	sadd.s32 $0x50, s30;
	v38 =	vsub.f32 v42, v45;
	v29 =	vadd.f32 v30, v29;
	v37 =	vmul.f32 v43, v40;
	v23 =	vld [tilespmem:s28+$0x0]  }
0x49a: {  	v19 =	vmul.f32 v19, v31;
	v36 =	vsub.f32 v36, v46;
	v35 =	vadd.f32 v41, v35;
	v30 =	vld [tilespmem:s30+$0x20]  }
0x49b: {  	v24 =	vmul.f32 v24, v34;
	v26 =	vmul.f32 v26, v32;
	v39 =	vsub.f32 v47, v48;
	v31 =	vld [tilespmem:s28+$0xFFFFFFF0]  }
0x49c: {  	v16 =	vmul.f32 v16, v22;
	v25 =	vmul.f32 v25, v38;
	v21 =	vadd.f32 v37, v21;
	v32 =	vld [tilespmem:s30+$0x10]  }
0x49d: {  	v17 =	vmul.f32 v17, v29;
	v19 =	vadd.f32 v26, v19;
	v27 =	vmul.f32 v27, v36;
	v22 =	vld [tilespmem:s28+$0xFFFFFFE0]  }
0x49e: {  	v16 =	vadd.f32 v16, v24;
	v18 =	vmul.f32 v18, v35;
	v28 =	vmul.f32 v28, v39;
	v26 =	vld [tilespmem:s30+$0x0]  }
0x49f: {  	v17 =	vadd.f32 v17, v25;
	v20 =	vmul.f32 v20, v21;
	[tilespmem:v2+s22+$0x0] =	vst.idx.add.f32.msk $0xffff, v19;
	v2 =	vmov v44  }
0x4a0: {  	v18 =	vadd.f32 v18, v27;
	[tilespmem:v3+s22+$0x0] =	vst.idx.add.f32.msk $0xffff, v16;
	v3 =	vmov v33  }
0x4a1: {  	v20 =	vadd.f32 v20, v28;
	[tilespmem:v5+s22+$0x0] =	vst.idx.add.f32.msk $0xffff, v17;
	v5 =	vmov v23  }
0x4a2: {  	v19 =	vsub.f32 $0.0e+00, v19;
	[tilespmem:v8+s22+$0x0] =	vst.idx.add.f32.msk $0xffff, v18;
	v8 =	vmov v31  }
0x4a3: {  	v16 =	vsub.f32 $0.0e+00, v16;
	[tilespmem:v9+s22+$0x0] =	vst.idx.add.f32.msk $0xffff, v20;
	v9 =	vmov v22  }
0x4a4: {  	v17 =	vsub.f32 $0.0e+00, v17;
	[tilespmem:v4+s22+$0x0] =	vst.idx.add.f32.msk $0xffff, v19;
	v4 =	vmov v30  }
0x4a5: {  	v18 =	vsub.f32 $0.0e+00, v18;
	[tilespmem:v6+s22+$0x0] =	vst.idx.add.f32.msk $0xffff, v16;
	v6 =	vmov v32  }
0x4a6: {  	v16 =	vsub.f32 $0.0e+00, v20;
	[tilespmem:v7+s22+$0x0] =	vst.idx.add.f32.msk $0xffff, v17;
	v7 =	vmov v26  }
0x4a7: {  	[tilespmem:v10+s22+$0x0] =	vst.idx.add.f32.msk $0xffff, v18  }
0x4a8: {  	s26 =	sadd.s32 $0x50, s26;
	[tilespmem:v11+s22+$0x0] =	vst.idx.add.f32.msk $0xffff, v16  }
0x4a9: {  	s29 =	sadd.s32 $0x50, s29;
	v10 =	vld [tilespmem:s26+$0xFFFFFFE0]  }
0x4aa: {  	v11 =	vld [tilespmem:s29+$0xFFFFFFE0]  }
0x4ab: {  	v16 =	vld [tilespmem:s26+$0xFFFFFFF0]  }
0x4ac: {  	v17 =	vld [tilespmem:s29+$0xFFFFFFF0]  }
0x4ad: {  	v18 =	vld [tilespmem:s26+$0x0]  }
0x4ae: {  	v19 =	vld [tilespmem:s29+$0x0]  }
0x4af: {  	v10 =	vsub.f32 v10, v11;
	v20 =	vld [tilespmem:s26+$0x10]  }
0x4b0: {  	v21 =	vld [tilespmem:s29+$0x10]  }
0x4b1: {  	v10 =	vmax.f32 v10, $0.0e+00;
	v11 =	vsub.f32 v16, v17;
	v16 =	vld [tilespmem:s26+$0x20]  }
0x4b2: {  	v17 =	vmul.f32 v10, v10;
	v22 =	vld [tilespmem:s29+$0x20]  }
0x4b3: {  	v10 =	vld [tilespmem:s30+$0xFFFFFFF0];
	v23 =	vmax.f32 v11, $0.0e+00;
	v18 =	vsub.f32 v18, v19  }
0x4b4: {  	v11 =	vld [tilespmem:s30+$0xFFFFFFE0];
	v1 =	vadd.f32 v17, v1;
	v17 =	vmul.f32 v23, v23  }
0x4b5: {  	v23 =	vld.idx.msk [tilespmem:v2+s1+$0x0], $0xffff;
	v18 =	vmax.f32 v18, $0.0e+00;
	v19 =	vsub.f32 v20, v21  }
0x4b6: {  	v20 =	vld.idx.msk [tilespmem:v3+s1+$0x0], $0xffff;
	v1 =	vadd.f32 v17, v1;
	v17 =	vmul.f32 v18, v18  }
0x4b7: {  	v18 =	vld.idx.msk [tilespmem:v5+s1+$0x0], $0xffff;
	v19 =	vmax.f32 v19, $0.0e+00;
	v16 =	vsub.f32 v16, v22  }
0x4b8: {  	v21 =	vld.idx.msk [tilespmem:v4+s1+$0x0], $0xffff;
	v1 =	vadd.f32 v17, v1;
	v17 =	vmul.f32 v19, v19  }
0x4b9: {  	v22 =	vld.idx.msk [tilespmem:v8+s1+$0x0], $0xffff;
	v16 =	vmax.f32 v16, $0.0e+00  }
0x4ba: {  	v28 =	vld.idx.msk [tilespmem:v6+s1+$0x0], $0xffff;
	v1 =	vadd.f32 v17, v1;
	v16 =	vmul.f32 v16, v16  }
0x4bb: {  	v34 =	vld.idx.msk [tilespmem:v9+s1+$0x0], $0xffff  }
0x4bc: {  	v19 =	vand.u32 $0xFFFF0000, v23;
	v29 =	vld [tilespmem:s0+$0x0];
	v1 =	vadd.f32 v16, v1  }
0x4bd: {  	v26 =	vshll.u32 v23, $0x10;
	v24 =	vand.u32 $0xFFFF0000, v20;
	v16 =	vshll.u32 v20, $0x10;
	v42 =	vld.idx.msk [tilespmem:v7+s1+$0x0], $0xffff  }
0x4be: {  	s31 =	sadd.s32 $0x5, s31;
	v25 =	vand.u32 $0xFFFF0000, v18;
	v17 =	vshll.u32 v18, $0x10;
	v23 =	vand.u32 $0xFFFF0000, v21;
	v30 =	vld [tilespmem:s25+$0x0]  }
0x4bf: {  	p0 =	slt.u32 s31, $0x1EF;
	v20 =	vshll.u32 v21, $0x10;
	v27 =	vand.u32 $0xFFFF0000, v22;
	v18 =	vshll.u32 v22, $0x10;
	v36 =	vld.idx.msk [tilespmem:v10+s1+$0x0], $0xffff  }
.Ltmp6:
0x4c0: {  	v31 =	vmul.f32 v23, v14;
	v44 =	vand.u32 $0xFFFF0000, v28;
	v22 =	vshll.u32 v28, $0x10;
	v35 =	vld [tilespmem:s0+$0xFFFFFFF0];
	(pc) =	sbr.rel @p0 .LBB2_14-.Ltmp6, $4  }
0x4c1: {  	v32 =	vmul.f32 v20, v15;
	v33 =	vmul.f32 v20, v14;
	v28 =	vand.u32 $0xFFFF0000, v34;
	v37 =	vld.idx.msk [tilespmem:v11+s1+$0x0], $0xffff  }
0x4c2: {  	v38 =	vmul.f32 v23, v15;
	v20 =	vshll.u32 v34, $0x10;
	v34 =	vmul.f32 v44, v13;
	v41 =	vld [tilespmem:s25+$0xFFFFFFF0]  }
0x4c3: {  	v39 =	vmul.f32 v22, v12;
	v22 =	vmul.f32 v22, v13;
	v43 =	vand.u32 $0xFFFF0000, v42;
	v21 =	vld [tilespmem:s0+$0xFFFFFFE0]  }
0x4c4: {  	v23 =	vmul.f32 v44, v12;
	v13 =	vshll.u32 v42, $0x10;
	v42 =	vmul.f32 v43, v29;
	s0 =	sadd.s32 $0x50, s0;
	v40 =	vld [tilespmem:s25+$0xFFFFFFE0]  }
0x4c5: {  	v12 =	vand.u32 $0xFFFF0000, v36;
	v14 =	vmul.f32 v13, v30  }
0x4c6: {  	v13 =	vmul.f32 v13, v29;
	v15 =	vshll.u32 v36, $0x10;
	v31 =	vsub.f32 v31, v32  }
0x4c7: {  	v30 =	vmul.f32 v43, v30;
	v59 =	vadd.f32 v38, v33;
	v60 =	vsub.f32 v34, v39  }
0x4c8: {  	v29 =	vmul.f32 v12, v35;
	v54 =	vand.u32 $0xFFFF0000, v37;
	v55 =	vmul.f32 v15, v41  }
0x4c9: {  	v56 =	vshll.u32 v37, $0x10;
	v15 =	vmul.f32 v15, v35;
	v12 =	vmul.f32 v12, v41  }
0x4ca: {  	v22 =	vadd.f32 v23, v22;
	v24 =	vmul.f32 v24, v60;
	v26 =	vmul.f32 v26, v59  }
0x4cb: {  	v14 =	vsub.f32 v42, v14;
	v57 =	vmul.f32 v54, v21;
	v21 =	vmul.f32 v56, v21  }
0x4cc: {  	v13 =	vadd.f32 v30, v13;
	v16 =	vmul.f32 v16, v22;
	v58 =	vmul.f32 v56, v40  }
0x4cd: {  	v23 =	vmul.f32 v54, v40;
	v29 =	vsub.f32 v29, v55;
	v12 =	vadd.f32 v12, v15  }
0x4ce: {  	v15 =	vmul.f32 v19, v31;
	v14 =	vmul.f32 v25, v14;
	v16 =	vadd.f32 v16, v24  }
0x4cf: {  	v13 =	vmul.f32 v17, v13;
	v19 =	vsub.f32 v57, v58;
	v21 =	vadd.f32 v23, v21  }
0x4d0: {  	v22 =	vmul.f32 v27, v29;
	v15 =	vadd.f32 v26, v15;
	v12 =	vmul.f32 v18, v12  }
0x4d1: {  	v13 =	vadd.f32 v13, v14;
	[tilespmem:v3+s22+$0x0] =	vst.idx.add.f32.msk $0xffff, v16;
	v17 =	vmul.f32 v28, v19  }
0x4d2: {  	v18 =	vmul.f32 v20, v21;
	[tilespmem:v2+s22+$0x0] =	vst.idx.add.f32.msk $0xffff, v15;
	v2 =	vadd.f32 v12, v22  }
0x4d3: {  	[tilespmem:v5+s22+$0x0] =	vst.idx.add.f32.msk $0xffff, v13;
	v5 =	vsub.f32 $0.0e+00, v15  }
0x4d4: {  	v3 =	vadd.f32 v18, v17;
	[tilespmem:v8+s22+$0x0] =	vst.idx.add.f32.msk $0xffff, v2  }
0x4d5: {  	v8 =	vsub.f32 $0.0e+00, v16;
	[tilespmem:v4+s22+$0x0] =	vst.idx.add.f32.msk $0xffff, v5  }
0x4d6: {  	v2 =	vsub.f32 $0.0e+00, v2;
	[tilespmem:v9+s22+$0x0] =	vst.idx.add.f32.msk $0xffff, v3  }
0x4d7: {  	[tilespmem:v6+s22+$0x0] =	vst.idx.add.f32.msk $0xffff, v8  }
0x4d8: {  	s0 =	sadd.s32 $0x50, s26;
	[tilespmem:v10+s22+$0x0] =	vst.idx.add.f32.msk $0xffff, v2  }
0x4d9: {  	v10 =	vld [tilespmem:s0+$0x20]  }
0x4da: {  	s25 =	sadd.s32 $0x50, s29;
	v16 =	vld [tilespmem:s0+$0xFFFFFFF0]  }
0x4db: {  	v17 =	vld [tilespmem:s25+$0xFFFFFFF0]  }
0x4dc: {  	v9 =	vsub.f32 $0.0e+00, v13;
	v12 =	vld [tilespmem:s0+$0x10]  }
0x4dd: {  	v3 =	vsub.f32 $0.0e+00, v3;
	v13 =	vld [tilespmem:s25+$0x10]  }
0x4de: {  	[tilespmem:v7+s22+$0x0] =	vst.idx.add.f32.msk $0xffff, v9  }
0x4df: {  	[tilespmem:v11+s22+$0x0] =	vst.idx.add.f32.msk $0xffff, v3  }
0x4e0: {  	v11 =	vld [tilespmem:s25+$0x20]  }
0x4e1: {  	v18 =	vld [tilespmem:s0+$0xFFFFFFE0]  }
0x4e2: {  	v19 =	vld [tilespmem:s25+$0xFFFFFFE0]  }
0x4e3: {  	v14 =	vld [tilespmem:s0+$0x0]  }
0x4e4: {  	v15 =	vld [tilespmem:s25+$0x0];
	_ =	swait.ge [sflag:s15], $0x1F40  }
0x4e5: {  	[sflag:s15] =	ssyncset.done $0x0  }
0x4e6: {  	[sflag:s15] =	ssyncadd.s32 $0xFFFFE0C0  }
0x4e7: {  	_ =	swait.ge [sflag:s15], $0x1F40  }
0x4e8: {  	[sflag:s15] =	ssyncset.done $0x0  }
0x4e9: {  	[sflag:s15] =	ssyncadd.s32 $0xFFFFE0C0  }
0x4ea: {  	_ =	swait.ge [sflag:s15], $0x1F40  }
0x4eb: {  	[sflag:s15] =	ssyncset.done $0x0  }
0x4ec: {  	[sflag:s15] =	ssyncadd.s32 $0xFFFFE0C0  }
0x4ed: {  	_ =	swait.ge [sflag:s15], $0x1F40  }
0x4ee: {  	[sflag:s15] =	ssyncset.done $0x0  }
0x4ef: {  	[sflag:s15] =	ssyncadd.s32 $0xFFFFE0C0  }
0x4f0: {  	_ =	swait.ge [sflag:s15], $0x1F40  }
0x4f1: {  	[sflag:s15] =	ssyncset.done $0x0  }
0x4f2: {  	[sflag:s15] =	ssyncadd.s32 $0xFFFFE0C0  }
0x4f3: {  	_ =	swait.ge [sflag:s15], $0x1F40  }
0x4f4: {  	[sflag:s15] =	ssyncset.done $0x0  }
0x4f5: {  	s26 =	rddreg [dreg:$0xc];
	[sflag:s15] =	ssyncadd.s32 $0xFFFFE0C0  }
0x4f6: {  	[tilespmem:s16], [sflag:$0x2] =	stream.linear.gather [hbm4b:s26+s1], $0x1F40, $0x38;
	[tilespmem:$0x1C980] =	vst v63  }
0x4f7: {  	s25 =	sld [smem:$0x7E9]  }
0x4f8: {  	[tilespmem:s17], [sflag:$0x2] =	stream.linear.gather [hbm4b:s5+s1], $0x1F40, $0x38;
	[tilespmem:$0x1C980] =	vst v63  }
0x4f9: {  	s26 =	sld [smem:$0x7EA]  }
0x4fa: {  	[tilespmem:s18], [sflag:$0x2] =	stream.linear.gather [hbm4b:s25+s1], $0x1F40, $0x38;
	[tilespmem:$0x1C980] =	vst v63  }
0x4fb: {  	s25 =	sld [smem:$0x7EB]  }
0x4fc: {  	[tilespmem:s19], [sflag:$0x2] =	stream.linear.gather [hbm4b:s26+s1], $0x1F40, $0x38;
	[tilespmem:$0x1C980] =	vst v63  }
0x4fd: {  	s26 =	sld [smem:$0x7EC]  }
0x4fe: {  	[tilespmem:s20], [sflag:$0x2] =	stream.linear.gather [hbm4b:s25+s1], $0x1F40, $0x38;
	[tilespmem:$0x1C980] =	vst v63  }
0x4ff: {  	s0 =	simm.s32 $0xCD20  }
0x500: {  	[tilespmem:s21], [sflag:$0x2] =	stream.linear.gather [hbm4b:s26+s1], $0x1F40, $0x38;
	[tilespmem:$0x1C980] =	vst v63  }
0x501: {  	s25 =	simm.s32 $0x10C20;
	v2 =	vld [tilespmem:s0+$0x20]  }
0x502: {  	v3 =	vld [tilespmem:s25+$0x20]  }
0x503: {  	v4 =	vld [tilespmem:s0+$0x10]  }
0x504: {  	s26 =	simm.s32 $0x4F20;
	v5 =	vld [tilespmem:s25+$0x10]  }
0x505: {  	v24 =	vld [tilespmem:s26+$0x20]  }
0x506: {  	v25 =	vld [tilespmem:s26+$0x10]  }
0x507: {  	s28 =	simm.s32 $0x8E20;
	v26 =	vld [tilespmem:s26+$0x0]  }
0x508: {  	v27 =	vld [tilespmem:s28+$0x20]  }
0x509: {  	v28 =	vld [tilespmem:s26+$0xFFFFFFF0]  }
0x50a: {  	v18 =	vsub.f32 v18, v19;
	v29 =	vld [tilespmem:s28+$0x10]  }
0x50b: {  	v30 =	vld [tilespmem:s26+$0xFFFFFFE0]  }
0x50c: {  	v16 =	vsub.f32 v16, v17;
	v18 =	vmax.f32 v18, $0.0e+00;
	v31 =	vld [tilespmem:s28+$0x0]  }
0x50d: {  	v17 =	vmul.f32 v18, v18;
	v32 =	vld [tilespmem:s28+$0xFFFFFFF0]  }
0x50e: {  	v16 =	vmax.f32 v16, $0.0e+00;
	v14 =	vsub.f32 v14, v15;
	v33 =	vld [tilespmem:s28+$0xFFFFFFE0]  }
0x50f: {  	v16 =	vmul.f32 v16, v16;
	v1 =	vadd.f32 v17, v1;
	v21 =	vld [tilespmem:s0+$0x0]  }
0x510: {  	v12 =	vsub.f32 v12, v13;
	v14 =	vmax.f32 v14, $0.0e+00;
	v23 =	vld [tilespmem:s25+$0x0]  }
0x511: {  	v14 =	vmul.f32 v14, v14;
	v1 =	vadd.f32 v16, v1;
	v54 =	vld [tilespmem:s0+$0xFFFFFFF0]  }
0x512: {  	v10 =	vsub.f32 v10, v11;
	v12 =	vmax.f32 v12, $0.0e+00;
	v48 =	vld [tilespmem:s25+$0xFFFFFFE0]  }
0x513: {  	v12 =	vmul.f32 v12, v12;
	v1 =	vadd.f32 v14, v1;
	v6 =	vld.idx.msk [tilespmem:v24+s1+$0x0], $0xffff  }
0x514: {  	v10 =	vmax.f32 v10, $0.0e+00;
	v8 =	vld.idx.msk [tilespmem:v27+s1+$0x0], $0xffff  }
0x515: {  	v10 =	vmul.f32 v10, v10;
	v1 =	vadd.f32 v12, v1;
	v20 =	vld.idx.msk [tilespmem:v29+s1+$0x0], $0xffff  }
0x516: {  	s30 =	simm.s32 $0x8E70;
	v22 =	vld.idx.msk [tilespmem:v31+s1+$0x0], $0xffff  }
0x517: {  	v1 =	vadd.f32 v10, v1;
	v10 =	vld [tilespmem:s30+$0xFFFFFFF0]  }
0x518: {  	v7 =	vld.idx.msk [tilespmem:v25+s1+$0x0], $0xffff  }
0x519: {  	v62 =	vld.idx.msk [tilespmem:v32+s1+$0x0], $0xffff;
	v61 =	vand.u32 $0xFFFF0000, v8  }
0x51a: {  	v9 =	vld.idx.msk [tilespmem:v26+s1+$0x0], $0xffff;
	v35 =	vand.u32 $0xFFFF0000, v6;
	v8 =	vshll.u32 v8, $0x10;
	v55 =	vand.u32 $0xFFFF0000, v20  }
0x51b: {  	v58 =	vld.idx.msk [tilespmem:v28+s1+$0x0], $0xffff;
	v59 =	vand.u32 $0xFFFF0000, v22;
	v63 =	vmul.f32 v61, v2;
	v56 =	vmul.f32 v8, v3  }
0x51c: {  	v49 =	vld.idx.msk [tilespmem:v30+s1+$0x0], $0xffff;
	v22 =	vshll.u32 v22, $0x10;
	v2 =	vmul.f32 v8, v2;
	v57 =	vmul.f32 v55, v4  }
0x51d: {  	v8 =	vshll.u32 v20, $0x10;
	v20 =	vld [tilespmem:s25+$0xFFFFFFF0];
	v3 =	vmul.f32 v61, v3;
	v44 =	vmul.f32 v59, v21  }
0x51e: {  	v45 =	vand.u32 $0xFFFF0000, v62;
	v61 =	vld [tilespmem:s0+$0xFFFFFFE0];
	v46 =	vmul.f32 v22, v23;
	v47 =	vmul.f32 v22, v21  }
0x51f: {  	v50 =	vand.u32 $0xFFFF0000, v7;
	s0 =	simm.s32 $0xCD70;
	v60 =	vmul.f32 v8, v5;
	v4 =	vmul.f32 v8, v4;
	v8 =	vld.idx.msk [tilespmem:v33+s1+$0x0], $0xffff  }
0x520: {  	v21 =	vshll.u32 v62, $0x10;
	v62 =	vmul.f32 v45, v54;
	v42 =	vmul.f32 v59, v23;
	s25 =	simm.s32 $0x10C70;
	v22 =	vld [tilespmem:s0+$0x10]  }
0x521: {  	s28 =	simm.s32 $0x4F70;
	v5 =	vmul.f32 v55, v5;
	v38 =	vmul.f32 v21, v54;
	v23 =	vld [tilespmem:s25+$0x10];
	v54 =	vand.u32 $0xFFFF0000, v9  }
0x522: {  	v55 =	vshll.u32 v9, $0x10;
	v9 =	vld [tilespmem:s28+$0xFFFFFFE0];
	v37 =	vsub.f32 v63, v56;
	v63 =	vadd.f32 v3, v2  }
0x523: {  	v7 =	vshll.u32 v7, $0x10;
	v6 =	vshll.u32 v6, $0x10;
	v52 =	vadd.f32 v5, v4;
	v5 =	vld [tilespmem:s28+$0x0]  }
0x524: {  	v34 =	vshll.u32 v58, $0x10;
	v44 =	vsub.f32 v44, v46;
	v40 =	vmul.f32 v6, v63;
	v6 =	vld [tilespmem:s30+$0x10]  }
0x525: {  	v42 =	vadd.f32 v42, v47;
	v51 =	vmul.f32 v21, v20;
	v45 =	vmul.f32 v45, v20;
	v20 =	vld [tilespmem:s0+$0x20]  }
0x526: {  	v35 =	vmul.f32 v35, v37;
	v44 =	vmul.f32 v54, v44;
	v21 =	vld [tilespmem:s25+$0x20];
	v2 =	vand.u32 $0xFFFF0000, v8  }
0x527: {  	v41 =	vmul.f32 v7, v52;
	v7 =	vld [tilespmem:s30+$0x0];
	v3 =	vshll.u32 v8, $0x10;
	v4 =	vmul.f32 v2, v61  }
0x528: {  	v8 =	vsub.f32 v57, v60;
	v53 =	vmul.f32 v3, v48;
	v48 =	vmul.f32 v2, v48;
	v2 =	vld [tilespmem:s28+$0x20]  }
0x529: {  	v42 =	vmul.f32 v55, v42;
	v35 =	vadd.f32 v40, v35;
	v39 =	vmul.f32 v3, v61;
	v3 =	vld [tilespmem:s28+$0x10]  }
0x52a: {  	v56 =	vand.u32 $0xFFFF0000, v58;
	v36 =	vsub.f32 v62, v51;
	v58 =	vmul.f32 v50, v8;
	v8 =	vld [tilespmem:s28+$0xFFFFFFF0]  }
0x52b: {  	v59 =	vand.u32 $0xFFFF0000, v49;
	v38 =	vadd.f32 v45, v38;
	v61 =	vadd.f32 v42, v44;
	[tilespmem:v24+s22+$0x0] =	vst.idx.add.f32.msk $0xffff, v35  }
0x52c: {  	v49 =	vshll.u32 v49, $0x10;
	v57 =	vsub.f32 v4, v53;
	v4 =	vld [tilespmem:s30+$0x20];
	v39 =	vadd.f32 v48, v39  }
0x52d: {  	v36 =	vmul.f32 v56, v36;
	v34 =	vmul.f32 v34, v38;
	[tilespmem:v26+s22+$0x0] =	vst.idx.add.f32.msk $0xffff, v61;
	v26 =	vsub.f32 $0.0e+00, v35  }
0x52e: {  	v62 =	vld.idx.msk [tilespmem:v9+s1+$0x0], $0xffff;
	v60 =	vadd.f32 v41, v58;
	v37 =	vmul.f32 v59, v57;
	v39 =	vmul.f32 v49, v39  }
0x52f: {  	v24 =	vadd.f32 v34, v36;
	[tilespmem:v27+s22+$0x0] =	vst.idx.add.f32.msk $0xffff, v26  }
0x530: {  	[tilespmem:v25+s22+$0x0] =	vst.idx.add.f32.msk $0xffff, v60;
	v25 =	vadd.f32 v39, v37  }
0x531: {  	[tilespmem:v28+s22+$0x0] =	vst.idx.add.f32.msk $0xffff, v24;
	v28 =	vsub.f32 $0.0e+00, v60  }
0x532: {  	v19 =	vsub.f32 $0.0e+00, v24;
	[tilespmem:v30+s22+$0x0] =	vst.idx.add.f32.msk $0xffff, v25  }
0x533: {  	[tilespmem:v29+s22+$0x0] =	vst.idx.add.f32.msk $0xffff, v28  }
0x534: {  	s26 =	simm.s32 $0x14B20;
	v24 =	vsub.f32 $0.0e+00, v25;
	[tilespmem:v32+s22+$0x0] =	vst.idx.add.f32.msk $0xffff, v19  }
0x535: {  	v13 =	vld [tilespmem:s26+$0xFFFFFFF0]  }
0x536: {  	[tilespmem:v33+s22+$0x0] =	vst.idx.add.f32.msk $0xffff, v24  }
0x537: {  	s29 =	simm.s32 $0x18A20;
	v15 =	vld [tilespmem:s26+$0xFFFFFFE0]  }
0x538: {  	v30 =	vsub.f32 $0.0e+00, v61;
	v17 =	vld [tilespmem:s29+$0xFFFFFFE0]  }
0x539: {  	v16 =	vld [tilespmem:s29+$0xFFFFFFF0]  }
0x53a: {  	[tilespmem:v31+s22+$0x0] =	vst.idx.add.f32.msk $0xffff, v30  }
0x53b: {  	v11 =	vld [tilespmem:s26+$0x0]  }
0x53c: {  	v14 =	vld [tilespmem:s29+$0x0]  }
0x53d: {  	v12 =	vld [tilespmem:s29+$0x10];
	v15 =	vsub.f32 v15, v17  }
0x53e: {  	v17 =	vld [tilespmem:s26+$0x10]  }
0x53f: {  	v18 =	vld [tilespmem:s29+$0x20];
	v13 =	vsub.f32 v13, v16;
	v15 =	vmax.f32 v15, $0.0e+00  }
0x540: {  	v16 =	vld [tilespmem:s26+$0x20];
	v15 =	vmul.f32 v15, v15  }
0x541: {  	v35 =	vld [tilespmem:s0+$0xFFFFFFF0];
	v13 =	vmax.f32 v13, $0.0e+00;
	v14 =	vsub.f32 v11, v14  }
0x542: {  	v31 =	vld.idx.msk [tilespmem:v6+s1+$0x0], $0xffff;
	v13 =	vmul.f32 v13, v13;
	v1 =	vadd.f32 v15, v1  }
0x543: {  	v28 =	vld.idx.msk [tilespmem:v4+s1+$0x0], $0xffff;
	v14 =	vmax.f32 v14, $0.0e+00;
	v12 =	vsub.f32 v17, v12  }
0x544: {  	v15 =	vld.idx.msk [tilespmem:v2+s1+$0x0], $0xffff;
	v1 =	vadd.f32 v13, v1;
	v13 =	vmul.f32 v14, v14  }
0x545: {  	v16 =	vsub.f32 v16, v18;
	v17 =	vld.idx.msk [tilespmem:v3+s1+$0x0], $0xffff;
	v12 =	vmax.f32 v12, $0.0e+00  }
0x546: {  	v11 =	vld [tilespmem:s30+$0xFFFFFFE0];
	v12 =	vmul.f32 v12, v12;
	v1 =	vadd.f32 v13, v1  }
0x547: {  	v63 =	vshll.u32 v31, $0x10;
	v16 =	vmax.f32 v16, $0.0e+00;
	v14 =	vld.idx.msk [tilespmem:v5+s1+$0x0], $0xffff  }
0x548: {  	v39 =	vmul.f32 v63, v23;
	v13 =	vld.idx.msk [tilespmem:v8+s1+$0x0], $0xffff;
	v1 =	vadd.f32 v12, v1;
	v12 =	vmul.f32 v16, v16  }
0x549: {  	v36 =	vld.idx.msk [tilespmem:v10+s1+$0x0], $0xffff;
	v19 =	vand.u32 $0xFFFF0000, v15;
	v26 =	vshll.u32 v15, $0x10;
	v15 =	vand.u32 $0xFFFF0000, v31  }
0x54a: {  	v24 =	vand.u32 $0xFFFF0000, v17;
	v34 =	vmul.f32 v15, v22;
	v1 =	vadd.f32 v12, v1;
	v12 =	vld.idx.msk [tilespmem:v7+s1+$0x0], $0xffff  }
0x54b: {  	v29 =	vld [tilespmem:s0+$0x0];
	v16 =	vshll.u32 v17, $0x10;
	v22 =	vmul.f32 v63, v22;
	v23 =	vmul.f32 v15, v23  }
0x54c: {  	v30 =	vld [tilespmem:s25+$0x0];
	v25 =	vand.u32 $0xFFFF0000, v14;
	v17 =	vshll.u32 v14, $0x10;
	v14 =	vand.u32 $0xFFFF0000, v28  }
0x54d: {  	v41 =	vld [tilespmem:s25+$0xFFFFFFF0];
	v31 =	vmul.f32 v14, v20;
	v38 =	vmul.f32 v14, v21;
	v27 =	vand.u32 $0xFFFF0000, v13  }
0x54e: {  	v37 =	vld.idx.msk [tilespmem:v11+s1+$0x0], $0xffff;
	v18 =	vshll.u32 v13, $0x10;
	v13 =	vshll.u32 v28, $0x10;
	v28 =	vand.u32 $0xFFFF0000, v62  }
0x54f: {  	v32 =	vmul.f32 v13, v21;
	v33 =	vmul.f32 v13, v20;
	v21 =	vld [tilespmem:s0+$0xFFFFFFE0];
	v43 =	vand.u32 $0xFFFF0000, v12  }
0x550: {  	s31 =	simm.s32 $0x5;
	v40 =	vld [tilespmem:s25+$0xFFFFFFE0];
	v20 =	vshll.u32 v62, $0x10;
	s0 =	simm.s32 $0xCDC0;
	v13 =	vshll.u32 v12, $0x10;
	v42 =	vmul.f32 v43, v29  }
.LBB2_16:
0x551: {  	v14 =	vld [tilespmem:s0+$0x20];
	v44 =	vand.u32 $0xFFFF0000, v36;
	v45 =	vmul.f32 v13, v30;
	v29 =	vmul.f32 v13, v29;
	s25 =	sadd.s32 $0x50, s25  }
0x552: {  	v12 =	vshll.u32 v36, $0x10;
	v30 =	vmul.f32 v43, v30;
	v15 =	vld [tilespmem:s25+$0x20];
	v36 =	vmul.f32 v44, v35  }
0x553: {  	v43 =	vand.u32 $0xFFFF0000, v37;
	v35 =	vmul.f32 v12, v35;
	v13 =	vld [tilespmem:s0+$0x10];
	v46 =	vmul.f32 v12, v41  }
0x554: {  	s28 =	sadd.s32 $0x50, s28;
	v37 =	vshll.u32 v37, $0x10;
	v41 =	vmul.f32 v44, v41;
	v12 =	vld [tilespmem:s25+$0x10];
	v47 =	vmul.f32 v43, v21  }
0x555: {  	v31 =	vsub.f32 v31, v32;
	v32 =	vadd.f32 v38, v33;
	v44 =	vld [tilespmem:s28+$0x20];
	v48 =	vmul.f32 v37, v40  }
0x556: {  	v34 =	vsub.f32 v34, v39;
	v22 =	vadd.f32 v23, v22;
	v21 =	vmul.f32 v37, v21;
	v33 =	vld [tilespmem:s28+$0x10]  }
0x557: {  	s30 =	sadd.s32 $0x50, s30;
	v38 =	vsub.f32 v42, v45;
	v29 =	vadd.f32 v30, v29;
	v37 =	vmul.f32 v43, v40;
	v23 =	vld [tilespmem:s28+$0x0]  }
0x558: {  	v19 =	vmul.f32 v19, v31;
	v36 =	vsub.f32 v36, v46;
	v35 =	vadd.f32 v41, v35;
	v30 =	vld [tilespmem:s30+$0x20]  }
0x559: {  	v24 =	vmul.f32 v24, v34;
	v26 =	vmul.f32 v26, v32;
	v39 =	vsub.f32 v47, v48;
	v31 =	vld [tilespmem:s28+$0xFFFFFFF0]  }
0x55a: {  	v16 =	vmul.f32 v16, v22;
	v25 =	vmul.f32 v25, v38;
	v21 =	vadd.f32 v37, v21;
	v32 =	vld [tilespmem:s30+$0x10]  }
0x55b: {  	v17 =	vmul.f32 v17, v29;
	v19 =	vadd.f32 v26, v19;
	v27 =	vmul.f32 v27, v36;
	v22 =	vld [tilespmem:s28+$0xFFFFFFE0]  }
0x55c: {  	v16 =	vadd.f32 v16, v24;
	v18 =	vmul.f32 v18, v35;
	v28 =	vmul.f32 v28, v39;
	v26 =	vld [tilespmem:s30+$0x0]  }
0x55d: {  	v17 =	vadd.f32 v17, v25;
	v20 =	vmul.f32 v20, v21;
	[tilespmem:v2+s22+$0x0] =	vst.idx.add.f32.msk $0xffff, v19;
	v2 =	vmov v44  }
0x55e: {  	v18 =	vadd.f32 v18, v27;
	[tilespmem:v3+s22+$0x0] =	vst.idx.add.f32.msk $0xffff, v16;
	v3 =	vmov v33  }
0x55f: {  	v20 =	vadd.f32 v20, v28;
	[tilespmem:v5+s22+$0x0] =	vst.idx.add.f32.msk $0xffff, v17;
	v5 =	vmov v23  }
0x560: {  	v19 =	vsub.f32 $0.0e+00, v19;
	[tilespmem:v8+s22+$0x0] =	vst.idx.add.f32.msk $0xffff, v18;
	v8 =	vmov v31  }
0x561: {  	v16 =	vsub.f32 $0.0e+00, v16;
	[tilespmem:v9+s22+$0x0] =	vst.idx.add.f32.msk $0xffff, v20;
	v9 =	vmov v22  }
0x562: {  	v17 =	vsub.f32 $0.0e+00, v17;
	[tilespmem:v4+s22+$0x0] =	vst.idx.add.f32.msk $0xffff, v19;
	v4 =	vmov v30  }
0x563: {  	v18 =	vsub.f32 $0.0e+00, v18;
	[tilespmem:v6+s22+$0x0] =	vst.idx.add.f32.msk $0xffff, v16;
	v6 =	vmov v32  }
0x564: {  	v16 =	vsub.f32 $0.0e+00, v20;
	[tilespmem:v7+s22+$0x0] =	vst.idx.add.f32.msk $0xffff, v17;
	v7 =	vmov v26  }
0x565: {  	[tilespmem:v10+s22+$0x0] =	vst.idx.add.f32.msk $0xffff, v18  }
0x566: {  	s26 =	sadd.s32 $0x50, s26;
	[tilespmem:v11+s22+$0x0] =	vst.idx.add.f32.msk $0xffff, v16  }
0x567: {  	s29 =	sadd.s32 $0x50, s29;
	v10 =	vld [tilespmem:s26+$0xFFFFFFE0]  }
0x568: {  	v11 =	vld [tilespmem:s29+$0xFFFFFFE0]  }
0x569: {  	v16 =	vld [tilespmem:s26+$0xFFFFFFF0]  }
0x56a: {  	v17 =	vld [tilespmem:s29+$0xFFFFFFF0]  }
0x56b: {  	v18 =	vld [tilespmem:s26+$0x0]  }
0x56c: {  	v19 =	vld [tilespmem:s29+$0x0]  }
0x56d: {  	v10 =	vsub.f32 v10, v11;
	v20 =	vld [tilespmem:s26+$0x10]  }
0x56e: {  	v21 =	vld [tilespmem:s29+$0x10]  }
0x56f: {  	v10 =	vmax.f32 v10, $0.0e+00;
	v11 =	vsub.f32 v16, v17;
	v16 =	vld [tilespmem:s26+$0x20]  }
0x570: {  	v17 =	vmul.f32 v10, v10;
	v22 =	vld [tilespmem:s29+$0x20]  }
0x571: {  	v10 =	vld [tilespmem:s30+$0xFFFFFFF0];
	v23 =	vmax.f32 v11, $0.0e+00;
	v18 =	vsub.f32 v18, v19  }
0x572: {  	v11 =	vld [tilespmem:s30+$0xFFFFFFE0];
	v1 =	vadd.f32 v17, v1;
	v17 =	vmul.f32 v23, v23  }
0x573: {  	v23 =	vld.idx.msk [tilespmem:v2+s1+$0x0], $0xffff;
	v18 =	vmax.f32 v18, $0.0e+00;
	v19 =	vsub.f32 v20, v21  }
0x574: {  	v20 =	vld.idx.msk [tilespmem:v3+s1+$0x0], $0xffff;
	v1 =	vadd.f32 v17, v1;
	v17 =	vmul.f32 v18, v18  }
0x575: {  	v18 =	vld.idx.msk [tilespmem:v5+s1+$0x0], $0xffff;
	v19 =	vmax.f32 v19, $0.0e+00;
	v16 =	vsub.f32 v16, v22  }
0x576: {  	v21 =	vld.idx.msk [tilespmem:v4+s1+$0x0], $0xffff;
	v1 =	vadd.f32 v17, v1;
	v17 =	vmul.f32 v19, v19  }
0x577: {  	v22 =	vld.idx.msk [tilespmem:v8+s1+$0x0], $0xffff;
	v16 =	vmax.f32 v16, $0.0e+00  }
0x578: {  	v28 =	vld.idx.msk [tilespmem:v6+s1+$0x0], $0xffff;
	v1 =	vadd.f32 v17, v1;
	v16 =	vmul.f32 v16, v16  }
0x579: {  	v34 =	vld.idx.msk [tilespmem:v9+s1+$0x0], $0xffff  }
0x57a: {  	v19 =	vand.u32 $0xFFFF0000, v23;
	v29 =	vld [tilespmem:s0+$0x0];
	v1 =	vadd.f32 v16, v1  }
0x57b: {  	v26 =	vshll.u32 v23, $0x10;
	v24 =	vand.u32 $0xFFFF0000, v20;
	v16 =	vshll.u32 v20, $0x10;
	v42 =	vld.idx.msk [tilespmem:v7+s1+$0x0], $0xffff  }
0x57c: {  	s31 =	sadd.s32 $0x5, s31;
	v25 =	vand.u32 $0xFFFF0000, v18;
	v17 =	vshll.u32 v18, $0x10;
	v23 =	vand.u32 $0xFFFF0000, v21;
	v30 =	vld [tilespmem:s25+$0x0]  }
0x57d: {  	p0 =	slt.u32 s31, $0x1EF;
	v20 =	vshll.u32 v21, $0x10;
	v27 =	vand.u32 $0xFFFF0000, v22;
	v18 =	vshll.u32 v22, $0x10;
	v36 =	vld.idx.msk [tilespmem:v10+s1+$0x0], $0xffff  }
.Ltmp7:
0x57e: {  	v31 =	vmul.f32 v23, v14;
	v44 =	vand.u32 $0xFFFF0000, v28;
	v22 =	vshll.u32 v28, $0x10;
	v35 =	vld [tilespmem:s0+$0xFFFFFFF0];
	(pc) =	sbr.rel @p0 .LBB2_16-.Ltmp7, $4  }
0x57f: {  	v32 =	vmul.f32 v20, v15;
	v33 =	vmul.f32 v20, v14;
	v28 =	vand.u32 $0xFFFF0000, v34;
	v37 =	vld.idx.msk [tilespmem:v11+s1+$0x0], $0xffff  }
0x580: {  	v38 =	vmul.f32 v23, v15;
	v20 =	vshll.u32 v34, $0x10;
	v34 =	vmul.f32 v44, v13;
	v41 =	vld [tilespmem:s25+$0xFFFFFFF0]  }
0x581: {  	v39 =	vmul.f32 v22, v12;
	v22 =	vmul.f32 v22, v13;
	v43 =	vand.u32 $0xFFFF0000, v42;
	v21 =	vld [tilespmem:s0+$0xFFFFFFE0]  }
0x582: {  	v23 =	vmul.f32 v44, v12;
	v13 =	vshll.u32 v42, $0x10;
	v42 =	vmul.f32 v43, v29;
	s0 =	sadd.s32 $0x50, s0;
	v40 =	vld [tilespmem:s25+$0xFFFFFFE0]  }
0x583: {  	v12 =	vand.u32 $0xFFFF0000, v36;
	v14 =	vmul.f32 v13, v30  }
0x584: {  	v13 =	vmul.f32 v13, v29;
	v15 =	vshll.u32 v36, $0x10;
	v31 =	vsub.f32 v31, v32  }
0x585: {  	v30 =	vmul.f32 v43, v30;
	v59 =	vadd.f32 v38, v33;
	v60 =	vsub.f32 v34, v39  }
0x586: {  	v29 =	vmul.f32 v12, v35;
	v54 =	vand.u32 $0xFFFF0000, v37;
	v55 =	vmul.f32 v15, v41  }
0x587: {  	v56 =	vshll.u32 v37, $0x10;
	v15 =	vmul.f32 v15, v35;
	v12 =	vmul.f32 v12, v41  }
0x588: {  	v22 =	vadd.f32 v23, v22;
	v24 =	vmul.f32 v24, v60;
	v26 =	vmul.f32 v26, v59  }
0x589: {  	v14 =	vsub.f32 v42, v14;
	v57 =	vmul.f32 v54, v21;
	v21 =	vmul.f32 v56, v21  }
0x58a: {  	v13 =	vadd.f32 v30, v13;
	v16 =	vmul.f32 v16, v22;
	v58 =	vmul.f32 v56, v40  }
0x58b: {  	v23 =	vmul.f32 v54, v40;
	v29 =	vsub.f32 v29, v55;
	v12 =	vadd.f32 v12, v15  }
0x58c: {  	v15 =	vmul.f32 v19, v31;
	v14 =	vmul.f32 v25, v14;
	v16 =	vadd.f32 v16, v24  }
0x58d: {  	v13 =	vmul.f32 v17, v13;
	v19 =	vsub.f32 v57, v58;
	v21 =	vadd.f32 v23, v21  }
0x58e: {  	v22 =	vmul.f32 v27, v29;
	v15 =	vadd.f32 v26, v15;
	v12 =	vmul.f32 v18, v12  }
0x58f: {  	v13 =	vadd.f32 v13, v14;
	[tilespmem:v3+s22+$0x0] =	vst.idx.add.f32.msk $0xffff, v16;
	v17 =	vmul.f32 v28, v19  }
0x590: {  	v18 =	vmul.f32 v20, v21;
	[tilespmem:v2+s22+$0x0] =	vst.idx.add.f32.msk $0xffff, v15;
	v2 =	vadd.f32 v12, v22  }
0x591: {  	[tilespmem:v5+s22+$0x0] =	vst.idx.add.f32.msk $0xffff, v13;
	v5 =	vsub.f32 $0.0e+00, v15  }
0x592: {  	v3 =	vadd.f32 v18, v17;
	[tilespmem:v8+s22+$0x0] =	vst.idx.add.f32.msk $0xffff, v2  }
0x593: {  	v8 =	vsub.f32 $0.0e+00, v16;
	[tilespmem:v4+s22+$0x0] =	vst.idx.add.f32.msk $0xffff, v5  }
0x594: {  	v2 =	vsub.f32 $0.0e+00, v2;
	[tilespmem:v9+s22+$0x0] =	vst.idx.add.f32.msk $0xffff, v3  }
0x595: {  	[tilespmem:v6+s22+$0x0] =	vst.idx.add.f32.msk $0xffff, v8  }
0x596: {  	s0 =	sadd.s32 $0x50, s26;
	[tilespmem:v10+s22+$0x0] =	vst.idx.add.f32.msk $0xffff, v2  }
0x597: {  	v10 =	vld [tilespmem:s0+$0x20]  }
0x598: {  	s25 =	sadd.s32 $0x50, s29;
	v16 =	vld [tilespmem:s0+$0xFFFFFFF0]  }
0x599: {  	v17 =	vld [tilespmem:s25+$0xFFFFFFF0]  }
0x59a: {  	v9 =	vsub.f32 $0.0e+00, v13;
	v12 =	vld [tilespmem:s0+$0x10]  }
0x59b: {  	v3 =	vsub.f32 $0.0e+00, v3;
	v13 =	vld [tilespmem:s25+$0x10]  }
0x59c: {  	[tilespmem:v7+s22+$0x0] =	vst.idx.add.f32.msk $0xffff, v9  }
0x59d: {  	[tilespmem:v11+s22+$0x0] =	vst.idx.add.f32.msk $0xffff, v3  }
0x59e: {  	v11 =	vld [tilespmem:s25+$0x20]  }
0x59f: {  	v18 =	vld [tilespmem:s0+$0xFFFFFFE0]  }
0x5a0: {  	v19 =	vld [tilespmem:s25+$0xFFFFFFE0]  }
0x5a1: {  	v14 =	vld [tilespmem:s0+$0x0]  }
0x5a2: {  	v15 =	vld [tilespmem:s25+$0x0];
	_ =	swait.ge [sflag:s23], $0x1F40  }
0x5a3: {  	[sflag:s23] =	ssyncset.done $0x0  }
0x5a4: {  	[sflag:s23] =	ssyncadd.s32 $0xFFFFE0C0  }
0x5a5: {  	_ =	swait.ge [sflag:s23], $0x1F40  }
0x5a6: {  	[sflag:s23] =	ssyncset.done $0x0  }
0x5a7: {  	[sflag:s23] =	ssyncadd.s32 $0xFFFFE0C0  }
0x5a8: {  	_ =	swait.ge [sflag:s23], $0x1F40  }
0x5a9: {  	[sflag:s23] =	ssyncset.done $0x0  }
0x5aa: {  	[sflag:s23] =	ssyncadd.s32 $0xFFFFE0C0  }
0x5ab: {  	_ =	swait.ge [sflag:s23], $0x1F40  }
0x5ac: {  	[sflag:s23] =	ssyncset.done $0x0  }
0x5ad: {  	[sflag:s23] =	ssyncadd.s32 $0xFFFFE0C0  }
0x5ae: {  	_ =	swait.ge [sflag:s23], $0x1F40  }
0x5af: {  	[sflag:s23] =	ssyncset.done $0x0  }
0x5b0: {  	[sflag:s23] =	ssyncadd.s32 $0xFFFFE0C0  }
0x5b1: {  	_ =	swait.ge [sflag:s23], $0x1F40  }
0x5b2: {  	[sflag:s23] =	ssyncset.done $0x0  }
0x5b3: {  	s26 =	rddreg [dreg:$0xd];
	[sflag:s23] =	ssyncadd.s32 $0xFFFFE0C0  }
0x5b4: {  	[tilespmem:s9], [sflag:$0x1] =	stream.linear.gather [hbm4b:s26+s1], $0x1F40, $0x38;
	[tilespmem:$0x1C980] =	vst v63  }
0x5b5: {  	s25 =	sld [smem:$0x7ED]  }
0x5b6: {  	[tilespmem:s10], [sflag:$0x1] =	stream.linear.gather [hbm4b:s6+s1], $0x1F40, $0x38;
	[tilespmem:$0x1C980] =	vst v63  }
0x5b7: {  	s26 =	sld [smem:$0x7EE]  }
0x5b8: {  	[tilespmem:s11], [sflag:$0x1] =	stream.linear.gather [hbm4b:s25+s1], $0x1F40, $0x38;
	[tilespmem:$0x1C980] =	vst v63  }
0x5b9: {  	s25 =	sld [smem:$0x7EF]  }
0x5ba: {  	[tilespmem:s12], [sflag:$0x1] =	stream.linear.gather [hbm4b:s26+s1], $0x1F40, $0x38;
	[tilespmem:$0x1C980] =	vst v63  }
0x5bb: {  	s26 =	sld [smem:$0x7F0]  }
0x5bc: {  	[tilespmem:s13], [sflag:$0x1] =	stream.linear.gather [hbm4b:s25+s1], $0x1F40, $0x38;
	[tilespmem:$0x1C980] =	vst v63  }
0x5bd: {  	s0 =	simm.s32 $0xECA0  }
0x5be: {  	[tilespmem:s14], [sflag:$0x1] =	stream.linear.gather [hbm4b:s26+s1], $0x1F40, $0x38;
	[tilespmem:$0x1C980] =	vst v63  }
0x5bf: {  	s25 =	simm.s32 $0x12BA0;
	v2 =	vld [tilespmem:s0+$0x20]  }
0x5c0: {  	v3 =	vld [tilespmem:s25+$0x20]  }
0x5c1: {  	v4 =	vld [tilespmem:s0+$0x10]  }
0x5c2: {  	s26 =	simm.s32 $0x6EA0;
	v5 =	vld [tilespmem:s25+$0x10]  }
0x5c3: {  	v24 =	vld [tilespmem:s26+$0x20]  }
0x5c4: {  	v25 =	vld [tilespmem:s26+$0x10]  }
0x5c5: {  	s28 =	simm.s32 $0xADA0;
	v26 =	vld [tilespmem:s26+$0x0]  }
0x5c6: {  	v27 =	vld [tilespmem:s28+$0x20]  }
0x5c7: {  	v28 =	vld [tilespmem:s26+$0xFFFFFFF0]  }
0x5c8: {  	v18 =	vsub.f32 v18, v19;
	v29 =	vld [tilespmem:s28+$0x10]  }
0x5c9: {  	v30 =	vld [tilespmem:s26+$0xFFFFFFE0]  }
0x5ca: {  	v16 =	vsub.f32 v16, v17;
	v18 =	vmax.f32 v18, $0.0e+00;
	v31 =	vld [tilespmem:s28+$0x0]  }
0x5cb: {  	v17 =	vmul.f32 v18, v18;
	v32 =	vld [tilespmem:s28+$0xFFFFFFF0]  }
0x5cc: {  	v16 =	vmax.f32 v16, $0.0e+00;
	v14 =	vsub.f32 v14, v15;
	v33 =	vld [tilespmem:s28+$0xFFFFFFE0]  }
0x5cd: {  	v16 =	vmul.f32 v16, v16;
	v1 =	vadd.f32 v17, v1;
	v21 =	vld [tilespmem:s0+$0x0]  }
0x5ce: {  	v12 =	vsub.f32 v12, v13;
	v14 =	vmax.f32 v14, $0.0e+00;
	v23 =	vld [tilespmem:s25+$0x0]  }
0x5cf: {  	v14 =	vmul.f32 v14, v14;
	v1 =	vadd.f32 v16, v1;
	v54 =	vld [tilespmem:s0+$0xFFFFFFF0]  }
0x5d0: {  	v10 =	vsub.f32 v10, v11;
	v12 =	vmax.f32 v12, $0.0e+00;
	v48 =	vld [tilespmem:s25+$0xFFFFFFE0]  }
0x5d1: {  	v12 =	vmul.f32 v12, v12;
	v1 =	vadd.f32 v14, v1;
	v6 =	vld.idx.msk [tilespmem:v24+s1+$0x0], $0xffff  }
0x5d2: {  	v10 =	vmax.f32 v10, $0.0e+00;
	v8 =	vld.idx.msk [tilespmem:v27+s1+$0x0], $0xffff  }
0x5d3: {  	v10 =	vmul.f32 v10, v10;
	v1 =	vadd.f32 v12, v1;
	v20 =	vld.idx.msk [tilespmem:v29+s1+$0x0], $0xffff  }
0x5d4: {  	s30 =	simm.s32 $0xADF0;
	v22 =	vld.idx.msk [tilespmem:v31+s1+$0x0], $0xffff  }
0x5d5: {  	v1 =	vadd.f32 v10, v1;
	v10 =	vld [tilespmem:s30+$0xFFFFFFF0]  }
0x5d6: {  	v7 =	vld.idx.msk [tilespmem:v25+s1+$0x0], $0xffff  }
0x5d7: {  	v62 =	vld.idx.msk [tilespmem:v32+s1+$0x0], $0xffff;
	v61 =	vand.u32 $0xFFFF0000, v8  }
0x5d8: {  	v9 =	vld.idx.msk [tilespmem:v26+s1+$0x0], $0xffff;
	v35 =	vand.u32 $0xFFFF0000, v6;
	v8 =	vshll.u32 v8, $0x10;
	v55 =	vand.u32 $0xFFFF0000, v20  }
0x5d9: {  	v58 =	vld.idx.msk [tilespmem:v28+s1+$0x0], $0xffff;
	v59 =	vand.u32 $0xFFFF0000, v22;
	v63 =	vmul.f32 v61, v2;
	v56 =	vmul.f32 v8, v3  }
0x5da: {  	v49 =	vld.idx.msk [tilespmem:v30+s1+$0x0], $0xffff;
	v22 =	vshll.u32 v22, $0x10;
	v2 =	vmul.f32 v8, v2;
	v57 =	vmul.f32 v55, v4  }
0x5db: {  	v8 =	vshll.u32 v20, $0x10;
	v20 =	vld [tilespmem:s25+$0xFFFFFFF0];
	v3 =	vmul.f32 v61, v3;
	v44 =	vmul.f32 v59, v21  }
0x5dc: {  	v45 =	vand.u32 $0xFFFF0000, v62;
	v61 =	vld [tilespmem:s0+$0xFFFFFFE0];
	v46 =	vmul.f32 v22, v23;
	v47 =	vmul.f32 v22, v21  }
0x5dd: {  	v50 =	vand.u32 $0xFFFF0000, v7;
	s0 =	simm.s32 $0xECF0;
	v60 =	vmul.f32 v8, v5;
	v4 =	vmul.f32 v8, v4;
	v8 =	vld.idx.msk [tilespmem:v33+s1+$0x0], $0xffff  }
0x5de: {  	v21 =	vshll.u32 v62, $0x10;
	v62 =	vmul.f32 v45, v54;
	v42 =	vmul.f32 v59, v23;
	s25 =	simm.s32 $0x12BF0;
	v22 =	vld [tilespmem:s0+$0x10]  }
0x5df: {  	s28 =	simm.s32 $0x6EF0;
	v5 =	vmul.f32 v55, v5;
	v38 =	vmul.f32 v21, v54;
	v23 =	vld [tilespmem:s25+$0x10];
	v54 =	vand.u32 $0xFFFF0000, v9  }
0x5e0: {  	v55 =	vshll.u32 v9, $0x10;
	v9 =	vld [tilespmem:s28+$0xFFFFFFE0];
	v37 =	vsub.f32 v63, v56;
	v63 =	vadd.f32 v3, v2  }
0x5e1: {  	v7 =	vshll.u32 v7, $0x10;
	v6 =	vshll.u32 v6, $0x10;
	v52 =	vadd.f32 v5, v4;
	v5 =	vld [tilespmem:s28+$0x0]  }
0x5e2: {  	v34 =	vshll.u32 v58, $0x10;
	v44 =	vsub.f32 v44, v46;
	v40 =	vmul.f32 v6, v63;
	v6 =	vld [tilespmem:s30+$0x10]  }
0x5e3: {  	v42 =	vadd.f32 v42, v47;
	v51 =	vmul.f32 v21, v20;
	v45 =	vmul.f32 v45, v20;
	v20 =	vld [tilespmem:s0+$0x20]  }
0x5e4: {  	v35 =	vmul.f32 v35, v37;
	v44 =	vmul.f32 v54, v44;
	v21 =	vld [tilespmem:s25+$0x20];
	v2 =	vand.u32 $0xFFFF0000, v8  }
0x5e5: {  	v41 =	vmul.f32 v7, v52;
	v7 =	vld [tilespmem:s30+$0x0];
	v3 =	vshll.u32 v8, $0x10;
	v4 =	vmul.f32 v2, v61  }
0x5e6: {  	v8 =	vsub.f32 v57, v60;
	v53 =	vmul.f32 v3, v48;
	v48 =	vmul.f32 v2, v48;
	v2 =	vld [tilespmem:s28+$0x20]  }
0x5e7: {  	v42 =	vmul.f32 v55, v42;
	v35 =	vadd.f32 v40, v35;
	v39 =	vmul.f32 v3, v61;
	v3 =	vld [tilespmem:s28+$0x10]  }
0x5e8: {  	v56 =	vand.u32 $0xFFFF0000, v58;
	v36 =	vsub.f32 v62, v51;
	v58 =	vmul.f32 v50, v8;
	v8 =	vld [tilespmem:s28+$0xFFFFFFF0]  }
0x5e9: {  	v59 =	vand.u32 $0xFFFF0000, v49;
	v38 =	vadd.f32 v45, v38;
	v61 =	vadd.f32 v42, v44;
	[tilespmem:v24+s22+$0x0] =	vst.idx.add.f32.msk $0xffff, v35  }
0x5ea: {  	v49 =	vshll.u32 v49, $0x10;
	v57 =	vsub.f32 v4, v53;
	v4 =	vld [tilespmem:s30+$0x20];
	v39 =	vadd.f32 v48, v39  }
0x5eb: {  	v36 =	vmul.f32 v56, v36;
	v34 =	vmul.f32 v34, v38;
	[tilespmem:v26+s22+$0x0] =	vst.idx.add.f32.msk $0xffff, v61;
	v26 =	vsub.f32 $0.0e+00, v35  }
0x5ec: {  	v62 =	vld.idx.msk [tilespmem:v9+s1+$0x0], $0xffff;
	v60 =	vadd.f32 v41, v58;
	v37 =	vmul.f32 v59, v57;
	v39 =	vmul.f32 v49, v39  }
0x5ed: {  	v24 =	vadd.f32 v34, v36;
	[tilespmem:v27+s22+$0x0] =	vst.idx.add.f32.msk $0xffff, v26  }
0x5ee: {  	[tilespmem:v25+s22+$0x0] =	vst.idx.add.f32.msk $0xffff, v60;
	v25 =	vadd.f32 v39, v37  }
0x5ef: {  	[tilespmem:v28+s22+$0x0] =	vst.idx.add.f32.msk $0xffff, v24;
	v28 =	vsub.f32 $0.0e+00, v60  }
0x5f0: {  	v19 =	vsub.f32 $0.0e+00, v24;
	[tilespmem:v30+s22+$0x0] =	vst.idx.add.f32.msk $0xffff, v25  }
0x5f1: {  	[tilespmem:v29+s22+$0x0] =	vst.idx.add.f32.msk $0xffff, v28  }
0x5f2: {  	s26 =	simm.s32 $0x16AA0;
	v24 =	vsub.f32 $0.0e+00, v25;
	[tilespmem:v32+s22+$0x0] =	vst.idx.add.f32.msk $0xffff, v19  }
0x5f3: {  	v13 =	vld [tilespmem:s26+$0xFFFFFFF0]  }
0x5f4: {  	[tilespmem:v33+s22+$0x0] =	vst.idx.add.f32.msk $0xffff, v24  }
0x5f5: {  	s29 =	simm.s32 $0x1A9A0;
	v15 =	vld [tilespmem:s26+$0xFFFFFFE0]  }
0x5f6: {  	v30 =	vsub.f32 $0.0e+00, v61;
	v17 =	vld [tilespmem:s29+$0xFFFFFFE0]  }
0x5f7: {  	v16 =	vld [tilespmem:s29+$0xFFFFFFF0]  }
0x5f8: {  	[tilespmem:v31+s22+$0x0] =	vst.idx.add.f32.msk $0xffff, v30  }
0x5f9: {  	v11 =	vld [tilespmem:s26+$0x0]  }
0x5fa: {  	v14 =	vld [tilespmem:s29+$0x0]  }
0x5fb: {  	v12 =	vld [tilespmem:s29+$0x10];
	v15 =	vsub.f32 v15, v17  }
0x5fc: {  	v17 =	vld [tilespmem:s26+$0x10]  }
0x5fd: {  	v18 =	vld [tilespmem:s29+$0x20];
	v13 =	vsub.f32 v13, v16;
	v15 =	vmax.f32 v15, $0.0e+00  }
0x5fe: {  	v16 =	vld [tilespmem:s26+$0x20];
	v15 =	vmul.f32 v15, v15  }
0x5ff: {  	v35 =	vld [tilespmem:s0+$0xFFFFFFF0];
	v13 =	vmax.f32 v13, $0.0e+00;
	v14 =	vsub.f32 v11, v14  }
0x600: {  	v31 =	vld.idx.msk [tilespmem:v6+s1+$0x0], $0xffff;
	v13 =	vmul.f32 v13, v13;
	v1 =	vadd.f32 v15, v1  }
0x601: {  	v28 =	vld.idx.msk [tilespmem:v4+s1+$0x0], $0xffff;
	v14 =	vmax.f32 v14, $0.0e+00;
	v12 =	vsub.f32 v17, v12  }
0x602: {  	v15 =	vld.idx.msk [tilespmem:v2+s1+$0x0], $0xffff;
	v1 =	vadd.f32 v13, v1;
	v13 =	vmul.f32 v14, v14  }
0x603: {  	v16 =	vsub.f32 v16, v18;
	v17 =	vld.idx.msk [tilespmem:v3+s1+$0x0], $0xffff;
	v12 =	vmax.f32 v12, $0.0e+00  }
0x604: {  	v11 =	vld [tilespmem:s30+$0xFFFFFFE0];
	v12 =	vmul.f32 v12, v12;
	v1 =	vadd.f32 v13, v1  }
0x605: {  	v63 =	vshll.u32 v31, $0x10;
	v16 =	vmax.f32 v16, $0.0e+00;
	v14 =	vld.idx.msk [tilespmem:v5+s1+$0x0], $0xffff  }
0x606: {  	v39 =	vmul.f32 v63, v23;
	v13 =	vld.idx.msk [tilespmem:v8+s1+$0x0], $0xffff;
	v1 =	vadd.f32 v12, v1;
	v12 =	vmul.f32 v16, v16  }
0x607: {  	v36 =	vld.idx.msk [tilespmem:v10+s1+$0x0], $0xffff;
	v19 =	vand.u32 $0xFFFF0000, v15;
	v26 =	vshll.u32 v15, $0x10;
	v15 =	vand.u32 $0xFFFF0000, v31  }
0x608: {  	v24 =	vand.u32 $0xFFFF0000, v17;
	v34 =	vmul.f32 v15, v22;
	v1 =	vadd.f32 v12, v1;
	v12 =	vld.idx.msk [tilespmem:v7+s1+$0x0], $0xffff  }
0x609: {  	v29 =	vld [tilespmem:s0+$0x0];
	v16 =	vshll.u32 v17, $0x10;
	v22 =	vmul.f32 v63, v22;
	v23 =	vmul.f32 v15, v23  }
0x60a: {  	v30 =	vld [tilespmem:s25+$0x0];
	v25 =	vand.u32 $0xFFFF0000, v14;
	v17 =	vshll.u32 v14, $0x10;
	v14 =	vand.u32 $0xFFFF0000, v28  }
0x60b: {  	v41 =	vld [tilespmem:s25+$0xFFFFFFF0];
	v31 =	vmul.f32 v14, v20;
	v38 =	vmul.f32 v14, v21;
	v27 =	vand.u32 $0xFFFF0000, v13  }
0x60c: {  	v37 =	vld.idx.msk [tilespmem:v11+s1+$0x0], $0xffff;
	v18 =	vshll.u32 v13, $0x10;
	v13 =	vshll.u32 v28, $0x10;
	v28 =	vand.u32 $0xFFFF0000, v62  }
0x60d: {  	v32 =	vmul.f32 v13, v21;
	v33 =	vmul.f32 v13, v20;
	v21 =	vld [tilespmem:s0+$0xFFFFFFE0];
	v43 =	vand.u32 $0xFFFF0000, v12  }
0x60e: {  	s31 =	simm.s32 $0x5;
	v40 =	vld [tilespmem:s25+$0xFFFFFFE0];
	v20 =	vshll.u32 v62, $0x10;
	s0 =	simm.s32 $0xED40;
	v13 =	vshll.u32 v12, $0x10;
	v42 =	vmul.f32 v43, v29  }
.LBB2_18:
0x60f: {  	v14 =	vld [tilespmem:s0+$0x20];
	v44 =	vand.u32 $0xFFFF0000, v36;
	v45 =	vmul.f32 v13, v30;
	v29 =	vmul.f32 v13, v29;
	s25 =	sadd.s32 $0x50, s25  }
0x610: {  	v12 =	vshll.u32 v36, $0x10;
	v30 =	vmul.f32 v43, v30;
	v15 =	vld [tilespmem:s25+$0x20];
	v36 =	vmul.f32 v44, v35  }
0x611: {  	v43 =	vand.u32 $0xFFFF0000, v37;
	v35 =	vmul.f32 v12, v35;
	v13 =	vld [tilespmem:s0+$0x10];
	v46 =	vmul.f32 v12, v41  }
0x612: {  	s28 =	sadd.s32 $0x50, s28;
	v37 =	vshll.u32 v37, $0x10;
	v41 =	vmul.f32 v44, v41;
	v12 =	vld [tilespmem:s25+$0x10];
	v47 =	vmul.f32 v43, v21  }
0x613: {  	v31 =	vsub.f32 v31, v32;
	v32 =	vadd.f32 v38, v33;
	v44 =	vld [tilespmem:s28+$0x20];
	v48 =	vmul.f32 v37, v40  }
0x614: {  	v34 =	vsub.f32 v34, v39;
	v22 =	vadd.f32 v23, v22;
	v21 =	vmul.f32 v37, v21;
	v33 =	vld [tilespmem:s28+$0x10]  }
0x615: {  	s30 =	sadd.s32 $0x50, s30;
	v38 =	vsub.f32 v42, v45;
	v29 =	vadd.f32 v30, v29;
	v37 =	vmul.f32 v43, v40;
	v23 =	vld [tilespmem:s28+$0x0]  }
0x616: {  	v19 =	vmul.f32 v19, v31;
	v36 =	vsub.f32 v36, v46;
	v35 =	vadd.f32 v41, v35;
	v30 =	vld [tilespmem:s30+$0x20]  }
0x617: {  	v24 =	vmul.f32 v24, v34;
	v26 =	vmul.f32 v26, v32;
	v39 =	vsub.f32 v47, v48;
	v31 =	vld [tilespmem:s28+$0xFFFFFFF0]  }
0x618: {  	v16 =	vmul.f32 v16, v22;
	v25 =	vmul.f32 v25, v38;
	v21 =	vadd.f32 v37, v21;
	v32 =	vld [tilespmem:s30+$0x10]  }
0x619: {  	v17 =	vmul.f32 v17, v29;
	v19 =	vadd.f32 v26, v19;
	v27 =	vmul.f32 v27, v36;
	v22 =	vld [tilespmem:s28+$0xFFFFFFE0]  }
0x61a: {  	v16 =	vadd.f32 v16, v24;
	v18 =	vmul.f32 v18, v35;
	v28 =	vmul.f32 v28, v39;
	v26 =	vld [tilespmem:s30+$0x0]  }
0x61b: {  	v17 =	vadd.f32 v17, v25;
	v20 =	vmul.f32 v20, v21;
	[tilespmem:v2+s22+$0x0] =	vst.idx.add.f32.msk $0xffff, v19;
	v2 =	vmov v44  }
0x61c: {  	v18 =	vadd.f32 v18, v27;
	[tilespmem:v3+s22+$0x0] =	vst.idx.add.f32.msk $0xffff, v16;
	v3 =	vmov v33  }
0x61d: {  	v20 =	vadd.f32 v20, v28;
	[tilespmem:v5+s22+$0x0] =	vst.idx.add.f32.msk $0xffff, v17;
	v5 =	vmov v23  }
0x61e: {  	v19 =	vsub.f32 $0.0e+00, v19;
	[tilespmem:v8+s22+$0x0] =	vst.idx.add.f32.msk $0xffff, v18;
	v8 =	vmov v31  }
0x61f: {  	v16 =	vsub.f32 $0.0e+00, v16;
	[tilespmem:v9+s22+$0x0] =	vst.idx.add.f32.msk $0xffff, v20;
	v9 =	vmov v22  }
0x620: {  	v17 =	vsub.f32 $0.0e+00, v17;
	[tilespmem:v4+s22+$0x0] =	vst.idx.add.f32.msk $0xffff, v19;
	v4 =	vmov v30  }
0x621: {  	v18 =	vsub.f32 $0.0e+00, v18;
	[tilespmem:v6+s22+$0x0] =	vst.idx.add.f32.msk $0xffff, v16;
	v6 =	vmov v32  }
0x622: {  	v16 =	vsub.f32 $0.0e+00, v20;
	[tilespmem:v7+s22+$0x0] =	vst.idx.add.f32.msk $0xffff, v17;
	v7 =	vmov v26  }
0x623: {  	[tilespmem:v10+s22+$0x0] =	vst.idx.add.f32.msk $0xffff, v18  }
0x624: {  	s26 =	sadd.s32 $0x50, s26;
	[tilespmem:v11+s22+$0x0] =	vst.idx.add.f32.msk $0xffff, v16  }
0x625: {  	s29 =	sadd.s32 $0x50, s29;
	v10 =	vld [tilespmem:s26+$0xFFFFFFE0]  }
0x626: {  	v11 =	vld [tilespmem:s29+$0xFFFFFFE0]  }
0x627: {  	v16 =	vld [tilespmem:s26+$0xFFFFFFF0]  }
0x628: {  	v17 =	vld [tilespmem:s29+$0xFFFFFFF0]  }
0x629: {  	v18 =	vld [tilespmem:s26+$0x0]  }
0x62a: {  	v19 =	vld [tilespmem:s29+$0x0]  }
0x62b: {  	v10 =	vsub.f32 v10, v11;
	v20 =	vld [tilespmem:s26+$0x10]  }
0x62c: {  	v21 =	vld [tilespmem:s29+$0x10]  }
0x62d: {  	v10 =	vmax.f32 v10, $0.0e+00;
	v11 =	vsub.f32 v16, v17;
	v16 =	vld [tilespmem:s26+$0x20]  }
0x62e: {  	v17 =	vmul.f32 v10, v10;
	v22 =	vld [tilespmem:s29+$0x20]  }
0x62f: {  	v10 =	vld [tilespmem:s30+$0xFFFFFFF0];
	v23 =	vmax.f32 v11, $0.0e+00;
	v18 =	vsub.f32 v18, v19  }
0x630: {  	v11 =	vld [tilespmem:s30+$0xFFFFFFE0];
	v1 =	vadd.f32 v17, v1;
	v17 =	vmul.f32 v23, v23  }
0x631: {  	v23 =	vld.idx.msk [tilespmem:v2+s1+$0x0], $0xffff;
	v18 =	vmax.f32 v18, $0.0e+00;
	v19 =	vsub.f32 v20, v21  }
0x632: {  	v20 =	vld.idx.msk [tilespmem:v3+s1+$0x0], $0xffff;
	v1 =	vadd.f32 v17, v1;
	v17 =	vmul.f32 v18, v18  }
0x633: {  	v18 =	vld.idx.msk [tilespmem:v5+s1+$0x0], $0xffff;
	v19 =	vmax.f32 v19, $0.0e+00;
	v16 =	vsub.f32 v16, v22  }
0x634: {  	v21 =	vld.idx.msk [tilespmem:v4+s1+$0x0], $0xffff;
	v1 =	vadd.f32 v17, v1;
	v17 =	vmul.f32 v19, v19  }
0x635: {  	v22 =	vld.idx.msk [tilespmem:v8+s1+$0x0], $0xffff;
	v16 =	vmax.f32 v16, $0.0e+00  }
0x636: {  	v28 =	vld.idx.msk [tilespmem:v6+s1+$0x0], $0xffff;
	v1 =	vadd.f32 v17, v1;
	v16 =	vmul.f32 v16, v16  }
0x637: {  	v34 =	vld.idx.msk [tilespmem:v9+s1+$0x0], $0xffff  }
0x638: {  	v19 =	vand.u32 $0xFFFF0000, v23;
	v29 =	vld [tilespmem:s0+$0x0];
	v1 =	vadd.f32 v16, v1  }
0x639: {  	v26 =	vshll.u32 v23, $0x10;
	v24 =	vand.u32 $0xFFFF0000, v20;
	v16 =	vshll.u32 v20, $0x10;
	v42 =	vld.idx.msk [tilespmem:v7+s1+$0x0], $0xffff  }
0x63a: {  	s31 =	sadd.s32 $0x5, s31;
	v25 =	vand.u32 $0xFFFF0000, v18;
	v17 =	vshll.u32 v18, $0x10;
	v23 =	vand.u32 $0xFFFF0000, v21;
	v30 =	vld [tilespmem:s25+$0x0]  }
0x63b: {  	p0 =	slt.u32 s31, $0x1EF;
	v20 =	vshll.u32 v21, $0x10;
	v27 =	vand.u32 $0xFFFF0000, v22;
	v18 =	vshll.u32 v22, $0x10;
	v36 =	vld.idx.msk [tilespmem:v10+s1+$0x0], $0xffff  }
.Ltmp8:
0x63c: {  	v31 =	vmul.f32 v23, v14;
	v44 =	vand.u32 $0xFFFF0000, v28;
	v22 =	vshll.u32 v28, $0x10;
	v35 =	vld [tilespmem:s0+$0xFFFFFFF0];
	(pc) =	sbr.rel @p0 .LBB2_18-.Ltmp8, $4  }
0x63d: {  	v32 =	vmul.f32 v20, v15;
	v33 =	vmul.f32 v20, v14;
	v28 =	vand.u32 $0xFFFF0000, v34;
	v37 =	vld.idx.msk [tilespmem:v11+s1+$0x0], $0xffff  }
0x63e: {  	v38 =	vmul.f32 v23, v15;
	v20 =	vshll.u32 v34, $0x10;
	v34 =	vmul.f32 v44, v13;
	v41 =	vld [tilespmem:s25+$0xFFFFFFF0]  }
0x63f: {  	v39 =	vmul.f32 v22, v12;
	v22 =	vmul.f32 v22, v13;
	v43 =	vand.u32 $0xFFFF0000, v42;
	v21 =	vld [tilespmem:s0+$0xFFFFFFE0]  }
0x640: {  	v23 =	vmul.f32 v44, v12;
	v13 =	vshll.u32 v42, $0x10;
	v42 =	vmul.f32 v43, v29;
	s0 =	sadd.s32 $0x50, s0;
	v40 =	vld [tilespmem:s25+$0xFFFFFFE0]  }
0x641: {  	v12 =	vand.u32 $0xFFFF0000, v36;
	v14 =	vmul.f32 v13, v30  }
0x642: {  	v13 =	vmul.f32 v13, v29;
	v15 =	vshll.u32 v36, $0x10;
	v31 =	vsub.f32 v31, v32  }
0x643: {  	v30 =	vmul.f32 v43, v30;
	v59 =	vadd.f32 v38, v33;
	v60 =	vsub.f32 v34, v39  }
0x644: {  	v29 =	vmul.f32 v12, v35;
	v54 =	vand.u32 $0xFFFF0000, v37;
	v55 =	vmul.f32 v15, v41  }
0x645: {  	v56 =	vshll.u32 v37, $0x10;
	v15 =	vmul.f32 v15, v35;
	v12 =	vmul.f32 v12, v41  }
0x646: {  	v22 =	vadd.f32 v23, v22;
	v24 =	vmul.f32 v24, v60;
	v26 =	vmul.f32 v26, v59  }
0x647: {  	v14 =	vsub.f32 v42, v14;
	v57 =	vmul.f32 v54, v21;
	v21 =	vmul.f32 v56, v21  }
0x648: {  	v13 =	vadd.f32 v30, v13;
	v16 =	vmul.f32 v16, v22;
	v58 =	vmul.f32 v56, v40  }
0x649: {  	v23 =	vmul.f32 v54, v40;
	v29 =	vsub.f32 v29, v55;
	v12 =	vadd.f32 v12, v15  }
0x64a: {  	v15 =	vmul.f32 v19, v31;
	v14 =	vmul.f32 v25, v14;
	v16 =	vadd.f32 v16, v24  }
0x64b: {  	v13 =	vmul.f32 v17, v13;
	v19 =	vsub.f32 v57, v58;
	v21 =	vadd.f32 v23, v21  }
0x64c: {  	v22 =	vmul.f32 v27, v29;
	v15 =	vadd.f32 v26, v15;
	v12 =	vmul.f32 v18, v12  }
0x64d: {  	v13 =	vadd.f32 v13, v14;
	[tilespmem:v3+s22+$0x0] =	vst.idx.add.f32.msk $0xffff, v16;
	v17 =	vmul.f32 v28, v19  }
0x64e: {  	v18 =	vmul.f32 v20, v21;
	[tilespmem:v2+s22+$0x0] =	vst.idx.add.f32.msk $0xffff, v15;
	v2 =	vadd.f32 v12, v22  }
0x64f: {  	[tilespmem:v5+s22+$0x0] =	vst.idx.add.f32.msk $0xffff, v13;
	v5 =	vsub.f32 $0.0e+00, v15  }
0x650: {  	v3 =	vadd.f32 v18, v17;
	[tilespmem:v8+s22+$0x0] =	vst.idx.add.f32.msk $0xffff, v2  }
0x651: {  	v8 =	vsub.f32 $0.0e+00, v16;
	[tilespmem:v4+s22+$0x0] =	vst.idx.add.f32.msk $0xffff, v5  }
0x652: {  	v2 =	vsub.f32 $0.0e+00, v2;
	[tilespmem:v9+s22+$0x0] =	vst.idx.add.f32.msk $0xffff, v3  }
0x653: {  	[tilespmem:v6+s22+$0x0] =	vst.idx.add.f32.msk $0xffff, v8  }
0x654: {  	s0 =	sadd.s32 $0x50, s26;
	[tilespmem:v10+s22+$0x0] =	vst.idx.add.f32.msk $0xffff, v2  }
0x655: {  	v10 =	vld [tilespmem:s0+$0x20]  }
0x656: {  	s25 =	sadd.s32 $0x50, s29;
	v16 =	vld [tilespmem:s0+$0xFFFFFFF0]  }
0x657: {  	v17 =	vld [tilespmem:s25+$0xFFFFFFF0]  }
0x658: {  	v9 =	vsub.f32 $0.0e+00, v13;
	v12 =	vld [tilespmem:s0+$0x10]  }
0x659: {  	v3 =	vsub.f32 $0.0e+00, v3;
	v13 =	vld [tilespmem:s25+$0x10]  }
0x65a: {  	[tilespmem:v7+s22+$0x0] =	vst.idx.add.f32.msk $0xffff, v9  }
0x65b: {  	[tilespmem:v11+s22+$0x0] =	vst.idx.add.f32.msk $0xffff, v3  }
0x65c: {  	v11 =	vld [tilespmem:s25+$0x20]  }
0x65d: {  	v18 =	vld [tilespmem:s0+$0xFFFFFFE0]  }
0x65e: {  	v19 =	vld [tilespmem:s25+$0xFFFFFFE0]  }
0x65f: {  	v14 =	vld [tilespmem:s0+$0x0]  }
0x660: {  	v15 =	vld [tilespmem:s25+$0x0];
	_ =	swait.ge [sflag:s15], $0x1F40  }
0x661: {  	[sflag:s15] =	ssyncset.done $0x0  }
0x662: {  	[sflag:s15] =	ssyncadd.s32 $0xFFFFE0C0  }
0x663: {  	_ =	swait.ge [sflag:s15], $0x1F40  }
0x664: {  	[sflag:s15] =	ssyncset.done $0x0  }
0x665: {  	[sflag:s15] =	ssyncadd.s32 $0xFFFFE0C0  }
0x666: {  	_ =	swait.ge [sflag:s15], $0x1F40  }
0x667: {  	[sflag:s15] =	ssyncset.done $0x0  }
0x668: {  	[sflag:s15] =	ssyncadd.s32 $0xFFFFE0C0  }
0x669: {  	_ =	swait.ge [sflag:s15], $0x1F40  }
0x66a: {  	[sflag:s15] =	ssyncset.done $0x0  }
0x66b: {  	[sflag:s15] =	ssyncadd.s32 $0xFFFFE0C0  }
0x66c: {  	_ =	swait.ge [sflag:s15], $0x1F40  }
0x66d: {  	[sflag:s15] =	ssyncset.done $0x0  }
0x66e: {  	[sflag:s15] =	ssyncadd.s32 $0xFFFFE0C0  }
0x66f: {  	_ =	swait.ge [sflag:s15], $0x1F40  }
0x670: {  	[sflag:s15] =	ssyncset.done $0x0  }
0x671: {  	s26 =	rddreg [dreg:$0xe];
	[sflag:s15] =	ssyncadd.s32 $0xFFFFE0C0  }
0x672: {  	[tilespmem:s16], [sflag:$0x2] =	stream.linear.gather [hbm4b:s26+s1], $0x1F40, $0x38;
	[tilespmem:$0x1C980] =	vst v63  }
0x673: {  	s25 =	sld [smem:$0x7F1]  }
0x674: {  	[tilespmem:s17], [sflag:$0x2] =	stream.linear.gather [hbm4b:s7+s1], $0x1F40, $0x38;
	[tilespmem:$0x1C980] =	vst v63  }
0x675: {  	s26 =	sld [smem:$0x7F2]  }
0x676: {  	[tilespmem:s18], [sflag:$0x2] =	stream.linear.gather [hbm4b:s25+s1], $0x1F40, $0x38;
	[tilespmem:$0x1C980] =	vst v63  }
0x677: {  	s25 =	sld [smem:$0x7F3]  }
0x678: {  	[tilespmem:s19], [sflag:$0x2] =	stream.linear.gather [hbm4b:s26+s1], $0x1F40, $0x38;
	[tilespmem:$0x1C980] =	vst v63  }
0x679: {  	s26 =	sld [smem:$0x7F4]  }
0x67a: {  	[tilespmem:s20], [sflag:$0x2] =	stream.linear.gather [hbm4b:s25+s1], $0x1F40, $0x38;
	[tilespmem:$0x1C980] =	vst v63  }
0x67b: {  	s0 =	simm.s32 $0xCD20  }
0x67c: {  	[tilespmem:s21], [sflag:$0x2] =	stream.linear.gather [hbm4b:s26+s1], $0x1F40, $0x38;
	[tilespmem:$0x1C980] =	vst v63  }
0x67d: {  	s25 =	simm.s32 $0x10C20;
	v2 =	vld [tilespmem:s0+$0x20]  }
0x67e: {  	v3 =	vld [tilespmem:s25+$0x20]  }
0x67f: {  	v4 =	vld [tilespmem:s0+$0x10]  }
0x680: {  	s26 =	simm.s32 $0x4F20;
	v5 =	vld [tilespmem:s25+$0x10]  }
0x681: {  	v24 =	vld [tilespmem:s26+$0x20]  }
0x682: {  	v25 =	vld [tilespmem:s26+$0x10]  }
0x683: {  	s28 =	simm.s32 $0x8E20;
	v26 =	vld [tilespmem:s26+$0x0]  }
0x684: {  	v27 =	vld [tilespmem:s28+$0x20]  }
0x685: {  	v28 =	vld [tilespmem:s26+$0xFFFFFFF0]  }
0x686: {  	v18 =	vsub.f32 v18, v19;
	v29 =	vld [tilespmem:s28+$0x10]  }
0x687: {  	v30 =	vld [tilespmem:s26+$0xFFFFFFE0]  }
0x688: {  	v16 =	vsub.f32 v16, v17;
	v18 =	vmax.f32 v18, $0.0e+00;
	v31 =	vld [tilespmem:s28+$0x0]  }
0x689: {  	v17 =	vmul.f32 v18, v18;
	v32 =	vld [tilespmem:s28+$0xFFFFFFF0]  }
0x68a: {  	v16 =	vmax.f32 v16, $0.0e+00;
	v14 =	vsub.f32 v14, v15;
	v33 =	vld [tilespmem:s28+$0xFFFFFFE0]  }
0x68b: {  	v16 =	vmul.f32 v16, v16;
	v1 =	vadd.f32 v17, v1;
	v21 =	vld [tilespmem:s0+$0x0]  }
0x68c: {  	v12 =	vsub.f32 v12, v13;
	v14 =	vmax.f32 v14, $0.0e+00;
	v23 =	vld [tilespmem:s25+$0x0]  }
0x68d: {  	v14 =	vmul.f32 v14, v14;
	v1 =	vadd.f32 v16, v1;
	v54 =	vld [tilespmem:s0+$0xFFFFFFF0]  }
0x68e: {  	v10 =	vsub.f32 v10, v11;
	v12 =	vmax.f32 v12, $0.0e+00;
	v48 =	vld [tilespmem:s25+$0xFFFFFFE0]  }
0x68f: {  	v12 =	vmul.f32 v12, v12;
	v1 =	vadd.f32 v14, v1;
	v6 =	vld.idx.msk [tilespmem:v24+s1+$0x0], $0xffff  }
0x690: {  	v10 =	vmax.f32 v10, $0.0e+00;
	v8 =	vld.idx.msk [tilespmem:v27+s1+$0x0], $0xffff  }
0x691: {  	v10 =	vmul.f32 v10, v10;
	v1 =	vadd.f32 v12, v1;
	v20 =	vld.idx.msk [tilespmem:v29+s1+$0x0], $0xffff  }
0x692: {  	s30 =	simm.s32 $0x8E70;
	v22 =	vld.idx.msk [tilespmem:v31+s1+$0x0], $0xffff  }
0x693: {  	v1 =	vadd.f32 v10, v1;
	v10 =	vld [tilespmem:s30+$0xFFFFFFF0]  }
0x694: {  	v7 =	vld.idx.msk [tilespmem:v25+s1+$0x0], $0xffff  }
0x695: {  	v62 =	vld.idx.msk [tilespmem:v32+s1+$0x0], $0xffff;
	v61 =	vand.u32 $0xFFFF0000, v8  }
0x696: {  	v9 =	vld.idx.msk [tilespmem:v26+s1+$0x0], $0xffff;
	v35 =	vand.u32 $0xFFFF0000, v6;
	v8 =	vshll.u32 v8, $0x10;
	v55 =	vand.u32 $0xFFFF0000, v20  }
0x697: {  	v58 =	vld.idx.msk [tilespmem:v28+s1+$0x0], $0xffff;
	v59 =	vand.u32 $0xFFFF0000, v22;
	v63 =	vmul.f32 v61, v2;
	v56 =	vmul.f32 v8, v3  }
0x698: {  	v49 =	vld.idx.msk [tilespmem:v30+s1+$0x0], $0xffff;
	v22 =	vshll.u32 v22, $0x10;
	v2 =	vmul.f32 v8, v2;
	v57 =	vmul.f32 v55, v4  }
0x699: {  	v8 =	vshll.u32 v20, $0x10;
	v20 =	vld [tilespmem:s25+$0xFFFFFFF0];
	v3 =	vmul.f32 v61, v3;
	v44 =	vmul.f32 v59, v21  }
0x69a: {  	v45 =	vand.u32 $0xFFFF0000, v62;
	v61 =	vld [tilespmem:s0+$0xFFFFFFE0];
	v46 =	vmul.f32 v22, v23;
	v47 =	vmul.f32 v22, v21  }
0x69b: {  	v50 =	vand.u32 $0xFFFF0000, v7;
	s0 =	simm.s32 $0xCD70;
	v60 =	vmul.f32 v8, v5;
	v4 =	vmul.f32 v8, v4;
	v8 =	vld.idx.msk [tilespmem:v33+s1+$0x0], $0xffff  }
0x69c: {  	v21 =	vshll.u32 v62, $0x10;
	v62 =	vmul.f32 v45, v54;
	v42 =	vmul.f32 v59, v23;
	s25 =	simm.s32 $0x10C70;
	v22 =	vld [tilespmem:s0+$0x10]  }
0x69d: {  	s28 =	simm.s32 $0x4F70;
	v5 =	vmul.f32 v55, v5;
	v38 =	vmul.f32 v21, v54;
	v23 =	vld [tilespmem:s25+$0x10];
	v54 =	vand.u32 $0xFFFF0000, v9  }
0x69e: {  	v55 =	vshll.u32 v9, $0x10;
	v9 =	vld [tilespmem:s28+$0xFFFFFFE0];
	v37 =	vsub.f32 v63, v56;
	v63 =	vadd.f32 v3, v2  }
0x69f: {  	v7 =	vshll.u32 v7, $0x10;
	v6 =	vshll.u32 v6, $0x10;
	v52 =	vadd.f32 v5, v4;
	v5 =	vld [tilespmem:s28+$0x0]  }
0x6a0: {  	v34 =	vshll.u32 v58, $0x10;
	v44 =	vsub.f32 v44, v46;
	v40 =	vmul.f32 v6, v63;
	v6 =	vld [tilespmem:s30+$0x10]  }
0x6a1: {  	v42 =	vadd.f32 v42, v47;
	v51 =	vmul.f32 v21, v20;
	v45 =	vmul.f32 v45, v20;
	v20 =	vld [tilespmem:s0+$0x20]  }
0x6a2: {  	v35 =	vmul.f32 v35, v37;
	v44 =	vmul.f32 v54, v44;
	v21 =	vld [tilespmem:s25+$0x20];
	v2 =	vand.u32 $0xFFFF0000, v8  }
0x6a3: {  	v41 =	vmul.f32 v7, v52;
	v7 =	vld [tilespmem:s30+$0x0];
	v3 =	vshll.u32 v8, $0x10;
	v4 =	vmul.f32 v2, v61  }
0x6a4: {  	v8 =	vsub.f32 v57, v60;
	v53 =	vmul.f32 v3, v48;
	v48 =	vmul.f32 v2, v48;
	v2 =	vld [tilespmem:s28+$0x20]  }
0x6a5: {  	v42 =	vmul.f32 v55, v42;
	v35 =	vadd.f32 v40, v35;
	v39 =	vmul.f32 v3, v61;
	v3 =	vld [tilespmem:s28+$0x10]  }
0x6a6: {  	v56 =	vand.u32 $0xFFFF0000, v58;
	v36 =	vsub.f32 v62, v51;
	v58 =	vmul.f32 v50, v8;
	v8 =	vld [tilespmem:s28+$0xFFFFFFF0]  }
0x6a7: {  	v59 =	vand.u32 $0xFFFF0000, v49;
	v38 =	vadd.f32 v45, v38;
	v61 =	vadd.f32 v42, v44;
	[tilespmem:v24+s22+$0x0] =	vst.idx.add.f32.msk $0xffff, v35  }
0x6a8: {  	v49 =	vshll.u32 v49, $0x10;
	v57 =	vsub.f32 v4, v53;
	v4 =	vld [tilespmem:s30+$0x20];
	v39 =	vadd.f32 v48, v39  }
0x6a9: {  	v36 =	vmul.f32 v56, v36;
	v34 =	vmul.f32 v34, v38;
	[tilespmem:v26+s22+$0x0] =	vst.idx.add.f32.msk $0xffff, v61;
	v26 =	vsub.f32 $0.0e+00, v35  }
0x6aa: {  	v62 =	vld.idx.msk [tilespmem:v9+s1+$0x0], $0xffff;
	v60 =	vadd.f32 v41, v58;
	v37 =	vmul.f32 v59, v57;
	v39 =	vmul.f32 v49, v39  }
0x6ab: {  	v24 =	vadd.f32 v34, v36;
	[tilespmem:v27+s22+$0x0] =	vst.idx.add.f32.msk $0xffff, v26  }
0x6ac: {  	[tilespmem:v25+s22+$0x0] =	vst.idx.add.f32.msk $0xffff, v60;
	v25 =	vadd.f32 v39, v37  }
0x6ad: {  	[tilespmem:v28+s22+$0x0] =	vst.idx.add.f32.msk $0xffff, v24;
	v28 =	vsub.f32 $0.0e+00, v60  }
0x6ae: {  	v19 =	vsub.f32 $0.0e+00, v24;
	[tilespmem:v30+s22+$0x0] =	vst.idx.add.f32.msk $0xffff, v25  }
0x6af: {  	[tilespmem:v29+s22+$0x0] =	vst.idx.add.f32.msk $0xffff, v28  }
0x6b0: {  	s26 =	simm.s32 $0x14B20;
	v24 =	vsub.f32 $0.0e+00, v25;
	[tilespmem:v32+s22+$0x0] =	vst.idx.add.f32.msk $0xffff, v19  }
0x6b1: {  	v13 =	vld [tilespmem:s26+$0xFFFFFFF0]  }
0x6b2: {  	[tilespmem:v33+s22+$0x0] =	vst.idx.add.f32.msk $0xffff, v24  }
0x6b3: {  	s29 =	simm.s32 $0x18A20;
	v15 =	vld [tilespmem:s26+$0xFFFFFFE0]  }
0x6b4: {  	v30 =	vsub.f32 $0.0e+00, v61;
	v17 =	vld [tilespmem:s29+$0xFFFFFFE0]  }
0x6b5: {  	v16 =	vld [tilespmem:s29+$0xFFFFFFF0]  }
0x6b6: {  	[tilespmem:v31+s22+$0x0] =	vst.idx.add.f32.msk $0xffff, v30  }
0x6b7: {  	v11 =	vld [tilespmem:s26+$0x0]  }
0x6b8: {  	v14 =	vld [tilespmem:s29+$0x0]  }
0x6b9: {  	v12 =	vld [tilespmem:s29+$0x10];
	v15 =	vsub.f32 v15, v17  }
0x6ba: {  	v17 =	vld [tilespmem:s26+$0x10]  }
0x6bb: {  	v18 =	vld [tilespmem:s29+$0x20];
	v13 =	vsub.f32 v13, v16;
	v15 =	vmax.f32 v15, $0.0e+00  }
0x6bc: {  	v16 =	vld [tilespmem:s26+$0x20];
	v15 =	vmul.f32 v15, v15  }
0x6bd: {  	v35 =	vld [tilespmem:s0+$0xFFFFFFF0];
	v13 =	vmax.f32 v13, $0.0e+00;
	v14 =	vsub.f32 v11, v14  }
0x6be: {  	v31 =	vld.idx.msk [tilespmem:v6+s1+$0x0], $0xffff;
	v13 =	vmul.f32 v13, v13;
	v1 =	vadd.f32 v15, v1  }
0x6bf: {  	v28 =	vld.idx.msk [tilespmem:v4+s1+$0x0], $0xffff;
	v14 =	vmax.f32 v14, $0.0e+00;
	v12 =	vsub.f32 v17, v12  }
0x6c0: {  	v15 =	vld.idx.msk [tilespmem:v2+s1+$0x0], $0xffff;
	v1 =	vadd.f32 v13, v1;
	v13 =	vmul.f32 v14, v14  }
0x6c1: {  	v16 =	vsub.f32 v16, v18;
	v17 =	vld.idx.msk [tilespmem:v3+s1+$0x0], $0xffff;
	v12 =	vmax.f32 v12, $0.0e+00  }
0x6c2: {  	v11 =	vld [tilespmem:s30+$0xFFFFFFE0];
	v12 =	vmul.f32 v12, v12;
	v1 =	vadd.f32 v13, v1  }
0x6c3: {  	v63 =	vshll.u32 v31, $0x10;
	v16 =	vmax.f32 v16, $0.0e+00;
	v14 =	vld.idx.msk [tilespmem:v5+s1+$0x0], $0xffff  }
0x6c4: {  	v39 =	vmul.f32 v63, v23;
	v13 =	vld.idx.msk [tilespmem:v8+s1+$0x0], $0xffff;
	v1 =	vadd.f32 v12, v1;
	v12 =	vmul.f32 v16, v16  }
0x6c5: {  	v36 =	vld.idx.msk [tilespmem:v10+s1+$0x0], $0xffff;
	v19 =	vand.u32 $0xFFFF0000, v15;
	v26 =	vshll.u32 v15, $0x10;
	v15 =	vand.u32 $0xFFFF0000, v31  }
0x6c6: {  	v24 =	vand.u32 $0xFFFF0000, v17;
	v34 =	vmul.f32 v15, v22;
	v1 =	vadd.f32 v12, v1;
	v12 =	vld.idx.msk [tilespmem:v7+s1+$0x0], $0xffff  }
0x6c7: {  	v29 =	vld [tilespmem:s0+$0x0];
	v16 =	vshll.u32 v17, $0x10;
	v22 =	vmul.f32 v63, v22;
	v23 =	vmul.f32 v15, v23  }
0x6c8: {  	v30 =	vld [tilespmem:s25+$0x0];
	v25 =	vand.u32 $0xFFFF0000, v14;
	v17 =	vshll.u32 v14, $0x10;
	v14 =	vand.u32 $0xFFFF0000, v28  }
0x6c9: {  	v41 =	vld [tilespmem:s25+$0xFFFFFFF0];
	v31 =	vmul.f32 v14, v20;
	v38 =	vmul.f32 v14, v21;
	v27 =	vand.u32 $0xFFFF0000, v13  }
0x6ca: {  	v37 =	vld.idx.msk [tilespmem:v11+s1+$0x0], $0xffff;
	v18 =	vshll.u32 v13, $0x10;
	v13 =	vshll.u32 v28, $0x10;
	v28 =	vand.u32 $0xFFFF0000, v62  }
0x6cb: {  	v32 =	vmul.f32 v13, v21;
	v33 =	vmul.f32 v13, v20;
	v21 =	vld [tilespmem:s0+$0xFFFFFFE0];
	v43 =	vand.u32 $0xFFFF0000, v12  }
0x6cc: {  	s31 =	simm.s32 $0x5;
	v40 =	vld [tilespmem:s25+$0xFFFFFFE0];
	v20 =	vshll.u32 v62, $0x10;
	s0 =	simm.s32 $0xCDC0;
	v13 =	vshll.u32 v12, $0x10;
	v42 =	vmul.f32 v43, v29  }
.LBB2_20:
0x6cd: {  	v14 =	vld [tilespmem:s0+$0x20];
	v44 =	vand.u32 $0xFFFF0000, v36;
	v45 =	vmul.f32 v13, v30;
	v29 =	vmul.f32 v13, v29;
	s25 =	sadd.s32 $0x50, s25  }
0x6ce: {  	v12 =	vshll.u32 v36, $0x10;
	v30 =	vmul.f32 v43, v30;
	v15 =	vld [tilespmem:s25+$0x20];
	v36 =	vmul.f32 v44, v35  }
0x6cf: {  	v43 =	vand.u32 $0xFFFF0000, v37;
	v35 =	vmul.f32 v12, v35;
	v13 =	vld [tilespmem:s0+$0x10];
	v46 =	vmul.f32 v12, v41  }
0x6d0: {  	s28 =	sadd.s32 $0x50, s28;
	v37 =	vshll.u32 v37, $0x10;
	v41 =	vmul.f32 v44, v41;
	v12 =	vld [tilespmem:s25+$0x10];
	v47 =	vmul.f32 v43, v21  }
0x6d1: {  	v31 =	vsub.f32 v31, v32;
	v32 =	vadd.f32 v38, v33;
	v44 =	vld [tilespmem:s28+$0x20];
	v48 =	vmul.f32 v37, v40  }
0x6d2: {  	v34 =	vsub.f32 v34, v39;
	v22 =	vadd.f32 v23, v22;
	v21 =	vmul.f32 v37, v21;
	v33 =	vld [tilespmem:s28+$0x10]  }
0x6d3: {  	s30 =	sadd.s32 $0x50, s30;
	v38 =	vsub.f32 v42, v45;
	v29 =	vadd.f32 v30, v29;
	v37 =	vmul.f32 v43, v40;
	v23 =	vld [tilespmem:s28+$0x0]  }
0x6d4: {  	v19 =	vmul.f32 v19, v31;
	v36 =	vsub.f32 v36, v46;
	v35 =	vadd.f32 v41, v35;
	v30 =	vld [tilespmem:s30+$0x20]  }
0x6d5: {  	v24 =	vmul.f32 v24, v34;
	v26 =	vmul.f32 v26, v32;
	v39 =	vsub.f32 v47, v48;
	v31 =	vld [tilespmem:s28+$0xFFFFFFF0]  }
0x6d6: {  	v16 =	vmul.f32 v16, v22;
	v25 =	vmul.f32 v25, v38;
	v21 =	vadd.f32 v37, v21;
	v32 =	vld [tilespmem:s30+$0x10]  }
0x6d7: {  	v17 =	vmul.f32 v17, v29;
	v19 =	vadd.f32 v26, v19;
	v27 =	vmul.f32 v27, v36;
	v22 =	vld [tilespmem:s28+$0xFFFFFFE0]  }
0x6d8: {  	v16 =	vadd.f32 v16, v24;
	v18 =	vmul.f32 v18, v35;
	v28 =	vmul.f32 v28, v39;
	v26 =	vld [tilespmem:s30+$0x0]  }
0x6d9: {  	v17 =	vadd.f32 v17, v25;
	v20 =	vmul.f32 v20, v21;
	[tilespmem:v2+s22+$0x0] =	vst.idx.add.f32.msk $0xffff, v19;
	v2 =	vmov v44  }
0x6da: {  	v18 =	vadd.f32 v18, v27;
	[tilespmem:v3+s22+$0x0] =	vst.idx.add.f32.msk $0xffff, v16;
	v3 =	vmov v33  }
0x6db: {  	v20 =	vadd.f32 v20, v28;
	[tilespmem:v5+s22+$0x0] =	vst.idx.add.f32.msk $0xffff, v17;
	v5 =	vmov v23  }
0x6dc: {  	v19 =	vsub.f32 $0.0e+00, v19;
	[tilespmem:v8+s22+$0x0] =	vst.idx.add.f32.msk $0xffff, v18;
	v8 =	vmov v31  }
0x6dd: {  	v16 =	vsub.f32 $0.0e+00, v16;
	[tilespmem:v9+s22+$0x0] =	vst.idx.add.f32.msk $0xffff, v20;
	v9 =	vmov v22  }
0x6de: {  	v17 =	vsub.f32 $0.0e+00, v17;
	[tilespmem:v4+s22+$0x0] =	vst.idx.add.f32.msk $0xffff, v19;
	v4 =	vmov v30  }
0x6df: {  	v18 =	vsub.f32 $0.0e+00, v18;
	[tilespmem:v6+s22+$0x0] =	vst.idx.add.f32.msk $0xffff, v16;
	v6 =	vmov v32  }
0x6e0: {  	v16 =	vsub.f32 $0.0e+00, v20;
	[tilespmem:v7+s22+$0x0] =	vst.idx.add.f32.msk $0xffff, v17;
	v7 =	vmov v26  }
0x6e1: {  	[tilespmem:v10+s22+$0x0] =	vst.idx.add.f32.msk $0xffff, v18  }
0x6e2: {  	s26 =	sadd.s32 $0x50, s26;
	[tilespmem:v11+s22+$0x0] =	vst.idx.add.f32.msk $0xffff, v16  }
0x6e3: {  	s29 =	sadd.s32 $0x50, s29;
	v10 =	vld [tilespmem:s26+$0xFFFFFFE0]  }
0x6e4: {  	v11 =	vld [tilespmem:s29+$0xFFFFFFE0]  }
0x6e5: {  	v16 =	vld [tilespmem:s26+$0xFFFFFFF0]  }
0x6e6: {  	v17 =	vld [tilespmem:s29+$0xFFFFFFF0]  }
0x6e7: {  	v18 =	vld [tilespmem:s26+$0x0]  }
0x6e8: {  	v19 =	vld [tilespmem:s29+$0x0]  }
0x6e9: {  	v10 =	vsub.f32 v10, v11;
	v20 =	vld [tilespmem:s26+$0x10]  }
0x6ea: {  	v21 =	vld [tilespmem:s29+$0x10]  }
0x6eb: {  	v10 =	vmax.f32 v10, $0.0e+00;
	v11 =	vsub.f32 v16, v17;
	v16 =	vld [tilespmem:s26+$0x20]  }
0x6ec: {  	v17 =	vmul.f32 v10, v10;
	v22 =	vld [tilespmem:s29+$0x20]  }
0x6ed: {  	v10 =	vld [tilespmem:s30+$0xFFFFFFF0];
	v23 =	vmax.f32 v11, $0.0e+00;
	v18 =	vsub.f32 v18, v19  }
0x6ee: {  	v11 =	vld [tilespmem:s30+$0xFFFFFFE0];
	v1 =	vadd.f32 v17, v1;
	v17 =	vmul.f32 v23, v23  }
0x6ef: {  	v23 =	vld.idx.msk [tilespmem:v2+s1+$0x0], $0xffff;
	v18 =	vmax.f32 v18, $0.0e+00;
	v19 =	vsub.f32 v20, v21  }
0x6f0: {  	v20 =	vld.idx.msk [tilespmem:v3+s1+$0x0], $0xffff;
	v1 =	vadd.f32 v17, v1;
	v17 =	vmul.f32 v18, v18  }
0x6f1: {  	v18 =	vld.idx.msk [tilespmem:v5+s1+$0x0], $0xffff;
	v19 =	vmax.f32 v19, $0.0e+00;
	v16 =	vsub.f32 v16, v22  }
0x6f2: {  	v21 =	vld.idx.msk [tilespmem:v4+s1+$0x0], $0xffff;
	v1 =	vadd.f32 v17, v1;
	v17 =	vmul.f32 v19, v19  }
0x6f3: {  	v22 =	vld.idx.msk [tilespmem:v8+s1+$0x0], $0xffff;
	v16 =	vmax.f32 v16, $0.0e+00  }
0x6f4: {  	v28 =	vld.idx.msk [tilespmem:v6+s1+$0x0], $0xffff;
	v1 =	vadd.f32 v17, v1;
	v16 =	vmul.f32 v16, v16  }
0x6f5: {  	v34 =	vld.idx.msk [tilespmem:v9+s1+$0x0], $0xffff  }
0x6f6: {  	v19 =	vand.u32 $0xFFFF0000, v23;
	v29 =	vld [tilespmem:s0+$0x0];
	v1 =	vadd.f32 v16, v1  }
0x6f7: {  	v26 =	vshll.u32 v23, $0x10;
	v24 =	vand.u32 $0xFFFF0000, v20;
	v16 =	vshll.u32 v20, $0x10;
	v42 =	vld.idx.msk [tilespmem:v7+s1+$0x0], $0xffff  }
0x6f8: {  	s31 =	sadd.s32 $0x5, s31;
	v25 =	vand.u32 $0xFFFF0000, v18;
	v17 =	vshll.u32 v18, $0x10;
	v23 =	vand.u32 $0xFFFF0000, v21;
	v30 =	vld [tilespmem:s25+$0x0]  }
0x6f9: {  	p0 =	slt.u32 s31, $0x1EF;
	v20 =	vshll.u32 v21, $0x10;
	v27 =	vand.u32 $0xFFFF0000, v22;
	v18 =	vshll.u32 v22, $0x10;
	v36 =	vld.idx.msk [tilespmem:v10+s1+$0x0], $0xffff  }
.Ltmp9:
0x6fa: {  	v31 =	vmul.f32 v23, v14;
	v44 =	vand.u32 $0xFFFF0000, v28;
	v22 =	vshll.u32 v28, $0x10;
	v35 =	vld [tilespmem:s0+$0xFFFFFFF0];
	(pc) =	sbr.rel @p0 .LBB2_20-.Ltmp9, $4  }
0x6fb: {  	v32 =	vmul.f32 v20, v15;
	v33 =	vmul.f32 v20, v14;
	v28 =	vand.u32 $0xFFFF0000, v34;
	v37 =	vld.idx.msk [tilespmem:v11+s1+$0x0], $0xffff  }
0x6fc: {  	v38 =	vmul.f32 v23, v15;
	v20 =	vshll.u32 v34, $0x10;
	v34 =	vmul.f32 v44, v13;
	v41 =	vld [tilespmem:s25+$0xFFFFFFF0]  }
0x6fd: {  	v39 =	vmul.f32 v22, v12;
	v22 =	vmul.f32 v22, v13;
	v43 =	vand.u32 $0xFFFF0000, v42;
	v21 =	vld [tilespmem:s0+$0xFFFFFFE0]  }
0x6fe: {  	v23 =	vmul.f32 v44, v12;
	v13 =	vshll.u32 v42, $0x10;
	v42 =	vmul.f32 v43, v29;
	s0 =	sadd.s32 $0x50, s0;
	v40 =	vld [tilespmem:s25+$0xFFFFFFE0]  }
0x6ff: {  	v12 =	vand.u32 $0xFFFF0000, v36;
	v14 =	vmul.f32 v13, v30  }
0x700: {  	v13 =	vmul.f32 v13, v29;
	v15 =	vshll.u32 v36, $0x10;
	v31 =	vsub.f32 v31, v32  }
0x701: {  	v30 =	vmul.f32 v43, v30;
	v59 =	vadd.f32 v38, v33;
	v60 =	vsub.f32 v34, v39  }
0x702: {  	v29 =	vmul.f32 v12, v35;
	v54 =	vand.u32 $0xFFFF0000, v37;
	v55 =	vmul.f32 v15, v41  }
0x703: {  	v56 =	vshll.u32 v37, $0x10;
	v15 =	vmul.f32 v15, v35;
	v12 =	vmul.f32 v12, v41  }
0x704: {  	v22 =	vadd.f32 v23, v22;
	v24 =	vmul.f32 v24, v60;
	v26 =	vmul.f32 v26, v59  }
0x705: {  	v14 =	vsub.f32 v42, v14;
	v57 =	vmul.f32 v54, v21;
	v21 =	vmul.f32 v56, v21  }
0x706: {  	v13 =	vadd.f32 v30, v13;
	v16 =	vmul.f32 v16, v22;
	v58 =	vmul.f32 v56, v40  }
0x707: {  	v23 =	vmul.f32 v54, v40;
	v29 =	vsub.f32 v29, v55;
	v12 =	vadd.f32 v12, v15  }
0x708: {  	v15 =	vmul.f32 v19, v31;
	v14 =	vmul.f32 v25, v14;
	v16 =	vadd.f32 v16, v24  }
0x709: {  	v13 =	vmul.f32 v17, v13;
	v19 =	vsub.f32 v57, v58;
	v21 =	vadd.f32 v23, v21  }
0x70a: {  	v22 =	vmul.f32 v27, v29;
	v15 =	vadd.f32 v26, v15;
	v12 =	vmul.f32 v18, v12  }
0x70b: {  	v13 =	vadd.f32 v13, v14;
	[tilespmem:v3+s22+$0x0] =	vst.idx.add.f32.msk $0xffff, v16;
	v17 =	vmul.f32 v28, v19  }
0x70c: {  	v18 =	vmul.f32 v20, v21;
	[tilespmem:v2+s22+$0x0] =	vst.idx.add.f32.msk $0xffff, v15;
	v2 =	vadd.f32 v12, v22  }
0x70d: {  	[tilespmem:v5+s22+$0x0] =	vst.idx.add.f32.msk $0xffff, v13;
	v5 =	vsub.f32 $0.0e+00, v15  }
0x70e: {  	v3 =	vadd.f32 v18, v17;
	[tilespmem:v8+s22+$0x0] =	vst.idx.add.f32.msk $0xffff, v2  }
0x70f: {  	v8 =	vsub.f32 $0.0e+00, v16;
	[tilespmem:v4+s22+$0x0] =	vst.idx.add.f32.msk $0xffff, v5  }
0x710: {  	v2 =	vsub.f32 $0.0e+00, v2;
	[tilespmem:v9+s22+$0x0] =	vst.idx.add.f32.msk $0xffff, v3  }
0x711: {  	[tilespmem:v6+s22+$0x0] =	vst.idx.add.f32.msk $0xffff, v8  }
0x712: {  	s0 =	sadd.s32 $0x50, s26;
	[tilespmem:v10+s22+$0x0] =	vst.idx.add.f32.msk $0xffff, v2  }
0x713: {  	v10 =	vld [tilespmem:s0+$0x20]  }
0x714: {  	s25 =	sadd.s32 $0x50, s29;
	v16 =	vld [tilespmem:s0+$0xFFFFFFF0]  }
0x715: {  	v17 =	vld [tilespmem:s25+$0xFFFFFFF0]  }
0x716: {  	v9 =	vsub.f32 $0.0e+00, v13;
	v12 =	vld [tilespmem:s0+$0x10]  }
0x717: {  	v3 =	vsub.f32 $0.0e+00, v3;
	v13 =	vld [tilespmem:s25+$0x10]  }
0x718: {  	[tilespmem:v7+s22+$0x0] =	vst.idx.add.f32.msk $0xffff, v9  }
0x719: {  	[tilespmem:v11+s22+$0x0] =	vst.idx.add.f32.msk $0xffff, v3  }
0x71a: {  	v11 =	vld [tilespmem:s25+$0x20]  }
0x71b: {  	v18 =	vld [tilespmem:s0+$0xFFFFFFE0]  }
0x71c: {  	v19 =	vld [tilespmem:s25+$0xFFFFFFE0]  }
0x71d: {  	v14 =	vld [tilespmem:s0+$0x0]  }
0x71e: {  	v15 =	vld [tilespmem:s25+$0x0];
	_ =	swait.ge [sflag:s23], $0x1F40  }
0x71f: {  	[sflag:s23] =	ssyncset.done $0x0  }
0x720: {  	[sflag:s23] =	ssyncadd.s32 $0xFFFFE0C0  }
0x721: {  	_ =	swait.ge [sflag:s23], $0x1F40  }
0x722: {  	[sflag:s23] =	ssyncset.done $0x0  }
0x723: {  	[sflag:s23] =	ssyncadd.s32 $0xFFFFE0C0  }
0x724: {  	_ =	swait.ge [sflag:s23], $0x1F40  }
0x725: {  	[sflag:s23] =	ssyncset.done $0x0  }
0x726: {  	[sflag:s23] =	ssyncadd.s32 $0xFFFFE0C0  }
0x727: {  	_ =	swait.ge [sflag:s23], $0x1F40  }
0x728: {  	[sflag:s23] =	ssyncset.done $0x0  }
0x729: {  	[sflag:s23] =	ssyncadd.s32 $0xFFFFE0C0  }
0x72a: {  	_ =	swait.ge [sflag:s23], $0x1F40  }
0x72b: {  	[sflag:s23] =	ssyncset.done $0x0  }
0x72c: {  	[sflag:s23] =	ssyncadd.s32 $0xFFFFE0C0  }
0x72d: {  	_ =	swait.ge [sflag:s23], $0x1F40  }
0x72e: {  	[sflag:s23] =	ssyncset.done $0x0  }
0x72f: {  	s0 =	simm.s32 $0xECA0;
	[sflag:s23] =	ssyncadd.s32 $0xFFFFE0C0  }
0x730: {  	s25 =	simm.s32 $0x12BA0;
	v2 =	vld [tilespmem:s0+$0x20]  }
0x731: {  	v3 =	vld [tilespmem:s25+$0x20]  }
0x732: {  	v4 =	vld [tilespmem:s0+$0x10]  }
0x733: {  	s26 =	simm.s32 $0x6EA0;
	v5 =	vld [tilespmem:s25+$0x10]  }
0x734: {  	v24 =	vld [tilespmem:s26+$0x20]  }
0x735: {  	v25 =	vld [tilespmem:s26+$0x10]  }
0x736: {  	s28 =	simm.s32 $0xADA0;
	v26 =	vld [tilespmem:s26+$0x0]  }
0x737: {  	v27 =	vld [tilespmem:s28+$0x20]  }
0x738: {  	v28 =	vld [tilespmem:s26+$0xFFFFFFF0]  }
0x739: {  	v29 =	vld [tilespmem:s28+$0x10]  }
0x73a: {  	v30 =	vld [tilespmem:s26+$0xFFFFFFE0]  }
0x73b: {  	v18 =	vsub.f32 v18, v19;
	v31 =	vld [tilespmem:s28+$0x0]  }
0x73c: {  	v32 =	vld [tilespmem:s28+$0xFFFFFFF0]  }
0x73d: {  	v16 =	vsub.f32 v16, v17;
	v18 =	vmax.f32 v18, $0.0e+00;
	v33 =	vld [tilespmem:s28+$0xFFFFFFE0]  }
0x73e: {  	v17 =	vmul.f32 v18, v18;
	v21 =	vld [tilespmem:s0+$0x0]  }
0x73f: {  	v16 =	vmax.f32 v16, $0.0e+00;
	v14 =	vsub.f32 v14, v15;
	v23 =	vld [tilespmem:s25+$0x0]  }
0x740: {  	v16 =	vmul.f32 v16, v16;
	v1 =	vadd.f32 v17, v1;
	v54 =	vld [tilespmem:s0+$0xFFFFFFF0]  }
0x741: {  	v12 =	vsub.f32 v12, v13;
	v14 =	vmax.f32 v14, $0.0e+00;
	v6 =	vld.idx.msk [tilespmem:v24+s1+$0x0], $0xffff  }
0x742: {  	v14 =	vmul.f32 v14, v14;
	v1 =	vadd.f32 v16, v1;
	v8 =	vld.idx.msk [tilespmem:v27+s1+$0x0], $0xffff  }
0x743: {  	v10 =	vsub.f32 v10, v11;
	v12 =	vmax.f32 v12, $0.0e+00;
	v20 =	vld.idx.msk [tilespmem:v29+s1+$0x0], $0xffff  }
0x744: {  	v12 =	vmul.f32 v12, v12;
	v1 =	vadd.f32 v14, v1;
	v22 =	vld.idx.msk [tilespmem:v31+s1+$0x0], $0xffff  }
0x745: {  	v10 =	vmax.f32 v10, $0.0e+00;
	v62 =	vld.idx.msk [tilespmem:v32+s1+$0x0], $0xffff  }
0x746: {  	v10 =	vmul.f32 v10, v10;
	v1 =	vadd.f32 v12, v1;
	v7 =	vld.idx.msk [tilespmem:v25+s1+$0x0], $0xffff  }
0x747: {  	s30 =	simm.s32 $0xADF0;
	v48 =	vld [tilespmem:s25+$0xFFFFFFE0]  }
0x748: {  	v18 =	vadd.f32 v10, v1;
	v1 =	vld [tilespmem:s30+$0xFFFFFFF0];
	v61 =	vand.u32 $0xFFFF0000, v8  }
0x749: {  	v10 =	vld [tilespmem:s30+$0xFFFFFFE0];
	v35 =	vand.u32 $0xFFFF0000, v6;
	v8 =	vshll.u32 v8, $0x10;
	v55 =	vand.u32 $0xFFFF0000, v20  }
0x74a: {  	v58 =	vld.idx.msk [tilespmem:v28+s1+$0x0], $0xffff;
	v59 =	vand.u32 $0xFFFF0000, v22;
	v22 =	vshll.u32 v22, $0x10;
	v45 =	vand.u32 $0xFFFF0000, v62  }
0x74b: {  	v9 =	vld.idx.msk [tilespmem:v26+s1+$0x0], $0xffff;
	v50 =	vand.u32 $0xFFFF0000, v7;
	v63 =	vmul.f32 v61, v2;
	v56 =	vmul.f32 v8, v3  }
0x74c: {  	v49 =	vld.idx.msk [tilespmem:v30+s1+$0x0], $0xffff;
	v7 =	vshll.u32 v7, $0x10;
	v2 =	vmul.f32 v8, v2;
	v57 =	vmul.f32 v55, v4  }
0x74d: {  	v8 =	vshll.u32 v20, $0x10;
	v20 =	vld [tilespmem:s25+$0xFFFFFFF0];
	v3 =	vmul.f32 v61, v3;
	v44 =	vmul.f32 v59, v21  }
0x74e: {  	v6 =	vshll.u32 v6, $0x10;
	v61 =	vld [tilespmem:s0+$0xFFFFFFE0];
	v46 =	vmul.f32 v22, v23;
	v47 =	vmul.f32 v22, v21  }
0x74f: {  	v34 =	vshll.u32 v58, $0x10;
	s0 =	simm.s32 $0xECF0;
	v60 =	vmul.f32 v8, v5;
	v4 =	vmul.f32 v8, v4;
	v8 =	vld.idx.msk [tilespmem:v33+s1+$0x0], $0xffff  }
0x750: {  	v21 =	vshll.u32 v62, $0x10;
	v62 =	vmul.f32 v45, v54;
	v42 =	vmul.f32 v59, v23;
	s25 =	simm.s32 $0x12BF0;
	v22 =	vld [tilespmem:s0+$0x10]  }
0x751: {  	s28 =	simm.s32 $0x6EF0;
	v5 =	vmul.f32 v55, v5;
	v38 =	vmul.f32 v21, v54;
	v23 =	vld [tilespmem:s25+$0x10];
	v54 =	vand.u32 $0xFFFF0000, v9  }
0x752: {  	v55 =	vshll.u32 v9, $0x10;
	v9 =	vld [tilespmem:s28+$0xFFFFFFE0];
	v37 =	vsub.f32 v63, v56;
	v63 =	vadd.f32 v3, v2  }
0x753: {  	v59 =	vand.u32 $0xFFFF0000, v49;
	v44 =	vsub.f32 v44, v46;
	v52 =	vadd.f32 v5, v4;
	v5 =	vld [tilespmem:s28+$0x0]  }
0x754: {  	v42 =	vadd.f32 v42, v47;
	v35 =	vmul.f32 v35, v37;
	v40 =	vmul.f32 v6, v63;
	v6 =	vld [tilespmem:s30+$0x10]  }
0x755: {  	v56 =	vand.u32 $0xFFFF0000, v58;
	v51 =	vmul.f32 v21, v20;
	v45 =	vmul.f32 v45, v20;
	v20 =	vld [tilespmem:s0+$0x20]  }
0x756: {  	v44 =	vmul.f32 v54, v44;
	v42 =	vmul.f32 v55, v42;
	v21 =	vld [tilespmem:s25+$0x20];
	v2 =	vand.u32 $0xFFFF0000, v8  }
0x757: {  	v41 =	vmul.f32 v7, v52;
	v7 =	vld [tilespmem:s30+$0x0];
	v3 =	vshll.u32 v8, $0x10;
	v4 =	vmul.f32 v2, v61  }
0x758: {  	v8 =	vsub.f32 v57, v60;
	v53 =	vmul.f32 v3, v48;
	v48 =	vmul.f32 v2, v48;
	v2 =	vld [tilespmem:s28+$0x20]  }
0x759: {  	v35 =	vadd.f32 v40, v35;
	v39 =	vmul.f32 v3, v61;
	v36 =	vsub.f32 v62, v51;
	v3 =	vld [tilespmem:s28+$0x10]  }
0x75a: {  	v38 =	vadd.f32 v45, v38;
	v61 =	vadd.f32 v42, v44;
	v58 =	vmul.f32 v50, v8;
	v8 =	vld [tilespmem:s28+$0xFFFFFFF0]  }
0x75b: {  	v49 =	vshll.u32 v49, $0x10;
	[tilespmem:v24+s22+$0x0] =	vst.idx.add.f32.msk $0xffff, v35;
	v57 =	vsub.f32 v4, v53;
	v39 =	vadd.f32 v48, v39  }
0x75c: {  	v36 =	vmul.f32 v56, v36;
	v34 =	vmul.f32 v34, v38;
	[tilespmem:v26+s22+$0x0] =	vst.idx.add.f32.msk $0xffff, v61;
	v26 =	vsub.f32 $0.0e+00, v35  }
0x75d: {  	v4 =	vld [tilespmem:s30+$0x20];
	v60 =	vadd.f32 v41, v58;
	v37 =	vmul.f32 v59, v57;
	v39 =	vmul.f32 v49, v39  }
0x75e: {  	v24 =	vadd.f32 v34, v36;
	[tilespmem:v27+s22+$0x0] =	vst.idx.add.f32.msk $0xffff, v26  }
0x75f: {  	[tilespmem:v25+s22+$0x0] =	vst.idx.add.f32.msk $0xffff, v60;
	v25 =	vadd.f32 v39, v37  }
0x760: {  	[tilespmem:v28+s22+$0x0] =	vst.idx.add.f32.msk $0xffff, v24;
	v28 =	vsub.f32 $0.0e+00, v60  }
0x761: {  	v19 =	vsub.f32 $0.0e+00, v24;
	[tilespmem:v30+s22+$0x0] =	vst.idx.add.f32.msk $0xffff, v25  }
0x762: {  	[tilespmem:v29+s22+$0x0] =	vst.idx.add.f32.msk $0xffff, v28  }
0x763: {  	s26 =	simm.s32 $0x16AA0;
	v24 =	vsub.f32 $0.0e+00, v25;
	[tilespmem:v32+s22+$0x0] =	vst.idx.add.f32.msk $0xffff, v19  }
0x764: {  	v13 =	vld [tilespmem:s26+$0xFFFFFFF0]  }
0x765: {  	[tilespmem:v33+s22+$0x0] =	vst.idx.add.f32.msk $0xffff, v24  }
0x766: {  	s29 =	simm.s32 $0x1A9A0;
	v15 =	vld [tilespmem:s26+$0xFFFFFFE0]  }
0x767: {  	v30 =	vsub.f32 $0.0e+00, v61;
	v17 =	vld [tilespmem:s29+$0xFFFFFFE0]  }
0x768: {  	v16 =	vld [tilespmem:s29+$0xFFFFFFF0]  }
0x769: {  	[tilespmem:v31+s22+$0x0] =	vst.idx.add.f32.msk $0xffff, v30  }
0x76a: {  	v11 =	vld [tilespmem:s26+$0x0]  }
0x76b: {  	v14 =	vld [tilespmem:s29+$0x0]  }
0x76c: {  	v12 =	vld [tilespmem:s29+$0x10];
	v15 =	vsub.f32 v15, v17  }
0x76d: {  	v17 =	vld [tilespmem:s26+$0x10]  }
0x76e: {  	v19 =	vld [tilespmem:s29+$0x20];
	v13 =	vsub.f32 v13, v16;
	v15 =	vmax.f32 v15, $0.0e+00  }
0x76f: {  	v16 =	vld [tilespmem:s26+$0x20];
	v15 =	vmul.f32 v15, v15  }
0x770: {  	v62 =	vld.idx.msk [tilespmem:v9+s1+$0x0], $0xffff;
	v13 =	vmax.f32 v13, $0.0e+00;
	v11 =	vsub.f32 v11, v14  }
0x771: {  	v31 =	vld.idx.msk [tilespmem:v6+s1+$0x0], $0xffff;
	v13 =	vmul.f32 v13, v13;
	v14 =	vadd.f32 v15, v18  }
0x772: {  	v35 =	vld [tilespmem:s0+$0xFFFFFFF0];
	v11 =	vmax.f32 v11, $0.0e+00;
	v12 =	vsub.f32 v17, v12  }
0x773: {  	v11 =	vmul.f32 v11, v11;
	v15 =	vld.idx.msk [tilespmem:v2+s1+$0x0], $0xffff;
	v13 =	vadd.f32 v13, v14  }
0x774: {  	v16 =	vsub.f32 v16, v19;
	v17 =	vld.idx.msk [tilespmem:v3+s1+$0x0], $0xffff;
	v12 =	vmax.f32 v12, $0.0e+00  }
0x775: {  	v28 =	vld.idx.msk [tilespmem:v4+s1+$0x0], $0xffff;
	v12 =	vmul.f32 v12, v12;
	v11 =	vadd.f32 v11, v13  }
0x776: {  	v63 =	vshll.u32 v31, $0x10;
	v16 =	vmax.f32 v16, $0.0e+00;
	v14 =	vld.idx.msk [tilespmem:v5+s1+$0x0], $0xffff  }
0x777: {  	v39 =	vmul.f32 v63, v23;
	v13 =	vld.idx.msk [tilespmem:v8+s1+$0x0], $0xffff;
	v11 =	vadd.f32 v12, v11;
	v12 =	vmul.f32 v16, v16  }
0x778: {  	v36 =	vld.idx.msk [tilespmem:v1+s1+$0x0], $0xffff;
	v19 =	vand.u32 $0xFFFF0000, v15;
	v26 =	vshll.u32 v15, $0x10;
	v15 =	vand.u32 $0xFFFF0000, v31  }
0x779: {  	v24 =	vand.u32 $0xFFFF0000, v17;
	v34 =	vmul.f32 v15, v22;
	v11 =	vadd.f32 v12, v11;
	v12 =	vld.idx.msk [tilespmem:v7+s1+$0x0], $0xffff  }
0x77a: {  	v29 =	vld [tilespmem:s0+$0x0];
	v16 =	vshll.u32 v17, $0x10;
	v22 =	vmul.f32 v63, v22;
	v23 =	vmul.f32 v15, v23  }
0x77b: {  	v30 =	vld [tilespmem:s25+$0x0];
	v25 =	vand.u32 $0xFFFF0000, v14;
	v17 =	vshll.u32 v14, $0x10;
	v14 =	vand.u32 $0xFFFF0000, v28  }
0x77c: {  	v41 =	vld [tilespmem:s25+$0xFFFFFFF0];
	v31 =	vmul.f32 v14, v20;
	v38 =	vmul.f32 v14, v21;
	v27 =	vand.u32 $0xFFFF0000, v13  }
0x77d: {  	v37 =	vld.idx.msk [tilespmem:v10+s1+$0x0], $0xffff;
	v18 =	vshll.u32 v13, $0x10;
	v13 =	vshll.u32 v28, $0x10;
	v28 =	vand.u32 $0xFFFF0000, v62  }
0x77e: {  	v32 =	vmul.f32 v13, v21;
	v33 =	vmul.f32 v13, v20;
	v21 =	vld [tilespmem:s0+$0xFFFFFFE0];
	v43 =	vand.u32 $0xFFFF0000, v12  }
0x77f: {  	s31 =	simm.s32 $0x5;
	v40 =	vld [tilespmem:s25+$0xFFFFFFE0];
	v20 =	vshll.u32 v62, $0x10;
	s0 =	simm.s32 $0xED40;
	v13 =	vshll.u32 v12, $0x10;
	v42 =	vmul.f32 v43, v29  }
.LBB2_22:
0x780: {  	v14 =	vld [tilespmem:s0+$0x20];
	v44 =	vand.u32 $0xFFFF0000, v36;
	v45 =	vmul.f32 v13, v30;
	v29 =	vmul.f32 v13, v29;
	s25 =	sadd.s32 $0x50, s25  }
0x781: {  	v12 =	vshll.u32 v36, $0x10;
	v30 =	vmul.f32 v43, v30;
	v15 =	vld [tilespmem:s25+$0x20];
	v36 =	vmul.f32 v44, v35  }
0x782: {  	v43 =	vand.u32 $0xFFFF0000, v37;
	v35 =	vmul.f32 v12, v35;
	v13 =	vld [tilespmem:s0+$0x10];
	v46 =	vmul.f32 v12, v41  }
0x783: {  	s28 =	sadd.s32 $0x50, s28;
	v37 =	vshll.u32 v37, $0x10;
	v41 =	vmul.f32 v44, v41;
	v12 =	vld [tilespmem:s25+$0x10];
	v47 =	vmul.f32 v43, v21  }
0x784: {  	v31 =	vsub.f32 v31, v32;
	v32 =	vadd.f32 v38, v33;
	v44 =	vld [tilespmem:s28+$0x20];
	v48 =	vmul.f32 v37, v40  }
0x785: {  	v34 =	vsub.f32 v34, v39;
	v22 =	vadd.f32 v23, v22;
	v21 =	vmul.f32 v37, v21;
	v33 =	vld [tilespmem:s28+$0x10]  }
0x786: {  	s30 =	sadd.s32 $0x50, s30;
	v38 =	vsub.f32 v42, v45;
	v29 =	vadd.f32 v30, v29;
	v37 =	vmul.f32 v43, v40;
	v23 =	vld [tilespmem:s28+$0x0]  }
0x787: {  	v19 =	vmul.f32 v19, v31;
	v36 =	vsub.f32 v36, v46;
	v35 =	vadd.f32 v41, v35;
	v30 =	vld [tilespmem:s30+$0x20]  }
0x788: {  	v24 =	vmul.f32 v24, v34;
	v26 =	vmul.f32 v26, v32;
	v39 =	vsub.f32 v47, v48;
	v31 =	vld [tilespmem:s28+$0xFFFFFFF0]  }
0x789: {  	v16 =	vmul.f32 v16, v22;
	v25 =	vmul.f32 v25, v38;
	v21 =	vadd.f32 v37, v21;
	v32 =	vld [tilespmem:s30+$0x10]  }
0x78a: {  	v17 =	vmul.f32 v17, v29;
	v19 =	vadd.f32 v26, v19;
	v27 =	vmul.f32 v27, v36;
	v22 =	vld [tilespmem:s28+$0xFFFFFFE0]  }
0x78b: {  	v16 =	vadd.f32 v16, v24;
	v18 =	vmul.f32 v18, v35;
	v28 =	vmul.f32 v28, v39;
	v26 =	vld [tilespmem:s30+$0x0]  }
0x78c: {  	v17 =	vadd.f32 v17, v25;
	v20 =	vmul.f32 v20, v21;
	[tilespmem:v2+s22+$0x0] =	vst.idx.add.f32.msk $0xffff, v19;
	v2 =	vmov v44  }
0x78d: {  	v18 =	vadd.f32 v18, v27;
	[tilespmem:v3+s22+$0x0] =	vst.idx.add.f32.msk $0xffff, v16;
	v3 =	vmov v33  }
0x78e: {  	v20 =	vadd.f32 v20, v28;
	[tilespmem:v5+s22+$0x0] =	vst.idx.add.f32.msk $0xffff, v17;
	v5 =	vmov v23  }
0x78f: {  	v19 =	vsub.f32 $0.0e+00, v19;
	[tilespmem:v8+s22+$0x0] =	vst.idx.add.f32.msk $0xffff, v18;
	v8 =	vmov v31  }
0x790: {  	v16 =	vsub.f32 $0.0e+00, v16;
	[tilespmem:v9+s22+$0x0] =	vst.idx.add.f32.msk $0xffff, v20;
	v9 =	vmov v22  }
0x791: {  	v17 =	vsub.f32 $0.0e+00, v17;
	[tilespmem:v4+s22+$0x0] =	vst.idx.add.f32.msk $0xffff, v19;
	v4 =	vmov v30  }
0x792: {  	v18 =	vsub.f32 $0.0e+00, v18;
	[tilespmem:v6+s22+$0x0] =	vst.idx.add.f32.msk $0xffff, v16;
	v6 =	vmov v32  }
0x793: {  	v16 =	vsub.f32 $0.0e+00, v20;
	[tilespmem:v7+s22+$0x0] =	vst.idx.add.f32.msk $0xffff, v17;
	v7 =	vmov v26  }
0x794: {  	[tilespmem:v1+s22+$0x0] =	vst.idx.add.f32.msk $0xffff, v18  }
0x795: {  	s26 =	sadd.s32 $0x50, s26;
	[tilespmem:v10+s22+$0x0] =	vst.idx.add.f32.msk $0xffff, v16  }
0x796: {  	s29 =	sadd.s32 $0x50, s29;
	v1 =	vld [tilespmem:s26+$0xFFFFFFE0]  }
0x797: {  	v10 =	vld [tilespmem:s29+$0xFFFFFFE0]  }
0x798: {  	v16 =	vld [tilespmem:s26+$0xFFFFFFF0]  }
0x799: {  	v17 =	vld [tilespmem:s29+$0xFFFFFFF0]  }
0x79a: {  	v18 =	vld [tilespmem:s26+$0x0]  }
0x79b: {  	v19 =	vld [tilespmem:s29+$0x0]  }
0x79c: {  	v1 =	vsub.f32 v1, v10;
	v20 =	vld [tilespmem:s26+$0x10]  }
0x79d: {  	v21 =	vld [tilespmem:s29+$0x10]  }
0x79e: {  	v1 =	vmax.f32 v1, $0.0e+00;
	v10 =	vsub.f32 v16, v17;
	v16 =	vld [tilespmem:s26+$0x20]  }
0x79f: {  	v17 =	vmul.f32 v1, v1;
	v22 =	vld [tilespmem:s29+$0x20]  }
0x7a0: {  	v1 =	vld [tilespmem:s30+$0xFFFFFFF0];
	v23 =	vmax.f32 v10, $0.0e+00;
	v18 =	vsub.f32 v18, v19  }
0x7a1: {  	v10 =	vld [tilespmem:s30+$0xFFFFFFE0];
	v11 =	vadd.f32 v17, v11;
	v17 =	vmul.f32 v23, v23  }
0x7a2: {  	v23 =	vld.idx.msk [tilespmem:v2+s1+$0x0], $0xffff;
	v18 =	vmax.f32 v18, $0.0e+00;
	v19 =	vsub.f32 v20, v21  }
0x7a3: {  	v20 =	vld.idx.msk [tilespmem:v3+s1+$0x0], $0xffff;
	v11 =	vadd.f32 v17, v11;
	v17 =	vmul.f32 v18, v18  }
0x7a4: {  	v18 =	vld.idx.msk [tilespmem:v5+s1+$0x0], $0xffff;
	v19 =	vmax.f32 v19, $0.0e+00;
	v16 =	vsub.f32 v16, v22  }
0x7a5: {  	v21 =	vld.idx.msk [tilespmem:v4+s1+$0x0], $0xffff;
	v11 =	vadd.f32 v17, v11;
	v17 =	vmul.f32 v19, v19  }
0x7a6: {  	v22 =	vld.idx.msk [tilespmem:v8+s1+$0x0], $0xffff;
	v16 =	vmax.f32 v16, $0.0e+00  }
0x7a7: {  	v28 =	vld.idx.msk [tilespmem:v6+s1+$0x0], $0xffff;
	v11 =	vadd.f32 v17, v11;
	v16 =	vmul.f32 v16, v16  }
0x7a8: {  	v34 =	vld.idx.msk [tilespmem:v9+s1+$0x0], $0xffff  }
0x7a9: {  	v19 =	vand.u32 $0xFFFF0000, v23;
	v29 =	vld [tilespmem:s0+$0x0];
	v11 =	vadd.f32 v16, v11  }
0x7aa: {  	v26 =	vshll.u32 v23, $0x10;
	v24 =	vand.u32 $0xFFFF0000, v20;
	v16 =	vshll.u32 v20, $0x10;
	v42 =	vld.idx.msk [tilespmem:v7+s1+$0x0], $0xffff  }
0x7ab: {  	s31 =	sadd.s32 $0x5, s31;
	v25 =	vand.u32 $0xFFFF0000, v18;
	v17 =	vshll.u32 v18, $0x10;
	v23 =	vand.u32 $0xFFFF0000, v21;
	v30 =	vld [tilespmem:s25+$0x0]  }
0x7ac: {  	p0 =	slt.u32 s31, $0x1EF;
	v20 =	vshll.u32 v21, $0x10;
	v27 =	vand.u32 $0xFFFF0000, v22;
	v18 =	vshll.u32 v22, $0x10;
	v36 =	vld.idx.msk [tilespmem:v1+s1+$0x0], $0xffff  }
.Ltmp10:
0x7ad: {  	v31 =	vmul.f32 v23, v14;
	v44 =	vand.u32 $0xFFFF0000, v28;
	v22 =	vshll.u32 v28, $0x10;
	v35 =	vld [tilespmem:s0+$0xFFFFFFF0];
	(pc) =	sbr.rel @p0 .LBB2_22-.Ltmp10, $4  }
0x7ae: {  	v32 =	vmul.f32 v20, v15;
	v33 =	vmul.f32 v20, v14;
	v28 =	vand.u32 $0xFFFF0000, v34;
	v37 =	vld.idx.msk [tilespmem:v10+s1+$0x0], $0xffff  }
0x7af: {  	v38 =	vmul.f32 v23, v15;
	v20 =	vshll.u32 v34, $0x10;
	v34 =	vmul.f32 v44, v13;
	v41 =	vld [tilespmem:s25+$0xFFFFFFF0]  }
0x7b0: {  	v39 =	vmul.f32 v22, v12;
	v22 =	vmul.f32 v22, v13;
	v43 =	vand.u32 $0xFFFF0000, v42;
	v21 =	vld [tilespmem:s0+$0xFFFFFFE0]  }
0x7b1: {  	v23 =	vmul.f32 v44, v12;
	v13 =	vshll.u32 v42, $0x10;
	v42 =	vmul.f32 v43, v29;
	s0 =	sadd.s32 $0x50, s0;
	v40 =	vld [tilespmem:s25+$0xFFFFFFE0]  }
0x7b2: {  	v12 =	vand.u32 $0xFFFF0000, v36;
	v14 =	vmul.f32 v13, v30;
	v58 =	vmul.f32 v13, v29  }
0x7b3: {  	v15 =	vshll.u32 v36, $0x10;
	v60 =	vmul.f32 v43, v30;
	v31 =	vsub.f32 v31, v32  }
0x7b4: {  	v46 =	vadd.f32 v38, v33;
	v48 =	vsub.f32 v34, v39;
	v59 =	vmul.f32 v12, v35  }
0x7b5: {  	v61 =	vand.u32 $0xFFFF0000, v37;
	v62 =	vmul.f32 v15, v41;
	v15 =	vmul.f32 v15, v35  }
0x7b6: {  	v63 =	vshll.u32 v37, $0x10;
	v12 =	vmul.f32 v12, v41;
	v50 =	vmul.f32 v19, v31  }
0x7b7: {  	v22 =	vadd.f32 v23, v22;
	v24 =	vmul.f32 v24, v48;
	v26 =	vmul.f32 v26, v46  }
0x7b8: {  	v14 =	vsub.f32 v42, v14;
	v44 =	vmul.f32 v61, v21;
	v47 =	vmul.f32 v63, v21  }
0x7b9: {  	v13 =	vadd.f32 v60, v58;
	v16 =	vmul.f32 v16, v22;
	v45 =	vmul.f32 v63, v40  }
0x7ba: {  	v49 =	vmul.f32 v61, v40;
	v29 =	vsub.f32 v59, v62;
	v12 =	vadd.f32 v12, v15  }
0x7bb: {  	v14 =	vmul.f32 v25, v14;
	v13 =	vmul.f32 v17, v13;
	v15 =	vadd.f32 v26, v50  }
0x7bc: {  	v16 =	vadd.f32 v16, v24;
	v51 =	vsub.f32 v44, v45  }
0x7bd: {  	v21 =	vadd.f32 v49, v47;
	v13 =	vadd.f32 v13, v14;
	[tilespmem:v2+s22+$0x0] =	vst.idx.add.f32.msk $0xffff, v15  }
0x7be: {  	v52 =	vmul.f32 v27, v29;
	v12 =	vmul.f32 v18, v12;
	v55 =	vsub.f32 $0.0e+00, v15;
	[tilespmem:v3+s22+$0x0] =	vst.idx.add.f32.msk $0xffff, v16  }
0x7bf: {  	v56 =	vsub.f32 $0.0e+00, v16;
	v53 =	vmul.f32 v28, v51;
	[tilespmem:v5+s22+$0x0] =	vst.idx.add.f32.msk $0xffff, v13  }
0x7c0: {  	v54 =	vmul.f32 v20, v21;
	v2 =	vadd.f32 v12, v52;
	[tilespmem:v4+s22+$0x0] =	vst.idx.add.f32.msk $0xffff, v55  }
0x7c1: {  	v57 =	vsub.f32 $0.0e+00, v13;
	[tilespmem:v6+s22+$0x0] =	vst.idx.add.f32.msk $0xffff, v56  }
0x7c2: {  	v3 =	vadd.f32 v54, v53;
	[tilespmem:v8+s22+$0x0] =	vst.idx.add.f32.msk $0xffff, v2  }
0x7c3: {  	v2 =	vsub.f32 $0.0e+00, v2;
	[tilespmem:v7+s22+$0x0] =	vst.idx.add.f32.msk $0xffff, v57  }
0x7c4: {  	[tilespmem:v9+s22+$0x0] =	vst.idx.add.f32.msk $0xffff, v3;
	v3 =	vsub.f32 $0.0e+00, v3  }
0x7c5: {  	[tilespmem:v1+s22+$0x0] =	vst.idx.add.f32.msk $0xffff, v2  }
0x7c6: {  	s0 =	sadd.s32 $0x50, s26;
	[tilespmem:v10+s22+$0x0] =	vst.idx.add.f32.msk $0xffff, v3  }
0x7c7: {  	s25 =	sadd.s32 $0x50, s29;
	v1 =	vld [tilespmem:s0+$0xFFFFFFE0]  }
0x7c8: {  	v2 =	vld [tilespmem:s25+$0xFFFFFFE0]  }
0x7c9: {  	v58 =	vld [tilespmem:s25+$0xFFFFFFF0]  }
0x7ca: {  	v3 =	vld [tilespmem:s0+$0xFFFFFFF0]  }
0x7cb: {  	v59 =	vld [tilespmem:s0+$0x0]  }
0x7cc: {  	v60 =	vld [tilespmem:s25+$0x0]  }
0x7cd: {  	v61 =	vld [tilespmem:s25+$0x10];
	v1 =	vsub.f32 v1, v2  }
0x7ce: {  	v2 =	vld [tilespmem:s0+$0x10]  }
0x7cf: {  	v62 =	vld [tilespmem:s0+$0x20];
	v3 =	vsub.f32 v3, v58;
	v1 =	vmax.f32 v1, $0.0e+00  }
0x7d0: {  	v63 =	vld [tilespmem:s25+$0x20];
	v1 =	vmul.f32 v1, v1  }
0x7d1: {  	v5 =	vsub.f32 v59, v60;
	v3 =	vmax.f32 v3, $0.0e+00  }
0x7d2: {  	v3 =	vmul.f32 v3, v3;
	v1 =	vadd.f32 v1, v11  }
0x7d3: {  	v5 =	vmax.f32 v5, $0.0e+00;
	v2 =	vsub.f32 v2, v61  }
0x7d4: {  	v1 =	vadd.f32 v3, v1;
	v3 =	vmul.f32 v5, v5  }
0x7d5: {  	v4 =	vsub.f32 v62, v63;
	v2 =	vmax.f32 v2, $0.0e+00  }
0x7d6: {  	v2 =	vmul.f32 v2, v2;
	v1 =	vadd.f32 v3, v1  }
0x7d7: {  	v3 =	vmax.f32 v4, $0.0e+00  }
0x7d8: {  	v1 =	vadd.f32 v2, v1;
	v2 =	vmul.f32 v3, v3;
	_ =	sdelay $0x1  }
0x7d9: {  	s28 =	sld [smem:$0x7F6];
	v1 =	vadd.f32 v2, v1;
	_ =	sdelay $0x1  }
0x7da: {  	[tilespmem:$0x1C900] =	vst v1  }
0x7db: {  	[hbm4b:s28+s1] =	stream.linear.scatter [tilespmem:s22], [sflag:$0x3], $0x2710, $0x38;
	[tilespmem:$0x1C980] =	vst v63  }
0x7dc: {  	_ =	swait.ge [sflag:s8], $0x2710  }
0x7dd: {  	s29 =	sld [smem:$0x7F7]  }
0x7de: {  	[sflag:s8] =	ssyncset.done $0x0  }
0x7df: {  	s30 =	simm.s32 $0x1C900;
	[sflag:s8] =	ssyncadd.s32 $0xFFFFD8F0  }
0x7e0: {  	[hbm4b:s29+s1] =	stream.linear.scatter [tilespmem:s30], [sflag:$0x3], $0x10, $0x38;
	[tilespmem:$0x1C980] =	vst v63  }
0x7e1: {  	_ =	swait.ge [sflag:s8], $0x10  }
0x7e2: {  	s31 =	sld [smem:$0x7F8];
	_ =	sdelay $0x1  }
0x7e3: {  	s24 =	sadd.s32 $0x1, s24  }
0x7e4: {  	p0 =	sne.s32 s24, s31  }
.Ltmp11:
0x7e5: {  	_ = 	snop;
	(pc) =	sbr.rel @p0 .LBB2_1-.Ltmp11, $3  }
0x7e6: {  	_ =	sdelay $0x1  }
0x7e7: {  	[sflag:s8] =	ssyncset.done $0x0  }
0x7e8: {  	[sflag:s8] =	ssyncadd.s32 $0xFFFFFFF0  }
0x7e9: {  	_ =	sfence.sel $0x180000  }
0x7ea: {  	[bflag:$0x0] =	sbarrier.arrive $0xFFFF  }
0x7eb: {  	_ =	strace $0x90000047  }
0x7ec: {  	s0 =	stileid.u32;
	[bflag:$0x2] =	sbarrier.arrive $0xFFFF  }
0x7ed: {  	p0 =	sne.s32 s0, $0x0;
	s0 =	rddreg [dreg:$0x5]  }
0x7ee: {  	s0 =	sadd.s32 @!p0 $0x100000, s0  }
0x7ef: {  	[sflag:s0] =	ssyncadd.tile.s32 @!p0 $0x1;
	_ =	shalt  }
.Lfunc_end2:
_tile_overlayer_lowered:
.L_overlay_start_2:
0x7f0: {  	(tag) =	ssettag $0x2  }
0x7f1: {  	s0 =	rddreg [dreg:$0x0];
	s2 =	stileid.u32  }
0x7f2: {  	s1 =	rddreg [dreg:$0x1];
	p0 =	sne.s32 s2, $0x0  }
0x7f3: {  	s3 =	rddreg [dreg:$0x2];
	[bflag:$0x3] =	sbarrier.arrive $0xFFFF;
	s2 =	simm.s32 @!p0 $0x1C03  }
0x7f4: {  	[timem:s3], [sflag:s2] =	dma.local @!p0 [hbm:s0], s1  }
0x7f5: {  	s0 =	simm.s32 @!p0 $0x3  }
0x7f6: {  	_ =	swait.ge @!p0 [sflag:s0], s1  }
0x7f7: {  	s1 =	ssub.s32 @!p0 $0x0, s1;
	[sflag:s0] =	ssyncset.done @!p0 $0x0  }
0x7f8: {  	[sflag:s0] =	ssyncadd.s32 @!p0 s1  }
0x7f9: {  	[bflag:$0x3] =	sbarrier.arrive $0xFFFF  }
0x7fa: {  	_ =	shalt  }

</sc_bundles>
